<compile_context>
chip_gen: v7x
topology: tpu7x:2x2x1
jax: 0.10.2.dev20260603
libtpu: 0.0.44.dev20260713+nightly
codegen_flags: <defaults>
</compile_context>

<pallas_src>
import dataclasses
import functools

import jax
import jax.numpy as jnp
import numpy as np
from jax import lax
from jax.experimental import pallas as pl
from jax.experimental.pallas import tpu as pltpu
from jax.experimental.pallas import tpu_sc as plsc

N_NODES = 10000
N_EDGES = 320000
D = 128

_TPOS = np.empty((D,), dtype=np.int32)
for _g in range(4):
    for _k in range(16):
        _TPOS[16 * _g + _k] = 32 * _g + _k
        _TPOS[64 + 16 * _g + _k] = 32 * _g + 16 + _k
_INV = np.argsort(_TPOS).astype(np.int32)

NC = 2
NS = 16
NW = NC * NS
LANES = 16
CHUNK = 80
EDGES_PER_TILE = N_EDGES // NW
NCHUNK = EDGES_PER_TILE // CHUNK
ROWS_MAIN = 624
ROWS_LAST = N_NODES - (NS - 1) * ROWS_MAIN


def _sc_spmm(ep, wgt, features):
    mesh = plsc.VectorSubcoreMesh(
        core_axis_name="c", subcore_axis_name="s", num_cores=NC, num_subcores=NS
    )
    cp = pltpu.CompilerParams()
    if "needs_layout_passes" in pltpu.CompilerParams.__dataclass_fields__:
        cp = dataclasses.replace(cp, needs_layout_passes=False)
    if "use_tc_tiling_on_sc" in pltpu.CompilerParams.__dataclass_fields__:
        cp = dataclasses.replace(cp, use_tc_tiling_on_sc=False)

    @functools.partial(
        pl.kernel,
        compiler_params=cp,
        out_type=jax.ShapeDtypeStruct((NC * N_NODES, D), jnp.float32),
        mesh=mesh,
        scratch_types=[
            [pltpu.VMEM((CHUNK,), jnp.int32) for _ in range(4)],
            [pltpu.VMEM((CHUNK,), jnp.int32) for _ in range(4)],
            [pltpu.VMEM((CHUNK,), jnp.int32) for _ in range(4)],
            [pltpu.VMEM((CHUNK,), jnp.float32) for _ in range(4)],
            [pltpu.VMEM((CHUNK, D // 2), jnp.int32) for _ in range(2)],
            [pltpu.VMEM((CHUNK, D), jnp.float32) for _ in range(2)],
            pltpu.VMEM_SHARED((N_NODES, D), jnp.float32),
            [pltpu.SemaphoreType.DMA for _ in range(4)],
            [pltpu.SemaphoreType.DMA for _ in range(2)],
            [pltpu.SemaphoreType.DMA for _ in range(2)],
        ],
    )
    def spmm(ep_hbm, w_hbm, f_hbm, out_hbm,
             src_v, dst_v, pk_v, w_v, rg, rs, acc_sh, isem, gsem, ssem):
        c = lax.axis_index("c")
        s = lax.axis_index("s")
        t = c * NS + s
        tile_base = t * EDGES_PER_TILE

        row_off = s * ROWS_MAIN

        @pl.loop(0, CHUNK)
        def _(e):
            for g in range(D // LANES):
                rs[0][e, pl.ds(g * LANES, LANES)] = jnp.zeros((LANES,),
                                                              jnp.float32)

        for k in range(7):
            pltpu.sync_copy(rs[0], acc_sh.at[pl.ds(row_off + k * CHUNK, CHUNK)])

        @pl.when(s < NS - 1)
        def _():
            pltpu.sync_copy(rs[0].at[pl.ds(0, ROWS_MAIN - 7 * CHUNK)],
                            acc_sh.at[pl.ds(row_off + 7 * CHUNK,
                                            ROWS_MAIN - 7 * CHUNK)])

        @pl.when(s == NS - 1)
        def _():
            pltpu.sync_copy(rs[0], acc_sh.at[pl.ds(row_off + 7 * CHUNK, CHUNK)])

        plsc.subcore_barrier()

        def issue_idx(i, q):
            base = tile_base + i * CHUNK
            pltpu.async_copy(ep_hbm.at[pl.ds(base, CHUNK)], pk_v[q], isem[q])
            pltpu.async_copy(w_hbm.at[pl.ds(base, CHUNK)], w_v[q], isem[q])

        def wait_idx(q):
            pltpu.make_async_copy(ep_hbm.at[pl.ds(0, CHUNK)], pk_v[q],
                                  isem[q]).wait()
            pltpu.make_async_copy(w_hbm.at[pl.ds(0, CHUNK)], w_v[q],
                                  isem[q]).wait()
            for u in range(CHUNK // LANES):
                pk = pk_v[q][pl.ds(u * LANES, LANES)]
                src_v[q][pl.ds(u * LANES, LANES)] = pk & jnp.int32(0xFFFF)
                dst_v[q][pl.ds(u * LANES, LANES)] = lax.shift_right_logical(
                    pk, 16)

        def issue_gather(q, p):
            pltpu.async_copy(f_hbm.at[src_v[q]], rg[p], gsem[p])

        def wait_gather(p):
            pltpu.make_async_copy(f_hbm.at[src_v[0]], rg[p], gsem[p]).wait()

        def wait_scatter(p):
            pltpu.make_async_copy(rs[p], acc_sh.at[dst_v[0]], ssem[p]).wait()

        def scale(q, p):
            @plsc.parallel_loop(0, CHUNK, unroll=16)
            def _(e):
                wv = plsc.load_gather(w_v[q], [jnp.full((LANES,), e, jnp.int32)])
                for g in range(D // (2 * LANES)):
                    xi = rg[p][e, pl.ds(g * LANES, LANES)]
                    lo = plsc.bitcast(xi << 16, jnp.float32)
                    hi = plsc.bitcast(xi, jnp.float32)
                    rs[p][e, pl.ds(g * 2 * LANES, LANES)] = lo * wv
                    rs[p][e, pl.ds(g * 2 * LANES + LANES, LANES)] = hi * wv

        def issue_scatter(q, p):
            pltpu.async_copy(rs[p], acc_sh.at[dst_v[q]], ssem[p], add=True)

        issue_idx(0, 0)
        issue_idx(1, 1)
        wait_idx(0)
        wait_idx(1)
        issue_gather(0, 0)
        issue_gather(1, 1)

        def slot(i, q, p, qn):
            issue_idx(i + 2, qn)
            wait_gather(p)
            scale(q, p)
            issue_scatter(q, p)
            wait_idx(qn)
            issue_gather(qn, p)

        slot(0, 0, 0, 2)
        slot(1, 1, 1, 3)

        @pl.loop(0, (NCHUNK - 5) // 4)
        def _(j):
            i = 4 * j + 2
            for k in range(4):
                q = (2 + k) % 4
                p = k % 2
                wait_scatter(p)
                slot(i + k, q, p, k)

        wait_scatter(0)
        slot(NCHUNK - 3, 2, 0, 0)
        wait_scatter(1)
        wait_gather(1)
        scale(3, 1)
        issue_scatter(3, 1)
        wait_scatter(0)
        wait_gather(0)
        scale(0, 0)
        issue_scatter(0, 0)

        wait_scatter(1)
        wait_scatter(0)
        plsc.subcore_barrier()

        out_base = c * N_NODES + row_off

        @pl.when(s < NS - 1)
        def _():
            pltpu.sync_copy(acc_sh.at[pl.ds(row_off, ROWS_MAIN)],
                            out_hbm.at[pl.ds(out_base, ROWS_MAIN)])

        @pl.when(s == NS - 1)
        def _():
            pltpu.sync_copy(acc_sh.at[pl.ds(row_off, ROWS_LAST)],
                            out_hbm.at[pl.ds(out_base, ROWS_LAST)])

    return spmm(ep, wgt, features)


def _tc_combine_body(parts_ref, f_ref, w1_ref, w2_ref, bias_ref, out_ref):
    x = parts_ref[0] + parts_ref[1]
    f = f_ref[...]
    out_ref[...] = (
        jnp.dot(f + x, w1_ref[...], preferred_element_type=jnp.float32)
        + jnp.dot(x * f, w2_ref[...], preferred_element_type=jnp.float32)
        + bias_ref[...]
    )


def _tc_combine(parts, features, W1, W2, bias):
    blk = 2000
    grid = (N_NODES // blk,)
    return pl.pallas_call(
        _tc_combine_body,
        grid=grid,
        in_specs=[
            pl.BlockSpec((2, blk, D), lambda i: (0, i, 0)),
            pl.BlockSpec((blk, D), lambda i: (i, 0)),
            pl.BlockSpec((D, D), lambda i: (0, 0)),
            pl.BlockSpec((D, D), lambda i: (0, 0)),
            pl.BlockSpec((1, D), lambda i: (0, 0)),
        ],
        out_specs=pl.BlockSpec((blk, D), lambda i: (i, 0)),
        out_shape=jax.ShapeDtypeStruct((N_NODES, D), jnp.float32),
    )(parts, features, W1, W2, bias)


def _tc_pack_body(f_ref, out_ref):
    xi = lax.bitcast_convert_type(f_ref[...], jnp.int32)
    a = xi[:, : D // 2] + jnp.int32(0x8000)
    b = xi[:, D // 2:] + jnp.int32(0x8000)
    out_ref[...] = (lax.shift_right_logical(a, 16)
                    | (b & jnp.int32(-65536)))


def _tc_pack(features):
    blk = 2000
    return pl.pallas_call(
        _tc_pack_body,
        grid=(N_NODES // blk,),
        in_specs=[pl.BlockSpec((blk, D), lambda i: (i, 0))],
        out_specs=pl.BlockSpec((blk, D // 2), lambda i: (i, 0)),
        out_shape=jax.ShapeDtypeStruct((N_NODES, D // 2), jnp.int32),
    )(features)


def _tc_edge_pack_body(ei_ref, ep_ref):
    ep_ref[...] = (ei_ref[0] << 16) | ei_ref[1]


def _tc_edge_pack(edge_index):
    return pl.pallas_call(
        _tc_edge_pack_body,
        out_shape=jax.ShapeDtypeStruct((N_EDGES,), jnp.int32),
    )(edge_index)


@jax.jit
def kernel(edge_index, edge_weight, features, W1, b1, W2, b2):
    f_i32 = _tc_pack(features)
    ep = _tc_edge_pack(edge_index)
    parts = _sc_spmm(ep, edge_weight, f_i32)
    parts = parts.reshape(NC, N_NODES, D)
    f_t = features[:, _INV]
    w1_t = W1[_INV, :]
    w2_t = W2[_INV, :]
    bias = (b1 + b2).reshape(1, D)
    return _tc_combine(parts, f_t, w1_t, w2_t, bias)

# --- scband reference (transcript-rebuilt; emitter-appended) ---
"""Pipeline reference for scband-bi-gnn-17626545783660 (READ-ONLY COPY).

The authoritative reference and input builder live on the scoring server;
editing this copy changes nothing except your own understanding.
"""

import jax, jax.numpy as jnp
import numpy as np

N_NODES = 10000
N_EDGES = 320000
D_IN = 128
D_OUT = 128

def setup_inputs(seed: int = 0) -> dict:
    key = jax.random.key(seed)
    k1, k2, k3, k4, k5, k6, k7 = jax.random.split(key, 7)
    edge_index = jax.random.randint(k1, (2, N_EDGES), 0, N_NODES, dtype=jnp.int64 if jax.config.jax_enable_x64 else jnp.int32).astype(jnp.int32)
    edge_weight = jax.random.uniform(k2, (N_EDGES,), dtype=jnp.float32)
    features = jax.random.normal(k3, (N_NODES, D_IN), dtype=jnp.float32)
    # Learned parameters (torch nn.Linear equivalents); W stored as [in, out]
    W1 = jax.random.normal(k4, (D_IN, D_OUT), dtype=jnp.float32) * (1.0 / np.sqrt(D_IN))
    b1 = jax.random.uniform(k5, (D_OUT,), dtype=jnp.float32) * 0.02 - 0.01
    W2 = jax.random.normal(k6, (D_IN, D_OUT), dtype=jnp.float32) * (1.0 / np.sqrt(D_IN))
    b2 = jax.random.uniform(k7, (D_OUT,), dtype=jnp.float32) * 0.02 - 0.01
    return {"edge_index": edge_index, "edge_weight": edge_weight, "features": features,
            "W1": W1, "b1": b1, "W2": W2, "b2": b2}

def reference(edge_index, edge_weight, features, W1, b1, W2, b2):
    # lap_matrix is a sparse COO matrix given by (dst, src, weight) triplets.
    # x = L @ features  -> scatter-add of weighted source features into dst rows
    src = edge_index[1]
    dst = edge_index[0]
    gathered = edge_weight[:, None] * jnp.take(features, src, axis=0)
    x = jnp.zeros((features.shape[0], features.shape[1]), dtype=features.dtype).at[dst].add(gathered)
    # inter_part1 = Linear(features + x)
    inter_part1 = (features + x) @ W1 + b1
    # inter_part2 = Linear(x * features)
    inter_feature = x * features
    inter_part2 = inter_feature @ W2 + b2
    return inter_part1 + inter_part2

if __name__ == "__main__":
    import jax
    _d = setup_inputs()
    print(jax.jit(kernel)(*tuple(_d.values())))

</pallas_src>

<mosaic_0001>
#map = affine_map<(d0, d1) -> (0)>
#map1 = affine_map<(d0, d1) -> (0, 0)>
module attributes {stable_mosaic.version = 14 : i64} {
  func.func @spmm(%arg0: i32, %arg1: i32, %arg2: memref<320000xi32, #tpu.memory_space<hbm>>, %arg3: memref<320000xf32, #tpu.memory_space<hbm>>, %arg4: memref<10000x64xi32, #tpu.memory_space<hbm>>, %arg5: memref<20000x128xf32, #tpu.memory_space<hbm>>, %arg6: memref<80xi32, #tpu.memory_space<vmem>>, %arg7: memref<80xi32, #tpu.memory_space<vmem>>, %arg8: memref<80xi32, #tpu.memory_space<vmem>>, %arg9: memref<80xi32, #tpu.memory_space<vmem>>, %arg10: memref<80xi32, #tpu.memory_space<vmem>>, %arg11: memref<80xi32, #tpu.memory_space<vmem>>, %arg12: memref<80xi32, #tpu.memory_space<vmem>>, %arg13: memref<80xi32, #tpu.memory_space<vmem>>, %arg14: memref<80xi32, #tpu.memory_space<vmem>>, %arg15: memref<80xi32, #tpu.memory_space<vmem>>, %arg16: memref<80xi32, #tpu.memory_space<vmem>>, %arg17: memref<80xi32, #tpu.memory_space<vmem>>, %arg18: memref<80xf32, #tpu.memory_space<vmem>>, %arg19: memref<80xf32, #tpu.memory_space<vmem>>, %arg20: memref<80xf32, #tpu.memory_space<vmem>>, %arg21: memref<80xf32, #tpu.memory_space<vmem>>, %arg22: memref<80x64xi32, #tpu.memory_space<vmem>>, %arg23: memref<80x64xi32, #tpu.memory_space<vmem>>, %arg24: memref<80x128xf32, #tpu.memory_space<vmem>>, %arg25: memref<80x128xf32, #tpu.memory_space<vmem>>, %arg26: memref<10000x128xf32, #tpu.memory_space<vmem_shared>>, %arg27: memref<!tpu.dma_semaphore, #tpu.memory_space<semaphore_mem>>, %arg28: memref<!tpu.dma_semaphore, #tpu.memory_space<semaphore_mem>>, %arg29: memref<!tpu.dma_semaphore, #tpu.memory_space<semaphore_mem>>, %arg30: memref<!tpu.dma_semaphore, #tpu.memory_space<semaphore_mem>>, %arg31: memref<!tpu.dma_semaphore, #tpu.memory_space<semaphore_mem>>, %arg32: memref<!tpu.dma_semaphore, #tpu.memory_space<semaphore_mem>>, %arg33: memref<!tpu.dma_semaphore, #tpu.memory_space<semaphore_mem>>, %arg34: memref<!tpu.dma_semaphore, #tpu.memory_space<semaphore_mem>>) attributes {dimension_semantics = [#tpu.dimension_semantics<core_parallel>, #tpu.dimension_semantics<subcore_parallel>], iteration_bounds = array<i64: 2, 16>, scalar_prefetch = 0 : i64, scratch_operands = 29 : i64, tpu.core_type = #tpu.core_type<sc_vector_subcore>, window_params = [{transform_indices = #map}, {transform_indices = #map}, {transform_indices = #map1}, {transform_indices = #map1}]} {
    %mul3A = arith.constant 16 : i32
    %mul3A_0 = arith.muli %arg0, %mul3A : i32
    %add3A = arith.addi %mul3A_0, %arg1 : i32
    %mul3A_1 = arith.constant 10000 : i32
    %mul3A_2 = arith.muli %add3A, %mul3A_1 : i32
    %mul3A_3 = arith.constant 624 : i32
    %mul3A_4 = arith.muli %arg1, %mul3A_3 : i32
    %scan3A = arith.constant 0 : i32
    %scan3A_5 = arith.constant 80 : i32
    %scan3A_6 = arith.addi %scan3A, %scan3A_5 : i32
    %scan3A_7 = arith.constant 1 : i32
    scf.for %scan3A_486 = %scan3A to %scan3A_6 step %scan3A_7  : i32 {
      %mul3A_487 = arith.constant 1 : i32
      %mul3A_488 = arith.muli %scan3A_486, %mul3A_487 : i32
      %add3A_489 = arith.constant 0 : i32
      %add3A_490 = arith.addi %add3A_489, %mul3A_488 : i32
      %broadcast_in_dim3A = arith.constant 0.000000e+00 : f32
      %broadcast_in_dim3A_491 = vector.broadcast %broadcast_in_dim3A : f32 to vector<16xf32>
      %swap3A_492 = arith.index_cast %add3A_490 : i32 to index
      %swap3A_493 = arith.constant 0 : index
      %swap3A_494 = tpu.vector_load %arg24[%swap3A_492, %swap3A_493] {strides = array<i32>} : memref<80x128xf32, #tpu.memory_space<vmem>>, vector<16xf32>,
      tpu.vector_store %arg24[%swap3A_492, %swap3A_493], %broadcast_in_dim3A_491 {strides = array<i32>} : memref<80x128xf32, #tpu.memory_space<vmem>>, vector<16xf32>,
      %broadcast_in_dim3A_495 = arith.constant 0.000000e+00 : f32
      %broadcast_in_dim3A_496 = vector.broadcast %broadcast_in_dim3A_495 : f32 to vector<16xf32>
      %swap3A_497 = arith.index_cast %add3A_490 : i32 to index
      %swap3A_498 = arith.constant 16 : index
      %swap3A_499 = tpu.vector_load %arg24[%swap3A_497, %swap3A_498] {strides = array<i32>} : memref<80x128xf32, #tpu.memory_space<vmem>>, vector<16xf32>,
      tpu.vector_store %arg24[%swap3A_497, %swap3A_498], %broadcast_in_dim3A_496 {strides = array<i32>} : memref<80x128xf32, #tpu.memory_space<vmem>>, vector<16xf32>,
      %broadcast_in_dim3A_500 = arith.constant 0.000000e+00 : f32
      %broadcast_in_dim3A_501 = vector.broadcast %broadcast_in_dim3A_500 : f32 to vector<16xf32>
      %swap3A_502 = arith.index_cast %add3A_490 : i32 to index
      %swap3A_503 = arith.constant 32 : index
      %swap3A_504 = tpu.vector_load %arg24[%swap3A_502, %swap3A_503] {strides = array<i32>} : memref<80x128xf32, #tpu.memory_space<vmem>>, vector<16xf32>,
      tpu.vector_store %arg24[%swap3A_502, %swap3A_503], %broadcast_in_dim3A_501 {strides = array<i32>} : memref<80x128xf32, #tpu.memory_space<vmem>>, vector<16xf32>,
      %broadcast_in_dim3A_505 = arith.constant 0.000000e+00 : f32
      %broadcast_in_dim3A_506 = vector.broadcast %broadcast_in_dim3A_505 : f32 to vector<16xf32>
      %swap3A_507 = arith.index_cast %add3A_490 : i32 to index
      %swap3A_508 = arith.constant 48 : index
      %swap3A_509 = tpu.vector_load %arg24[%swap3A_507, %swap3A_508] {strides = array<i32>} : memref<80x128xf32, #tpu.memory_space<vmem>>, vector<16xf32>,
      tpu.vector_store %arg24[%swap3A_507, %swap3A_508], %broadcast_in_dim3A_506 {strides = array<i32>} : memref<80x128xf32, #tpu.memory_space<vmem>>, vector<16xf32>,
      %broadcast_in_dim3A_510 = arith.constant 0.000000e+00 : f32
      %broadcast_in_dim3A_511 = vector.broadcast %broadcast_in_dim3A_510 : f32 to vector<16xf32>
      %swap3A_512 = arith.index_cast %add3A_490 : i32 to index
      %swap3A_513 = arith.constant 64 : index
      %swap3A_514 = tpu.vector_load %arg24[%swap3A_512, %swap3A_513] {strides = array<i32>} : memref<80x128xf32, #tpu.memory_space<vmem>>, vector<16xf32>,
      tpu.vector_store %arg24[%swap3A_512, %swap3A_513], %broadcast_in_dim3A_511 {strides = array<i32>} : memref<80x128xf32, #tpu.memory_space<vmem>>, vector<16xf32>,
      %broadcast_in_dim3A_515 = arith.constant 0.000000e+00 : f32
      %broadcast_in_dim3A_516 = vector.broadcast %broadcast_in_dim3A_515 : f32 to vector<16xf32>
      %swap3A_517 = arith.index_cast %add3A_490 : i32 to index
      %swap3A_518 = arith.constant 80 : index
      %swap3A_519 = tpu.vector_load %arg24[%swap3A_517, %swap3A_518] {strides = array<i32>} : memref<80x128xf32, #tpu.memory_space<vmem>>, vector<16xf32>,
      tpu.vector_store %arg24[%swap3A_517, %swap3A_518], %broadcast_in_dim3A_516 {strides = array<i32>} : memref<80x128xf32, #tpu.memory_space<vmem>>, vector<16xf32>,
      %broadcast_in_dim3A_520 = arith.constant 0.000000e+00 : f32
      %broadcast_in_dim3A_521 = vector.broadcast %broadcast_in_dim3A_520 : f32 to vector<16xf32>
      %swap3A_522 = arith.index_cast %add3A_490 : i32 to index
      %swap3A_523 = arith.constant 96 : index
      %swap3A_524 = tpu.vector_load %arg24[%swap3A_522, %swap3A_523] {strides = array<i32>} : memref<80x128xf32, #tpu.memory_space<vmem>>, vector<16xf32>,
      tpu.vector_store %arg24[%swap3A_522, %swap3A_523], %broadcast_in_dim3A_521 {strides = array<i32>} : memref<80x128xf32, #tpu.memory_space<vmem>>, vector<16xf32>,
      %broadcast_in_dim3A_525 = arith.constant 0.000000e+00 : f32
      %broadcast_in_dim3A_526 = vector.broadcast %broadcast_in_dim3A_525 : f32 to vector<16xf32>
      %swap3A_527 = arith.index_cast %add3A_490 : i32 to index
      %swap3A_528 = arith.constant 112 : index
      %swap3A_529 = tpu.vector_load %arg24[%swap3A_527, %swap3A_528] {strides = array<i32>} : memref<80x128xf32, #tpu.memory_space<vmem>>, vector<16xf32>,
      tpu.vector_store %arg24[%swap3A_527, %swap3A_528], %broadcast_in_dim3A_526 {strides = array<i32>} : memref<80x128xf32, #tpu.memory_space<vmem>>, vector<16xf32>,
    }
    %scan3A_8 = arith.constant 80 : i32
    %add3A_9 = arith.constant 0 : i32
    %add3A_10 = arith.addi %mul3A_4, %add3A_9 : i32
    "tpu.region"() ({
      %run_scoped3A = tpu.sem_alloc : memref<!tpu.dma_semaphore, #tpu.memory_space<semaphore_mem>>
      %dma_start3A_486 = arith.constant 0 : i32
      %dma_start3A_487 = tpu.memref_slice %arg26[%add3A_10, %dma_start3A_486] : memref<10000x128xf32, #tpu.memory_space<vmem_shared>> -> memref<80x128xf32, #tpu.memory_space<vmem_shared>>
      %dma_start3A_488 = arith.constant 0 : i32
      %dma_start3A_489 = tpu.memref_slice %arg26[%add3A_10, %dma_start3A_488] : memref<10000x128xf32, #tpu.memory_space<vmem_shared>> -> memref<80x128xf32, #tpu.memory_space<vmem_shared>>
      tpu.enqueue_dma source(%arg24 : memref<80x128xf32, #tpu.memory_space<vmem>>) target(%dma_start3A_489 : memref<80x128xf32, #tpu.memory_space<vmem_shared>>) target_semaphore(%run_scoped3A : memref<!tpu.dma_semaphore, #tpu.memory_space<semaphore_mem>>)
      %dma_wait3A_490 = arith.constant 0 : i32
      %dma_wait3A_491 = tpu.memref_slice %arg26[%add3A_10, %dma_wait3A_490] : memref<10000x128xf32, #tpu.memory_space<vmem_shared>> -> memref<80x128xf32, #tpu.memory_space<vmem_shared>>
      %dma_wait3A_492 = arith.constant 0 : i32
      %dma_wait3A_493 = tpu.memref_slice %arg26[%add3A_10, %dma_wait3A_492] : memref<10000x128xf32, #tpu.memory_space<vmem_shared>> -> memref<80x128xf32, #tpu.memory_space<vmem_shared>>
      tpu.wait_dma2 semaphore(%run_scoped3A : memref<!tpu.dma_semaphore, #tpu.memory_space<semaphore_mem>>) src(%arg24 : memref<80x128xf32, #tpu.memory_space<vmem>>) dst(%dma_wait3A_493 : memref<80x128xf32, #tpu.memory_space<vmem_shared>>)
      tpu.yield
    }) : () -> ()
    %add3A_11 = arith.constant 80 : i32
    %add3A_12 = arith.addi %mul3A_4, %add3A_11 : i32
    "tpu.region"() ({
      %run_scoped3A = tpu.sem_alloc : memref<!tpu.dma_semaphore, #tpu.memory_space<semaphore_mem>>
      %dma_start3A_486 = arith.constant 0 : i32
      %dma_start3A_487 = tpu.memref_slice %arg26[%add3A_12, %dma_start3A_486] : memref<10000x128xf32, #tpu.memory_space<vmem_shared>> -> memref<80x128xf32, #tpu.memory_space<vmem_shared>>
      %dma_start3A_488 = arith.constant 0 : i32
      %dma_start3A_489 = tpu.memref_slice %arg26[%add3A_12, %dma_start3A_488] : memref<10000x128xf32, #tpu.memory_space<vmem_shared>> -> memref<80x128xf32, #tpu.memory_space<vmem_shared>>
      tpu.enqueue_dma source(%arg24 : memref<80x128xf32, #tpu.memory_space<vmem>>) target(%dma_start3A_489 : memref<80x128xf32, #tpu.memory_space<vmem_shared>>) target_semaphore(%run_scoped3A : memref<!tpu.dma_semaphore, #tpu.memory_space<semaphore_mem>>)
      %dma_wait3A_490 = arith.constant 0 : i32
      %dma_wait3A_491 = tpu.memref_slice %arg26[%add3A_12, %dma_wait3A_490] : memref<10000x128xf32, #tpu.memory_space<vmem_shared>> -> memref<80x128xf32, #tpu.memory_space<vmem_shared>>
      %dma_wait3A_492 = arith.constant 0 : i32
      %dma_wait3A_493 = tpu.memref_slice %arg26[%add3A_12, %dma_wait3A_492] : memref<10000x128xf32, #tpu.memory_space<vmem_shared>> -> memref<80x128xf32, #tpu.memory_space<vmem_shared>>
      tpu.wait_dma2 semaphore(%run_scoped3A : memref<!tpu.dma_semaphore, #tpu.memory_space<semaphore_mem>>) src(%arg24 : memref<80x128xf32, #tpu.memory_space<vmem>>) dst(%dma_wait3A_493 : memref<80x128xf32, #tpu.memory_space<vmem_shared>>)
      tpu.yield
    }) : () -> ()
    %add3A_13 = arith.constant 160 : i32
    %add3A_14 = arith.addi %mul3A_4, %add3A_13 : i32
    "tpu.region"() ({
      %run_scoped3A = tpu.sem_alloc : memref<!tpu.dma_semaphore, #tpu.memory_space<semaphore_mem>>
      %dma_start3A_486 = arith.constant 0 : i32
      %dma_start3A_487 = tpu.memref_slice %arg26[%add3A_14, %dma_start3A_486] : memref<10000x128xf32, #tpu.memory_space<vmem_shared>> -> memref<80x128xf32, #tpu.memory_space<vmem_shared>>
      %dma_start3A_488 = arith.constant 0 : i32
      %dma_start3A_489 = tpu.memref_slice %arg26[%add3A_14, %dma_start3A_488] : memref<10000x128xf32, #tpu.memory_space<vmem_shared>> -> memref<80x128xf32, #tpu.memory_space<vmem_shared>>
      tpu.enqueue_dma source(%arg24 : memref<80x128xf32, #tpu.memory_space<vmem>>) target(%dma_start3A_489 : memref<80x128xf32, #tpu.memory_space<vmem_shared>>) target_semaphore(%run_scoped3A : memref<!tpu.dma_semaphore, #tpu.memory_space<semaphore_mem>>)
      %dma_wait3A_490 = arith.constant 0 : i32
      %dma_wait3A_491 = tpu.memref_slice %arg26[%add3A_14, %dma_wait3A_490] : memref<10000x128xf32, #tpu.memory_space<vmem_shared>> -> memref<80x128xf32, #tpu.memory_space<vmem_shared>>
      %dma_wait3A_492 = arith.constant 0 : i32
      %dma_wait3A_493 = tpu.memref_slice %arg26[%add3A_14, %dma_wait3A_492] : memref<10000x128xf32, #tpu.memory_space<vmem_shared>> -> memref<80x128xf32, #tpu.memory_space<vmem_shared>>
      tpu.wait_dma2 semaphore(%run_scoped3A : memref<!tpu.dma_semaphore, #tpu.memory_space<semaphore_mem>>) src(%arg24 : memref<80x128xf32, #tpu.memory_space<vmem>>) dst(%dma_wait3A_493 : memref<80x128xf32, #tpu.memory_space<vmem_shared>>)
      tpu.yield
    }) : () -> ()
    %add3A_15 = arith.constant 240 : i32
    %add3A_16 = arith.addi %mul3A_4, %add3A_15 : i32
    "tpu.region"() ({
      %run_scoped3A = tpu.sem_alloc : memref<!tpu.dma_semaphore, #tpu.memory_space<semaphore_mem>>
      %dma_start3A_486 = arith.constant 0 : i32
      %dma_start3A_487 = tpu.memref_slice %arg26[%add3A_16, %dma_start3A_486] : memref<10000x128xf32, #tpu.memory_space<vmem_shared>> -> memref<80x128xf32, #tpu.memory_space<vmem_shared>>
      %dma_start3A_488 = arith.constant 0 : i32
      %dma_start3A_489 = tpu.memref_slice %arg26[%add3A_16, %dma_start3A_488] : memref<10000x128xf32, #tpu.memory_space<vmem_shared>> -> memref<80x128xf32, #tpu.memory_space<vmem_shared>>
      tpu.enqueue_dma source(%arg24 : memref<80x128xf32, #tpu.memory_space<vmem>>) target(%dma_start3A_489 : memref<80x128xf32, #tpu.memory_space<vmem_shared>>) target_semaphore(%run_scoped3A : memref<!tpu.dma_semaphore, #tpu.memory_space<semaphore_mem>>)
      %dma_wait3A_490 = arith.constant 0 : i32
      %dma_wait3A_491 = tpu.memref_slice %arg26[%add3A_16, %dma_wait3A_490] : memref<10000x128xf32, #tpu.memory_space<vmem_shared>> -> memref<80x128xf32, #tpu.memory_space<vmem_shared>>
      %dma_wait3A_492 = arith.constant 0 : i32
      %dma_wait3A_493 = tpu.memref_slice %arg26[%add3A_16, %dma_wait3A_492] : memref<10000x128xf32, #tpu.memory_space<vmem_shared>> -> memref<80x128xf32, #tpu.memory_space<vmem_shared>>
      tpu.wait_dma2 semaphore(%run_scoped3A : memref<!tpu.dma_semaphore, #tpu.memory_space<semaphore_mem>>) src(%arg24 : memref<80x128xf32, #tpu.memory_space<vmem>>) dst(%dma_wait3A_493 : memref<80x128xf32, #tpu.memory_space<vmem_shared>>)
      tpu.yield
    }) : () -> ()
    %add3A_17 = arith.constant 320 : i32
    %add3A_18 = arith.addi %mul3A_4, %add3A_17 : i32
    "tpu.region"() ({
      %run_scoped3A = tpu.sem_alloc : memref<!tpu.dma_semaphore, #tpu.memory_space<semaphore_mem>>
      %dma_start3A_486 = arith.constant 0 : i32
      %dma_start3A_487 = tpu.memref_slice %arg26[%add3A_18, %dma_start3A_486] : memref<10000x128xf32, #tpu.memory_space<vmem_shared>> -> memref<80x128xf32, #tpu.memory_space<vmem_shared>>
      %dma_start3A_488 = arith.constant 0 : i32
      %dma_start3A_489 = tpu.memref_slice %arg26[%add3A_18, %dma_start3A_488] : memref<10000x128xf32, #tpu.memory_space<vmem_shared>> -> memref<80x128xf32, #tpu.memory_space<vmem_shared>>
      tpu.enqueue_dma source(%arg24 : memref<80x128xf32, #tpu.memory_space<vmem>>) target(%dma_start3A_489 : memref<80x128xf32, #tpu.memory_space<vmem_shared>>) target_semaphore(%run_scoped3A : memref<!tpu.dma_semaphore, #tpu.memory_space<semaphore_mem>>)
      %dma_wait3A_490 = arith.constant 0 : i32
      %dma_wait3A_491 = tpu.memref_slice %arg26[%add3A_18, %dma_wait3A_490] : memref<10000x128xf32, #tpu.memory_space<vmem_shared>> -> memref<80x128xf32, #tpu.memory_space<vmem_shared>>
      %dma_wait3A_492 = arith.constant 0 : i32
      %dma_wait3A_493 = tpu.memref_slice %arg26[%add3A_18, %dma_wait3A_492] : memref<10000x128xf32, #tpu.memory_space<vmem_shared>> -> memref<80x128xf32, #tpu.memory_space<vmem_shared>>
      tpu.wait_dma2 semaphore(%run_scoped3A : memref<!tpu.dma_semaphore, #tpu.memory_space<semaphore_mem>>) src(%arg24 : memref<80x128xf32, #tpu.memory_space<vmem>>) dst(%dma_wait3A_493 : memref<80x128xf32, #tpu.memory_space<vmem_shared>>)
      tpu.yield
    }) : () -> ()
    %add3A_19 = arith.constant 400 : i32
    %add3A_20 = arith.addi %mul3A_4, %add3A_19 : i32
    "tpu.region"() ({
      %run_scoped3A = tpu.sem_alloc : memref<!tpu.dma_semaphore, #tpu.memory_space<semaphore_mem>>
      %dma_start3A_486 = arith.constant 0 : i32
      %dma_start3A_487 = tpu.memref_slice %arg26[%add3A_20, %dma_start3A_486] : memref<10000x128xf32, #tpu.memory_space<vmem_shared>> -> memref<80x128xf32, #tpu.memory_space<vmem_shared>>
      %dma_start3A_488 = arith.constant 0 : i32
      %dma_start3A_489 = tpu.memref_slice %arg26[%add3A_20, %dma_start3A_488] : memref<10000x128xf32, #tpu.memory_space<vmem_shared>> -> memref<80x128xf32, #tpu.memory_space<vmem_shared>>
      tpu.enqueue_dma source(%arg24 : memref<80x128xf32, #tpu.memory_space<vmem>>) target(%dma_start3A_489 : memref<80x128xf32, #tpu.memory_space<vmem_shared>>) target_semaphore(%run_scoped3A : memref<!tpu.dma_semaphore, #tpu.memory_space<semaphore_mem>>)
      %dma_wait3A_490 = arith.constant 0 : i32
      %dma_wait3A_491 = tpu.memref_slice %arg26[%add3A_20, %dma_wait3A_490] : memref<10000x128xf32, #tpu.memory_space<vmem_shared>> -> memref<80x128xf32, #tpu.memory_space<vmem_shared>>
      %dma_wait3A_492 = arith.constant 0 : i32
      %dma_wait3A_493 = tpu.memref_slice %arg26[%add3A_20, %dma_wait3A_492] : memref<10000x128xf32, #tpu.memory_space<vmem_shared>> -> memref<80x128xf32, #tpu.memory_space<vmem_shared>>
      tpu.wait_dma2 semaphore(%run_scoped3A : memref<!tpu.dma_semaphore, #tpu.memory_space<semaphore_mem>>) src(%arg24 : memref<80x128xf32, #tpu.memory_space<vmem>>) dst(%dma_wait3A_493 : memref<80x128xf32, #tpu.memory_space<vmem_shared>>)
      tpu.yield
    }) : () -> ()
    %add3A_21 = arith.constant 480 : i32
    %add3A_22 = arith.addi %mul3A_4, %add3A_21 : i32
    "tpu.region"() ({
      %run_scoped3A = tpu.sem_alloc : memref<!tpu.dma_semaphore, #tpu.memory_space<semaphore_mem>>
      %dma_start3A_486 = arith.constant 0 : i32
      %dma_start3A_487 = tpu.memref_slice %arg26[%add3A_22, %dma_start3A_486] : memref<10000x128xf32, #tpu.memory_space<vmem_shared>> -> memref<80x128xf32, #tpu.memory_space<vmem_shared>>
      %dma_start3A_488 = arith.constant 0 : i32
      %dma_start3A_489 = tpu.memref_slice %arg26[%add3A_22, %dma_start3A_488] : memref<10000x128xf32, #tpu.memory_space<vmem_shared>> -> memref<80x128xf32, #tpu.memory_space<vmem_shared>>
      tpu.enqueue_dma source(%arg24 : memref<80x128xf32, #tpu.memory_space<vmem>>) target(%dma_start3A_489 : memref<80x128xf32, #tpu.memory_space<vmem_shared>>) target_semaphore(%run_scoped3A : memref<!tpu.dma_semaphore, #tpu.memory_space<semaphore_mem>>)
      %dma_wait3A_490 = arith.constant 0 : i32
      %dma_wait3A_491 = tpu.memref_slice %arg26[%add3A_22, %dma_wait3A_490] : memref<10000x128xf32, #tpu.memory_space<vmem_shared>> -> memref<80x128xf32, #tpu.memory_space<vmem_shared>>
      %dma_wait3A_492 = arith.constant 0 : i32
      %dma_wait3A_493 = tpu.memref_slice %arg26[%add3A_22, %dma_wait3A_492] : memref<10000x128xf32, #tpu.memory_space<vmem_shared>> -> memref<80x128xf32, #tpu.memory_space<vmem_shared>>
      tpu.wait_dma2 semaphore(%run_scoped3A : memref<!tpu.dma_semaphore, #tpu.memory_space<semaphore_mem>>) src(%arg24 : memref<80x128xf32, #tpu.memory_space<vmem>>) dst(%dma_wait3A_493 : memref<80x128xf32, #tpu.memory_space<vmem_shared>>)
      tpu.yield
    }) : () -> ()
    %lt3A = arith.constant 15 : i32
    %lt3A_23 = arith.cmpi slt, %arg1, %lt3A : i32
    %convert_element_type3A = arith.extui %lt3A_23 : i1 to i32
    %cond3A = arith.constant 0 : i32
    %cond3A_24 = arith.cmpi ne, %convert_element_type3A, %cond3A : i32
    scf.if %cond3A_24 {
      %add3A_486 = arith.constant 560 : i32
      %add3A_487 = arith.addi %mul3A_4, %add3A_486 : i32
      "tpu.region"() ({
        %run_scoped3A = tpu.sem_alloc : memref<!tpu.dma_semaphore, #tpu.memory_space<semaphore_mem>>
        %dma_start3A_488 = arith.constant 0 : i32
        %dma_start3A_489 = arith.constant 0 : i32
        %dma_start3A_490 = tpu.memref_slice %arg24[%dma_start3A_488, %dma_start3A_489] : memref<80x128xf32, #tpu.memory_space<vmem>> -> memref<64x128xf32, #tpu.memory_space<vmem>>
        %dma_start3A_491 = arith.constant 0 : i32
        %dma_start3A_492 = tpu.memref_slice %arg26[%add3A_487, %dma_start3A_491] : memref<10000x128xf32, #tpu.memory_space<vmem_shared>> -> memref<64x128xf32, #tpu.memory_space<vmem_shared>>
        %dma_start3A_493 = arith.constant 0 : i32
        %dma_start3A_494 = tpu.memref_slice %arg26[%add3A_487, %dma_start3A_493] : memref<10000x128xf32, #tpu.memory_space<vmem_shared>> -> memref<64x128xf32, #tpu.memory_space<vmem_shared>>
        %dma_start3A_495 = arith.constant 0 : i32
        %dma_start3A_496 = arith.constant 0 : i32
        %dma_start3A_497 = tpu.memref_slice %arg24[%dma_start3A_495, %dma_start3A_496] : memref<80x128xf32, #tpu.memory_space<vmem>> -> memref<64x128xf32, #tpu.memory_space<vmem>>
        tpu.enqueue_dma source(%dma_start3A_497 : memref<64x128xf32, #tpu.memory_space<vmem>>) target(%dma_start3A_494 : memref<64x128xf32, #tpu.memory_space<vmem_shared>>) target_semaphore(%run_scoped3A : memref<!tpu.dma_semaphore, #tpu.memory_space<semaphore_mem>>)
        %dma_wait3A_498 = arith.constant 0 : i32
        %dma_wait3A_499 = arith.constant 0 : i32
        %dma_wait3A_500 = tpu.memref_slice %arg24[%dma_wait3A_498, %dma_wait3A_499] : memref<80x128xf32, #tpu.memory_space<vmem>> -> memref<64x128xf32, #tpu.memory_space<vmem>>
        %dma_wait3A_501 = arith.constant 0 : i32
        %dma_wait3A_502 = tpu.memref_slice %arg26[%add3A_487, %dma_wait3A_501] : memref<10000x128xf32, #tpu.memory_space<vmem_shared>> -> memref<64x128xf32, #tpu.memory_space<vmem_shared>>
        %dma_wait3A_503 = arith.constant 0 : i32
        %dma_wait3A_504 = tpu.memref_slice %arg26[%add3A_487, %dma_wait3A_503] : memref<10000x128xf32, #tpu.memory_space<vmem_shared>> -> memref<64x128xf32, #tpu.memory_space<vmem_shared>>
        %dma_wait3A_505 = arith.constant 0 : i32
        %dma_wait3A_506 = arith.constant 0 : i32
        %dma_wait3A_507 = tpu.memref_slice %arg24[%dma_wait3A_505, %dma_wait3A_506] : memref<80x128xf32, #tpu.memory_space<vmem>> -> memref<64x128xf32, #tpu.memory_space<vmem>>
        tpu.wait_dma2 semaphore(%run_scoped3A : memref<!tpu.dma_semaphore, #tpu.memory_space<semaphore_mem>>) src(%dma_wait3A_507 : memref<64x128xf32, #tpu.memory_space<vmem>>) dst(%dma_wait3A_504 : memref<64x128xf32, #tpu.memory_space<vmem_shared>>)
        tpu.yield
      }) : () -> ()
    } else {
    }
    %eq3A = arith.constant 15 : i32
    %eq3A_25 = arith.cmpi eq, %arg1, %eq3A : i32
    %convert_element_type3A_26 = arith.extui %eq3A_25 : i1 to i32
    %cond3A_27 = arith.constant 0 : i32
    %cond3A_28 = arith.cmpi ne, %convert_element_type3A_26, %cond3A_27 : i32
    scf.if %cond3A_28 {
      %add3A_486 = arith.constant 560 : i32
      %add3A_487 = arith.addi %mul3A_4, %add3A_486 : i32
      "tpu.region"() ({
        %run_scoped3A = tpu.sem_alloc : memref<!tpu.dma_semaphore, #tpu.memory_space<semaphore_mem>>
        %dma_start3A_488 = arith.constant 0 : i32
        %dma_start3A_489 = tpu.memref_slice %arg26[%add3A_487, %dma_start3A_488] : memref<10000x128xf32, #tpu.memory_space<vmem_shared>> -> memref<80x128xf32, #tpu.memory_space<vmem_shared>>
        %dma_start3A_490 = arith.constant 0 : i32
        %dma_start3A_491 = tpu.memref_slice %arg26[%add3A_487, %dma_start3A_490] : memref<10000x128xf32, #tpu.memory_space<vmem_shared>> -> memref<80x128xf32, #tpu.memory_space<vmem_shared>>
        tpu.enqueue_dma source(%arg24 : memref<80x128xf32, #tpu.memory_space<vmem>>) target(%dma_start3A_491 : memref<80x128xf32, #tpu.memory_space<vmem_shared>>) target_semaphore(%run_scoped3A : memref<!tpu.dma_semaphore, #tpu.memory_space<semaphore_mem>>)
        %dma_wait3A_492 = arith.constant 0 : i32
        %dma_wait3A_493 = tpu.memref_slice %arg26[%add3A_487, %dma_wait3A_492] : memref<10000x128xf32, #tpu.memory_space<vmem_shared>> -> memref<80x128xf32, #tpu.memory_space<vmem_shared>>
        %dma_wait3A_494 = arith.constant 0 : i32
        %dma_wait3A_495 = tpu.memref_slice %arg26[%add3A_487, %dma_wait3A_494] : memref<10000x128xf32, #tpu.memory_space<vmem_shared>> -> memref<80x128xf32, #tpu.memory_space<vmem_shared>>
        tpu.wait_dma2 semaphore(%run_scoped3A : memref<!tpu.dma_semaphore, #tpu.memory_space<semaphore_mem>>) src(%arg24 : memref<80x128xf32, #tpu.memory_space<vmem>>) dst(%dma_wait3A_495 : memref<80x128xf32, #tpu.memory_space<vmem_shared>>)
        tpu.yield
      }) : () -> ()
    } else {
    }
    %barrier3A = arith.constant 0 : index
    tpu.barrier barrier_id(%barrier3A)
    %add3A_29 = arith.constant 0 : i32
    %add3A_30 = arith.addi %mul3A_2, %add3A_29 : i32
    %dma_start3A = tpu.memref_slice %arg2[%add3A_30] : memref<320000xi32, #tpu.memory_space<hbm>> -> memref<80xi32, #tpu.memory_space<hbm>>
    %dma_start3A_31 = tpu.memref_slice %arg2[%add3A_30] : memref<320000xi32, #tpu.memory_space<hbm>> -> memref<80xi32, #tpu.memory_space<hbm>>
    tpu.enqueue_dma source(%dma_start3A_31 : memref<80xi32, #tpu.memory_space<hbm>>) target(%arg14 : memref<80xi32, #tpu.memory_space<vmem>>) target_semaphore(%arg27 : memref<!tpu.dma_semaphore, #tpu.memory_space<semaphore_mem>>)
    %dma_start3A_32 = tpu.memref_slice %arg3[%add3A_30] : memref<320000xf32, #tpu.memory_space<hbm>> -> memref<80xf32, #tpu.memory_space<hbm>>
    %dma_start3A_33 = tpu.memref_slice %arg3[%add3A_30] : memref<320000xf32, #tpu.memory_space<hbm>> -> memref<80xf32, #tpu.memory_space<hbm>>
    tpu.enqueue_dma source(%dma_start3A_33 : memref<80xf32, #tpu.memory_space<hbm>>) target(%arg18 : memref<80xf32, #tpu.memory_space<vmem>>) target_semaphore(%arg27 : memref<!tpu.dma_semaphore, #tpu.memory_space<semaphore_mem>>)
    %add3A_34 = arith.constant 80 : i32
    %add3A_35 = arith.addi %mul3A_2, %add3A_34 : i32
    %dma_start3A_36 = tpu.memref_slice %arg2[%add3A_35] : memref<320000xi32, #tpu.memory_space<hbm>> -> memref<80xi32, #tpu.memory_space<hbm>>
    %dma_start3A_37 = tpu.memref_slice %arg2[%add3A_35] : memref<320000xi32, #tpu.memory_space<hbm>> -> memref<80xi32, #tpu.memory_space<hbm>>
    tpu.enqueue_dma source(%dma_start3A_37 : memref<80xi32, #tpu.memory_space<hbm>>) target(%arg15 : memref<80xi32, #tpu.memory_space<vmem>>) target_semaphore(%arg28 : memref<!tpu.dma_semaphore, #tpu.memory_space<semaphore_mem>>)
    %dma_start3A_38 = tpu.memref_slice %arg3[%add3A_35] : memref<320000xf32, #tpu.memory_space<hbm>> -> memref<80xf32, #tpu.memory_space<hbm>>
    %dma_start3A_39 = tpu.memref_slice %arg3[%add3A_35] : memref<320000xf32, #tpu.memory_space<hbm>> -> memref<80xf32, #tpu.memory_space<hbm>>
    tpu.enqueue_dma source(%dma_start3A_39 : memref<80xf32, #tpu.memory_space<hbm>>) target(%arg19 : memref<80xf32, #tpu.memory_space<vmem>>) target_semaphore(%arg28 : memref<!tpu.dma_semaphore, #tpu.memory_space<semaphore_mem>>)
    %dma_wait3A = arith.constant 0 : i32
    %dma_wait3A_40 = tpu.memref_slice %arg2[%dma_wait3A] : memref<320000xi32, #tpu.memory_space<hbm>> -> memref<80xi32, #tpu.memory_space<hbm>>
    %dma_wait3A_41 = arith.constant 0 : i32
    %dma_wait3A_42 = tpu.memref_slice %arg2[%dma_wait3A_41] : memref<320000xi32, #tpu.memory_space<hbm>> -> memref<80xi32, #tpu.memory_space<hbm>>
    tpu.wait_dma2 semaphore(%arg27 : memref<!tpu.dma_semaphore, #tpu.memory_space<semaphore_mem>>) src(%dma_wait3A_42 : memref<80xi32, #tpu.memory_space<hbm>>) dst(%arg14 : memref<80xi32, #tpu.memory_space<vmem>>)
    %dma_wait3A_43 = arith.constant 0 : i32
    %dma_wait3A_44 = tpu.memref_slice %arg3[%dma_wait3A_43] : memref<320000xf32, #tpu.memory_space<hbm>> -> memref<80xf32, #tpu.memory_space<hbm>>
    %dma_wait3A_45 = arith.constant 0 : i32
    %dma_wait3A_46 = tpu.memref_slice %arg3[%dma_wait3A_45] : memref<320000xf32, #tpu.memory_space<hbm>> -> memref<80xf32, #tpu.memory_space<hbm>>
    tpu.wait_dma2 semaphore(%arg27 : memref<!tpu.dma_semaphore, #tpu.memory_space<semaphore_mem>>) src(%dma_wait3A_46 : memref<80xf32, #tpu.memory_space<hbm>>) dst(%arg18 : memref<80xf32, #tpu.memory_space<vmem>>)
    %get3A = arith.constant 0 : index
    %get3A_47 = tpu.vector_load %arg14[%get3A] {strides = array<i32>} : memref<80xi32, #tpu.memory_space<vmem>>, vector<16xi32>,
    %and3A = arith.constant 65535 : i32
    %and3A_48 = vector.broadcast %and3A : i32 to vector<16xi32>
    %and3A_49 = arith.andi %get3A_47, %and3A_48 : vector<16xi32>
    %swap3A = arith.constant 0 : index
    %swap3A_50 = tpu.vector_load %arg6[%swap3A] {strides = array<i32>} : memref<80xi32, #tpu.memory_space<vmem>>, vector<16xi32>,
    tpu.vector_store %arg6[%swap3A], %and3A_49 {strides = array<i32>} : memref<80xi32, #tpu.memory_space<vmem>>, vector<16xi32>,
    %shift_right_logical3A = arith.constant 16 : i32
    %shift_right_logical3A_51 = vector.broadcast %shift_right_logical3A : i32 to vector<16xi32>
    %shift_right_logical3A_52 = arith.shrui %get3A_47, %shift_right_logical3A_51 : vector<16xi32>
    %swap3A_53 = arith.constant 0 : index
    %swap3A_54 = tpu.vector_load %arg10[%swap3A_53] {strides = array<i32>} : memref<80xi32, #tpu.memory_space<vmem>>, vector<16xi32>,
    tpu.vector_store %arg10[%swap3A_53], %shift_right_logical3A_52 {strides = array<i32>} : memref<80xi32, #tpu.memory_space<vmem>>, vector<16xi32>,
    %get3A_55 = arith.constant 16 : index
    %get3A_56 = tpu.vector_load %arg14[%get3A_55] {strides = array<i32>} : memref<80xi32, #tpu.memory_space<vmem>>, vector<16xi32>,
    %and3A_57 = arith.constant 65535 : i32
    %and3A_58 = vector.broadcast %and3A_57 : i32 to vector<16xi32>
    %and3A_59 = arith.andi %get3A_56, %and3A_58 : vector<16xi32>
    %swap3A_60 = arith.constant 16 : index
    %swap3A_61 = tpu.vector_load %arg6[%swap3A_60] {strides = array<i32>} : memref<80xi32, #tpu.memory_space<vmem>>, vector<16xi32>,
    tpu.vector_store %arg6[%swap3A_60], %and3A_59 {strides = array<i32>} : memref<80xi32, #tpu.memory_space<vmem>>, vector<16xi32>,
    %shift_right_logical3A_62 = arith.constant 16 : i32
    %shift_right_logical3A_63 = vector.broadcast %shift_right_logical3A_62 : i32 to vector<16xi32>
    %shift_right_logical3A_64 = arith.shrui %get3A_56, %shift_right_logical3A_63 : vector<16xi32>
    %swap3A_65 = arith.constant 16 : index
    %swap3A_66 = tpu.vector_load %arg10[%swap3A_65] {strides = array<i32>} : memref<80xi32, #tpu.memory_space<vmem>>, vector<16xi32>,
    tpu.vector_store %arg10[%swap3A_65], %shift_right_logical3A_64 {strides = array<i32>} : memref<80xi32, #tpu.memory_space<vmem>>, vector<16xi32>,
    %get3A_67 = arith.constant 32 : index
    %get3A_68 = tpu.vector_load %arg14[%get3A_67] {strides = array<i32>} : memref<80xi32, #tpu.memory_space<vmem>>, vector<16xi32>,
    %and3A_69 = arith.constant 65535 : i32
    %and3A_70 = vector.broadcast %and3A_69 : i32 to vector<16xi32>
    %and3A_71 = arith.andi %get3A_68, %and3A_70 : vector<16xi32>
    %swap3A_72 = arith.constant 32 : index
    %swap3A_73 = tpu.vector_load %arg6[%swap3A_72] {strides = array<i32>} : memref<80xi32, #tpu.memory_space<vmem>>, vector<16xi32>,
    tpu.vector_store %arg6[%swap3A_72], %and3A_71 {strides = array<i32>} : memref<80xi32, #tpu.memory_space<vmem>>, vector<16xi32>,
    %shift_right_logical3A_74 = arith.constant 16 : i32
    %shift_right_logical3A_75 = vector.broadcast %shift_right_logical3A_74 : i32 to vector<16xi32>
    %shift_right_logical3A_76 = arith.shrui %get3A_68, %shift_right_logical3A_75 : vector<16xi32>
    %swap3A_77 = arith.constant 32 : index
    %swap3A_78 = tpu.vector_load %arg10[%swap3A_77] {strides = array<i32>} : memref<80xi32, #tpu.memory_space<vmem>>, vector<16xi32>,
    tpu.vector_store %arg10[%swap3A_77], %shift_right_logical3A_76 {strides = array<i32>} : memref<80xi32, #tpu.memory_space<vmem>>, vector<16xi32>,
    %get3A_79 = arith.constant 48 : index
    %get3A_80 = tpu.vector_load %arg14[%get3A_79] {strides = array<i32>} : memref<80xi32, #tpu.memory_space<vmem>>, vector<16xi32>,
    %and3A_81 = arith.constant 65535 : i32
    %and3A_82 = vector.broadcast %and3A_81 : i32 to vector<16xi32>
    %and3A_83 = arith.andi %get3A_80, %and3A_82 : vector<16xi32>
    %swap3A_84 = arith.constant 48 : index
    %swap3A_85 = tpu.vector_load %arg6[%swap3A_84] {strides = array<i32>} : memref<80xi32, #tpu.memory_space<vmem>>, vector<16xi32>,
    tpu.vector_store %arg6[%swap3A_84], %and3A_83 {strides = array<i32>} : memref<80xi32, #tpu.memory_space<vmem>>, vector<16xi32>,
    %shift_right_logical3A_86 = arith.constant 16 : i32
    %shift_right_logical3A_87 = vector.broadcast %shift_right_logical3A_86 : i32 to vector<16xi32>
    %shift_right_logical3A_88 = arith.shrui %get3A_80, %shift_right_logical3A_87 : vector<16xi32>
    %swap3A_89 = arith.constant 48 : index
    %swap3A_90 = tpu.vector_load %arg10[%swap3A_89] {strides = array<i32>} : memref<80xi32, #tpu.memory_space<vmem>>, vector<16xi32>,
    tpu.vector_store %arg10[%swap3A_89], %shift_right_logical3A_88 {strides = array<i32>} : memref<80xi32, #tpu.memory_space<vmem>>, vector<16xi32>,
    %get3A_91 = arith.constant 64 : index
    %get3A_92 = tpu.vector_load %arg14[%get3A_91] {strides = array<i32>} : memref<80xi32, #tpu.memory_space<vmem>>, vector<16xi32>,
    %and3A_93 = arith.constant 65535 : i32
    %and3A_94 = vector.broadcast %and3A_93 : i32 to vector<16xi32>
    %and3A_95 = arith.andi %get3A_92, %and3A_94 : vector<16xi32>
    %swap3A_96 = arith.constant 64 : index
    %swap3A_97 = tpu.vector_load %arg6[%swap3A_96] {strides = array<i32>} : memref<80xi32, #tpu.memory_space<vmem>>, vector<16xi32>,
    tpu.vector_store %arg6[%swap3A_96], %and3A_95 {strides = array<i32>} : memref<80xi32, #tpu.memory_space<vmem>>, vector<16xi32>,
    %shift_right_logical3A_98 = arith.constant 16 : i32
    %shift_right_logical3A_99 = vector.broadcast %shift_right_logical3A_98 : i32 to vector<16xi32>
    %shift_right_logical3A_100 = arith.shrui %get3A_92, %shift_right_logical3A_99 : vector<16xi32>
    %swap3A_101 = arith.constant 64 : index
    %swap3A_102 = tpu.vector_load %arg10[%swap3A_101] {strides = array<i32>} : memref<80xi32, #tpu.memory_space<vmem>>, vector<16xi32>,
    tpu.vector_store %arg10[%swap3A_101], %shift_right_logical3A_100 {strides = array<i32>} : memref<80xi32, #tpu.memory_space<vmem>>, vector<16xi32>,
    %dma_wait3A_103 = arith.constant 0 : i32
    %dma_wait3A_104 = tpu.memref_slice %arg2[%dma_wait3A_103] : memref<320000xi32, #tpu.memory_space<hbm>> -> memref<80xi32, #tpu.memory_space<hbm>>
    %dma_wait3A_105 = arith.constant 0 : i32
    %dma_wait3A_106 = tpu.memref_slice %arg2[%dma_wait3A_105] : memref<320000xi32, #tpu.memory_space<hbm>> -> memref<80xi32, #tpu.memory_space<hbm>>
    tpu.wait_dma2 semaphore(%arg28 : memref<!tpu.dma_semaphore, #tpu.memory_space<semaphore_mem>>) src(%dma_wait3A_106 : memref<80xi32, #tpu.memory_space<hbm>>) dst(%arg15 : memref<80xi32, #tpu.memory_space<vmem>>)
    %dma_wait3A_107 = arith.constant 0 : i32
    %dma_wait3A_108 = tpu.memref_slice %arg3[%dma_wait3A_107] : memref<320000xf32, #tpu.memory_space<hbm>> -> memref<80xf32, #tpu.memory_space<hbm>>
    %dma_wait3A_109 = arith.constant 0 : i32
    %dma_wait3A_110 = tpu.memref_slice %arg3[%dma_wait3A_109] : memref<320000xf32, #tpu.memory_space<hbm>> -> memref<80xf32, #tpu.memory_space<hbm>>
    tpu.wait_dma2 semaphore(%arg28 : memref<!tpu.dma_semaphore, #tpu.memory_space<semaphore_mem>>) src(%dma_wait3A_110 : memref<80xf32, #tpu.memory_space<hbm>>) dst(%arg19 : memref<80xf32, #tpu.memory_space<vmem>>)
    %get3A_111 = arith.constant 0 : index
    %get3A_112 = tpu.vector_load %arg15[%get3A_111] {strides = array<i32>} : memref<80xi32, #tpu.memory_space<vmem>>, vector<16xi32>,
    %and3A_113 = arith.constant 65535 : i32
    %and3A_114 = vector.broadcast %and3A_113 : i32 to vector<16xi32>
    %and3A_115 = arith.andi %get3A_112, %and3A_114 : vector<16xi32>
    %swap3A_116 = arith.constant 0 : index
    %swap3A_117 = tpu.vector_load %arg7[%swap3A_116] {strides = array<i32>} : memref<80xi32, #tpu.memory_space<vmem>>, vector<16xi32>,
    tpu.vector_store %arg7[%swap3A_116], %and3A_115 {strides = array<i32>} : memref<80xi32, #tpu.memory_space<vmem>>, vector<16xi32>,
    %shift_right_logical3A_118 = arith.constant 16 : i32
    %shift_right_logical3A_119 = vector.broadcast %shift_right_logical3A_118 : i32 to vector<16xi32>
    %shift_right_logical3A_120 = arith.shrui %get3A_112, %shift_right_logical3A_119 : vector<16xi32>
    %swap3A_121 = arith.constant 0 : index
    %swap3A_122 = tpu.vector_load %arg11[%swap3A_121] {strides = array<i32>} : memref<80xi32, #tpu.memory_space<vmem>>, vector<16xi32>,
    tpu.vector_store %arg11[%swap3A_121], %shift_right_logical3A_120 {strides = array<i32>} : memref<80xi32, #tpu.memory_space<vmem>>, vector<16xi32>,
    %get3A_123 = arith.constant 16 : index
    %get3A_124 = tpu.vector_load %arg15[%get3A_123] {strides = array<i32>} : memref<80xi32, #tpu.memory_space<vmem>>, vector<16xi32>,
    %and3A_125 = arith.constant 65535 : i32
    %and3A_126 = vector.broadcast %and3A_125 : i32 to vector<16xi32>
    %and3A_127 = arith.andi %get3A_124, %and3A_126 : vector<16xi32>
    %swap3A_128 = arith.constant 16 : index
    %swap3A_129 = tpu.vector_load %arg7[%swap3A_128] {strides = array<i32>} : memref<80xi32, #tpu.memory_space<vmem>>, vector<16xi32>,
    tpu.vector_store %arg7[%swap3A_128], %and3A_127 {strides = array<i32>} : memref<80xi32, #tpu.memory_space<vmem>>, vector<16xi32>,
    %shift_right_logical3A_130 = arith.constant 16 : i32
    %shift_right_logical3A_131 = vector.broadcast %shift_right_logical3A_130 : i32 to vector<16xi32>
    %shift_right_logical3A_132 = arith.shrui %get3A_124, %shift_right_logical3A_131 : vector<16xi32>
    %swap3A_133 = arith.constant 16 : index
    %swap3A_134 = tpu.vector_load %arg11[%swap3A_133] {strides = array<i32>} : memref<80xi32, #tpu.memory_space<vmem>>, vector<16xi32>,
    tpu.vector_store %arg11[%swap3A_133], %shift_right_logical3A_132 {strides = array<i32>} : memref<80xi32, #tpu.memory_space<vmem>>, vector<16xi32>,
    %get3A_135 = arith.constant 32 : index
    %get3A_136 = tpu.vector_load %arg15[%get3A_135] {strides = array<i32>} : memref<80xi32, #tpu.memory_space<vmem>>, vector<16xi32>,
    %and3A_137 = arith.constant 65535 : i32
    %and3A_138 = vector.broadcast %and3A_137 : i32 to vector<16xi32>
    %and3A_139 = arith.andi %get3A_136, %and3A_138 : vector<16xi32>
    %swap3A_140 = arith.constant 32 : index
    %swap3A_141 = tpu.vector_load %arg7[%swap3A_140] {strides = array<i32>} : memref<80xi32, #tpu.memory_space<vmem>>, vector<16xi32>,
    tpu.vector_store %arg7[%swap3A_140], %and3A_139 {strides = array<i32>} : memref<80xi32, #tpu.memory_space<vmem>>, vector<16xi32>,
    %shift_right_logical3A_142 = arith.constant 16 : i32
    %shift_right_logical3A_143 = vector.broadcast %shift_right_logical3A_142 : i32 to vector<16xi32>
    %shift_right_logical3A_144 = arith.shrui %get3A_136, %shift_right_logical3A_143 : vector<16xi32>
    %swap3A_145 = arith.constant 32 : index
    %swap3A_146 = tpu.vector_load %arg11[%swap3A_145] {strides = array<i32>} : memref<80xi32, #tpu.memory_space<vmem>>, vector<16xi32>,
    tpu.vector_store %arg11[%swap3A_145], %shift_right_logical3A_144 {strides = array<i32>} : memref<80xi32, #tpu.memory_space<vmem>>, vector<16xi32>,
    %get3A_147 = arith.constant 48 : index
    %get3A_148 = tpu.vector_load %arg15[%get3A_147] {strides = array<i32>} : memref<80xi32, #tpu.memory_space<vmem>>, vector<16xi32>,
    %and3A_149 = arith.constant 65535 : i32
    %and3A_150 = vector.broadcast %and3A_149 : i32 to vector<16xi32>
    %and3A_151 = arith.andi %get3A_148, %and3A_150 : vector<16xi32>
    %swap3A_152 = arith.constant 48 : index
    %swap3A_153 = tpu.vector_load %arg7[%swap3A_152] {strides = array<i32>} : memref<80xi32, #tpu.memory_space<vmem>>, vector<16xi32>,
    tpu.vector_store %arg7[%swap3A_152], %and3A_151 {strides = array<i32>} : memref<80xi32, #tpu.memory_space<vmem>>, vector<16xi32>,
    %shift_right_logical3A_154 = arith.constant 16 : i32
    %shift_right_logical3A_155 = vector.broadcast %shift_right_logical3A_154 : i32 to vector<16xi32>
    %shift_right_logical3A_156 = arith.shrui %get3A_148, %shift_right_logical3A_155 : vector<16xi32>
    %swap3A_157 = arith.constant 48 : index
    %swap3A_158 = tpu.vector_load %arg11[%swap3A_157] {strides = array<i32>} : memref<80xi32, #tpu.memory_space<vmem>>, vector<16xi32>,
    tpu.vector_store %arg11[%swap3A_157], %shift_right_logical3A_156 {strides = array<i32>} : memref<80xi32, #tpu.memory_space<vmem>>, vector<16xi32>,
    %get3A_159 = arith.constant 64 : index
    %get3A_160 = tpu.vector_load %arg15[%get3A_159] {strides = array<i32>} : memref<80xi32, #tpu.memory_space<vmem>>, vector<16xi32>,
    %and3A_161 = arith.constant 65535 : i32
    %and3A_162 = vector.broadcast %and3A_161 : i32 to vector<16xi32>
    %and3A_163 = arith.andi %get3A_160, %and3A_162 : vector<16xi32>
    %swap3A_164 = arith.constant 64 : index
    %swap3A_165 = tpu.vector_load %arg7[%swap3A_164] {strides = array<i32>} : memref<80xi32, #tpu.memory_space<vmem>>, vector<16xi32>,
    tpu.vector_store %arg7[%swap3A_164], %and3A_163 {strides = array<i32>} : memref<80xi32, #tpu.memory_space<vmem>>, vector<16xi32>,
    %shift_right_logical3A_166 = arith.constant 16 : i32
    %shift_right_logical3A_167 = vector.broadcast %shift_right_logical3A_166 : i32 to vector<16xi32>
    %shift_right_logical3A_168 = arith.shrui %get3A_160, %shift_right_logical3A_167 : vector<16xi32>
    %swap3A_169 = arith.constant 64 : index
    %swap3A_170 = tpu.vector_load %arg11[%swap3A_169] {strides = array<i32>} : memref<80xi32, #tpu.memory_space<vmem>>, vector<16xi32>,
    tpu.vector_store %arg11[%swap3A_169], %shift_right_logical3A_168 {strides = array<i32>} : memref<80xi32, #tpu.memory_space<vmem>>, vector<16xi32>,
    %dma_start3A_171 = arith.constant 0 : i32
    %dma_start3A_172 = arith.constant 0 : i32
    %dma_start3A_173 = tpu.memref_slice %arg4[%dma_start3A_171, %dma_start3A_172] : memref<10000x64xi32, #tpu.memory_space<hbm>> -> memref<10000x64xi32, #tpu.memory_space<hbm>>
    tpu.enqueue_indirect_dma source(%dma_start3A_173 : memref<10000x64xi32, #tpu.memory_space<hbm>>) target(%arg22 : memref<80x64xi32, #tpu.memory_space<vmem>>) offsets(%arg6 : memref<80xi32, #tpu.memory_space<vmem>>) semaphore(%arg31 : memref<!tpu.dma_semaphore, #tpu.memory_space<semaphore_mem>>)
    %dma_start3A_174 = arith.constant 0 : i32
    %dma_start3A_175 = arith.constant 0 : i32
    %dma_start3A_176 = tpu.memref_slice %arg4[%dma_start3A_174, %dma_start3A_175] : memref<10000x64xi32, #tpu.memory_space<hbm>> -> memref<10000x64xi32, #tpu.memory_space<hbm>>
    tpu.enqueue_indirect_dma source(%dma_start3A_176 : memref<10000x64xi32, #tpu.memory_space<hbm>>) target(%arg23 : memref<80x64xi32, #tpu.memory_space<vmem>>) offsets(%arg7 : memref<80xi32, #tpu.memory_space<vmem>>) semaphore(%arg32 : memref<!tpu.dma_semaphore, #tpu.memory_space<semaphore_mem>>)
    %add3A_177 = arith.constant 160 : i32
    %add3A_178 = arith.addi %mul3A_2, %add3A_177 : i32
    %dma_start3A_179 = tpu.memref_slice %arg2[%add3A_178] : memref<320000xi32, #tpu.memory_space<hbm>> -> memref<80xi32, #tpu.memory_space<hbm>>
    %dma_start3A_180 = tpu.memref_slice %arg2[%add3A_178] : memref<320000xi32, #tpu.memory_space<hbm>> -> memref<80xi32, #tpu.memory_space<hbm>>
    tpu.enqueue_dma source(%dma_start3A_180 : memref<80xi32, #tpu.memory_space<hbm>>) target(%arg16 : memref<80xi32, #tpu.memory_space<vmem>>) target_semaphore(%arg29 : memref<!tpu.dma_semaphore, #tpu.memory_space<semaphore_mem>>)
    %dma_start3A_181 = tpu.memref_slice %arg3[%add3A_178] : memref<320000xf32, #tpu.memory_space<hbm>> -> memref<80xf32, #tpu.memory_space<hbm>>
    %dma_start3A_182 = tpu.memref_slice %arg3[%add3A_178] : memref<320000xf32, #tpu.memory_space<hbm>> -> memref<80xf32, #tpu.memory_space<hbm>>
    tpu.enqueue_dma source(%dma_start3A_182 : memref<80xf32, #tpu.memory_space<hbm>>) target(%arg20 : memref<80xf32, #tpu.memory_space<vmem>>) target_semaphore(%arg29 : memref<!tpu.dma_semaphore, #tpu.memory_space<semaphore_mem>>)
    %dma_wait3A_183 = arith.constant 0 : i32
    %dma_wait3A_184 = arith.constant 0 : i32
    %dma_wait3A_185 = tpu.memref_slice %arg4[%dma_wait3A_183, %dma_wait3A_184] : memref<10000x64xi32, #tpu.memory_space<hbm>> -> memref<10000x64xi32, #tpu.memory_space<hbm>>
    tpu.wait_indirect_dma semaphore(%arg31 : memref<!tpu.dma_semaphore, #tpu.memory_space<semaphore_mem>>) src(%dma_wait3A_185 : memref<10000x64xi32, #tpu.memory_space<hbm>>) dst(%arg22 : memref<80x64xi32, #tpu.memory_space<vmem>>)
    %parallel_loop3A = arith.constant 0 : i32
    %parallel_loop3A_186 = arith.constant 80 : i32
    %parallel_loop3A_187 = arith.constant 1 : i32
    scf.for %parallel_loop3A_486 = %parallel_loop3A to %parallel_loop3A_186 step %parallel_loop3A_187  : i32 {
      %parallel_loop3A_487 = vector.broadcast %parallel_loop3A_486 : i32 to vector<16xi32>
      %parallel_loop3A_488 = tpu.vector_load_idx %arg18[%parallel_loop3A_487] : memref<80xf32, #tpu.memory_space<vmem>>[vector<16xi32>], vector<16xf32>,
      %parallel_loop3A_489 = arith.index_cast %parallel_loop3A_486 : i32 to index
      %parallel_loop3A_490 = arith.constant 0 : index
      %parallel_loop3A_491 = tpu.vector_load %arg22[%parallel_loop3A_489, %parallel_loop3A_490] {strides = array<i32>} : memref<80x64xi32, #tpu.memory_space<vmem>>, vector<16xi32>,
      %parallel_loop3A_492 = arith.constant 16 : i32
      %parallel_loop3A_493 = vector.broadcast %parallel_loop3A_492 : i32 to vector<16xi32>
      %parallel_loop3A_494 = arith.shli %parallel_loop3A_491, %parallel_loop3A_493 : vector<16xi32>
      %parallel_loop3A_495 = vector.bitcast %parallel_loop3A_494 : vector<16xi32> to vector<16xf32>
      %parallel_loop3A_496 = vector.bitcast %parallel_loop3A_491 : vector<16xi32> to vector<16xf32>
      %parallel_loop3A_497 = arith.mulf %parallel_loop3A_495, %parallel_loop3A_488 : vector<16xf32>
      %parallel_loop3A_498 = arith.index_cast %parallel_loop3A_486 : i32 to index
      %parallel_loop3A_499 = arith.constant 0 : index
      %parallel_loop3A_500 = tpu.vector_load %arg24[%parallel_loop3A_498, %parallel_loop3A_499] {strides = array<i32>} : memref<80x128xf32, #tpu.memory_space<vmem>>, vector<16xf32>,
      tpu.vector_store %arg24[%parallel_loop3A_498, %parallel_loop3A_499], %parallel_loop3A_497 {strides = array<i32>} : memref<80x128xf32, #tpu.memory_space<vmem>>, vector<16xf32>,
      %parallel_loop3A_501 = arith.mulf %parallel_loop3A_496, %parallel_loop3A_488 : vector<16xf32>
      %parallel_loop3A_502 = arith.index_cast %parallel_loop3A_486 : i32 to index
      %parallel_loop3A_503 = arith.constant 16 : index
      %parallel_loop3A_504 = tpu.vector_load %arg24[%parallel_loop3A_502, %parallel_loop3A_503] {strides = array<i32>} : memref<80x128xf32, #tpu.memory_space<vmem>>, vector<16xf32>,
      tpu.vector_store %arg24[%parallel_loop3A_502, %parallel_loop3A_503], %parallel_loop3A_501 {strides = array<i32>} : memref<80x128xf32, #tpu.memory_space<vmem>>, vector<16xf32>,
      %parallel_loop3A_505 = arith.index_cast %parallel_loop3A_486 : i32 to index
      %parallel_loop3A_506 = arith.constant 16 : index
      %parallel_loop3A_507 = tpu.vector_load %arg22[%parallel_loop3A_505, %parallel_loop3A_506] {strides = array<i32>} : memref<80x64xi32, #tpu.memory_space<vmem>>, vector<16xi32>,
      %parallel_loop3A_508 = arith.constant 16 : i32
      %parallel_loop3A_509 = vector.broadcast %parallel_loop3A_508 : i32 to vector<16xi32>
      %parallel_loop3A_510 = arith.shli %parallel_loop3A_507, %parallel_loop3A_509 : vector<16xi32>
      %parallel_loop3A_511 = vector.bitcast %parallel_loop3A_510 : vector<16xi32> to vector<16xf32>
      %parallel_loop3A_512 = vector.bitcast %parallel_loop3A_507 : vector<16xi32> to vector<16xf32>
      %parallel_loop3A_513 = arith.mulf %parallel_loop3A_511, %parallel_loop3A_488 : vector<16xf32>
      %parallel_loop3A_514 = arith.index_cast %parallel_loop3A_486 : i32 to index
      %parallel_loop3A_515 = arith.constant 32 : index
      %parallel_loop3A_516 = tpu.vector_load %arg24[%parallel_loop3A_514, %parallel_loop3A_515] {strides = array<i32>} : memref<80x128xf32, #tpu.memory_space<vmem>>, vector<16xf32>,
      tpu.vector_store %arg24[%parallel_loop3A_514, %parallel_loop3A_515], %parallel_loop3A_513 {strides = array<i32>} : memref<80x128xf32, #tpu.memory_space<vmem>>, vector<16xf32>,
      %parallel_loop3A_517 = arith.mulf %parallel_loop3A_512, %parallel_loop3A_488 : vector<16xf32>
      %parallel_loop3A_518 = arith.index_cast %parallel_loop3A_486 : i32 to index
      %parallel_loop3A_519 = arith.constant 48 : index
      %parallel_loop3A_520 = tpu.vector_load %arg24[%parallel_loop3A_518, %parallel_loop3A_519] {strides = array<i32>} : memref<80x128xf32, #tpu.memory_space<vmem>>, vector<16xf32>,
      tpu.vector_store %arg24[%parallel_loop3A_518, %parallel_loop3A_519], %parallel_loop3A_517 {strides = array<i32>} : memref<80x128xf32, #tpu.memory_space<vmem>>, vector<16xf32>,
      %parallel_loop3A_521 = arith.index_cast %parallel_loop3A_486 : i32 to index
      %parallel_loop3A_522 = arith.constant 32 : index
      %parallel_loop3A_523 = tpu.vector_load %arg22[%parallel_loop3A_521, %parallel_loop3A_522] {strides = array<i32>} : memref<80x64xi32, #tpu.memory_space<vmem>>, vector<16xi32>,
      %parallel_loop3A_524 = arith.constant 16 : i32
      %parallel_loop3A_525 = vector.broadcast %parallel_loop3A_524 : i32 to vector<16xi32>
      %parallel_loop3A_526 = arith.shli %parallel_loop3A_523, %parallel_loop3A_525 : vector<16xi32>
      %parallel_loop3A_527 = vector.bitcast %parallel_loop3A_526 : vector<16xi32> to vector<16xf32>
      %parallel_loop3A_528 = vector.bitcast %parallel_loop3A_523 : vector<16xi32> to vector<16xf32>
      %parallel_loop3A_529 = arith.mulf %parallel_loop3A_527, %parallel_loop3A_488 : vector<16xf32>
      %parallel_loop3A_530 = arith.index_cast %parallel_loop3A_486 : i32 to index
      %parallel_loop3A_531 = arith.constant 64 : index
      %parallel_loop3A_532 = tpu.vector_load %arg24[%parallel_loop3A_530, %parallel_loop3A_531] {strides = array<i32>} : memref<80x128xf32, #tpu.memory_space<vmem>>, vector<16xf32>,
      tpu.vector_store %arg24[%parallel_loop3A_530, %parallel_loop3A_531], %parallel_loop3A_529 {strides = array<i32>} : memref<80x128xf32, #tpu.memory_space<vmem>>, vector<16xf32>,
      %parallel_loop3A_533 = arith.mulf %parallel_loop3A_528, %parallel_loop3A_488 : vector<16xf32>
      %parallel_loop3A_534 = arith.index_cast %parallel_loop3A_486 : i32 to index
      %parallel_loop3A_535 = arith.constant 80 : index
      %parallel_loop3A_536 = tpu.vector_load %arg24[%parallel_loop3A_534, %parallel_loop3A_535] {strides = array<i32>} : memref<80x128xf32, #tpu.memory_space<vmem>>, vector<16xf32>,
      tpu.vector_store %arg24[%parallel_loop3A_534, %parallel_loop3A_535], %parallel_loop3A_533 {strides = array<i32>} : memref<80x128xf32, #tpu.memory_space<vmem>>, vector<16xf32>,
      %parallel_loop3A_537 = arith.index_cast %parallel_loop3A_486 : i32 to index
      %parallel_loop3A_538 = arith.constant 48 : index
      %parallel_loop3A_539 = tpu.vector_load %arg22[%parallel_loop3A_537, %parallel_loop3A_538] {strides = array<i32>} : memref<80x64xi32, #tpu.memory_space<vmem>>, vector<16xi32>,
      %parallel_loop3A_540 = arith.constant 16 : i32
      %parallel_loop3A_541 = vector.broadcast %parallel_loop3A_540 : i32 to vector<16xi32>
      %parallel_loop3A_542 = arith.shli %parallel_loop3A_539, %parallel_loop3A_541 : vector<16xi32>
      %parallel_loop3A_543 = vector.bitcast %parallel_loop3A_542 : vector<16xi32> to vector<16xf32>
      %parallel_loop3A_544 = vector.bitcast %parallel_loop3A_539 : vector<16xi32> to vector<16xf32>
      %parallel_loop3A_545 = arith.mulf %parallel_loop3A_543, %parallel_loop3A_488 : vector<16xf32>
      %parallel_loop3A_546 = arith.index_cast %parallel_loop3A_486 : i32 to index
      %parallel_loop3A_547 = arith.constant 96 : index
      %parallel_loop3A_548 = tpu.vector_load %arg24[%parallel_loop3A_546, %parallel_loop3A_547] {strides = array<i32>} : memref<80x128xf32, #tpu.memory_space<vmem>>, vector<16xf32>,
      tpu.vector_store %arg24[%parallel_loop3A_546, %parallel_loop3A_547], %parallel_loop3A_545 {strides = array<i32>} : memref<80x128xf32, #tpu.memory_space<vmem>>, vector<16xf32>,
      %parallel_loop3A_549 = arith.mulf %parallel_loop3A_544, %parallel_loop3A_488 : vector<16xf32>
      %parallel_loop3A_550 = arith.index_cast %parallel_loop3A_486 : i32 to index
      %parallel_loop3A_551 = arith.constant 112 : index
      %parallel_loop3A_552 = tpu.vector_load %arg24[%parallel_loop3A_550, %parallel_loop3A_551] {strides = array<i32>} : memref<80x128xf32, #tpu.memory_space<vmem>>, vector<16xf32>,
      tpu.vector_store %arg24[%parallel_loop3A_550, %parallel_loop3A_551], %parallel_loop3A_549 {strides = array<i32>} : memref<80x128xf32, #tpu.memory_space<vmem>>, vector<16xf32>,
    } {sc.loop_unroll_factor = 16 : i64, sc.parallel_access}
    %dma_start3A_188 = arith.constant 0 : i32
    %dma_start3A_189 = arith.constant 0 : i32
    %dma_start3A_190 = tpu.memref_slice %arg26[%dma_start3A_188, %dma_start3A_189] : memref<10000x128xf32, #tpu.memory_space<vmem_shared>> -> memref<10000x128xf32, #tpu.memory_space<vmem_shared>>
    tpu.enqueue_indirect_dma source(%arg24 : memref<80x128xf32, #tpu.memory_space<vmem>>) target(%dma_start3A_190 : memref<10000x128xf32, #tpu.memory_space<vmem_shared>>) offsets(%arg10 : memref<80xi32, #tpu.memory_space<vmem>>) semaphore(%arg33 : memref<!tpu.dma_semaphore, #tpu.memory_space<semaphore_mem>>) {add = true}
    %dma_wait3A_191 = arith.constant 0 : i32
    %dma_wait3A_192 = tpu.memref_slice %arg2[%dma_wait3A_191] : memref<320000xi32, #tpu.memory_space<hbm>> -> memref<80xi32, #tpu.memory_space<hbm>>
    %dma_wait3A_193 = arith.constant 0 : i32
    %dma_wait3A_194 = tpu.memref_slice %arg2[%dma_wait3A_193] : memref<320000xi32, #tpu.memory_space<hbm>> -> memref<80xi32, #tpu.memory_space<hbm>>
    tpu.wait_dma2 semaphore(%arg29 : memref<!tpu.dma_semaphore, #tpu.memory_space<semaphore_mem>>) src(%dma_wait3A_194 : memref<80xi32, #tpu.memory_space<hbm>>) dst(%arg16 : memref<80xi32, #tpu.memory_space<vmem>>)
    %dma_wait3A_195 = arith.constant 0 : i32
    %dma_wait3A_196 = tpu.memref_slice %arg3[%dma_wait3A_195] : memref<320000xf32, #tpu.memory_space<hbm>> -> memref<80xf32, #tpu.memory_space<hbm>>
    %dma_wait3A_197 = arith.constant 0 : i32
    %dma_wait3A_198 = tpu.memref_slice %arg3[%dma_wait3A_197] : memref<320000xf32, #tpu.memory_space<hbm>> -> memref<80xf32, #tpu.memory_space<hbm>>
    tpu.wait_dma2 semaphore(%arg29 : memref<!tpu.dma_semaphore, #tpu.memory_space<semaphore_mem>>) src(%dma_wait3A_198 : memref<80xf32, #tpu.memory_space<hbm>>) dst(%arg20 : memref<80xf32, #tpu.memory_space<vmem>>)
    %get3A_199 = arith.constant 0 : index
    %get3A_200 = tpu.vector_load %arg16[%get3A_199] {strides = array<i32>} : memref<80xi32, #tpu.memory_space<vmem>>, vector<16xi32>,
    %and3A_201 = arith.constant 65535 : i32
    %and3A_202 = vector.broadcast %and3A_201 : i32 to vector<16xi32>
    %and3A_203 = arith.andi %get3A_200, %and3A_202 : vector<16xi32>
    %swap3A_204 = arith.constant 0 : index
    %swap3A_205 = tpu.vector_load %arg8[%swap3A_204] {strides = array<i32>} : memref<80xi32, #tpu.memory_space<vmem>>, vector<16xi32>,
    tpu.vector_store %arg8[%swap3A_204], %and3A_203 {strides = array<i32>} : memref<80xi32, #tpu.memory_space<vmem>>, vector<16xi32>,
    %shift_right_logical3A_206 = arith.constant 16 : i32
    %shift_right_logical3A_207 = vector.broadcast %shift_right_logical3A_206 : i32 to vector<16xi32>
    %shift_right_logical3A_208 = arith.shrui %get3A_200, %shift_right_logical3A_207 : vector<16xi32>
    %swap3A_209 = arith.constant 0 : index
    %swap3A_210 = tpu.vector_load %arg12[%swap3A_209] {strides = array<i32>} : memref<80xi32, #tpu.memory_space<vmem>>, vector<16xi32>,
    tpu.vector_store %arg12[%swap3A_209], %shift_right_logical3A_208 {strides = array<i32>} : memref<80xi32, #tpu.memory_space<vmem>>, vector<16xi32>,
    %get3A_211 = arith.constant 16 : index
    %get3A_212 = tpu.vector_load %arg16[%get3A_211] {strides = array<i32>} : memref<80xi32, #tpu.memory_space<vmem>>, vector<16xi32>,
    %and3A_213 = arith.constant 65535 : i32
    %and3A_214 = vector.broadcast %and3A_213 : i32 to vector<16xi32>
    %and3A_215 = arith.andi %get3A_212, %and3A_214 : vector<16xi32>
    %swap3A_216 = arith.constant 16 : index
    %swap3A_217 = tpu.vector_load %arg8[%swap3A_216] {strides = array<i32>} : memref<80xi32, #tpu.memory_space<vmem>>, vector<16xi32>,
    tpu.vector_store %arg8[%swap3A_216], %and3A_215 {strides = array<i32>} : memref<80xi32, #tpu.memory_space<vmem>>, vector<16xi32>,
    %shift_right_logical3A_218 = arith.constant 16 : i32
    %shift_right_logical3A_219 = vector.broadcast %shift_right_logical3A_218 : i32 to vector<16xi32>
    %shift_right_logical3A_220 = arith.shrui %get3A_212, %shift_right_logical3A_219 : vector<16xi32>
    %swap3A_221 = arith.constant 16 : index
    %swap3A_222 = tpu.vector_load %arg12[%swap3A_221] {strides = array<i32>} : memref<80xi32, #tpu.memory_space<vmem>>, vector<16xi32>,
    tpu.vector_store %arg12[%swap3A_221], %shift_right_logical3A_220 {strides = array<i32>} : memref<80xi32, #tpu.memory_space<vmem>>, vector<16xi32>,
    %get3A_223 = arith.constant 32 : index
    %get3A_224 = tpu.vector_load %arg16[%get3A_223] {strides = array<i32>} : memref<80xi32, #tpu.memory_space<vmem>>, vector<16xi32>,
    %and3A_225 = arith.constant 65535 : i32
    %and3A_226 = vector.broadcast %and3A_225 : i32 to vector<16xi32>
    %and3A_227 = arith.andi %get3A_224, %and3A_226 : vector<16xi32>
    %swap3A_228 = arith.constant 32 : index
    %swap3A_229 = tpu.vector_load %arg8[%swap3A_228] {strides = array<i32>} : memref<80xi32, #tpu.memory_space<vmem>>, vector<16xi32>,
    tpu.vector_store %arg8[%swap3A_228], %and3A_227 {strides = array<i32>} : memref<80xi32, #tpu.memory_space<vmem>>, vector<16xi32>,
    %shift_right_logical3A_230 = arith.constant 16 : i32
    %shift_right_logical3A_231 = vector.broadcast %shift_right_logical3A_230 : i32 to vector<16xi32>
    %shift_right_logical3A_232 = arith.shrui %get3A_224, %shift_right_logical3A_231 : vector<16xi32>
    %swap3A_233 = arith.constant 32 : index
    %swap3A_234 = tpu.vector_load %arg12[%swap3A_233] {strides = array<i32>} : memref<80xi32, #tpu.memory_space<vmem>>, vector<16xi32>,
    tpu.vector_store %arg12[%swap3A_233], %shift_right_logical3A_232 {strides = array<i32>} : memref<80xi32, #tpu.memory_space<vmem>>, vector<16xi32>,
    %get3A_235 = arith.constant 48 : index
    %get3A_236 = tpu.vector_load %arg16[%get3A_235] {strides = array<i32>} : memref<80xi32, #tpu.memory_space<vmem>>, vector<16xi32>,
    %and3A_237 = arith.constant 65535 : i32
    %and3A_238 = vector.broadcast %and3A_237 : i32 to vector<16xi32>
    %and3A_239 = arith.andi %get3A_236, %and3A_238 : vector<16xi32>
    %swap3A_240 = arith.constant 48 : index
    %swap3A_241 = tpu.vector_load %arg8[%swap3A_240] {strides = array<i32>} : memref<80xi32, #tpu.memory_space<vmem>>, vector<16xi32>,
    tpu.vector_store %arg8[%swap3A_240], %and3A_239 {strides = array<i32>} : memref<80xi32, #tpu.memory_space<vmem>>, vector<16xi32>,
    %shift_right_logical3A_242 = arith.constant 16 : i32
    %shift_right_logical3A_243 = vector.broadcast %shift_right_logical3A_242 : i32 to vector<16xi32>
    %shift_right_logical3A_244 = arith.shrui %get3A_236, %shift_right_logical3A_243 : vector<16xi32>
    %swap3A_245 = arith.constant 48 : index
    %swap3A_246 = tpu.vector_load %arg12[%swap3A_245] {strides = array<i32>} : memref<80xi32, #tpu.memory_space<vmem>>, vector<16xi32>,
    tpu.vector_store %arg12[%swap3A_245], %shift_right_logical3A_244 {strides = array<i32>} : memref<80xi32, #tpu.memory_space<vmem>>, vector<16xi32>,
    %get3A_247 = arith.constant 64 : index
    %get3A_248 = tpu.vector_load %arg16[%get3A_247] {strides = array<i32>} : memref<80xi32, #tpu.memory_space<vmem>>, vector<16xi32>,
    %and3A_249 = arith.constant 65535 : i32
    %and3A_250 = vector.broadcast %and3A_249 : i32 to vector<16xi32>
    %and3A_251 = arith.andi %get3A_248, %and3A_250 : vector<16xi32>
    %swap3A_252 = arith.constant 64 : index
    %swap3A_253 = tpu.vector_load %arg8[%swap3A_252] {strides = array<i32>} : memref<80xi32, #tpu.memory_space<vmem>>, vector<16xi32>,
    tpu.vector_store %arg8[%swap3A_252], %and3A_251 {strides = array<i32>} : memref<80xi32, #tpu.memory_space<vmem>>, vector<16xi32>,
    %shift_right_logical3A_254 = arith.constant 16 : i32
    %shift_right_logical3A_255 = vector.broadcast %shift_right_logical3A_254 : i32 to vector<16xi32>
    %shift_right_logical3A_256 = arith.shrui %get3A_248, %shift_right_logical3A_255 : vector<16xi32>
    %swap3A_257 = arith.constant 64 : index
    %swap3A_258 = tpu.vector_load %arg12[%swap3A_257] {strides = array<i32>} : memref<80xi32, #tpu.memory_space<vmem>>, vector<16xi32>,
    tpu.vector_store %arg12[%swap3A_257], %shift_right_logical3A_256 {strides = array<i32>} : memref<80xi32, #tpu.memory_space<vmem>>, vector<16xi32>,
    %dma_start3A_259 = arith.constant 0 : i32
    %dma_start3A_260 = arith.constant 0 : i32
    %dma_start3A_261 = tpu.memref_slice %arg4[%dma_start3A_259, %dma_start3A_260] : memref<10000x64xi32, #tpu.memory_space<hbm>> -> memref<10000x64xi32, #tpu.memory_space<hbm>>
    tpu.enqueue_indirect_dma source(%dma_start3A_261 : memref<10000x64xi32, #tpu.memory_space<hbm>>) target(%arg22 : memref<80x64xi32, #tpu.memory_space<vmem>>) offsets(%arg8 : memref<80xi32, #tpu.memory_space<vmem>>) semaphore(%arg31 : memref<!tpu.dma_semaphore, #tpu.memory_space<semaphore_mem>>)
    %add3A_262 = arith.constant 240 : i32
    %add3A_263 = arith.addi %mul3A_2, %add3A_262 : i32
    %dma_start3A_264 = tpu.memref_slice %arg2[%add3A_263] : memref<320000xi32, #tpu.memory_space<hbm>> -> memref<80xi32, #tpu.memory_space<hbm>>
    %dma_start3A_265 = tpu.memref_slice %arg2[%add3A_263] : memref<320000xi32, #tpu.memory_space<hbm>> -> memref<80xi32, #tpu.memory_space<hbm>>
    tpu.enqueue_dma source(%dma_start3A_265 : memref<80xi32, #tpu.memory_space<hbm>>) target(%arg17 : memref<80xi32, #tpu.memory_space<vmem>>) target_semaphore(%arg30 : memref<!tpu.dma_semaphore, #tpu.memory_space<semaphore_mem>>)
    %dma_start3A_266 = tpu.memref_slice %arg3[%add3A_263] : memref<320000xf32, #tpu.memory_space<hbm>> -> memref<80xf32, #tpu.memory_space<hbm>>
    %dma_start3A_267 = tpu.memref_slice %arg3[%add3A_263] : memref<320000xf32, #tpu.memory_space<hbm>> -> memref<80xf32, #tpu.memory_space<hbm>>
    tpu.enqueue_dma source(%dma_start3A_267 : memref<80xf32, #tpu.memory_space<hbm>>) target(%arg21 : memref<80xf32, #tpu.memory_space<vmem>>) target_semaphore(%arg30 : memref<!tpu.dma_semaphore, #tpu.memory_space<semaphore_mem>>)
    %dma_wait3A_268 = arith.constant 0 : i32
    %dma_wait3A_269 = arith.constant 0 : i32
    %dma_wait3A_270 = tpu.memref_slice %arg4[%dma_wait3A_268, %dma_wait3A_269] : memref<10000x64xi32, #tpu.memory_space<hbm>> -> memref<10000x64xi32, #tpu.memory_space<hbm>>
    tpu.wait_indirect_dma semaphore(%arg32 : memref<!tpu.dma_semaphore, #tpu.memory_space<semaphore_mem>>) src(%dma_wait3A_270 : memref<10000x64xi32, #tpu.memory_space<hbm>>) dst(%arg23 : memref<80x64xi32, #tpu.memory_space<vmem>>)
    %parallel_loop3A_271 = arith.constant 0 : i32
    %parallel_loop3A_272 = arith.constant 80 : i32
    %parallel_loop3A_273 = arith.constant 1 : i32
    scf.for %parallel_loop3A_486 = %parallel_loop3A_271 to %parallel_loop3A_272 step %parallel_loop3A_273  : i32 {
      %parallel_loop3A_487 = vector.broadcast %parallel_loop3A_486 : i32 to vector<16xi32>
      %parallel_loop3A_488 = tpu.vector_load_idx %arg19[%parallel_loop3A_487] : memref<80xf32, #tpu.memory_space<vmem>>[vector<16xi32>], vector<16xf32>,
      %parallel_loop3A_489 = arith.index_cast %parallel_loop3A_486 : i32 to index
      %parallel_loop3A_490 = arith.constant 0 : index
      %parallel_loop3A_491 = tpu.vector_load %arg23[%parallel_loop3A_489, %parallel_loop3A_490] {strides = array<i32>} : memref<80x64xi32, #tpu.memory_space<vmem>>, vector<16xi32>,
      %parallel_loop3A_492 = arith.constant 16 : i32
      %parallel_loop3A_493 = vector.broadcast %parallel_loop3A_492 : i32 to vector<16xi32>
      %parallel_loop3A_494 = arith.shli %parallel_loop3A_491, %parallel_loop3A_493 : vector<16xi32>
      %parallel_loop3A_495 = vector.bitcast %parallel_loop3A_494 : vector<16xi32> to vector<16xf32>
      %parallel_loop3A_496 = vector.bitcast %parallel_loop3A_491 : vector<16xi32> to vector<16xf32>
      %parallel_loop3A_497 = arith.mulf %parallel_loop3A_495, %parallel_loop3A_488 : vector<16xf32>
      %parallel_loop3A_498 = arith.index_cast %parallel_loop3A_486 : i32 to index
      %parallel_loop3A_499 = arith.constant 0 : index
      %parallel_loop3A_500 = tpu.vector_load %arg25[%parallel_loop3A_498, %parallel_loop3A_499] {strides = array<i32>} : memref<80x128xf32, #tpu.memory_space<vmem>>, vector<16xf32>,
      tpu.vector_store %arg25[%parallel_loop3A_498, %parallel_loop3A_499], %parallel_loop3A_497 {strides = array<i32>} : memref<80x128xf32, #tpu.memory_space<vmem>>, vector<16xf32>,
      %parallel_loop3A_501 = arith.mulf %parallel_loop3A_496, %parallel_loop3A_488 : vector<16xf32>
      %parallel_loop3A_502 = arith.index_cast %parallel_loop3A_486 : i32 to index
      %parallel_loop3A_503 = arith.constant 16 : index
      %parallel_loop3A_504 = tpu.vector_load %arg25[%parallel_loop3A_502, %parallel_loop3A_503] {strides = array<i32>} : memref<80x128xf32, #tpu.memory_space<vmem>>, vector<16xf32>,
      tpu.vector_store %arg25[%parallel_loop3A_502, %parallel_loop3A_503], %parallel_loop3A_501 {strides = array<i32>} : memref<80x128xf32, #tpu.memory_space<vmem>>, vector<16xf32>,
      %parallel_loop3A_505 = arith.index_cast %parallel_loop3A_486 : i32 to index
      %parallel_loop3A_506 = arith.constant 16 : index
      %parallel_loop3A_507 = tpu.vector_load %arg23[%parallel_loop3A_505, %parallel_loop3A_506] {strides = array<i32>} : memref<80x64xi32, #tpu.memory_space<vmem>>, vector<16xi32>,
      %parallel_loop3A_508 = arith.constant 16 : i32
      %parallel_loop3A_509 = vector.broadcast %parallel_loop3A_508 : i32 to vector<16xi32>
      %parallel_loop3A_510 = arith.shli %parallel_loop3A_507, %parallel_loop3A_509 : vector<16xi32>
      %parallel_loop3A_511 = vector.bitcast %parallel_loop3A_510 : vector<16xi32> to vector<16xf32>
      %parallel_loop3A_512 = vector.bitcast %parallel_loop3A_507 : vector<16xi32> to vector<16xf32>
      %parallel_loop3A_513 = arith.mulf %parallel_loop3A_511, %parallel_loop3A_488 : vector<16xf32>
      %parallel_loop3A_514 = arith.index_cast %parallel_loop3A_486 : i32 to index
      %parallel_loop3A_515 = arith.constant 32 : index
      %parallel_loop3A_516 = tpu.vector_load %arg25[%parallel_loop3A_514, %parallel_loop3A_515] {strides = array<i32>} : memref<80x128xf32, #tpu.memory_space<vmem>>, vector<16xf32>,
      tpu.vector_store %arg25[%parallel_loop3A_514, %parallel_loop3A_515], %parallel_loop3A_513 {strides = array<i32>} : memref<80x128xf32, #tpu.memory_space<vmem>>, vector<16xf32>,
      %parallel_loop3A_517 = arith.mulf %parallel_loop3A_512, %parallel_loop3A_488 : vector<16xf32>
      %parallel_loop3A_518 = arith.index_cast %parallel_loop3A_486 : i32 to index
      %parallel_loop3A_519 = arith.constant 48 : index
      %parallel_loop3A_520 = tpu.vector_load %arg25[%parallel_loop3A_518, %parallel_loop3A_519] {strides = array<i32>} : memref<80x128xf32, #tpu.memory_space<vmem>>, vector<16xf32>,
      tpu.vector_store %arg25[%parallel_loop3A_518, %parallel_loop3A_519], %parallel_loop3A_517 {strides = array<i32>} : memref<80x128xf32, #tpu.memory_space<vmem>>, vector<16xf32>,
      %parallel_loop3A_521 = arith.index_cast %parallel_loop3A_486 : i32 to index
      %parallel_loop3A_522 = arith.constant 32 : index
      %parallel_loop3A_523 = tpu.vector_load %arg23[%parallel_loop3A_521, %parallel_loop3A_522] {strides = array<i32>} : memref<80x64xi32, #tpu.memory_space<vmem>>, vector<16xi32>,
      %parallel_loop3A_524 = arith.constant 16 : i32
      %parallel_loop3A_525 = vector.broadcast %parallel_loop3A_524 : i32 to vector<16xi32>
      %parallel_loop3A_526 = arith.shli %parallel_loop3A_523, %parallel_loop3A_525 : vector<16xi32>
      %parallel_loop3A_527 = vector.bitcast %parallel_loop3A_526 : vector<16xi32> to vector<16xf32>
      %parallel_loop3A_528 = vector.bitcast %parallel_loop3A_523 : vector<16xi32> to vector<16xf32>
      %parallel_loop3A_529 = arith.mulf %parallel_loop3A_527, %parallel_loop3A_488 : vector<16xf32>
      %parallel_loop3A_530 = arith.index_cast %parallel_loop3A_486 : i32 to index
      %parallel_loop3A_531 = arith.constant 64 : index
      %parallel_loop3A_532 = tpu.vector_load %arg25[%parallel_loop3A_530, %parallel_loop3A_531] {strides = array<i32>} : memref<80x128xf32, #tpu.memory_space<vmem>>, vector<16xf32>,
      tpu.vector_store %arg25[%parallel_loop3A_530, %parallel_loop3A_531], %parallel_loop3A_529 {strides = array<i32>} : memref<80x128xf32, #tpu.memory_space<vmem>>, vector<16xf32>,
      %parallel_loop3A_533 = arith.mulf %parallel_loop3A_528, %parallel_loop3A_488 : vector<16xf32>
      %parallel_loop3A_534 = arith.index_cast %parallel_loop3A_486 : i32 to index
      %parallel_loop3A_535 = arith.constant 80 : index
      %parallel_loop3A_536 = tpu.vector_load %arg25[%parallel_loop3A_534, %parallel_loop3A_535] {strides = array<i32>} : memref<80x128xf32, #tpu.memory_space<vmem>>, vector<16xf32>,
      tpu.vector_store %arg25[%parallel_loop3A_534, %parallel_loop3A_535], %parallel_loop3A_533 {strides = array<i32>} : memref<80x128xf32, #tpu.memory_space<vmem>>, vector<16xf32>,
      %parallel_loop3A_537 = arith.index_cast %parallel_loop3A_486 : i32 to index
      %parallel_loop3A_538 = arith.constant 48 : index
      %parallel_loop3A_539 = tpu.vector_load %arg23[%parallel_loop3A_537, %parallel_loop3A_538] {strides = array<i32>} : memref<80x64xi32, #tpu.memory_space<vmem>>, vector<16xi32>,
      %parallel_loop3A_540 = arith.constant 16 : i32
      %parallel_loop3A_541 = vector.broadcast %parallel_loop3A_540 : i32 to vector<16xi32>
      %parallel_loop3A_542 = arith.shli %parallel_loop3A_539, %parallel_loop3A_541 : vector<16xi32>
      %parallel_loop3A_543 = vector.bitcast %parallel_loop3A_542 : vector<16xi32> to vector<16xf32>
      %parallel_loop3A_544 = vector.bitcast %parallel_loop3A_539 : vector<16xi32> to vector<16xf32>
      %parallel_loop3A_545 = arith.mulf %parallel_loop3A_543, %parallel_loop3A_488 : vector<16xf32>
      %parallel_loop3A_546 = arith.index_cast %parallel_loop3A_486 : i32 to index
      %parallel_loop3A_547 = arith.constant 96 : index
      %parallel_loop3A_548 = tpu.vector_load %arg25[%parallel_loop3A_546, %parallel_loop3A_547] {strides = array<i32>} : memref<80x128xf32, #tpu.memory_space<vmem>>, vector<16xf32>,
      tpu.vector_store %arg25[%parallel_loop3A_546, %parallel_loop3A_547], %parallel_loop3A_545 {strides = array<i32>} : memref<80x128xf32, #tpu.memory_space<vmem>>, vector<16xf32>,
      %parallel_loop3A_549 = arith.mulf %parallel_loop3A_544, %parallel_loop3A_488 : vector<16xf32>
      %parallel_loop3A_550 = arith.index_cast %parallel_loop3A_486 : i32 to index
      %parallel_loop3A_551 = arith.constant 112 : index
      %parallel_loop3A_552 = tpu.vector_load %arg25[%parallel_loop3A_550, %parallel_loop3A_551] {strides = array<i32>} : memref<80x128xf32, #tpu.memory_space<vmem>>, vector<16xf32>,
      tpu.vector_store %arg25[%parallel_loop3A_550, %parallel_loop3A_551], %parallel_loop3A_549 {strides = array<i32>} : memref<80x128xf32, #tpu.memory_space<vmem>>, vector<16xf32>,
    } {sc.loop_unroll_factor = 16 : i64, sc.parallel_access}
    %dma_start3A_274 = arith.constant 0 : i32
    %dma_start3A_275 = arith.constant 0 : i32
    %dma_start3A_276 = tpu.memref_slice %arg26[%dma_start3A_274, %dma_start3A_275] : memref<10000x128xf32, #tpu.memory_space<vmem_shared>> -> memref<10000x128xf32, #tpu.memory_space<vmem_shared>>
    tpu.enqueue_indirect_dma source(%arg25 : memref<80x128xf32, #tpu.memory_space<vmem>>) target(%dma_start3A_276 : memref<10000x128xf32, #tpu.memory_space<vmem_shared>>) offsets(%arg11 : memref<80xi32, #tpu.memory_space<vmem>>) semaphore(%arg34 : memref<!tpu.dma_semaphore, #tpu.memory_space<semaphore_mem>>) {add = true}
    %dma_wait3A_277 = arith.constant 0 : i32
    %dma_wait3A_278 = tpu.memref_slice %arg2[%dma_wait3A_277] : memref<320000xi32, #tpu.memory_space<hbm>> -> memref<80xi32, #tpu.memory_space<hbm>>
    %dma_wait3A_279 = arith.constant 0 : i32
    %dma_wait3A_280 = tpu.memref_slice %arg2[%dma_wait3A_279] : memref<320000xi32, #tpu.memory_space<hbm>> -> memref<80xi32, #tpu.memory_space<hbm>>
    tpu.wait_dma2 semaphore(%arg30 : memref<!tpu.dma_semaphore, #tpu.memory_space<semaphore_mem>>) src(%dma_wait3A_280 : memref<80xi32, #tpu.memory_space<hbm>>) dst(%arg17 : memref<80xi32, #tpu.memory_space<vmem>>)
    %dma_wait3A_281 = arith.constant 0 : i32
    %dma_wait3A_282 = tpu.memref_slice %arg3[%dma_wait3A_281] : memref<320000xf32, #tpu.memory_space<hbm>> -> memref<80xf32, #tpu.memory_space<hbm>>
    %dma_wait3A_283 = arith.constant 0 : i32
    %dma_wait3A_284 = tpu.memref_slice %arg3[%dma_wait3A_283] : memref<320000xf32, #tpu.memory_space<hbm>> -> memref<80xf32, #tpu.memory_space<hbm>>
    tpu.wait_dma2 semaphore(%arg30 : memref<!tpu.dma_semaphore, #tpu.memory_space<semaphore_mem>>) src(%dma_wait3A_284 : memref<80xf32, #tpu.memory_space<hbm>>) dst(%arg21 : memref<80xf32, #tpu.memory_space<vmem>>)
    %get3A_285 = arith.constant 0 : index
    %get3A_286 = tpu.vector_load %arg17[%get3A_285] {strides = array<i32>} : memref<80xi32, #tpu.memory_space<vmem>>, vector<16xi32>,
    %and3A_287 = arith.constant 65535 : i32
    %and3A_288 = vector.broadcast %and3A_287 : i32 to vector<16xi32>
    %and3A_289 = arith.andi %get3A_286, %and3A_288 : vector<16xi32>
    %swap3A_290 = arith.constant 0 : index
    %swap3A_291 = tpu.vector_load %arg9[%swap3A_290] {strides = array<i32>} : memref<80xi32, #tpu.memory_space<vmem>>, vector<16xi32>,
    tpu.vector_store %arg9[%swap3A_290], %and3A_289 {strides = array<i32>} : memref<80xi32, #tpu.memory_space<vmem>>, vector<16xi32>,
    %shift_right_logical3A_292 = arith.constant 16 : i32
    %shift_right_logical3A_293 = vector.broadcast %shift_right_logical3A_292 : i32 to vector<16xi32>
    %shift_right_logical3A_294 = arith.shrui %get3A_286, %shift_right_logical3A_293 : vector<16xi32>
    %swap3A_295 = arith.constant 0 : index
    %swap3A_296 = tpu.vector_load %arg13[%swap3A_295] {strides = array<i32>} : memref<80xi32, #tpu.memory_space<vmem>>, vector<16xi32>,
    tpu.vector_store %arg13[%swap3A_295], %shift_right_logical3A_294 {strides = array<i32>} : memref<80xi32, #tpu.memory_space<vmem>>, vector<16xi32>,
    %get3A_297 = arith.constant 16 : index
    %get3A_298 = tpu.vector_load %arg17[%get3A_297] {strides = array<i32>} : memref<80xi32, #tpu.memory_space<vmem>>, vector<16xi32>,
    %and3A_299 = arith.constant 65535 : i32
    %and3A_300 = vector.broadcast %and3A_299 : i32 to vector<16xi32>
    %and3A_301 = arith.andi %get3A_298, %and3A_300 : vector<16xi32>
    %swap3A_302 = arith.constant 16 : index
    %swap3A_303 = tpu.vector_load %arg9[%swap3A_302] {strides = array<i32>} : memref<80xi32, #tpu.memory_space<vmem>>, vector<16xi32>,
    tpu.vector_store %arg9[%swap3A_302], %and3A_301 {strides = array<i32>} : memref<80xi32, #tpu.memory_space<vmem>>, vector<16xi32>,
    %shift_right_logical3A_304 = arith.constant 16 : i32
    %shift_right_logical3A_305 = vector.broadcast %shift_right_logical3A_304 : i32 to vector<16xi32>
    %shift_right_logical3A_306 = arith.shrui %get3A_298, %shift_right_logical3A_305 : vector<16xi32>
    %swap3A_307 = arith.constant 16 : index
    %swap3A_308 = tpu.vector_load %arg13[%swap3A_307] {strides = array<i32>} : memref<80xi32, #tpu.memory_space<vmem>>, vector<16xi32>,
    tpu.vector_store %arg13[%swap3A_307], %shift_right_logical3A_306 {strides = array<i32>} : memref<80xi32, #tpu.memory_space<vmem>>, vector<16xi32>,
    %get3A_309 = arith.constant 32 : index
    %get3A_310 = tpu.vector_load %arg17[%get3A_309] {strides = array<i32>} : memref<80xi32, #tpu.memory_space<vmem>>, vector<16xi32>,
    %and3A_311 = arith.constant 65535 : i32
    %and3A_312 = vector.broadcast %and3A_311 : i32 to vector<16xi32>
    %and3A_313 = arith.andi %get3A_310, %and3A_312 : vector<16xi32>
    %swap3A_314 = arith.constant 32 : index
    %swap3A_315 = tpu.vector_load %arg9[%swap3A_314] {strides = array<i32>} : memref<80xi32, #tpu.memory_space<vmem>>, vector<16xi32>,
    tpu.vector_store %arg9[%swap3A_314], %and3A_313 {strides = array<i32>} : memref<80xi32, #tpu.memory_space<vmem>>, vector<16xi32>,
    %shift_right_logical3A_316 = arith.constant 16 : i32
    %shift_right_logical3A_317 = vector.broadcast %shift_right_logical3A_316 : i32 to vector<16xi32>
    %shift_right_logical3A_318 = arith.shrui %get3A_310, %shift_right_logical3A_317 : vector<16xi32>
    %swap3A_319 = arith.constant 32 : index
    %swap3A_320 = tpu.vector_load %arg13[%swap3A_319] {strides = array<i32>} : memref<80xi32, #tpu.memory_space<vmem>>, vector<16xi32>,
    tpu.vector_store %arg13[%swap3A_319], %shift_right_logical3A_318 {strides = array<i32>} : memref<80xi32, #tpu.memory_space<vmem>>, vector<16xi32>,
    %get3A_321 = arith.constant 48 : index
    %get3A_322 = tpu.vector_load %arg17[%get3A_321] {strides = array<i32>} : memref<80xi32, #tpu.memory_space<vmem>>, vector<16xi32>,
    %and3A_323 = arith.constant 65535 : i32
    %and3A_324 = vector.broadcast %and3A_323 : i32 to vector<16xi32>
    %and3A_325 = arith.andi %get3A_322, %and3A_324 : vector<16xi32>
    %swap3A_326 = arith.constant 48 : index
    %swap3A_327 = tpu.vector_load %arg9[%swap3A_326] {strides = array<i32>} : memref<80xi32, #tpu.memory_space<vmem>>, vector<16xi32>,
    tpu.vector_store %arg9[%swap3A_326], %and3A_325 {strides = array<i32>} : memref<80xi32, #tpu.memory_space<vmem>>, vector<16xi32>,
    %shift_right_logical3A_328 = arith.constant 16 : i32
    %shift_right_logical3A_329 = vector.broadcast %shift_right_logical3A_328 : i32 to vector<16xi32>
    %shift_right_logical3A_330 = arith.shrui %get3A_322, %shift_right_logical3A_329 : vector<16xi32>
    %swap3A_331 = arith.constant 48 : index
    %swap3A_332 = tpu.vector_load %arg13[%swap3A_331] {strides = array<i32>} : memref<80xi32, #tpu.memory_space<vmem>>, vector<16xi32>,
    tpu.vector_store %arg13[%swap3A_331], %shift_right_logical3A_330 {strides = array<i32>} : memref<80xi32, #tpu.memory_space<vmem>>, vector<16xi32>,
    %get3A_333 = arith.constant 64 : index
    %get3A_334 = tpu.vector_load %arg17[%get3A_333] {strides = array<i32>} : memref<80xi32, #tpu.memory_space<vmem>>, vector<16xi32>,
    %and3A_335 = arith.constant 65535 : i32
    %and3A_336 = vector.broadcast %and3A_335 : i32 to vector<16xi32>
    %and3A_337 = arith.andi %get3A_334, %and3A_336 : vector<16xi32>
    %swap3A_338 = arith.constant 64 : index
    %swap3A_339 = tpu.vector_load %arg9[%swap3A_338] {strides = array<i32>} : memref<80xi32, #tpu.memory_space<vmem>>, vector<16xi32>,
    tpu.vector_store %arg9[%swap3A_338], %and3A_337 {strides = array<i32>} : memref<80xi32, #tpu.memory_space<vmem>>, vector<16xi32>,
    %shift_right_logical3A_340 = arith.constant 16 : i32
    %shift_right_logical3A_341 = vector.broadcast %shift_right_logical3A_340 : i32 to vector<16xi32>
    %shift_right_logical3A_342 = arith.shrui %get3A_334, %shift_right_logical3A_341 : vector<16xi32>
    %swap3A_343 = arith.constant 64 : index
    %swap3A_344 = tpu.vector_load %arg13[%swap3A_343] {strides = array<i32>} : memref<80xi32, #tpu.memory_space<vmem>>, vector<16xi32>,
    tpu.vector_store %arg13[%swap3A_343], %shift_right_logical3A_342 {strides = array<i32>} : memref<80xi32, #tpu.memory_space<vmem>>, vector<16xi32>,
    %dma_start3A_345 = arith.constant 0 : i32
    %dma_start3A_346 = arith.constant 0 : i32
    %dma_start3A_347 = tpu.memref_slice %arg4[%dma_start3A_345, %dma_start3A_346] : memref<10000x64xi32, #tpu.memory_space<hbm>> -> memref<10000x64xi32, #tpu.memory_space<hbm>>
    tpu.enqueue_indirect_dma source(%dma_start3A_347 : memref<10000x64xi32, #tpu.memory_space<hbm>>) target(%arg23 : memref<80x64xi32, #tpu.memory_space<vmem>>) offsets(%arg9 : memref<80xi32, #tpu.memory_space<vmem>>) semaphore(%arg32 : memref<!tpu.dma_semaphore, #tpu.memory_space<semaphore_mem>>)
    %scan3A_348 = arith.constant 0 : i32
    %scan3A_349 = arith.constant 30 : i32
    %scan3A_350 = arith.addi %scan3A_348, %scan3A_349 : i32
    %scan3A_351 = arith.constant 1 : i32
    scf.for %scan3A_486 = %scan3A_348 to %scan3A_350 step %scan3A_351  : i32 {
      %mul3A_487 = arith.constant 1 : i32
      %mul3A_488 = arith.muli %scan3A_486, %mul3A_487 : i32
      %add3A_489 = arith.constant 0 : i32
      %add3A_490 = arith.addi %add3A_489, %mul3A_488 : i32
      %mul3A_491 = arith.constant 4 : i32
      %mul3A_492 = arith.muli %mul3A_491, %add3A_490 : i32
      %add3A_493 = arith.constant 2 : i32
      %add3A_494 = arith.addi %mul3A_492, %add3A_493 : i32
      %dma_wait3A_495 = arith.constant 0 : i32
      %dma_wait3A_496 = arith.constant 0 : i32
      %dma_wait3A_497 = tpu.memref_slice %arg26[%dma_wait3A_495, %dma_wait3A_496] : memref<10000x128xf32, #tpu.memory_space<vmem_shared>> -> memref<10000x128xf32, #tpu.memory_space<vmem_shared>>
      tpu.wait_indirect_dma semaphore(%arg33 : memref<!tpu.dma_semaphore, #tpu.memory_space<semaphore_mem>>) src(%arg24 : memref<80x128xf32, #tpu.memory_space<vmem>>) dst(%dma_wait3A_497 : memref<10000x128xf32, #tpu.memory_space<vmem_shared>>)
      %add3A_498 = arith.constant 0 : i32
      %add3A_499 = arith.addi %add3A_494, %add3A_498 : i32
      %add3A_500 = arith.constant 2 : i32
      %add3A_501 = arith.addi %add3A_499, %add3A_500 : i32
      %mul3A_502 = arith.constant 80 : i32
      %mul3A_503 = arith.muli %add3A_501, %mul3A_502 : i32
      %add3A_504 = arith.addi %mul3A_2, %mul3A_503 : i32
      %dma_start3A_505 = tpu.memref_slice %arg2[%add3A_504] : memref<320000xi32, #tpu.memory_space<hbm>> -> memref<80xi32, #tpu.memory_space<hbm>>
      %dma_start3A_506 = tpu.memref_slice %arg2[%add3A_504] : memref<320000xi32, #tpu.memory_space<hbm>> -> memref<80xi32, #tpu.memory_space<hbm>>
      tpu.enqueue_dma source(%dma_start3A_506 : memref<80xi32, #tpu.memory_space<hbm>>) target(%arg14 : memref<80xi32, #tpu.memory_space<vmem>>) target_semaphore(%arg27 : memref<!tpu.dma_semaphore, #tpu.memory_space<semaphore_mem>>)
      %dma_start3A_507 = tpu.memref_slice %arg3[%add3A_504] : memref<320000xf32, #tpu.memory_space<hbm>> -> memref<80xf32, #tpu.memory_space<hbm>>
      %dma_start3A_508 = tpu.memref_slice %arg3[%add3A_504] : memref<320000xf32, #tpu.memory_space<hbm>> -> memref<80xf32, #tpu.memory_space<hbm>>
      tpu.enqueue_dma source(%dma_start3A_508 : memref<80xf32, #tpu.memory_space<hbm>>) target(%arg18 : memref<80xf32, #tpu.memory_space<vmem>>) target_semaphore(%arg27 : memref<!tpu.dma_semaphore, #tpu.memory_space<semaphore_mem>>)
      %dma_wait3A_509 = arith.constant 0 : i32
      %dma_wait3A_510 = arith.constant 0 : i32
      %dma_wait3A_511 = tpu.memref_slice %arg4[%dma_wait3A_509, %dma_wait3A_510] : memref<10000x64xi32, #tpu.memory_space<hbm>> -> memref<10000x64xi32, #tpu.memory_space<hbm>>
      tpu.wait_indirect_dma semaphore(%arg31 : memref<!tpu.dma_semaphore, #tpu.memory_space<semaphore_mem>>) src(%dma_wait3A_511 : memref<10000x64xi32, #tpu.memory_space<hbm>>) dst(%arg22 : memref<80x64xi32, #tpu.memory_space<vmem>>)
      %parallel_loop3A_512 = arith.constant 0 : i32
      %parallel_loop3A_513 = arith.constant 80 : i32
      %parallel_loop3A_514 = arith.constant 1 : i32
      scf.for %parallel_loop3A_871 = %parallel_loop3A_512 to %parallel_loop3A_513 step %parallel_loop3A_514  : i32 {
        %parallel_loop3A_872 = vector.broadcast %parallel_loop3A_871 : i32 to vector<16xi32>
        %parallel_loop3A_873 = tpu.vector_load_idx %arg20[%parallel_loop3A_872] : memref<80xf32, #tpu.memory_space<vmem>>[vector<16xi32>], vector<16xf32>,
        %parallel_loop3A_874 = arith.index_cast %parallel_loop3A_871 : i32 to index
        %parallel_loop3A_875 = arith.constant 0 : index
        %parallel_loop3A_876 = tpu.vector_load %arg22[%parallel_loop3A_874, %parallel_loop3A_875] {strides = array<i32>} : memref<80x64xi32, #tpu.memory_space<vmem>>, vector<16xi32>,
        %parallel_loop3A_877 = arith.constant 16 : i32
        %parallel_loop3A_878 = vector.broadcast %parallel_loop3A_877 : i32 to vector<16xi32>
        %parallel_loop3A_879 = arith.shli %parallel_loop3A_876, %parallel_loop3A_878 : vector<16xi32>
        %parallel_loop3A_880 = vector.bitcast %parallel_loop3A_879 : vector<16xi32> to vector<16xf32>
        %parallel_loop3A_881 = vector.bitcast %parallel_loop3A_876 : vector<16xi32> to vector<16xf32>
        %parallel_loop3A_882 = arith.mulf %parallel_loop3A_880, %parallel_loop3A_873 : vector<16xf32>
        %parallel_loop3A_883 = arith.index_cast %parallel_loop3A_871 : i32 to index
        %parallel_loop3A_884 = arith.constant 0 : index
        %parallel_loop3A_885 = tpu.vector_load %arg24[%parallel_loop3A_883, %parallel_loop3A_884] {strides = array<i32>} : memref<80x128xf32, #tpu.memory_space<vmem>>, vector<16xf32>,
        tpu.vector_store %arg24[%parallel_loop3A_883, %parallel_loop3A_884], %parallel_loop3A_882 {strides = array<i32>} : memref<80x128xf32, #tpu.memory_space<vmem>>, vector<16xf32>,
        %parallel_loop3A_886 = arith.mulf %parallel_loop3A_881, %parallel_loop3A_873 : vector<16xf32>
        %parallel_loop3A_887 = arith.index_cast %parallel_loop3A_871 : i32 to index
        %parallel_loop3A_888 = arith.constant 16 : index
        %parallel_loop3A_889 = tpu.vector_load %arg24[%parallel_loop3A_887, %parallel_loop3A_888] {strides = array<i32>} : memref<80x128xf32, #tpu.memory_space<vmem>>, vector<16xf32>,
        tpu.vector_store %arg24[%parallel_loop3A_887, %parallel_loop3A_888], %parallel_loop3A_886 {strides = array<i32>} : memref<80x128xf32, #tpu.memory_space<vmem>>, vector<16xf32>,
        %parallel_loop3A_890 = arith.index_cast %parallel_loop3A_871 : i32 to index
        %parallel_loop3A_891 = arith.constant 16 : index
        %parallel_loop3A_892 = tpu.vector_load %arg22[%parallel_loop3A_890, %parallel_loop3A_891] {strides = array<i32>} : memref<80x64xi32, #tpu.memory_space<vmem>>, vector<16xi32>,
        %parallel_loop3A_893 = arith.constant 16 : i32
        %parallel_loop3A_894 = vector.broadcast %parallel_loop3A_893 : i32 to vector<16xi32>
        %parallel_loop3A_895 = arith.shli %parallel_loop3A_892, %parallel_loop3A_894 : vector<16xi32>
        %parallel_loop3A_896 = vector.bitcast %parallel_loop3A_895 : vector<16xi32> to vector<16xf32>
        %parallel_loop3A_897 = vector.bitcast %parallel_loop3A_892 : vector<16xi32> to vector<16xf32>
        %parallel_loop3A_898 = arith.mulf %parallel_loop3A_896, %parallel_loop3A_873 : vector<16xf32>
        %parallel_loop3A_899 = arith.index_cast %parallel_loop3A_871 : i32 to index
        %parallel_loop3A_900 = arith.constant 32 : index
        %parallel_loop3A_901 = tpu.vector_load %arg24[%parallel_loop3A_899, %parallel_loop3A_900] {strides = array<i32>} : memref<80x128xf32, #tpu.memory_space<vmem>>, vector<16xf32>,
        tpu.vector_store %arg24[%parallel_loop3A_899, %parallel_loop3A_900], %parallel_loop3A_898 {strides = array<i32>} : memref<80x128xf32, #tpu.memory_space<vmem>>, vector<16xf32>,
        %parallel_loop3A_902 = arith.mulf %parallel_loop3A_897, %parallel_loop3A_873 : vector<16xf32>
        %parallel_loop3A_903 = arith.index_cast %parallel_loop3A_871 : i32 to index
        %parallel_loop3A_904 = arith.constant 48 : index
        %parallel_loop3A_905 = tpu.vector_load %arg24[%parallel_loop3A_903, %parallel_loop3A_904] {strides = array<i32>} : memref<80x128xf32, #tpu.memory_space<vmem>>, vector<16xf32>,
        tpu.vector_store %arg24[%parallel_loop3A_903, %parallel_loop3A_904], %parallel_loop3A_902 {strides = array<i32>} : memref<80x128xf32, #tpu.memory_space<vmem>>, vector<16xf32>,
        %parallel_loop3A_906 = arith.index_cast %parallel_loop3A_871 : i32 to index
        %parallel_loop3A_907 = arith.constant 32 : index
        %parallel_loop3A_908 = tpu.vector_load %arg22[%parallel_loop3A_906, %parallel_loop3A_907] {strides = array<i32>} : memref<80x64xi32, #tpu.memory_space<vmem>>, vector<16xi32>,
        %parallel_loop3A_909 = arith.constant 16 : i32
        %parallel_loop3A_910 = vector.broadcast %parallel_loop3A_909 : i32 to vector<16xi32>
        %parallel_loop3A_911 = arith.shli %parallel_loop3A_908, %parallel_loop3A_910 : vector<16xi32>
        %parallel_loop3A_912 = vector.bitcast %parallel_loop3A_911 : vector<16xi32> to vector<16xf32>
        %parallel_loop3A_913 = vector.bitcast %parallel_loop3A_908 : vector<16xi32> to vector<16xf32>
        %parallel_loop3A_914 = arith.mulf %parallel_loop3A_912, %parallel_loop3A_873 : vector<16xf32>
        %parallel_loop3A_915 = arith.index_cast %parallel_loop3A_871 : i32 to index
        %parallel_loop3A_916 = arith.constant 64 : index
        %parallel_loop3A_917 = tpu.vector_load %arg24[%parallel_loop3A_915, %parallel_loop3A_916] {strides = array<i32>} : memref<80x128xf32, #tpu.memory_space<vmem>>, vector<16xf32>,
        tpu.vector_store %arg24[%parallel_loop3A_915, %parallel_loop3A_916], %parallel_loop3A_914 {strides = array<i32>} : memref<80x128xf32, #tpu.memory_space<vmem>>, vector<16xf32>,
        %parallel_loop3A_918 = arith.mulf %parallel_loop3A_913, %parallel_loop3A_873 : vector<16xf32>
        %parallel_loop3A_919 = arith.index_cast %parallel_loop3A_871 : i32 to index
        %parallel_loop3A_920 = arith.constant 80 : index
        %parallel_loop3A_921 = tpu.vector_load %arg24[%parallel_loop3A_919, %parallel_loop3A_920] {strides = array<i32>} : memref<80x128xf32, #tpu.memory_space<vmem>>, vector<16xf32>,
        tpu.vector_store %arg24[%parallel_loop3A_919, %parallel_loop3A_920], %parallel_loop3A_918 {strides = array<i32>} : memref<80x128xf32, #tpu.memory_space<vmem>>, vector<16xf32>,
        %parallel_loop3A_922 = arith.index_cast %parallel_loop3A_871 : i32 to index
        %parallel_loop3A_923 = arith.constant 48 : index
        %parallel_loop3A_924 = tpu.vector_load %arg22[%parallel_loop3A_922, %parallel_loop3A_923] {strides = array<i32>} : memref<80x64xi32, #tpu.memory_space<vmem>>, vector<16xi32>,
        %parallel_loop3A_925 = arith.constant 16 : i32
        %parallel_loop3A_926 = vector.broadcast %parallel_loop3A_925 : i32 to vector<16xi32>
        %parallel_loop3A_927 = arith.shli %parallel_loop3A_924, %parallel_loop3A_926 : vector<16xi32>
        %parallel_loop3A_928 = vector.bitcast %parallel_loop3A_927 : vector<16xi32> to vector<16xf32>
        %parallel_loop3A_929 = vector.bitcast %parallel_loop3A_924 : vector<16xi32> to vector<16xf32>
        %parallel_loop3A_930 = arith.mulf %parallel_loop3A_928, %parallel_loop3A_873 : vector<16xf32>
        %parallel_loop3A_931 = arith.index_cast %parallel_loop3A_871 : i32 to index
        %parallel_loop3A_932 = arith.constant 96 : index
        %parallel_loop3A_933 = tpu.vector_load %arg24[%parallel_loop3A_931, %parallel_loop3A_932] {strides = array<i32>} : memref<80x128xf32, #tpu.memory_space<vmem>>, vector<16xf32>,
        tpu.vector_store %arg24[%parallel_loop3A_931, %parallel_loop3A_932], %parallel_loop3A_930 {strides = array<i32>} : memref<80x128xf32, #tpu.memory_space<vmem>>, vector<16xf32>,
        %parallel_loop3A_934 = arith.mulf %parallel_loop3A_929, %parallel_loop3A_873 : vector<16xf32>
        %parallel_loop3A_935 = arith.index_cast %parallel_loop3A_871 : i32 to index
        %parallel_loop3A_936 = arith.constant 112 : index
        %parallel_loop3A_937 = tpu.vector_load %arg24[%parallel_loop3A_935, %parallel_loop3A_936] {strides = array<i32>} : memref<80x128xf32, #tpu.memory_space<vmem>>, vector<16xf32>,
        tpu.vector_store %arg24[%parallel_loop3A_935, %parallel_loop3A_936], %parallel_loop3A_934 {strides = array<i32>} : memref<80x128xf32, #tpu.memory_space<vmem>>, vector<16xf32>,
      } {sc.loop_unroll_factor = 16 : i64, sc.parallel_access}
      %dma_start3A_515 = arith.constant 0 : i32
      %dma_start3A_516 = arith.constant 0 : i32
      %dma_start3A_517 = tpu.memref_slice %arg26[%dma_start3A_515, %dma_start3A_516] : memref<10000x128xf32, #tpu.memory_space<vmem_shared>> -> memref<10000x128xf32, #tpu.memory_space<vmem_shared>>
      tpu.enqueue_indirect_dma source(%arg24 : memref<80x128xf32, #tpu.memory_space<vmem>>) target(%dma_start3A_517 : memref<10000x128xf32, #tpu.memory_space<vmem_shared>>) offsets(%arg12 : memref<80xi32, #tpu.memory_space<vmem>>) semaphore(%arg33 : memref<!tpu.dma_semaphore, #tpu.memory_space<semaphore_mem>>) {add = true}
      %dma_wait3A_518 = arith.constant 0 : i32
      %dma_wait3A_519 = tpu.memref_slice %arg2[%dma_wait3A_518] : memref<320000xi32, #tpu.memory_space<hbm>> -> memref<80xi32, #tpu.memory_space<hbm>>
      %dma_wait3A_520 = arith.constant 0 : i32
      %dma_wait3A_521 = tpu.memref_slice %arg2[%dma_wait3A_520] : memref<320000xi32, #tpu.memory_space<hbm>> -> memref<80xi32, #tpu.memory_space<hbm>>
      tpu.wait_dma2 semaphore(%arg27 : memref<!tpu.dma_semaphore, #tpu.memory_space<semaphore_mem>>) src(%dma_wait3A_521 : memref<80xi32, #tpu.memory_space<hbm>>) dst(%arg14 : memref<80xi32, #tpu.memory_space<vmem>>)
      %dma_wait3A_522 = arith.constant 0 : i32
      %dma_wait3A_523 = tpu.memref_slice %arg3[%dma_wait3A_522] : memref<320000xf32, #tpu.memory_space<hbm>> -> memref<80xf32, #tpu.memory_space<hbm>>
      %dma_wait3A_524 = arith.constant 0 : i32
      %dma_wait3A_525 = tpu.memref_slice %arg3[%dma_wait3A_524] : memref<320000xf32, #tpu.memory_space<hbm>> -> memref<80xf32, #tpu.memory_space<hbm>>
      tpu.wait_dma2 semaphore(%arg27 : memref<!tpu.dma_semaphore, #tpu.memory_space<semaphore_mem>>) src(%dma_wait3A_525 : memref<80xf32, #tpu.memory_space<hbm>>) dst(%arg18 : memref<80xf32, #tpu.memory_space<vmem>>)
      %get3A_526 = arith.constant 0 : index
      %get3A_527 = tpu.vector_load %arg14[%get3A_526] {strides = array<i32>} : memref<80xi32, #tpu.memory_space<vmem>>, vector<16xi32>,
      %and3A_528 = arith.constant 65535 : i32
      %and3A_529 = vector.broadcast %and3A_528 : i32 to vector<16xi32>
      %and3A_530 = arith.andi %get3A_527, %and3A_529 : vector<16xi32>
      %swap3A_531 = arith.constant 0 : index
      %swap3A_532 = tpu.vector_load %arg6[%swap3A_531] {strides = array<i32>} : memref<80xi32, #tpu.memory_space<vmem>>, vector<16xi32>,
      tpu.vector_store %arg6[%swap3A_531], %and3A_530 {strides = array<i32>} : memref<80xi32, #tpu.memory_space<vmem>>, vector<16xi32>,
      %shift_right_logical3A_533 = arith.constant 16 : i32
      %shift_right_logical3A_534 = vector.broadcast %shift_right_logical3A_533 : i32 to vector<16xi32>
      %shift_right_logical3A_535 = arith.shrui %get3A_527, %shift_right_logical3A_534 : vector<16xi32>
      %swap3A_536 = arith.constant 0 : index
      %swap3A_537 = tpu.vector_load %arg10[%swap3A_536] {strides = array<i32>} : memref<80xi32, #tpu.memory_space<vmem>>, vector<16xi32>,
      tpu.vector_store %arg10[%swap3A_536], %shift_right_logical3A_535 {strides = array<i32>} : memref<80xi32, #tpu.memory_space<vmem>>, vector<16xi32>,
      %get3A_538 = arith.constant 16 : index
      %get3A_539 = tpu.vector_load %arg14[%get3A_538] {strides = array<i32>} : memref<80xi32, #tpu.memory_space<vmem>>, vector<16xi32>,
      %and3A_540 = arith.constant 65535 : i32
      %and3A_541 = vector.broadcast %and3A_540 : i32 to vector<16xi32>
      %and3A_542 = arith.andi %get3A_539, %and3A_541 : vector<16xi32>
      %swap3A_543 = arith.constant 16 : index
      %swap3A_544 = tpu.vector_load %arg6[%swap3A_543] {strides = array<i32>} : memref<80xi32, #tpu.memory_space<vmem>>, vector<16xi32>,
      tpu.vector_store %arg6[%swap3A_543], %and3A_542 {strides = array<i32>} : memref<80xi32, #tpu.memory_space<vmem>>, vector<16xi32>,
      %shift_right_logical3A_545 = arith.constant 16 : i32
      %shift_right_logical3A_546 = vector.broadcast %shift_right_logical3A_545 : i32 to vector<16xi32>
      %shift_right_logical3A_547 = arith.shrui %get3A_539, %shift_right_logical3A_546 : vector<16xi32>
      %swap3A_548 = arith.constant 16 : index
      %swap3A_549 = tpu.vector_load %arg10[%swap3A_548] {strides = array<i32>} : memref<80xi32, #tpu.memory_space<vmem>>, vector<16xi32>,
      tpu.vector_store %arg10[%swap3A_548], %shift_right_logical3A_547 {strides = array<i32>} : memref<80xi32, #tpu.memory_space<vmem>>, vector<16xi32>,
      %get3A_550 = arith.constant 32 : index
      %get3A_551 = tpu.vector_load %arg14[%get3A_550] {strides = array<i32>} : memref<80xi32, #tpu.memory_space<vmem>>, vector<16xi32>,
      %and3A_552 = arith.constant 65535 : i32
      %and3A_553 = vector.broadcast %and3A_552 : i32 to vector<16xi32>
      %and3A_554 = arith.andi %get3A_551, %and3A_553 : vector<16xi32>
      %swap3A_555 = arith.constant 32 : index
      %swap3A_556 = tpu.vector_load %arg6[%swap3A_555] {strides = array<i32>} : memref<80xi32, #tpu.memory_space<vmem>>, vector<16xi32>,
      tpu.vector_store %arg6[%swap3A_555], %and3A_554 {strides = array<i32>} : memref<80xi32, #tpu.memory_space<vmem>>, vector<16xi32>,
      %shift_right_logical3A_557 = arith.constant 16 : i32
      %shift_right_logical3A_558 = vector.broadcast %shift_right_logical3A_557 : i32 to vector<16xi32>
      %shift_right_logical3A_559 = arith.shrui %get3A_551, %shift_right_logical3A_558 : vector<16xi32>
      %swap3A_560 = arith.constant 32 : index
      %swap3A_561 = tpu.vector_load %arg10[%swap3A_560] {strides = array<i32>} : memref<80xi32, #tpu.memory_space<vmem>>, vector<16xi32>,
      tpu.vector_store %arg10[%swap3A_560], %shift_right_logical3A_559 {strides = array<i32>} : memref<80xi32, #tpu.memory_space<vmem>>, vector<16xi32>,
      %get3A_562 = arith.constant 48 : index
      %get3A_563 = tpu.vector_load %arg14[%get3A_562] {strides = array<i32>} : memref<80xi32, #tpu.memory_space<vmem>>, vector<16xi32>,
      %and3A_564 = arith.constant 65535 : i32
      %and3A_565 = vector.broadcast %and3A_564 : i32 to vector<16xi32>
      %and3A_566 = arith.andi %get3A_563, %and3A_565 : vector<16xi32>
      %swap3A_567 = arith.constant 48 : index
      %swap3A_568 = tpu.vector_load %arg6[%swap3A_567] {strides = array<i32>} : memref<80xi32, #tpu.memory_space<vmem>>, vector<16xi32>,
      tpu.vector_store %arg6[%swap3A_567], %and3A_566 {strides = array<i32>} : memref<80xi32, #tpu.memory_space<vmem>>, vector<16xi32>,
      %shift_right_logical3A_569 = arith.constant 16 : i32
      %shift_right_logical3A_570 = vector.broadcast %shift_right_logical3A_569 : i32 to vector<16xi32>
      %shift_right_logical3A_571 = arith.shrui %get3A_563, %shift_right_logical3A_570 : vector<16xi32>
      %swap3A_572 = arith.constant 48 : index
      %swap3A_573 = tpu.vector_load %arg10[%swap3A_572] {strides = array<i32>} : memref<80xi32, #tpu.memory_space<vmem>>, vector<16xi32>,
      tpu.vector_store %arg10[%swap3A_572], %shift_right_logical3A_571 {strides = array<i32>} : memref<80xi32, #tpu.memory_space<vmem>>, vector<16xi32>,
      %get3A_574 = arith.constant 64 : index
      %get3A_575 = tpu.vector_load %arg14[%get3A_574] {strides = array<i32>} : memref<80xi32, #tpu.memory_space<vmem>>, vector<16xi32>,
      %and3A_576 = arith.constant 65535 : i32
      %and3A_577 = vector.broadcast %and3A_576 : i32 to vector<16xi32>
      %and3A_578 = arith.andi %get3A_575, %and3A_577 : vector<16xi32>
      %swap3A_579 = arith.constant 64 : index
      %swap3A_580 = tpu.vector_load %arg6[%swap3A_579] {strides = array<i32>} : memref<80xi32, #tpu.memory_space<vmem>>, vector<16xi32>,
      tpu.vector_store %arg6[%swap3A_579], %and3A_578 {strides = array<i32>} : memref<80xi32, #tpu.memory_space<vmem>>, vector<16xi32>,
      %shift_right_logical3A_581 = arith.constant 16 : i32
      %shift_right_logical3A_582 = vector.broadcast %shift_right_logical3A_581 : i32 to vector<16xi32>
      %shift_right_logical3A_583 = arith.shrui %get3A_575, %shift_right_logical3A_582 : vector<16xi32>
      %swap3A_584 = arith.constant 64 : index
      %swap3A_585 = tpu.vector_load %arg10[%swap3A_584] {strides = array<i32>} : memref<80xi32, #tpu.memory_space<vmem>>, vector<16xi32>,
      tpu.vector_store %arg10[%swap3A_584], %shift_right_logical3A_583 {strides = array<i32>} : memref<80xi32, #tpu.memory_space<vmem>>, vector<16xi32>,
      %dma_start3A_586 = arith.constant 0 : i32
      %dma_start3A_587 = arith.constant 0 : i32
      %dma_start3A_588 = tpu.memref_slice %arg4[%dma_start3A_586, %dma_start3A_587] : memref<10000x64xi32, #tpu.memory_space<hbm>> -> memref<10000x64xi32, #tpu.memory_space<hbm>>
      tpu.enqueue_indirect_dma source(%dma_start3A_588 : memref<10000x64xi32, #tpu.memory_space<hbm>>) target(%arg22 : memref<80x64xi32, #tpu.memory_space<vmem>>) offsets(%arg6 : memref<80xi32, #tpu.memory_space<vmem>>) semaphore(%arg31 : memref<!tpu.dma_semaphore, #tpu.memory_space<semaphore_mem>>)
      %dma_wait3A_589 = arith.constant 0 : i32
      %dma_wait3A_590 = arith.constant 0 : i32
      %dma_wait3A_591 = tpu.memref_slice %arg26[%dma_wait3A_589, %dma_wait3A_590] : memref<10000x128xf32, #tpu.memory_space<vmem_shared>> -> memref<10000x128xf32, #tpu.memory_space<vmem_shared>>
      tpu.wait_indirect_dma semaphore(%arg34 : memref<!tpu.dma_semaphore, #tpu.memory_space<semaphore_mem>>) src(%arg25 : memref<80x128xf32, #tpu.memory_space<vmem>>) dst(%dma_wait3A_591 : memref<10000x128xf32, #tpu.memory_space<vmem_shared>>)
      %add3A_592 = arith.constant 1 : i32
      %add3A_593 = arith.addi %add3A_494, %add3A_592 : i32
      %add3A_594 = arith.constant 2 : i32
      %add3A_595 = arith.addi %add3A_593, %add3A_594 : i32
      %mul3A_596 = arith.constant 80 : i32
      %mul3A_597 = arith.muli %add3A_595, %mul3A_596 : i32
      %add3A_598 = arith.addi %mul3A_2, %mul3A_597 : i32
      %dma_start3A_599 = tpu.memref_slice %arg2[%add3A_598] : memref<320000xi32, #tpu.memory_space<hbm>> -> memref<80xi32, #tpu.memory_space<hbm>>
      %dma_start3A_600 = tpu.memref_slice %arg2[%add3A_598] : memref<320000xi32, #tpu.memory_space<hbm>> -> memref<80xi32, #tpu.memory_space<hbm>>
      tpu.enqueue_dma source(%dma_start3A_600 : memref<80xi32, #tpu.memory_space<hbm>>) target(%arg15 : memref<80xi32, #tpu.memory_space<vmem>>) target_semaphore(%arg28 : memref<!tpu.dma_semaphore, #tpu.memory_space<semaphore_mem>>)
      %dma_start3A_601 = tpu.memref_slice %arg3[%add3A_598] : memref<320000xf32, #tpu.memory_space<hbm>> -> memref<80xf32, #tpu.memory_space<hbm>>
      %dma_start3A_602 = tpu.memref_slice %arg3[%add3A_598] : memref<320000xf32, #tpu.memory_space<hbm>> -> memref<80xf32, #tpu.memory_space<hbm>>
      tpu.enqueue_dma source(%dma_start3A_602 : memref<80xf32, #tpu.memory_space<hbm>>) target(%arg19 : memref<80xf32, #tpu.memory_space<vmem>>) target_semaphore(%arg28 : memref<!tpu.dma_semaphore, #tpu.memory_space<semaphore_mem>>)
      %dma_wait3A_603 = arith.constant 0 : i32
      %dma_wait3A_604 = arith.constant 0 : i32
      %dma_wait3A_605 = tpu.memref_slice %arg4[%dma_wait3A_603, %dma_wait3A_604] : memref<10000x64xi32, #tpu.memory_space<hbm>> -> memref<10000x64xi32, #tpu.memory_space<hbm>>
      tpu.wait_indirect_dma semaphore(%arg32 : memref<!tpu.dma_semaphore, #tpu.memory_space<semaphore_mem>>) src(%dma_wait3A_605 : memref<10000x64xi32, #tpu.memory_space<hbm>>) dst(%arg23 : memref<80x64xi32, #tpu.memory_space<vmem>>)
      %parallel_loop3A_606 = arith.constant 0 : i32
      %parallel_loop3A_607 = arith.constant 80 : i32
      %parallel_loop3A_608 = arith.constant 1 : i32
      scf.for %parallel_loop3A_871 = %parallel_loop3A_606 to %parallel_loop3A_607 step %parallel_loop3A_608  : i32 {
        %parallel_loop3A_872 = vector.broadcast %parallel_loop3A_871 : i32 to vector<16xi32>
        %parallel_loop3A_873 = tpu.vector_load_idx %arg21[%parallel_loop3A_872] : memref<80xf32, #tpu.memory_space<vmem>>[vector<16xi32>], vector<16xf32>,
        %parallel_loop3A_874 = arith.index_cast %parallel_loop3A_871 : i32 to index
        %parallel_loop3A_875 = arith.constant 0 : index
        %parallel_loop3A_876 = tpu.vector_load %arg23[%parallel_loop3A_874, %parallel_loop3A_875] {strides = array<i32>} : memref<80x64xi32, #tpu.memory_space<vmem>>, vector<16xi32>,
        %parallel_loop3A_877 = arith.constant 16 : i32
        %parallel_loop3A_878 = vector.broadcast %parallel_loop3A_877 : i32 to vector<16xi32>
        %parallel_loop3A_879 = arith.shli %parallel_loop3A_876, %parallel_loop3A_878 : vector<16xi32>
        %parallel_loop3A_880 = vector.bitcast %parallel_loop3A_879 : vector<16xi32> to vector<16xf32>
        %parallel_loop3A_881 = vector.bitcast %parallel_loop3A_876 : vector<16xi32> to vector<16xf32>
        %parallel_loop3A_882 = arith.mulf %parallel_loop3A_880, %parallel_loop3A_873 : vector<16xf32>
        %parallel_loop3A_883 = arith.index_cast %parallel_loop3A_871 : i32 to index
        %parallel_loop3A_884 = arith.constant 0 : index
        %parallel_loop3A_885 = tpu.vector_load %arg25[%parallel_loop3A_883, %parallel_loop3A_884] {strides = array<i32>} : memref<80x128xf32, #tpu.memory_space<vmem>>, vector<16xf32>,
        tpu.vector_store %arg25[%parallel_loop3A_883, %parallel_loop3A_884], %parallel_loop3A_882 {strides = array<i32>} : memref<80x128xf32, #tpu.memory_space<vmem>>, vector<16xf32>,
        %parallel_loop3A_886 = arith.mulf %parallel_loop3A_881, %parallel_loop3A_873 : vector<16xf32>
        %parallel_loop3A_887 = arith.index_cast %parallel_loop3A_871 : i32 to index
        %parallel_loop3A_888 = arith.constant 16 : index
        %parallel_loop3A_889 = tpu.vector_load %arg25[%parallel_loop3A_887, %parallel_loop3A_888] {strides = array<i32>} : memref<80x128xf32, #tpu.memory_space<vmem>>, vector<16xf32>,
        tpu.vector_store %arg25[%parallel_loop3A_887, %parallel_loop3A_888], %parallel_loop3A_886 {strides = array<i32>} : memref<80x128xf32, #tpu.memory_space<vmem>>, vector<16xf32>,
        %parallel_loop3A_890 = arith.index_cast %parallel_loop3A_871 : i32 to index
        %parallel_loop3A_891 = arith.constant 16 : index
        %parallel_loop3A_892 = tpu.vector_load %arg23[%parallel_loop3A_890, %parallel_loop3A_891] {strides = array<i32>} : memref<80x64xi32, #tpu.memory_space<vmem>>, vector<16xi32>,
        %parallel_loop3A_893 = arith.constant 16 : i32
        %parallel_loop3A_894 = vector.broadcast %parallel_loop3A_893 : i32 to vector<16xi32>
        %parallel_loop3A_895 = arith.shli %parallel_loop3A_892, %parallel_loop3A_894 : vector<16xi32>
        %parallel_loop3A_896 = vector.bitcast %parallel_loop3A_895 : vector<16xi32> to vector<16xf32>
        %parallel_loop3A_897 = vector.bitcast %parallel_loop3A_892 : vector<16xi32> to vector<16xf32>
        %parallel_loop3A_898 = arith.mulf %parallel_loop3A_896, %parallel_loop3A_873 : vector<16xf32>
        %parallel_loop3A_899 = arith.index_cast %parallel_loop3A_871 : i32 to index
        %parallel_loop3A_900 = arith.constant 32 : index
        %parallel_loop3A_901 = tpu.vector_load %arg25[%parallel_loop3A_899, %parallel_loop3A_900] {strides = array<i32>} : memref<80x128xf32, #tpu.memory_space<vmem>>, vector<16xf32>,
        tpu.vector_store %arg25[%parallel_loop3A_899, %parallel_loop3A_900], %parallel_loop3A_898 {strides = array<i32>} : memref<80x128xf32, #tpu.memory_space<vmem>>, vector<16xf32>,
        %parallel_loop3A_902 = arith.mulf %parallel_loop3A_897, %parallel_loop3A_873 : vector<16xf32>
        %parallel_loop3A_903 = arith.index_cast %parallel_loop3A_871 : i32 to index
        %parallel_loop3A_904 = arith.constant 48 : index
        %parallel_loop3A_905 = tpu.vector_load %arg25[%parallel_loop3A_903, %parallel_loop3A_904] {strides = array<i32>} : memref<80x128xf32, #tpu.memory_space<vmem>>, vector<16xf32>,
        tpu.vector_store %arg25[%parallel_loop3A_903, %parallel_loop3A_904], %parallel_loop3A_902 {strides = array<i32>} : memref<80x128xf32, #tpu.memory_space<vmem>>, vector<16xf32>,
        %parallel_loop3A_906 = arith.index_cast %parallel_loop3A_871 : i32 to index
        %parallel_loop3A_907 = arith.constant 32 : index
        %parallel_loop3A_908 = tpu.vector_load %arg23[%parallel_loop3A_906, %parallel_loop3A_907] {strides = array<i32>} : memref<80x64xi32, #tpu.memory_space<vmem>>, vector<16xi32>,
        %parallel_loop3A_909 = arith.constant 16 : i32
        %parallel_loop3A_910 = vector.broadcast %parallel_loop3A_909 : i32 to vector<16xi32>
        %parallel_loop3A_911 = arith.shli %parallel_loop3A_908, %parallel_loop3A_910 : vector<16xi32>
        %parallel_loop3A_912 = vector.bitcast %parallel_loop3A_911 : vector<16xi32> to vector<16xf32>
        %parallel_loop3A_913 = vector.bitcast %parallel_loop3A_908 : vector<16xi32> to vector<16xf32>
        %parallel_loop3A_914 = arith.mulf %parallel_loop3A_912, %parallel_loop3A_873 : vector<16xf32>
        %parallel_loop3A_915 = arith.index_cast %parallel_loop3A_871 : i32 to index
        %parallel_loop3A_916 = arith.constant 64 : index
        %parallel_loop3A_917 = tpu.vector_load %arg25[%parallel_loop3A_915, %parallel_loop3A_916] {strides = array<i32>} : memref<80x128xf32, #tpu.memory_space<vmem>>, vector<16xf32>,
        tpu.vector_store %arg25[%parallel_loop3A_915, %parallel_loop3A_916], %parallel_loop3A_914 {strides = array<i32>} : memref<80x128xf32, #tpu.memory_space<vmem>>, vector<16xf32>,
        %parallel_loop3A_918 = arith.mulf %parallel_loop3A_913, %parallel_loop3A_873 : vector<16xf32>
        %parallel_loop3A_919 = arith.index_cast %parallel_loop3A_871 : i32 to index
        %parallel_loop3A_920 = arith.constant 80 : index
        %parallel_loop3A_921 = tpu.vector_load %arg25[%parallel_loop3A_919, %parallel_loop3A_920] {strides = array<i32>} : memref<80x128xf32, #tpu.memory_space<vmem>>, vector<16xf32>,
        tpu.vector_store %arg25[%parallel_loop3A_919, %parallel_loop3A_920], %parallel_loop3A_918 {strides = array<i32>} : memref<80x128xf32, #tpu.memory_space<vmem>>, vector<16xf32>,
        %parallel_loop3A_922 = arith.index_cast %parallel_loop3A_871 : i32 to index
        %parallel_loop3A_923 = arith.constant 48 : index
        %parallel_loop3A_924 = tpu.vector_load %arg23[%parallel_loop3A_922, %parallel_loop3A_923] {strides = array<i32>} : memref<80x64xi32, #tpu.memory_space<vmem>>, vector<16xi32>,
        %parallel_loop3A_925 = arith.constant 16 : i32
        %parallel_loop3A_926 = vector.broadcast %parallel_loop3A_925 : i32 to vector<16xi32>
        %parallel_loop3A_927 = arith.shli %parallel_loop3A_924, %parallel_loop3A_926 : vector<16xi32>
        %parallel_loop3A_928 = vector.bitcast %parallel_loop3A_927 : vector<16xi32> to vector<16xf32>
        %parallel_loop3A_929 = vector.bitcast %parallel_loop3A_924 : vector<16xi32> to vector<16xf32>
        %parallel_loop3A_930 = arith.mulf %parallel_loop3A_928, %parallel_loop3A_873 : vector<16xf32>
        %parallel_loop3A_931 = arith.index_cast %parallel_loop3A_871 : i32 to index
        %parallel_loop3A_932 = arith.constant 96 : index
        %parallel_loop3A_933 = tpu.vector_load %arg25[%parallel_loop3A_931, %parallel_loop3A_932] {strides = array<i32>} : memref<80x128xf32, #tpu.memory_space<vmem>>, vector<16xf32>,
        tpu.vector_store %arg25[%parallel_loop3A_931, %parallel_loop3A_932], %parallel_loop3A_930 {strides = array<i32>} : memref<80x128xf32, #tpu.memory_space<vmem>>, vector<16xf32>,
        %parallel_loop3A_934 = arith.mulf %parallel_loop3A_929, %parallel_loop3A_873 : vector<16xf32>
        %parallel_loop3A_935 = arith.index_cast %parallel_loop3A_871 : i32 to index
        %parallel_loop3A_936 = arith.constant 112 : index
        %parallel_loop3A_937 = tpu.vector_load %arg25[%parallel_loop3A_935, %parallel_loop3A_936] {strides = array<i32>} : memref<80x128xf32, #tpu.memory_space<vmem>>, vector<16xf32>,
        tpu.vector_store %arg25[%parallel_loop3A_935, %parallel_loop3A_936], %parallel_loop3A_934 {strides = array<i32>} : memref<80x128xf32, #tpu.memory_space<vmem>>, vector<16xf32>,
      } {sc.loop_unroll_factor = 16 : i64, sc.parallel_access}
      %dma_start3A_609 = arith.constant 0 : i32
      %dma_start3A_610 = arith.constant 0 : i32
      %dma_start3A_611 = tpu.memref_slice %arg26[%dma_start3A_609, %dma_start3A_610] : memref<10000x128xf32, #tpu.memory_space<vmem_shared>> -> memref<10000x128xf32, #tpu.memory_space<vmem_shared>>
      tpu.enqueue_indirect_dma source(%arg25 : memref<80x128xf32, #tpu.memory_space<vmem>>) target(%dma_start3A_611 : memref<10000x128xf32, #tpu.memory_space<vmem_shared>>) offsets(%arg13 : memref<80xi32, #tpu.memory_space<vmem>>) semaphore(%arg34 : memref<!tpu.dma_semaphore, #tpu.memory_space<semaphore_mem>>) {add = true}
      %dma_wait3A_612 = arith.constant 0 : i32
      %dma_wait3A_613 = tpu.memref_slice %arg2[%dma_wait3A_612] : memref<320000xi32, #tpu.memory_space<hbm>> -> memref<80xi32, #tpu.memory_space<hbm>>
      %dma_wait3A_614 = arith.constant 0 : i32
      %dma_wait3A_615 = tpu.memref_slice %arg2[%dma_wait3A_614] : memref<320000xi32, #tpu.memory_space<hbm>> -> memref<80xi32, #tpu.memory_space<hbm>>
      tpu.wait_dma2 semaphore(%arg28 : memref<!tpu.dma_semaphore, #tpu.memory_space<semaphore_mem>>) src(%dma_wait3A_615 : memref<80xi32, #tpu.memory_space<hbm>>) dst(%arg15 : memref<80xi32, #tpu.memory_space<vmem>>)
      %dma_wait3A_616 = arith.constant 0 : i32
      %dma_wait3A_617 = tpu.memref_slice %arg3[%dma_wait3A_616] : memref<320000xf32, #tpu.memory_space<hbm>> -> memref<80xf32, #tpu.memory_space<hbm>>
      %dma_wait3A_618 = arith.constant 0 : i32
      %dma_wait3A_619 = tpu.memref_slice %arg3[%dma_wait3A_618] : memref<320000xf32, #tpu.memory_space<hbm>> -> memref<80xf32, #tpu.memory_space<hbm>>
      tpu.wait_dma2 semaphore(%arg28 : memref<!tpu.dma_semaphore, #tpu.memory_space<semaphore_mem>>) src(%dma_wait3A_619 : memref<80xf32, #tpu.memory_space<hbm>>) dst(%arg19 : memref<80xf32, #tpu.memory_space<vmem>>)
      %get3A_620 = arith.constant 0 : index
      %get3A_621 = tpu.vector_load %arg15[%get3A_620] {strides = array<i32>} : memref<80xi32, #tpu.memory_space<vmem>>, vector<16xi32>,
      %and3A_622 = arith.constant 65535 : i32
      %and3A_623 = vector.broadcast %and3A_622 : i32 to vector<16xi32>
      %and3A_624 = arith.andi %get3A_621, %and3A_623 : vector<16xi32>
      %swap3A_625 = arith.constant 0 : index
      %swap3A_626 = tpu.vector_load %arg7[%swap3A_625] {strides = array<i32>} : memref<80xi32, #tpu.memory_space<vmem>>, vector<16xi32>,
      tpu.vector_store %arg7[%swap3A_625], %and3A_624 {strides = array<i32>} : memref<80xi32, #tpu.memory_space<vmem>>, vector<16xi32>,
      %shift_right_logical3A_627 = arith.constant 16 : i32
      %shift_right_logical3A_628 = vector.broadcast %shift_right_logical3A_627 : i32 to vector<16xi32>
      %shift_right_logical3A_629 = arith.shrui %get3A_621, %shift_right_logical3A_628 : vector<16xi32>
      %swap3A_630 = arith.constant 0 : index
      %swap3A_631 = tpu.vector_load %arg11[%swap3A_630] {strides = array<i32>} : memref<80xi32, #tpu.memory_space<vmem>>, vector<16xi32>,
      tpu.vector_store %arg11[%swap3A_630], %shift_right_logical3A_629 {strides = array<i32>} : memref<80xi32, #tpu.memory_space<vmem>>, vector<16xi32>,
      %get3A_632 = arith.constant 16 : index
      %get3A_633 = tpu.vector_load %arg15[%get3A_632] {strides = array<i32>} : memref<80xi32, #tpu.memory_space<vmem>>, vector<16xi32>,
      %and3A_634 = arith.constant 65535 : i32
      %and3A_635 = vector.broadcast %and3A_634 : i32 to vector<16xi32>
      %and3A_636 = arith.andi %get3A_633, %and3A_635 : vector<16xi32>
      %swap3A_637 = arith.constant 16 : index
      %swap3A_638 = tpu.vector_load %arg7[%swap3A_637] {strides = array<i32>} : memref<80xi32, #tpu.memory_space<vmem>>, vector<16xi32>,
      tpu.vector_store %arg7[%swap3A_637], %and3A_636 {strides = array<i32>} : memref<80xi32, #tpu.memory_space<vmem>>, vector<16xi32>,
      %shift_right_logical3A_639 = arith.constant 16 : i32
      %shift_right_logical3A_640 = vector.broadcast %shift_right_logical3A_639 : i32 to vector<16xi32>
      %shift_right_logical3A_641 = arith.shrui %get3A_633, %shift_right_logical3A_640 : vector<16xi32>
      %swap3A_642 = arith.constant 16 : index
      %swap3A_643 = tpu.vector_load %arg11[%swap3A_642] {strides = array<i32>} : memref<80xi32, #tpu.memory_space<vmem>>, vector<16xi32>,
      tpu.vector_store %arg11[%swap3A_642], %shift_right_logical3A_641 {strides = array<i32>} : memref<80xi32, #tpu.memory_space<vmem>>, vector<16xi32>,
      %get3A_644 = arith.constant 32 : index
      %get3A_645 = tpu.vector_load %arg15[%get3A_644] {strides = array<i32>} : memref<80xi32, #tpu.memory_space<vmem>>, vector<16xi32>,
      %and3A_646 = arith.constant 65535 : i32
      %and3A_647 = vector.broadcast %and3A_646 : i32 to vector<16xi32>
      %and3A_648 = arith.andi %get3A_645, %and3A_647 : vector<16xi32>
      %swap3A_649 = arith.constant 32 : index
      %swap3A_650 = tpu.vector_load %arg7[%swap3A_649] {strides = array<i32>} : memref<80xi32, #tpu.memory_space<vmem>>, vector<16xi32>,
      tpu.vector_store %arg7[%swap3A_649], %and3A_648 {strides = array<i32>} : memref<80xi32, #tpu.memory_space<vmem>>, vector<16xi32>,
      %shift_right_logical3A_651 = arith.constant 16 : i32
      %shift_right_logical3A_652 = vector.broadcast %shift_right_logical3A_651 : i32 to vector<16xi32>
      %shift_right_logical3A_653 = arith.shrui %get3A_645, %shift_right_logical3A_652 : vector<16xi32>
      %swap3A_654 = arith.constant 32 : index
      %swap3A_655 = tpu.vector_load %arg11[%swap3A_654] {strides = array<i32>} : memref<80xi32, #tpu.memory_space<vmem>>, vector<16xi32>,
      tpu.vector_store %arg11[%swap3A_654], %shift_right_logical3A_653 {strides = array<i32>} : memref<80xi32, #tpu.memory_space<vmem>>, vector<16xi32>,
      %get3A_656 = arith.constant 48 : index
      %get3A_657 = tpu.vector_load %arg15[%get3A_656] {strides = array<i32>} : memref<80xi32, #tpu.memory_space<vmem>>, vector<16xi32>,
      %and3A_658 = arith.constant 65535 : i32
      %and3A_659 = vector.broadcast %and3A_658 : i32 to vector<16xi32>
      %and3A_660 = arith.andi %get3A_657, %and3A_659 : vector<16xi32>
      %swap3A_661 = arith.constant 48 : index
      %swap3A_662 = tpu.vector_load %arg7[%swap3A_661] {strides = array<i32>} : memref<80xi32, #tpu.memory_space<vmem>>, vector<16xi32>,
      tpu.vector_store %arg7[%swap3A_661], %and3A_660 {strides = array<i32>} : memref<80xi32, #tpu.memory_space<vmem>>, vector<16xi32>,
      %shift_right_logical3A_663 = arith.constant 16 : i32
      %shift_right_logical3A_664 = vector.broadcast %shift_right_logical3A_663 : i32 to vector<16xi32>
      %shift_right_logical3A_665 = arith.shrui %get3A_657, %shift_right_logical3A_664 : vector<16xi32>
      %swap3A_666 = arith.constant 48 : index
      %swap3A_667 = tpu.vector_load %arg11[%swap3A_666] {strides = array<i32>} : memref<80xi32, #tpu.memory_space<vmem>>, vector<16xi32>,
      tpu.vector_store %arg11[%swap3A_666], %shift_right_logical3A_665 {strides = array<i32>} : memref<80xi32, #tpu.memory_space<vmem>>, vector<16xi32>,
      %get3A_668 = arith.constant 64 : index
      %get3A_669 = tpu.vector_load %arg15[%get3A_668] {strides = array<i32>} : memref<80xi32, #tpu.memory_space<vmem>>, vector<16xi32>,
      %and3A_670 = arith.constant 65535 : i32
      %and3A_671 = vector.broadcast %and3A_670 : i32 to vector<16xi32>
      %and3A_672 = arith.andi %get3A_669, %and3A_671 : vector<16xi32>
      %swap3A_673 = arith.constant 64 : index
      %swap3A_674 = tpu.vector_load %arg7[%swap3A_673] {strides = array<i32>} : memref<80xi32, #tpu.memory_space<vmem>>, vector<16xi32>,
      tpu.vector_store %arg7[%swap3A_673], %and3A_672 {strides = array<i32>} : memref<80xi32, #tpu.memory_space<vmem>>, vector<16xi32>,
      %shift_right_logical3A_675 = arith.constant 16 : i32
      %shift_right_logical3A_676 = vector.broadcast %shift_right_logical3A_675 : i32 to vector<16xi32>
      %shift_right_logical3A_677 = arith.shrui %get3A_669, %shift_right_logical3A_676 : vector<16xi32>
      %swap3A_678 = arith.constant 64 : index
      %swap3A_679 = tpu.vector_load %arg11[%swap3A_678] {strides = array<i32>} : memref<80xi32, #tpu.memory_space<vmem>>, vector<16xi32>,
      tpu.vector_store %arg11[%swap3A_678], %shift_right_logical3A_677 {strides = array<i32>} : memref<80xi32, #tpu.memory_space<vmem>>, vector<16xi32>,
      %dma_start3A_680 = arith.constant 0 : i32
      %dma_start3A_681 = arith.constant 0 : i32
      %dma_start3A_682 = tpu.memref_slice %arg4[%dma_start3A_680, %dma_start3A_681] : memref<10000x64xi32, #tpu.memory_space<hbm>> -> memref<10000x64xi32, #tpu.memory_space<hbm>>
      tpu.enqueue_indirect_dma source(%dma_start3A_682 : memref<10000x64xi32, #tpu.memory_space<hbm>>) target(%arg23 : memref<80x64xi32, #tpu.memory_space<vmem>>) offsets(%arg7 : memref<80xi32, #tpu.memory_space<vmem>>) semaphore(%arg32 : memref<!tpu.dma_semaphore, #tpu.memory_space<semaphore_mem>>)
      %dma_wait3A_683 = arith.constant 0 : i32
      %dma_wait3A_684 = arith.constant 0 : i32
      %dma_wait3A_685 = tpu.memref_slice %arg26[%dma_wait3A_683, %dma_wait3A_684] : memref<10000x128xf32, #tpu.memory_space<vmem_shared>> -> memref<10000x128xf32, #tpu.memory_space<vmem_shared>>
      tpu.wait_indirect_dma semaphore(%arg33 : memref<!tpu.dma_semaphore, #tpu.memory_space<semaphore_mem>>) src(%arg24 : memref<80x128xf32, #tpu.memory_space<vmem>>) dst(%dma_wait3A_685 : memref<10000x128xf32, #tpu.memory_space<vmem_shared>>)
      %add3A_686 = arith.constant 2 : i32
      %add3A_687 = arith.addi %add3A_494, %add3A_686 : i32
      %add3A_688 = arith.constant 2 : i32
      %add3A_689 = arith.addi %add3A_687, %add3A_688 : i32
      %mul3A_690 = arith.constant 80 : i32
      %mul3A_691 = arith.muli %add3A_689, %mul3A_690 : i32
      %add3A_692 = arith.addi %mul3A_2, %mul3A_691 : i32
      %dma_start3A_693 = tpu.memref_slice %arg2[%add3A_692] : memref<320000xi32, #tpu.memory_space<hbm>> -> memref<80xi32, #tpu.memory_space<hbm>>
      %dma_start3A_694 = tpu.memref_slice %arg2[%add3A_692] : memref<320000xi32, #tpu.memory_space<hbm>> -> memref<80xi32, #tpu.memory_space<hbm>>
      tpu.enqueue_dma source(%dma_start3A_694 : memref<80xi32, #tpu.memory_space<hbm>>) target(%arg16 : memref<80xi32, #tpu.memory_space<vmem>>) target_semaphore(%arg29 : memref<!tpu.dma_semaphore, #tpu.memory_space<semaphore_mem>>)
      %dma_start3A_695 = tpu.memref_slice %arg3[%add3A_692] : memref<320000xf32, #tpu.memory_space<hbm>> -> memref<80xf32, #tpu.memory_space<hbm>>
      %dma_start3A_696 = tpu.memref_slice %arg3[%add3A_692] : memref<320000xf32, #tpu.memory_space<hbm>> -> memref<80xf32, #tpu.memory_space<hbm>>
      tpu.enqueue_dma source(%dma_start3A_696 : memref<80xf32, #tpu.memory_space<hbm>>) target(%arg20 : memref<80xf32, #tpu.memory_space<vmem>>) target_semaphore(%arg29 : memref<!tpu.dma_semaphore, #tpu.memory_space<semaphore_mem>>)
      %dma_wait3A_697 = arith.constant 0 : i32
      %dma_wait3A_698 = arith.constant 0 : i32
      %dma_wait3A_699 = tpu.memref_slice %arg4[%dma_wait3A_697, %dma_wait3A_698] : memref<10000x64xi32, #tpu.memory_space<hbm>> -> memref<10000x64xi32, #tpu.memory_space<hbm>>
      tpu.wait_indirect_dma semaphore(%arg31 : memref<!tpu.dma_semaphore, #tpu.memory_space<semaphore_mem>>) src(%dma_wait3A_699 : memref<10000x64xi32, #tpu.memory_space<hbm>>) dst(%arg22 : memref<80x64xi32, #tpu.memory_space<vmem>>)
      %parallel_loop3A_700 = arith.constant 0 : i32
      %parallel_loop3A_701 = arith.constant 80 : i32
      %parallel_loop3A_702 = arith.constant 1 : i32
      scf.for %parallel_loop3A_871 = %parallel_loop3A_700 to %parallel_loop3A_701 step %parallel_loop3A_702  : i32 {
        %parallel_loop3A_872 = vector.broadcast %parallel_loop3A_871 : i32 to vector<16xi32>
        %parallel_loop3A_873 = tpu.vector_load_idx %arg18[%parallel_loop3A_872] : memref<80xf32, #tpu.memory_space<vmem>>[vector<16xi32>], vector<16xf32>,
        %parallel_loop3A_874 = arith.index_cast %parallel_loop3A_871 : i32 to index
        %parallel_loop3A_875 = arith.constant 0 : index
        %parallel_loop3A_876 = tpu.vector_load %arg22[%parallel_loop3A_874, %parallel_loop3A_875] {strides = array<i32>} : memref<80x64xi32, #tpu.memory_space<vmem>>, vector<16xi32>,
        %parallel_loop3A_877 = arith.constant 16 : i32
        %parallel_loop3A_878 = vector.broadcast %parallel_loop3A_877 : i32 to vector<16xi32>
        %parallel_loop3A_879 = arith.shli %parallel_loop3A_876, %parallel_loop3A_878 : vector<16xi32>
        %parallel_loop3A_880 = vector.bitcast %parallel_loop3A_879 : vector<16xi32> to vector<16xf32>
        %parallel_loop3A_881 = vector.bitcast %parallel_loop3A_876 : vector<16xi32> to vector<16xf32>
        %parallel_loop3A_882 = arith.mulf %parallel_loop3A_880, %parallel_loop3A_873 : vector<16xf32>
        %parallel_loop3A_883 = arith.index_cast %parallel_loop3A_871 : i32 to index
        %parallel_loop3A_884 = arith.constant 0 : index
        %parallel_loop3A_885 = tpu.vector_load %arg24[%parallel_loop3A_883, %parallel_loop3A_884] {strides = array<i32>} : memref<80x128xf32, #tpu.memory_space<vmem>>, vector<16xf32>,
        tpu.vector_store %arg24[%parallel_loop3A_883, %parallel_loop3A_884], %parallel_loop3A_882 {strides = array<i32>} : memref<80x128xf32, #tpu.memory_space<vmem>>, vector<16xf32>,
        %parallel_loop3A_886 = arith.mulf %parallel_loop3A_881, %parallel_loop3A_873 : vector<16xf32>
        %parallel_loop3A_887 = arith.index_cast %parallel_loop3A_871 : i32 to index
        %parallel_loop3A_888 = arith.constant 16 : index
        %parallel_loop3A_889 = tpu.vector_load %arg24[%parallel_loop3A_887, %parallel_loop3A_888] {strides = array<i32>} : memref<80x128xf32, #tpu.memory_space<vmem>>, vector<16xf32>,
        tpu.vector_store %arg24[%parallel_loop3A_887, %parallel_loop3A_888], %parallel_loop3A_886 {strides = array<i32>} : memref<80x128xf32, #tpu.memory_space<vmem>>, vector<16xf32>,
        %parallel_loop3A_890 = arith.index_cast %parallel_loop3A_871 : i32 to index
        %parallel_loop3A_891 = arith.constant 16 : index
        %parallel_loop3A_892 = tpu.vector_load %arg22[%parallel_loop3A_890, %parallel_loop3A_891] {strides = array<i32>} : memref<80x64xi32, #tpu.memory_space<vmem>>, vector<16xi32>,
        %parallel_loop3A_893 = arith.constant 16 : i32
        %parallel_loop3A_894 = vector.broadcast %parallel_loop3A_893 : i32 to vector<16xi32>
        %parallel_loop3A_895 = arith.shli %parallel_loop3A_892, %parallel_loop3A_894 : vector<16xi32>
        %parallel_loop3A_896 = vector.bitcast %parallel_loop3A_895 : vector<16xi32> to vector<16xf32>
        %parallel_loop3A_897 = vector.bitcast %parallel_loop3A_892 : vector<16xi32> to vector<16xf32>
        %parallel_loop3A_898 = arith.mulf %parallel_loop3A_896, %parallel_loop3A_873 : vector<16xf32>
        %parallel_loop3A_899 = arith.index_cast %parallel_loop3A_871 : i32 to index
        %parallel_loop3A_900 = arith.constant 32 : index
        %parallel_loop3A_901 = tpu.vector_load %arg24[%parallel_loop3A_899, %parallel_loop3A_900] {strides = array<i32>} : memref<80x128xf32, #tpu.memory_space<vmem>>, vector<16xf32>,
        tpu.vector_store %arg24[%parallel_loop3A_899, %parallel_loop3A_900], %parallel_loop3A_898 {strides = array<i32>} : memref<80x128xf32, #tpu.memory_space<vmem>>, vector<16xf32>,
        %parallel_loop3A_902 = arith.mulf %parallel_loop3A_897, %parallel_loop3A_873 : vector<16xf32>
        %parallel_loop3A_903 = arith.index_cast %parallel_loop3A_871 : i32 to index
        %parallel_loop3A_904 = arith.constant 48 : index
        %parallel_loop3A_905 = tpu.vector_load %arg24[%parallel_loop3A_903, %parallel_loop3A_904] {strides = array<i32>} : memref<80x128xf32, #tpu.memory_space<vmem>>, vector<16xf32>,
        tpu.vector_store %arg24[%parallel_loop3A_903, %parallel_loop3A_904], %parallel_loop3A_902 {strides = array<i32>} : memref<80x128xf32, #tpu.memory_space<vmem>>, vector<16xf32>,
        %parallel_loop3A_906 = arith.index_cast %parallel_loop3A_871 : i32 to index
        %parallel_loop3A_907 = arith.constant 32 : index
        %parallel_loop3A_908 = tpu.vector_load %arg22[%parallel_loop3A_906, %parallel_loop3A_907] {strides = array<i32>} : memref<80x64xi32, #tpu.memory_space<vmem>>, vector<16xi32>,
        %parallel_loop3A_909 = arith.constant 16 : i32
        %parallel_loop3A_910 = vector.broadcast %parallel_loop3A_909 : i32 to vector<16xi32>
        %parallel_loop3A_911 = arith.shli %parallel_loop3A_908, %parallel_loop3A_910 : vector<16xi32>
        %parallel_loop3A_912 = vector.bitcast %parallel_loop3A_911 : vector<16xi32> to vector<16xf32>
        %parallel_loop3A_913 = vector.bitcast %parallel_loop3A_908 : vector<16xi32> to vector<16xf32>
        %parallel_loop3A_914 = arith.mulf %parallel_loop3A_912, %parallel_loop3A_873 : vector<16xf32>
        %parallel_loop3A_915 = arith.index_cast %parallel_loop3A_871 : i32 to index
        %parallel_loop3A_916 = arith.constant 64 : index
        %parallel_loop3A_917 = tpu.vector_load %arg24[%parallel_loop3A_915, %parallel_loop3A_916] {strides = array<i32>} : memref<80x128xf32, #tpu.memory_space<vmem>>, vector<16xf32>,
        tpu.vector_store %arg24[%parallel_loop3A_915, %parallel_loop3A_916], %parallel_loop3A_914 {strides = array<i32>} : memref<80x128xf32, #tpu.memory_space<vmem>>, vector<16xf32>,
        %parallel_loop3A_918 = arith.mulf %parallel_loop3A_913, %parallel_loop3A_873 : vector<16xf32>
        %parallel_loop3A_919 = arith.index_cast %parallel_loop3A_871 : i32 to index
        %parallel_loop3A_920 = arith.constant 80 : index
        %parallel_loop3A_921 = tpu.vector_load %arg24[%parallel_loop3A_919, %parallel_loop3A_920] {strides = array<i32>} : memref<80x128xf32, #tpu.memory_space<vmem>>, vector<16xf32>,
        tpu.vector_store %arg24[%parallel_loop3A_919, %parallel_loop3A_920], %parallel_loop3A_918 {strides = array<i32>} : memref<80x128xf32, #tpu.memory_space<vmem>>, vector<16xf32>,
        %parallel_loop3A_922 = arith.index_cast %parallel_loop3A_871 : i32 to index
        %parallel_loop3A_923 = arith.constant 48 : index
        %parallel_loop3A_924 = tpu.vector_load %arg22[%parallel_loop3A_922, %parallel_loop3A_923] {strides = array<i32>} : memref<80x64xi32, #tpu.memory_space<vmem>>, vector<16xi32>,
        %parallel_loop3A_925 = arith.constant 16 : i32
        %parallel_loop3A_926 = vector.broadcast %parallel_loop3A_925 : i32 to vector<16xi32>
        %parallel_loop3A_927 = arith.shli %parallel_loop3A_924, %parallel_loop3A_926 : vector<16xi32>
        %parallel_loop3A_928 = vector.bitcast %parallel_loop3A_927 : vector<16xi32> to vector<16xf32>
        %parallel_loop3A_929 = vector.bitcast %parallel_loop3A_924 : vector<16xi32> to vector<16xf32>
        %parallel_loop3A_930 = arith.mulf %parallel_loop3A_928, %parallel_loop3A_873 : vector<16xf32>
        %parallel_loop3A_931 = arith.index_cast %parallel_loop3A_871 : i32 to index
        %parallel_loop3A_932 = arith.constant 96 : index
        %parallel_loop3A_933 = tpu.vector_load %arg24[%parallel_loop3A_931, %parallel_loop3A_932] {strides = array<i32>} : memref<80x128xf32, #tpu.memory_space<vmem>>, vector<16xf32>,
        tpu.vector_store %arg24[%parallel_loop3A_931, %parallel_loop3A_932], %parallel_loop3A_930 {strides = array<i32>} : memref<80x128xf32, #tpu.memory_space<vmem>>, vector<16xf32>,
        %parallel_loop3A_934 = arith.mulf %parallel_loop3A_929, %parallel_loop3A_873 : vector<16xf32>
        %parallel_loop3A_935 = arith.index_cast %parallel_loop3A_871 : i32 to index
        %parallel_loop3A_936 = arith.constant 112 : index
        %parallel_loop3A_937 = tpu.vector_load %arg24[%parallel_loop3A_935, %parallel_loop3A_936] {strides = array<i32>} : memref<80x128xf32, #tpu.memory_space<vmem>>, vector<16xf32>,
        tpu.vector_store %arg24[%parallel_loop3A_935, %parallel_loop3A_936], %parallel_loop3A_934 {strides = array<i32>} : memref<80x128xf32, #tpu.memory_space<vmem>>, vector<16xf32>,
      } {sc.loop_unroll_factor = 16 : i64, sc.parallel_access}
      %dma_start3A_703 = arith.constant 0 : i32
      %dma_start3A_704 = arith.constant 0 : i32
      %dma_start3A_705 = tpu.memref_slice %arg26[%dma_start3A_703, %dma_start3A_704] : memref<10000x128xf32, #tpu.memory_space<vmem_shared>> -> memref<10000x128xf32, #tpu.memory_space<vmem_shared>>
      tpu.enqueue_indirect_dma source(%arg24 : memref<80x128xf32, #tpu.memory_space<vmem>>) target(%dma_start3A_705 : memref<10000x128xf32, #tpu.memory_space<vmem_shared>>) offsets(%arg10 : memref<80xi32, #tpu.memory_space<vmem>>) semaphore(%arg33 : memref<!tpu.dma_semaphore, #tpu.memory_space<semaphore_mem>>) {add = true}
      %dma_wait3A_706 = arith.constant 0 : i32
      %dma_wait3A_707 = tpu.memref_slice %arg2[%dma_wait3A_706] : memref<320000xi32, #tpu.memory_space<hbm>> -> memref<80xi32, #tpu.memory_space<hbm>>
      %dma_wait3A_708 = arith.constant 0 : i32
      %dma_wait3A_709 = tpu.memref_slice %arg2[%dma_wait3A_708] : memref<320000xi32, #tpu.memory_space<hbm>> -> memref<80xi32, #tpu.memory_space<hbm>>
      tpu.wait_dma2 semaphore(%arg29 : memref<!tpu.dma_semaphore, #tpu.memory_space<semaphore_mem>>) src(%dma_wait3A_709 : memref<80xi32, #tpu.memory_space<hbm>>) dst(%arg16 : memref<80xi32, #tpu.memory_space<vmem>>)
      %dma_wait3A_710 = arith.constant 0 : i32
      %dma_wait3A_711 = tpu.memref_slice %arg3[%dma_wait3A_710] : memref<320000xf32, #tpu.memory_space<hbm>> -> memref<80xf32, #tpu.memory_space<hbm>>
      %dma_wait3A_712 = arith.constant 0 : i32
      %dma_wait3A_713 = tpu.memref_slice %arg3[%dma_wait3A_712] : memref<320000xf32, #tpu.memory_space<hbm>> -> memref<80xf32, #tpu.memory_space<hbm>>
      tpu.wait_dma2 semaphore(%arg29 : memref<!tpu.dma_semaphore, #tpu.memory_space<semaphore_mem>>) src(%dma_wait3A_713 : memref<80xf32, #tpu.memory_space<hbm>>) dst(%arg20 : memref<80xf32, #tpu.memory_space<vmem>>)
      %get3A_714 = arith.constant 0 : index
      %get3A_715 = tpu.vector_load %arg16[%get3A_714] {strides = array<i32>} : memref<80xi32, #tpu.memory_space<vmem>>, vector<16xi32>,
      %and3A_716 = arith.constant 65535 : i32
      %and3A_717 = vector.broadcast %and3A_716 : i32 to vector<16xi32>
      %and3A_718 = arith.andi %get3A_715, %and3A_717 : vector<16xi32>
      %swap3A_719 = arith.constant 0 : index
      %swap3A_720 = tpu.vector_load %arg8[%swap3A_719] {strides = array<i32>} : memref<80xi32, #tpu.memory_space<vmem>>, vector<16xi32>,
      tpu.vector_store %arg8[%swap3A_719], %and3A_718 {strides = array<i32>} : memref<80xi32, #tpu.memory_space<vmem>>, vector<16xi32>,
      %shift_right_logical3A_721 = arith.constant 16 : i32
      %shift_right_logical3A_722 = vector.broadcast %shift_right_logical3A_721 : i32 to vector<16xi32>
      %shift_right_logical3A_723 = arith.shrui %get3A_715, %shift_right_logical3A_722 : vector<16xi32>
      %swap3A_724 = arith.constant 0 : index
      %swap3A_725 = tpu.vector_load %arg12[%swap3A_724] {strides = array<i32>} : memref<80xi32, #tpu.memory_space<vmem>>, vector<16xi32>,
      tpu.vector_store %arg12[%swap3A_724], %shift_right_logical3A_723 {strides = array<i32>} : memref<80xi32, #tpu.memory_space<vmem>>, vector<16xi32>,
      %get3A_726 = arith.constant 16 : index
      %get3A_727 = tpu.vector_load %arg16[%get3A_726] {strides = array<i32>} : memref<80xi32, #tpu.memory_space<vmem>>, vector<16xi32>,
      %and3A_728 = arith.constant 65535 : i32
      %and3A_729 = vector.broadcast %and3A_728 : i32 to vector<16xi32>
      %and3A_730 = arith.andi %get3A_727, %and3A_729 : vector<16xi32>
      %swap3A_731 = arith.constant 16 : index
      %swap3A_732 = tpu.vector_load %arg8[%swap3A_731] {strides = array<i32>} : memref<80xi32, #tpu.memory_space<vmem>>, vector<16xi32>,
      tpu.vector_store %arg8[%swap3A_731], %and3A_730 {strides = array<i32>} : memref<80xi32, #tpu.memory_space<vmem>>, vector<16xi32>,
      %shift_right_logical3A_733 = arith.constant 16 : i32
      %shift_right_logical3A_734 = vector.broadcast %shift_right_logical3A_733 : i32 to vector<16xi32>
      %shift_right_logical3A_735 = arith.shrui %get3A_727, %shift_right_logical3A_734 : vector<16xi32>
      %swap3A_736 = arith.constant 16 : index
      %swap3A_737 = tpu.vector_load %arg12[%swap3A_736] {strides = array<i32>} : memref<80xi32, #tpu.memory_space<vmem>>, vector<16xi32>,
      tpu.vector_store %arg12[%swap3A_736], %shift_right_logical3A_735 {strides = array<i32>} : memref<80xi32, #tpu.memory_space<vmem>>, vector<16xi32>,
      %get3A_738 = arith.constant 32 : index
      %get3A_739 = tpu.vector_load %arg16[%get3A_738] {strides = array<i32>} : memref<80xi32, #tpu.memory_space<vmem>>, vector<16xi32>,
      %and3A_740 = arith.constant 65535 : i32
      %and3A_741 = vector.broadcast %and3A_740 : i32 to vector<16xi32>
      %and3A_742 = arith.andi %get3A_739, %and3A_741 : vector<16xi32>
      %swap3A_743 = arith.constant 32 : index
      %swap3A_744 = tpu.vector_load %arg8[%swap3A_743] {strides = array<i32>} : memref<80xi32, #tpu.memory_space<vmem>>, vector<16xi32>,
      tpu.vector_store %arg8[%swap3A_743], %and3A_742 {strides = array<i32>} : memref<80xi32, #tpu.memory_space<vmem>>, vector<16xi32>,
      %shift_right_logical3A_745 = arith.constant 16 : i32
      %shift_right_logical3A_746 = vector.broadcast %shift_right_logical3A_745 : i32 to vector<16xi32>
      %shift_right_logical3A_747 = arith.shrui %get3A_739, %shift_right_logical3A_746 : vector<16xi32>
      %swap3A_748 = arith.constant 32 : index
      %swap3A_749 = tpu.vector_load %arg12[%swap3A_748] {strides = array<i32>} : memref<80xi32, #tpu.memory_space<vmem>>, vector<16xi32>,
      tpu.vector_store %arg12[%swap3A_748], %shift_right_logical3A_747 {strides = array<i32>} : memref<80xi32, #tpu.memory_space<vmem>>, vector<16xi32>,
      %get3A_750 = arith.constant 48 : index
      %get3A_751 = tpu.vector_load %arg16[%get3A_750] {strides = array<i32>} : memref<80xi32, #tpu.memory_space<vmem>>, vector<16xi32>,
      %and3A_752 = arith.constant 65535 : i32
      %and3A_753 = vector.broadcast %and3A_752 : i32 to vector<16xi32>
      %and3A_754 = arith.andi %get3A_751, %and3A_753 : vector<16xi32>
      %swap3A_755 = arith.constant 48 : index
      %swap3A_756 = tpu.vector_load %arg8[%swap3A_755] {strides = array<i32>} : memref<80xi32, #tpu.memory_space<vmem>>, vector<16xi32>,
      tpu.vector_store %arg8[%swap3A_755], %and3A_754 {strides = array<i32>} : memref<80xi32, #tpu.memory_space<vmem>>, vector<16xi32>,
      %shift_right_logical3A_757 = arith.constant 16 : i32
      %shift_right_logical3A_758 = vector.broadcast %shift_right_logical3A_757 : i32 to vector<16xi32>
      %shift_right_logical3A_759 = arith.shrui %get3A_751, %shift_right_logical3A_758 : vector<16xi32>
      %swap3A_760 = arith.constant 48 : index
      %swap3A_761 = tpu.vector_load %arg12[%swap3A_760] {strides = array<i32>} : memref<80xi32, #tpu.memory_space<vmem>>, vector<16xi32>,
      tpu.vector_store %arg12[%swap3A_760], %shift_right_logical3A_759 {strides = array<i32>} : memref<80xi32, #tpu.memory_space<vmem>>, vector<16xi32>,
      %get3A_762 = arith.constant 64 : index
      %get3A_763 = tpu.vector_load %arg16[%get3A_762] {strides = array<i32>} : memref<80xi32, #tpu.memory_space<vmem>>, vector<16xi32>,
      %and3A_764 = arith.constant 65535 : i32
      %and3A_765 = vector.broadcast %and3A_764 : i32 to vector<16xi32>
      %and3A_766 = arith.andi %get3A_763, %and3A_765 : vector<16xi32>
      %swap3A_767 = arith.constant 64 : index
      %swap3A_768 = tpu.vector_load %arg8[%swap3A_767] {strides = array<i32>} : memref<80xi32, #tpu.memory_space<vmem>>, vector<16xi32>,
      tpu.vector_store %arg8[%swap3A_767], %and3A_766 {strides = array<i32>} : memref<80xi32, #tpu.memory_space<vmem>>, vector<16xi32>,
      %shift_right_logical3A_769 = arith.constant 16 : i32
      %shift_right_logical3A_770 = vector.broadcast %shift_right_logical3A_769 : i32 to vector<16xi32>
      %shift_right_logical3A_771 = arith.shrui %get3A_763, %shift_right_logical3A_770 : vector<16xi32>
      %swap3A_772 = arith.constant 64 : index
      %swap3A_773 = tpu.vector_load %arg12[%swap3A_772] {strides = array<i32>} : memref<80xi32, #tpu.memory_space<vmem>>, vector<16xi32>,
      tpu.vector_store %arg12[%swap3A_772], %shift_right_logical3A_771 {strides = array<i32>} : memref<80xi32, #tpu.memory_space<vmem>>, vector<16xi32>,
      %dma_start3A_774 = arith.constant 0 : i32
      %dma_start3A_775 = arith.constant 0 : i32
      %dma_start3A_776 = tpu.memref_slice %arg4[%dma_start3A_774, %dma_start3A_775] : memref<10000x64xi32, #tpu.memory_space<hbm>> -> memref<10000x64xi32, #tpu.memory_space<hbm>>
      tpu.enqueue_indirect_dma source(%dma_start3A_776 : memref<10000x64xi32, #tpu.memory_space<hbm>>) target(%arg22 : memref<80x64xi32, #tpu.memory_space<vmem>>) offsets(%arg8 : memref<80xi32, #tpu.memory_space<vmem>>) semaphore(%arg31 : memref<!tpu.dma_semaphore, #tpu.memory_space<semaphore_mem>>)
      %dma_wait3A_777 = arith.constant 0 : i32
      %dma_wait3A_778 = arith.constant 0 : i32
      %dma_wait3A_779 = tpu.memref_slice %arg26[%dma_wait3A_777, %dma_wait3A_778] : memref<10000x128xf32, #tpu.memory_space<vmem_shared>> -> memref<10000x128xf32, #tpu.memory_space<vmem_shared>>
      tpu.wait_indirect_dma semaphore(%arg34 : memref<!tpu.dma_semaphore, #tpu.memory_space<semaphore_mem>>) src(%arg25 : memref<80x128xf32, #tpu.memory_space<vmem>>) dst(%dma_wait3A_779 : memref<10000x128xf32, #tpu.memory_space<vmem_shared>>)
      %add3A_780 = arith.constant 3 : i32
      %add3A_781 = arith.addi %add3A_494, %add3A_780 : i32
      %add3A_782 = arith.constant 2 : i32
      %add3A_783 = arith.addi %add3A_781, %add3A_782 : i32
      %mul3A_784 = arith.constant 80 : i32
      %mul3A_785 = arith.muli %add3A_783, %mul3A_784 : i32
      %add3A_786 = arith.addi %mul3A_2, %mul3A_785 : i32
      %dma_start3A_787 = tpu.memref_slice %arg2[%add3A_786] : memref<320000xi32, #tpu.memory_space<hbm>> -> memref<80xi32, #tpu.memory_space<hbm>>
      %dma_start3A_788 = tpu.memref_slice %arg2[%add3A_786] : memref<320000xi32, #tpu.memory_space<hbm>> -> memref<80xi32, #tpu.memory_space<hbm>>
      tpu.enqueue_dma source(%dma_start3A_788 : memref<80xi32, #tpu.memory_space<hbm>>) target(%arg17 : memref<80xi32, #tpu.memory_space<vmem>>) target_semaphore(%arg30 : memref<!tpu.dma_semaphore, #tpu.memory_space<semaphore_mem>>)
      %dma_start3A_789 = tpu.memref_slice %arg3[%add3A_786] : memref<320000xf32, #tpu.memory_space<hbm>> -> memref<80xf32, #tpu.memory_space<hbm>>
      %dma_start3A_790 = tpu.memref_slice %arg3[%add3A_786] : memref<320000xf32, #tpu.memory_space<hbm>> -> memref<80xf32, #tpu.memory_space<hbm>>
      tpu.enqueue_dma source(%dma_start3A_790 : memref<80xf32, #tpu.memory_space<hbm>>) target(%arg21 : memref<80xf32, #tpu.memory_space<vmem>>) target_semaphore(%arg30 : memref<!tpu.dma_semaphore, #tpu.memory_space<semaphore_mem>>)
      %dma_wait3A_791 = arith.constant 0 : i32
      %dma_wait3A_792 = arith.constant 0 : i32
      %dma_wait3A_793 = tpu.memref_slice %arg4[%dma_wait3A_791, %dma_wait3A_792] : memref<10000x64xi32, #tpu.memory_space<hbm>> -> memref<10000x64xi32, #tpu.memory_space<hbm>>
      tpu.wait_indirect_dma semaphore(%arg32 : memref<!tpu.dma_semaphore, #tpu.memory_space<semaphore_mem>>) src(%dma_wait3A_793 : memref<10000x64xi32, #tpu.memory_space<hbm>>) dst(%arg23 : memref<80x64xi32, #tpu.memory_space<vmem>>)
      %parallel_loop3A_794 = arith.constant 0 : i32
      %parallel_loop3A_795 = arith.constant 80 : i32
      %parallel_loop3A_796 = arith.constant 1 : i32
      scf.for %parallel_loop3A_871 = %parallel_loop3A_794 to %parallel_loop3A_795 step %parallel_loop3A_796  : i32 {
        %parallel_loop3A_872 = vector.broadcast %parallel_loop3A_871 : i32 to vector<16xi32>
        %parallel_loop3A_873 = tpu.vector_load_idx %arg19[%parallel_loop3A_872] : memref<80xf32, #tpu.memory_space<vmem>>[vector<16xi32>], vector<16xf32>,
        %parallel_loop3A_874 = arith.index_cast %parallel_loop3A_871 : i32 to index
        %parallel_loop3A_875 = arith.constant 0 : index
        %parallel_loop3A_876 = tpu.vector_load %arg23[%parallel_loop3A_874, %parallel_loop3A_875] {strides = array<i32>} : memref<80x64xi32, #tpu.memory_space<vmem>>, vector<16xi32>,
        %parallel_loop3A_877 = arith.constant 16 : i32
        %parallel_loop3A_878 = vector.broadcast %parallel_loop3A_877 : i32 to vector<16xi32>
        %parallel_loop3A_879 = arith.shli %parallel_loop3A_876, %parallel_loop3A_878 : vector<16xi32>
        %parallel_loop3A_880 = vector.bitcast %parallel_loop3A_879 : vector<16xi32> to vector<16xf32>
        %parallel_loop3A_881 = vector.bitcast %parallel_loop3A_876 : vector<16xi32> to vector<16xf32>
        %parallel_loop3A_882 = arith.mulf %parallel_loop3A_880, %parallel_loop3A_873 : vector<16xf32>
        %parallel_loop3A_883 = arith.index_cast %parallel_loop3A_871 : i32 to index
        %parallel_loop3A_884 = arith.constant 0 : index
        %parallel_loop3A_885 = tpu.vector_load %arg25[%parallel_loop3A_883, %parallel_loop3A_884] {strides = array<i32>} : memref<80x128xf32, #tpu.memory_space<vmem>>, vector<16xf32>,
        tpu.vector_store %arg25[%parallel_loop3A_883, %parallel_loop3A_884], %parallel_loop3A_882 {strides = array<i32>} : memref<80x128xf32, #tpu.memory_space<vmem>>, vector<16xf32>,
        %parallel_loop3A_886 = arith.mulf %parallel_loop3A_881, %parallel_loop3A_873 : vector<16xf32>
        %parallel_loop3A_887 = arith.index_cast %parallel_loop3A_871 : i32 to index
        %parallel_loop3A_888 = arith.constant 16 : index
        %parallel_loop3A_889 = tpu.vector_load %arg25[%parallel_loop3A_887, %parallel_loop3A_888] {strides = array<i32>} : memref<80x128xf32, #tpu.memory_space<vmem>>, vector<16xf32>,
        tpu.vector_store %arg25[%parallel_loop3A_887, %parallel_loop3A_888], %parallel_loop3A_886 {strides = array<i32>} : memref<80x128xf32, #tpu.memory_space<vmem>>, vector<16xf32>,
        %parallel_loop3A_890 = arith.index_cast %parallel_loop3A_871 : i32 to index
        %parallel_loop3A_891 = arith.constant 16 : index
        %parallel_loop3A_892 = tpu.vector_load %arg23[%parallel_loop3A_890, %parallel_loop3A_891] {strides = array<i32>} : memref<80x64xi32, #tpu.memory_space<vmem>>, vector<16xi32>,
        %parallel_loop3A_893 = arith.constant 16 : i32
        %parallel_loop3A_894 = vector.broadcast %parallel_loop3A_893 : i32 to vector<16xi32>
        %parallel_loop3A_895 = arith.shli %parallel_loop3A_892, %parallel_loop3A_894 : vector<16xi32>
        %parallel_loop3A_896 = vector.bitcast %parallel_loop3A_895 : vector<16xi32> to vector<16xf32>
        %parallel_loop3A_897 = vector.bitcast %parallel_loop3A_892 : vector<16xi32> to vector<16xf32>
        %parallel_loop3A_898 = arith.mulf %parallel_loop3A_896, %parallel_loop3A_873 : vector<16xf32>
        %parallel_loop3A_899 = arith.index_cast %parallel_loop3A_871 : i32 to index
        %parallel_loop3A_900 = arith.constant 32 : index
        %parallel_loop3A_901 = tpu.vector_load %arg25[%parallel_loop3A_899, %parallel_loop3A_900] {strides = array<i32>} : memref<80x128xf32, #tpu.memory_space<vmem>>, vector<16xf32>,
        tpu.vector_store %arg25[%parallel_loop3A_899, %parallel_loop3A_900], %parallel_loop3A_898 {strides = array<i32>} : memref<80x128xf32, #tpu.memory_space<vmem>>, vector<16xf32>,
        %parallel_loop3A_902 = arith.mulf %parallel_loop3A_897, %parallel_loop3A_873 : vector<16xf32>
        %parallel_loop3A_903 = arith.index_cast %parallel_loop3A_871 : i32 to index
        %parallel_loop3A_904 = arith.constant 48 : index
        %parallel_loop3A_905 = tpu.vector_load %arg25[%parallel_loop3A_903, %parallel_loop3A_904] {strides = array<i32>} : memref<80x128xf32, #tpu.memory_space<vmem>>, vector<16xf32>,
        tpu.vector_store %arg25[%parallel_loop3A_903, %parallel_loop3A_904], %parallel_loop3A_902 {strides = array<i32>} : memref<80x128xf32, #tpu.memory_space<vmem>>, vector<16xf32>,
        %parallel_loop3A_906 = arith.index_cast %parallel_loop3A_871 : i32 to index
        %parallel_loop3A_907 = arith.constant 32 : index
        %parallel_loop3A_908 = tpu.vector_load %arg23[%parallel_loop3A_906, %parallel_loop3A_907] {strides = array<i32>} : memref<80x64xi32, #tpu.memory_space<vmem>>, vector<16xi32>,
        %parallel_loop3A_909 = arith.constant 16 : i32
        %parallel_loop3A_910 = vector.broadcast %parallel_loop3A_909 : i32 to vector<16xi32>
        %parallel_loop3A_911 = arith.shli %parallel_loop3A_908, %parallel_loop3A_910 : vector<16xi32>
        %parallel_loop3A_912 = vector.bitcast %parallel_loop3A_911 : vector<16xi32> to vector<16xf32>
        %parallel_loop3A_913 = vector.bitcast %parallel_loop3A_908 : vector<16xi32> to vector<16xf32>
        %parallel_loop3A_914 = arith.mulf %parallel_loop3A_912, %parallel_loop3A_873 : vector<16xf32>
        %parallel_loop3A_915 = arith.index_cast %parallel_loop3A_871 : i32 to index
        %parallel_loop3A_916 = arith.constant 64 : index
        %parallel_loop3A_917 = tpu.vector_load %arg25[%parallel_loop3A_915, %parallel_loop3A_916] {strides = array<i32>} : memref<80x128xf32, #tpu.memory_space<vmem>>, vector<16xf32>,
        tpu.vector_store %arg25[%parallel_loop3A_915, %parallel_loop3A_916], %parallel_loop3A_914 {strides = array<i32>} : memref<80x128xf32, #tpu.memory_space<vmem>>, vector<16xf32>,
        %parallel_loop3A_918 = arith.mulf %parallel_loop3A_913, %parallel_loop3A_873 : vector<16xf32>
        %parallel_loop3A_919 = arith.index_cast %parallel_loop3A_871 : i32 to index
        %parallel_loop3A_920 = arith.constant 80 : index
        %parallel_loop3A_921 = tpu.vector_load %arg25[%parallel_loop3A_919, %parallel_loop3A_920] {strides = array<i32>} : memref<80x128xf32, #tpu.memory_space<vmem>>, vector<16xf32>,
        tpu.vector_store %arg25[%parallel_loop3A_919, %parallel_loop3A_920], %parallel_loop3A_918 {strides = array<i32>} : memref<80x128xf32, #tpu.memory_space<vmem>>, vector<16xf32>,
        %parallel_loop3A_922 = arith.index_cast %parallel_loop3A_871 : i32 to index
        %parallel_loop3A_923 = arith.constant 48 : index
        %parallel_loop3A_924 = tpu.vector_load %arg23[%parallel_loop3A_922, %parallel_loop3A_923] {strides = array<i32>} : memref<80x64xi32, #tpu.memory_space<vmem>>, vector<16xi32>,
        %parallel_loop3A_925 = arith.constant 16 : i32
        %parallel_loop3A_926 = vector.broadcast %parallel_loop3A_925 : i32 to vector<16xi32>
        %parallel_loop3A_927 = arith.shli %parallel_loop3A_924, %parallel_loop3A_926 : vector<16xi32>
        %parallel_loop3A_928 = vector.bitcast %parallel_loop3A_927 : vector<16xi32> to vector<16xf32>
        %parallel_loop3A_929 = vector.bitcast %parallel_loop3A_924 : vector<16xi32> to vector<16xf32>
        %parallel_loop3A_930 = arith.mulf %parallel_loop3A_928, %parallel_loop3A_873 : vector<16xf32>
        %parallel_loop3A_931 = arith.index_cast %parallel_loop3A_871 : i32 to index
        %parallel_loop3A_932 = arith.constant 96 : index
        %parallel_loop3A_933 = tpu.vector_load %arg25[%parallel_loop3A_931, %parallel_loop3A_932] {strides = array<i32>} : memref<80x128xf32, #tpu.memory_space<vmem>>, vector<16xf32>,
        tpu.vector_store %arg25[%parallel_loop3A_931, %parallel_loop3A_932], %parallel_loop3A_930 {strides = array<i32>} : memref<80x128xf32, #tpu.memory_space<vmem>>, vector<16xf32>,
        %parallel_loop3A_934 = arith.mulf %parallel_loop3A_929, %parallel_loop3A_873 : vector<16xf32>
        %parallel_loop3A_935 = arith.index_cast %parallel_loop3A_871 : i32 to index
        %parallel_loop3A_936 = arith.constant 112 : index
        %parallel_loop3A_937 = tpu.vector_load %arg25[%parallel_loop3A_935, %parallel_loop3A_936] {strides = array<i32>} : memref<80x128xf32, #tpu.memory_space<vmem>>, vector<16xf32>,
        tpu.vector_store %arg25[%parallel_loop3A_935, %parallel_loop3A_936], %parallel_loop3A_934 {strides = array<i32>} : memref<80x128xf32, #tpu.memory_space<vmem>>, vector<16xf32>,
      } {sc.loop_unroll_factor = 16 : i64, sc.parallel_access}
      %dma_start3A_797 = arith.constant 0 : i32
      %dma_start3A_798 = arith.constant 0 : i32
      %dma_start3A_799 = tpu.memref_slice %arg26[%dma_start3A_797, %dma_start3A_798] : memref<10000x128xf32, #tpu.memory_space<vmem_shared>> -> memref<10000x128xf32, #tpu.memory_space<vmem_shared>>
      tpu.enqueue_indirect_dma source(%arg25 : memref<80x128xf32, #tpu.memory_space<vmem>>) target(%dma_start3A_799 : memref<10000x128xf32, #tpu.memory_space<vmem_shared>>) offsets(%arg11 : memref<80xi32, #tpu.memory_space<vmem>>) semaphore(%arg34 : memref<!tpu.dma_semaphore, #tpu.memory_space<semaphore_mem>>) {add = true}
      %dma_wait3A_800 = arith.constant 0 : i32
      %dma_wait3A_801 = tpu.memref_slice %arg2[%dma_wait3A_800] : memref<320000xi32, #tpu.memory_space<hbm>> -> memref<80xi32, #tpu.memory_space<hbm>>
      %dma_wait3A_802 = arith.constant 0 : i32
      %dma_wait3A_803 = tpu.memref_slice %arg2[%dma_wait3A_802] : memref<320000xi32, #tpu.memory_space<hbm>> -> memref<80xi32, #tpu.memory_space<hbm>>
      tpu.wait_dma2 semaphore(%arg30 : memref<!tpu.dma_semaphore, #tpu.memory_space<semaphore_mem>>) src(%dma_wait3A_803 : memref<80xi32, #tpu.memory_space<hbm>>) dst(%arg17 : memref<80xi32, #tpu.memory_space<vmem>>)
      %dma_wait3A_804 = arith.constant 0 : i32
      %dma_wait3A_805 = tpu.memref_slice %arg3[%dma_wait3A_804] : memref<320000xf32, #tpu.memory_space<hbm>> -> memref<80xf32, #tpu.memory_space<hbm>>
      %dma_wait3A_806 = arith.constant 0 : i32
      %dma_wait3A_807 = tpu.memref_slice %arg3[%dma_wait3A_806] : memref<320000xf32, #tpu.memory_space<hbm>> -> memref<80xf32, #tpu.memory_space<hbm>>
      tpu.wait_dma2 semaphore(%arg30 : memref<!tpu.dma_semaphore, #tpu.memory_space<semaphore_mem>>) src(%dma_wait3A_807 : memref<80xf32, #tpu.memory_space<hbm>>) dst(%arg21 : memref<80xf32, #tpu.memory_space<vmem>>)
      %get3A_808 = arith.constant 0 : index
      %get3A_809 = tpu.vector_load %arg17[%get3A_808] {strides = array<i32>} : memref<80xi32, #tpu.memory_space<vmem>>, vector<16xi32>,
      %and3A_810 = arith.constant 65535 : i32
      %and3A_811 = vector.broadcast %and3A_810 : i32 to vector<16xi32>
      %and3A_812 = arith.andi %get3A_809, %and3A_811 : vector<16xi32>
      %swap3A_813 = arith.constant 0 : index
      %swap3A_814 = tpu.vector_load %arg9[%swap3A_813] {strides = array<i32>} : memref<80xi32, #tpu.memory_space<vmem>>, vector<16xi32>,
      tpu.vector_store %arg9[%swap3A_813], %and3A_812 {strides = array<i32>} : memref<80xi32, #tpu.memory_space<vmem>>, vector<16xi32>,
      %shift_right_logical3A_815 = arith.constant 16 : i32
      %shift_right_logical3A_816 = vector.broadcast %shift_right_logical3A_815 : i32 to vector<16xi32>
      %shift_right_logical3A_817 = arith.shrui %get3A_809, %shift_right_logical3A_816 : vector<16xi32>
      %swap3A_818 = arith.constant 0 : index
      %swap3A_819 = tpu.vector_load %arg13[%swap3A_818] {strides = array<i32>} : memref<80xi32, #tpu.memory_space<vmem>>, vector<16xi32>,
      tpu.vector_store %arg13[%swap3A_818], %shift_right_logical3A_817 {strides = array<i32>} : memref<80xi32, #tpu.memory_space<vmem>>, vector<16xi32>,
      %get3A_820 = arith.constant 16 : index
      %get3A_821 = tpu.vector_load %arg17[%get3A_820] {strides = array<i32>} : memref<80xi32, #tpu.memory_space<vmem>>, vector<16xi32>,
      %and3A_822 = arith.constant 65535 : i32
      %and3A_823 = vector.broadcast %and3A_822 : i32 to vector<16xi32>
      %and3A_824 = arith.andi %get3A_821, %and3A_823 : vector<16xi32>
      %swap3A_825 = arith.constant 16 : index
      %swap3A_826 = tpu.vector_load %arg9[%swap3A_825] {strides = array<i32>} : memref<80xi32, #tpu.memory_space<vmem>>, vector<16xi32>,
      tpu.vector_store %arg9[%swap3A_825], %and3A_824 {strides = array<i32>} : memref<80xi32, #tpu.memory_space<vmem>>, vector<16xi32>,
      %shift_right_logical3A_827 = arith.constant 16 : i32
      %shift_right_logical3A_828 = vector.broadcast %shift_right_logical3A_827 : i32 to vector<16xi32>
      %shift_right_logical3A_829 = arith.shrui %get3A_821, %shift_right_logical3A_828 : vector<16xi32>
      %swap3A_830 = arith.constant 16 : index
      %swap3A_831 = tpu.vector_load %arg13[%swap3A_830] {strides = array<i32>} : memref<80xi32, #tpu.memory_space<vmem>>, vector<16xi32>,
      tpu.vector_store %arg13[%swap3A_830], %shift_right_logical3A_829 {strides = array<i32>} : memref<80xi32, #tpu.memory_space<vmem>>, vector<16xi32>,
      %get3A_832 = arith.constant 32 : index
      %get3A_833 = tpu.vector_load %arg17[%get3A_832] {strides = array<i32>} : memref<80xi32, #tpu.memory_space<vmem>>, vector<16xi32>,
      %and3A_834 = arith.constant 65535 : i32
      %and3A_835 = vector.broadcast %and3A_834 : i32 to vector<16xi32>
      %and3A_836 = arith.andi %get3A_833, %and3A_835 : vector<16xi32>
      %swap3A_837 = arith.constant 32 : index
      %swap3A_838 = tpu.vector_load %arg9[%swap3A_837] {strides = array<i32>} : memref<80xi32, #tpu.memory_space<vmem>>, vector<16xi32>,
      tpu.vector_store %arg9[%swap3A_837], %and3A_836 {strides = array<i32>} : memref<80xi32, #tpu.memory_space<vmem>>, vector<16xi32>,
      %shift_right_logical3A_839 = arith.constant 16 : i32
      %shift_right_logical3A_840 = vector.broadcast %shift_right_logical3A_839 : i32 to vector<16xi32>
      %shift_right_logical3A_841 = arith.shrui %get3A_833, %shift_right_logical3A_840 : vector<16xi32>
      %swap3A_842 = arith.constant 32 : index
      %swap3A_843 = tpu.vector_load %arg13[%swap3A_842] {strides = array<i32>} : memref<80xi32, #tpu.memory_space<vmem>>, vector<16xi32>,
      tpu.vector_store %arg13[%swap3A_842], %shift_right_logical3A_841 {strides = array<i32>} : memref<80xi32, #tpu.memory_space<vmem>>, vector<16xi32>,
      %get3A_844 = arith.constant 48 : index
      %get3A_845 = tpu.vector_load %arg17[%get3A_844] {strides = array<i32>} : memref<80xi32, #tpu.memory_space<vmem>>, vector<16xi32>,
      %and3A_846 = arith.constant 65535 : i32
      %and3A_847 = vector.broadcast %and3A_846 : i32 to vector<16xi32>
      %and3A_848 = arith.andi %get3A_845, %and3A_847 : vector<16xi32>
      %swap3A_849 = arith.constant 48 : index
      %swap3A_850 = tpu.vector_load %arg9[%swap3A_849] {strides = array<i32>} : memref<80xi32, #tpu.memory_space<vmem>>, vector<16xi32>,
      tpu.vector_store %arg9[%swap3A_849], %and3A_848 {strides = array<i32>} : memref<80xi32, #tpu.memory_space<vmem>>, vector<16xi32>,
      %shift_right_logical3A_851 = arith.constant 16 : i32
      %shift_right_logical3A_852 = vector.broadcast %shift_right_logical3A_851 : i32 to vector<16xi32>
      %shift_right_logical3A_853 = arith.shrui %get3A_845, %shift_right_logical3A_852 : vector<16xi32>
      %swap3A_854 = arith.constant 48 : index
      %swap3A_855 = tpu.vector_load %arg13[%swap3A_854] {strides = array<i32>} : memref<80xi32, #tpu.memory_space<vmem>>, vector<16xi32>,
      tpu.vector_store %arg13[%swap3A_854], %shift_right_logical3A_853 {strides = array<i32>} : memref<80xi32, #tpu.memory_space<vmem>>, vector<16xi32>,
      %get3A_856 = arith.constant 64 : index
      %get3A_857 = tpu.vector_load %arg17[%get3A_856] {strides = array<i32>} : memref<80xi32, #tpu.memory_space<vmem>>, vector<16xi32>,
      %and3A_858 = arith.constant 65535 : i32
      %and3A_859 = vector.broadcast %and3A_858 : i32 to vector<16xi32>
      %and3A_860 = arith.andi %get3A_857, %and3A_859 : vector<16xi32>
      %swap3A_861 = arith.constant 64 : index
      %swap3A_862 = tpu.vector_load %arg9[%swap3A_861] {strides = array<i32>} : memref<80xi32, #tpu.memory_space<vmem>>, vector<16xi32>,
      tpu.vector_store %arg9[%swap3A_861], %and3A_860 {strides = array<i32>} : memref<80xi32, #tpu.memory_space<vmem>>, vector<16xi32>,
      %shift_right_logical3A_863 = arith.constant 16 : i32
      %shift_right_logical3A_864 = vector.broadcast %shift_right_logical3A_863 : i32 to vector<16xi32>
      %shift_right_logical3A_865 = arith.shrui %get3A_857, %shift_right_logical3A_864 : vector<16xi32>
      %swap3A_866 = arith.constant 64 : index
      %swap3A_867 = tpu.vector_load %arg13[%swap3A_866] {strides = array<i32>} : memref<80xi32, #tpu.memory_space<vmem>>, vector<16xi32>,
      tpu.vector_store %arg13[%swap3A_866], %shift_right_logical3A_865 {strides = array<i32>} : memref<80xi32, #tpu.memory_space<vmem>>, vector<16xi32>,
      %dma_start3A_868 = arith.constant 0 : i32
      %dma_start3A_869 = arith.constant 0 : i32
      %dma_start3A_870 = tpu.memref_slice %arg4[%dma_start3A_868, %dma_start3A_869] : memref<10000x64xi32, #tpu.memory_space<hbm>> -> memref<10000x64xi32, #tpu.memory_space<hbm>>
      tpu.enqueue_indirect_dma source(%dma_start3A_870 : memref<10000x64xi32, #tpu.memory_space<hbm>>) target(%arg23 : memref<80x64xi32, #tpu.memory_space<vmem>>) offsets(%arg9 : memref<80xi32, #tpu.memory_space<vmem>>) semaphore(%arg32 : memref<!tpu.dma_semaphore, #tpu.memory_space<semaphore_mem>>)
    }
    %scan3A_352 = arith.constant 30 : i32
    %dma_wait3A_353 = arith.constant 0 : i32
    %dma_wait3A_354 = arith.constant 0 : i32
    %dma_wait3A_355 = tpu.memref_slice %arg26[%dma_wait3A_353, %dma_wait3A_354] : memref<10000x128xf32, #tpu.memory_space<vmem_shared>> -> memref<10000x128xf32, #tpu.memory_space<vmem_shared>>
    tpu.wait_indirect_dma semaphore(%arg33 : memref<!tpu.dma_semaphore, #tpu.memory_space<semaphore_mem>>) src(%arg24 : memref<80x128xf32, #tpu.memory_space<vmem>>) dst(%dma_wait3A_355 : memref<10000x128xf32, #tpu.memory_space<vmem_shared>>)
    %add3A_356 = arith.constant 9920 : i32
    %add3A_357 = arith.addi %mul3A_2, %add3A_356 : i32
    %dma_start3A_358 = tpu.memref_slice %arg2[%add3A_357] : memref<320000xi32, #tpu.memory_space<hbm>> -> memref<80xi32, #tpu.memory_space<hbm>>
    %dma_start3A_359 = tpu.memref_slice %arg2[%add3A_357] : memref<320000xi32, #tpu.memory_space<hbm>> -> memref<80xi32, #tpu.memory_space<hbm>>
    tpu.enqueue_dma source(%dma_start3A_359 : memref<80xi32, #tpu.memory_space<hbm>>) target(%arg14 : memref<80xi32, #tpu.memory_space<vmem>>) target_semaphore(%arg27 : memref<!tpu.dma_semaphore, #tpu.memory_space<semaphore_mem>>)
    %dma_start3A_360 = tpu.memref_slice %arg3[%add3A_357] : memref<320000xf32, #tpu.memory_space<hbm>> -> memref<80xf32, #tpu.memory_space<hbm>>
    %dma_start3A_361 = tpu.memref_slice %arg3[%add3A_357] : memref<320000xf32, #tpu.memory_space<hbm>> -> memref<80xf32, #tpu.memory_space<hbm>>
    tpu.enqueue_dma source(%dma_start3A_361 : memref<80xf32, #tpu.memory_space<hbm>>) target(%arg18 : memref<80xf32, #tpu.memory_space<vmem>>) target_semaphore(%arg27 : memref<!tpu.dma_semaphore, #tpu.memory_space<semaphore_mem>>)
    %dma_wait3A_362 = arith.constant 0 : i32
    %dma_wait3A_363 = arith.constant 0 : i32
    %dma_wait3A_364 = tpu.memref_slice %arg4[%dma_wait3A_362, %dma_wait3A_363] : memref<10000x64xi32, #tpu.memory_space<hbm>> -> memref<10000x64xi32, #tpu.memory_space<hbm>>
    tpu.wait_indirect_dma semaphore(%arg31 : memref<!tpu.dma_semaphore, #tpu.memory_space<semaphore_mem>>) src(%dma_wait3A_364 : memref<10000x64xi32, #tpu.memory_space<hbm>>) dst(%arg22 : memref<80x64xi32, #tpu.memory_space<vmem>>)
    %parallel_loop3A_365 = arith.constant 0 : i32
    %parallel_loop3A_366 = arith.constant 80 : i32
    %parallel_loop3A_367 = arith.constant 1 : i32
    scf.for %parallel_loop3A_486 = %parallel_loop3A_365 to %parallel_loop3A_366 step %parallel_loop3A_367  : i32 {
      %parallel_loop3A_487 = vector.broadcast %parallel_loop3A_486 : i32 to vector<16xi32>
      %parallel_loop3A_488 = tpu.vector_load_idx %arg20[%parallel_loop3A_487] : memref<80xf32, #tpu.memory_space<vmem>>[vector<16xi32>], vector<16xf32>,
      %parallel_loop3A_489 = arith.index_cast %parallel_loop3A_486 : i32 to index
      %parallel_loop3A_490 = arith.constant 0 : index
      %parallel_loop3A_491 = tpu.vector_load %arg22[%parallel_loop3A_489, %parallel_loop3A_490] {strides = array<i32>} : memref<80x64xi32, #tpu.memory_space<vmem>>, vector<16xi32>,
      %parallel_loop3A_492 = arith.constant 16 : i32
      %parallel_loop3A_493 = vector.broadcast %parallel_loop3A_492 : i32 to vector<16xi32>
      %parallel_loop3A_494 = arith.shli %parallel_loop3A_491, %parallel_loop3A_493 : vector<16xi32>
      %parallel_loop3A_495 = vector.bitcast %parallel_loop3A_494 : vector<16xi32> to vector<16xf32>
      %parallel_loop3A_496 = vector.bitcast %parallel_loop3A_491 : vector<16xi32> to vector<16xf32>
      %parallel_loop3A_497 = arith.mulf %parallel_loop3A_495, %parallel_loop3A_488 : vector<16xf32>
      %parallel_loop3A_498 = arith.index_cast %parallel_loop3A_486 : i32 to index
      %parallel_loop3A_499 = arith.constant 0 : index
      %parallel_loop3A_500 = tpu.vector_load %arg24[%parallel_loop3A_498, %parallel_loop3A_499] {strides = array<i32>} : memref<80x128xf32, #tpu.memory_space<vmem>>, vector<16xf32>,
      tpu.vector_store %arg24[%parallel_loop3A_498, %parallel_loop3A_499], %parallel_loop3A_497 {strides = array<i32>} : memref<80x128xf32, #tpu.memory_space<vmem>>, vector<16xf32>,
      %parallel_loop3A_501 = arith.mulf %parallel_loop3A_496, %parallel_loop3A_488 : vector<16xf32>
      %parallel_loop3A_502 = arith.index_cast %parallel_loop3A_486 : i32 to index
      %parallel_loop3A_503 = arith.constant 16 : index
      %parallel_loop3A_504 = tpu.vector_load %arg24[%parallel_loop3A_502, %parallel_loop3A_503] {strides = array<i32>} : memref<80x128xf32, #tpu.memory_space<vmem>>, vector<16xf32>,
      tpu.vector_store %arg24[%parallel_loop3A_502, %parallel_loop3A_503], %parallel_loop3A_501 {strides = array<i32>} : memref<80x128xf32, #tpu.memory_space<vmem>>, vector<16xf32>,
      %parallel_loop3A_505 = arith.index_cast %parallel_loop3A_486 : i32 to index
      %parallel_loop3A_506 = arith.constant 16 : index
      %parallel_loop3A_507 = tpu.vector_load %arg22[%parallel_loop3A_505, %parallel_loop3A_506] {strides = array<i32>} : memref<80x64xi32, #tpu.memory_space<vmem>>, vector<16xi32>,
      %parallel_loop3A_508 = arith.constant 16 : i32
      %parallel_loop3A_509 = vector.broadcast %parallel_loop3A_508 : i32 to vector<16xi32>
      %parallel_loop3A_510 = arith.shli %parallel_loop3A_507, %parallel_loop3A_509 : vector<16xi32>
      %parallel_loop3A_511 = vector.bitcast %parallel_loop3A_510 : vector<16xi32> to vector<16xf32>
      %parallel_loop3A_512 = vector.bitcast %parallel_loop3A_507 : vector<16xi32> to vector<16xf32>
      %parallel_loop3A_513 = arith.mulf %parallel_loop3A_511, %parallel_loop3A_488 : vector<16xf32>
      %parallel_loop3A_514 = arith.index_cast %parallel_loop3A_486 : i32 to index
      %parallel_loop3A_515 = arith.constant 32 : index
      %parallel_loop3A_516 = tpu.vector_load %arg24[%parallel_loop3A_514, %parallel_loop3A_515] {strides = array<i32>} : memref<80x128xf32, #tpu.memory_space<vmem>>, vector<16xf32>,
      tpu.vector_store %arg24[%parallel_loop3A_514, %parallel_loop3A_515], %parallel_loop3A_513 {strides = array<i32>} : memref<80x128xf32, #tpu.memory_space<vmem>>, vector<16xf32>,
      %parallel_loop3A_517 = arith.mulf %parallel_loop3A_512, %parallel_loop3A_488 : vector<16xf32>
      %parallel_loop3A_518 = arith.index_cast %parallel_loop3A_486 : i32 to index
      %parallel_loop3A_519 = arith.constant 48 : index
      %parallel_loop3A_520 = tpu.vector_load %arg24[%parallel_loop3A_518, %parallel_loop3A_519] {strides = array<i32>} : memref<80x128xf32, #tpu.memory_space<vmem>>, vector<16xf32>,
      tpu.vector_store %arg24[%parallel_loop3A_518, %parallel_loop3A_519], %parallel_loop3A_517 {strides = array<i32>} : memref<80x128xf32, #tpu.memory_space<vmem>>, vector<16xf32>,
      %parallel_loop3A_521 = arith.index_cast %parallel_loop3A_486 : i32 to index
      %parallel_loop3A_522 = arith.constant 32 : index
      %parallel_loop3A_523 = tpu.vector_load %arg22[%parallel_loop3A_521, %parallel_loop3A_522] {strides = array<i32>} : memref<80x64xi32, #tpu.memory_space<vmem>>, vector<16xi32>,
      %parallel_loop3A_524 = arith.constant 16 : i32
      %parallel_loop3A_525 = vector.broadcast %parallel_loop3A_524 : i32 to vector<16xi32>
      %parallel_loop3A_526 = arith.shli %parallel_loop3A_523, %parallel_loop3A_525 : vector<16xi32>
      %parallel_loop3A_527 = vector.bitcast %parallel_loop3A_526 : vector<16xi32> to vector<16xf32>
      %parallel_loop3A_528 = vector.bitcast %parallel_loop3A_523 : vector<16xi32> to vector<16xf32>
      %parallel_loop3A_529 = arith.mulf %parallel_loop3A_527, %parallel_loop3A_488 : vector<16xf32>
      %parallel_loop3A_530 = arith.index_cast %parallel_loop3A_486 : i32 to index
      %parallel_loop3A_531 = arith.constant 64 : index
      %parallel_loop3A_532 = tpu.vector_load %arg24[%parallel_loop3A_530, %parallel_loop3A_531] {strides = array<i32>} : memref<80x128xf32, #tpu.memory_space<vmem>>, vector<16xf32>,
      tpu.vector_store %arg24[%parallel_loop3A_530, %parallel_loop3A_531], %parallel_loop3A_529 {strides = array<i32>} : memref<80x128xf32, #tpu.memory_space<vmem>>, vector<16xf32>,
      %parallel_loop3A_533 = arith.mulf %parallel_loop3A_528, %parallel_loop3A_488 : vector<16xf32>
      %parallel_loop3A_534 = arith.index_cast %parallel_loop3A_486 : i32 to index
      %parallel_loop3A_535 = arith.constant 80 : index
      %parallel_loop3A_536 = tpu.vector_load %arg24[%parallel_loop3A_534, %parallel_loop3A_535] {strides = array<i32>} : memref<80x128xf32, #tpu.memory_space<vmem>>, vector<16xf32>,
      tpu.vector_store %arg24[%parallel_loop3A_534, %parallel_loop3A_535], %parallel_loop3A_533 {strides = array<i32>} : memref<80x128xf32, #tpu.memory_space<vmem>>, vector<16xf32>,
      %parallel_loop3A_537 = arith.index_cast %parallel_loop3A_486 : i32 to index
      %parallel_loop3A_538 = arith.constant 48 : index
      %parallel_loop3A_539 = tpu.vector_load %arg22[%parallel_loop3A_537, %parallel_loop3A_538] {strides = array<i32>} : memref<80x64xi32, #tpu.memory_space<vmem>>, vector<16xi32>,
      %parallel_loop3A_540 = arith.constant 16 : i32
      %parallel_loop3A_541 = vector.broadcast %parallel_loop3A_540 : i32 to vector<16xi32>
      %parallel_loop3A_542 = arith.shli %parallel_loop3A_539, %parallel_loop3A_541 : vector<16xi32>
      %parallel_loop3A_543 = vector.bitcast %parallel_loop3A_542 : vector<16xi32> to vector<16xf32>
      %parallel_loop3A_544 = vector.bitcast %parallel_loop3A_539 : vector<16xi32> to vector<16xf32>
      %parallel_loop3A_545 = arith.mulf %parallel_loop3A_543, %parallel_loop3A_488 : vector<16xf32>
      %parallel_loop3A_546 = arith.index_cast %parallel_loop3A_486 : i32 to index
      %parallel_loop3A_547 = arith.constant 96 : index
      %parallel_loop3A_548 = tpu.vector_load %arg24[%parallel_loop3A_546, %parallel_loop3A_547] {strides = array<i32>} : memref<80x128xf32, #tpu.memory_space<vmem>>, vector<16xf32>,
      tpu.vector_store %arg24[%parallel_loop3A_546, %parallel_loop3A_547], %parallel_loop3A_545 {strides = array<i32>} : memref<80x128xf32, #tpu.memory_space<vmem>>, vector<16xf32>,
      %parallel_loop3A_549 = arith.mulf %parallel_loop3A_544, %parallel_loop3A_488 : vector<16xf32>
      %parallel_loop3A_550 = arith.index_cast %parallel_loop3A_486 : i32 to index
      %parallel_loop3A_551 = arith.constant 112 : index
      %parallel_loop3A_552 = tpu.vector_load %arg24[%parallel_loop3A_550, %parallel_loop3A_551] {strides = array<i32>} : memref<80x128xf32, #tpu.memory_space<vmem>>, vector<16xf32>,
      tpu.vector_store %arg24[%parallel_loop3A_550, %parallel_loop3A_551], %parallel_loop3A_549 {strides = array<i32>} : memref<80x128xf32, #tpu.memory_space<vmem>>, vector<16xf32>,
    } {sc.loop_unroll_factor = 16 : i64, sc.parallel_access}
    %dma_start3A_368 = arith.constant 0 : i32
    %dma_start3A_369 = arith.constant 0 : i32
    %dma_start3A_370 = tpu.memref_slice %arg26[%dma_start3A_368, %dma_start3A_369] : memref<10000x128xf32, #tpu.memory_space<vmem_shared>> -> memref<10000x128xf32, #tpu.memory_space<vmem_shared>>
    tpu.enqueue_indirect_dma source(%arg24 : memref<80x128xf32, #tpu.memory_space<vmem>>) target(%dma_start3A_370 : memref<10000x128xf32, #tpu.memory_space<vmem_shared>>) offsets(%arg12 : memref<80xi32, #tpu.memory_space<vmem>>) semaphore(%arg33 : memref<!tpu.dma_semaphore, #tpu.memory_space<semaphore_mem>>) {add = true}
    %dma_wait3A_371 = arith.constant 0 : i32
    %dma_wait3A_372 = tpu.memref_slice %arg2[%dma_wait3A_371] : memref<320000xi32, #tpu.memory_space<hbm>> -> memref<80xi32, #tpu.memory_space<hbm>>
    %dma_wait3A_373 = arith.constant 0 : i32
    %dma_wait3A_374 = tpu.memref_slice %arg2[%dma_wait3A_373] : memref<320000xi32, #tpu.memory_space<hbm>> -> memref<80xi32, #tpu.memory_space<hbm>>
    tpu.wait_dma2 semaphore(%arg27 : memref<!tpu.dma_semaphore, #tpu.memory_space<semaphore_mem>>) src(%dma_wait3A_374 : memref<80xi32, #tpu.memory_space<hbm>>) dst(%arg14 : memref<80xi32, #tpu.memory_space<vmem>>)
    %dma_wait3A_375 = arith.constant 0 : i32
    %dma_wait3A_376 = tpu.memref_slice %arg3[%dma_wait3A_375] : memref<320000xf32, #tpu.memory_space<hbm>> -> memref<80xf32, #tpu.memory_space<hbm>>
    %dma_wait3A_377 = arith.constant 0 : i32
    %dma_wait3A_378 = tpu.memref_slice %arg3[%dma_wait3A_377] : memref<320000xf32, #tpu.memory_space<hbm>> -> memref<80xf32, #tpu.memory_space<hbm>>
    tpu.wait_dma2 semaphore(%arg27 : memref<!tpu.dma_semaphore, #tpu.memory_space<semaphore_mem>>) src(%dma_wait3A_378 : memref<80xf32, #tpu.memory_space<hbm>>) dst(%arg18 : memref<80xf32, #tpu.memory_space<vmem>>)
    %get3A_379 = arith.constant 0 : index
    %get3A_380 = tpu.vector_load %arg14[%get3A_379] {strides = array<i32>} : memref<80xi32, #tpu.memory_space<vmem>>, vector<16xi32>,
    %and3A_381 = arith.constant 65535 : i32
    %and3A_382 = vector.broadcast %and3A_381 : i32 to vector<16xi32>
    %and3A_383 = arith.andi %get3A_380, %and3A_382 : vector<16xi32>
    %swap3A_384 = arith.constant 0 : index
    %swap3A_385 = tpu.vector_load %arg6[%swap3A_384] {strides = array<i32>} : memref<80xi32, #tpu.memory_space<vmem>>, vector<16xi32>,
    tpu.vector_store %arg6[%swap3A_384], %and3A_383 {strides = array<i32>} : memref<80xi32, #tpu.memory_space<vmem>>, vector<16xi32>,
    %shift_right_logical3A_386 = arith.constant 16 : i32
    %shift_right_logical3A_387 = vector.broadcast %shift_right_logical3A_386 : i32 to vector<16xi32>
    %shift_right_logical3A_388 = arith.shrui %get3A_380, %shift_right_logical3A_387 : vector<16xi32>
    %swap3A_389 = arith.constant 0 : index
    %swap3A_390 = tpu.vector_load %arg10[%swap3A_389] {strides = array<i32>} : memref<80xi32, #tpu.memory_space<vmem>>, vector<16xi32>,
    tpu.vector_store %arg10[%swap3A_389], %shift_right_logical3A_388 {strides = array<i32>} : memref<80xi32, #tpu.memory_space<vmem>>, vector<16xi32>,
    %get3A_391 = arith.constant 16 : index
    %get3A_392 = tpu.vector_load %arg14[%get3A_391] {strides = array<i32>} : memref<80xi32, #tpu.memory_space<vmem>>, vector<16xi32>,
    %and3A_393 = arith.constant 65535 : i32
    %and3A_394 = vector.broadcast %and3A_393 : i32 to vector<16xi32>
    %and3A_395 = arith.andi %get3A_392, %and3A_394 : vector<16xi32>
    %swap3A_396 = arith.constant 16 : index
    %swap3A_397 = tpu.vector_load %arg6[%swap3A_396] {strides = array<i32>} : memref<80xi32, #tpu.memory_space<vmem>>, vector<16xi32>,
    tpu.vector_store %arg6[%swap3A_396], %and3A_395 {strides = array<i32>} : memref<80xi32, #tpu.memory_space<vmem>>, vector<16xi32>,
    %shift_right_logical3A_398 = arith.constant 16 : i32
    %shift_right_logical3A_399 = vector.broadcast %shift_right_logical3A_398 : i32 to vector<16xi32>
    %shift_right_logical3A_400 = arith.shrui %get3A_392, %shift_right_logical3A_399 : vector<16xi32>
    %swap3A_401 = arith.constant 16 : index
    %swap3A_402 = tpu.vector_load %arg10[%swap3A_401] {strides = array<i32>} : memref<80xi32, #tpu.memory_space<vmem>>, vector<16xi32>,
    tpu.vector_store %arg10[%swap3A_401], %shift_right_logical3A_400 {strides = array<i32>} : memref<80xi32, #tpu.memory_space<vmem>>, vector<16xi32>,
    %get3A_403 = arith.constant 32 : index
    %get3A_404 = tpu.vector_load %arg14[%get3A_403] {strides = array<i32>} : memref<80xi32, #tpu.memory_space<vmem>>, vector<16xi32>,
    %and3A_405 = arith.constant 65535 : i32
    %and3A_406 = vector.broadcast %and3A_405 : i32 to vector<16xi32>
    %and3A_407 = arith.andi %get3A_404, %and3A_406 : vector<16xi32>
    %swap3A_408 = arith.constant 32 : index
    %swap3A_409 = tpu.vector_load %arg6[%swap3A_408] {strides = array<i32>} : memref<80xi32, #tpu.memory_space<vmem>>, vector<16xi32>,
    tpu.vector_store %arg6[%swap3A_408], %and3A_407 {strides = array<i32>} : memref<80xi32, #tpu.memory_space<vmem>>, vector<16xi32>,
    %shift_right_logical3A_410 = arith.constant 16 : i32
    %shift_right_logical3A_411 = vector.broadcast %shift_right_logical3A_410 : i32 to vector<16xi32>
    %shift_right_logical3A_412 = arith.shrui %get3A_404, %shift_right_logical3A_411 : vector<16xi32>
    %swap3A_413 = arith.constant 32 : index
    %swap3A_414 = tpu.vector_load %arg10[%swap3A_413] {strides = array<i32>} : memref<80xi32, #tpu.memory_space<vmem>>, vector<16xi32>,
    tpu.vector_store %arg10[%swap3A_413], %shift_right_logical3A_412 {strides = array<i32>} : memref<80xi32, #tpu.memory_space<vmem>>, vector<16xi32>,
    %get3A_415 = arith.constant 48 : index
    %get3A_416 = tpu.vector_load %arg14[%get3A_415] {strides = array<i32>} : memref<80xi32, #tpu.memory_space<vmem>>, vector<16xi32>,
    %and3A_417 = arith.constant 65535 : i32
    %and3A_418 = vector.broadcast %and3A_417 : i32 to vector<16xi32>
    %and3A_419 = arith.andi %get3A_416, %and3A_418 : vector<16xi32>
    %swap3A_420 = arith.constant 48 : index
    %swap3A_421 = tpu.vector_load %arg6[%swap3A_420] {strides = array<i32>} : memref<80xi32, #tpu.memory_space<vmem>>, vector<16xi32>,
    tpu.vector_store %arg6[%swap3A_420], %and3A_419 {strides = array<i32>} : memref<80xi32, #tpu.memory_space<vmem>>, vector<16xi32>,
    %shift_right_logical3A_422 = arith.constant 16 : i32
    %shift_right_logical3A_423 = vector.broadcast %shift_right_logical3A_422 : i32 to vector<16xi32>
    %shift_right_logical3A_424 = arith.shrui %get3A_416, %shift_right_logical3A_423 : vector<16xi32>
    %swap3A_425 = arith.constant 48 : index
    %swap3A_426 = tpu.vector_load %arg10[%swap3A_425] {strides = array<i32>} : memref<80xi32, #tpu.memory_space<vmem>>, vector<16xi32>,
    tpu.vector_store %arg10[%swap3A_425], %shift_right_logical3A_424 {strides = array<i32>} : memref<80xi32, #tpu.memory_space<vmem>>, vector<16xi32>,
    %get3A_427 = arith.constant 64 : index
    %get3A_428 = tpu.vector_load %arg14[%get3A_427] {strides = array<i32>} : memref<80xi32, #tpu.memory_space<vmem>>, vector<16xi32>,
    %and3A_429 = arith.constant 65535 : i32
    %and3A_430 = vector.broadcast %and3A_429 : i32 to vector<16xi32>
    %and3A_431 = arith.andi %get3A_428, %and3A_430 : vector<16xi32>
    %swap3A_432 = arith.constant 64 : index
    %swap3A_433 = tpu.vector_load %arg6[%swap3A_432] {strides = array<i32>} : memref<80xi32, #tpu.memory_space<vmem>>, vector<16xi32>,
    tpu.vector_store %arg6[%swap3A_432], %and3A_431 {strides = array<i32>} : memref<80xi32, #tpu.memory_space<vmem>>, vector<16xi32>,
    %shift_right_logical3A_434 = arith.constant 16 : i32
    %shift_right_logical3A_435 = vector.broadcast %shift_right_logical3A_434 : i32 to vector<16xi32>
    %shift_right_logical3A_436 = arith.shrui %get3A_428, %shift_right_logical3A_435 : vector<16xi32>
    %swap3A_437 = arith.constant 64 : index
    %swap3A_438 = tpu.vector_load %arg10[%swap3A_437] {strides = array<i32>} : memref<80xi32, #tpu.memory_space<vmem>>, vector<16xi32>,
    tpu.vector_store %arg10[%swap3A_437], %shift_right_logical3A_436 {strides = array<i32>} : memref<80xi32, #tpu.memory_space<vmem>>, vector<16xi32>,
    %dma_start3A_439 = arith.constant 0 : i32
    %dma_start3A_440 = arith.constant 0 : i32
    %dma_start3A_441 = tpu.memref_slice %arg4[%dma_start3A_439, %dma_start3A_440] : memref<10000x64xi32, #tpu.memory_space<hbm>> -> memref<10000x64xi32, #tpu.memory_space<hbm>>
    tpu.enqueue_indirect_dma source(%dma_start3A_441 : memref<10000x64xi32, #tpu.memory_space<hbm>>) target(%arg22 : memref<80x64xi32, #tpu.memory_space<vmem>>) offsets(%arg6 : memref<80xi32, #tpu.memory_space<vmem>>) semaphore(%arg31 : memref<!tpu.dma_semaphore, #tpu.memory_space<semaphore_mem>>)
    %dma_wait3A_442 = arith.constant 0 : i32
    %dma_wait3A_443 = arith.constant 0 : i32
    %dma_wait3A_444 = tpu.memref_slice %arg26[%dma_wait3A_442, %dma_wait3A_443] : memref<10000x128xf32, #tpu.memory_space<vmem_shared>> -> memref<10000x128xf32, #tpu.memory_space<vmem_shared>>
    tpu.wait_indirect_dma semaphore(%arg34 : memref<!tpu.dma_semaphore, #tpu.memory_space<semaphore_mem>>) src(%arg25 : memref<80x128xf32, #tpu.memory_space<vmem>>) dst(%dma_wait3A_444 : memref<10000x128xf32, #tpu.memory_space<vmem_shared>>)
    %dma_wait3A_445 = arith.constant 0 : i32
    %dma_wait3A_446 = arith.constant 0 : i32
    %dma_wait3A_447 = tpu.memref_slice %arg4[%dma_wait3A_445, %dma_wait3A_446] : memref<10000x64xi32, #tpu.memory_space<hbm>> -> memref<10000x64xi32, #tpu.memory_space<hbm>>
    tpu.wait_indirect_dma semaphore(%arg32 : memref<!tpu.dma_semaphore, #tpu.memory_space<semaphore_mem>>) src(%dma_wait3A_447 : memref<10000x64xi32, #tpu.memory_space<hbm>>) dst(%arg23 : memref<80x64xi32, #tpu.memory_space<vmem>>)
    %parallel_loop3A_448 = arith.constant 0 : i32
    %parallel_loop3A_449 = arith.constant 80 : i32
    %parallel_loop3A_450 = arith.constant 1 : i32
    scf.for %parallel_loop3A_486 = %parallel_loop3A_448 to %parallel_loop3A_449 step %parallel_loop3A_450  : i32 {
      %parallel_loop3A_487 = vector.broadcast %parallel_loop3A_486 : i32 to vector<16xi32>
      %parallel_loop3A_488 = tpu.vector_load_idx %arg21[%parallel_loop3A_487] : memref<80xf32, #tpu.memory_space<vmem>>[vector<16xi32>], vector<16xf32>,
      %parallel_loop3A_489 = arith.index_cast %parallel_loop3A_486 : i32 to index
      %parallel_loop3A_490 = arith.constant 0 : index
      %parallel_loop3A_491 = tpu.vector_load %arg23[%parallel_loop3A_489, %parallel_loop3A_490] {strides = array<i32>} : memref<80x64xi32, #tpu.memory_space<vmem>>, vector<16xi32>,
      %parallel_loop3A_492 = arith.constant 16 : i32
      %parallel_loop3A_493 = vector.broadcast %parallel_loop3A_492 : i32 to vector<16xi32>
      %parallel_loop3A_494 = arith.shli %parallel_loop3A_491, %parallel_loop3A_493 : vector<16xi32>
      %parallel_loop3A_495 = vector.bitcast %parallel_loop3A_494 : vector<16xi32> to vector<16xf32>
      %parallel_loop3A_496 = vector.bitcast %parallel_loop3A_491 : vector<16xi32> to vector<16xf32>
      %parallel_loop3A_497 = arith.mulf %parallel_loop3A_495, %parallel_loop3A_488 : vector<16xf32>
      %parallel_loop3A_498 = arith.index_cast %parallel_loop3A_486 : i32 to index
      %parallel_loop3A_499 = arith.constant 0 : index
      %parallel_loop3A_500 = tpu.vector_load %arg25[%parallel_loop3A_498, %parallel_loop3A_499] {strides = array<i32>} : memref<80x128xf32, #tpu.memory_space<vmem>>, vector<16xf32>,
      tpu.vector_store %arg25[%parallel_loop3A_498, %parallel_loop3A_499], %parallel_loop3A_497 {strides = array<i32>} : memref<80x128xf32, #tpu.memory_space<vmem>>, vector<16xf32>,
      %parallel_loop3A_501 = arith.mulf %parallel_loop3A_496, %parallel_loop3A_488 : vector<16xf32>
      %parallel_loop3A_502 = arith.index_cast %parallel_loop3A_486 : i32 to index
      %parallel_loop3A_503 = arith.constant 16 : index
      %parallel_loop3A_504 = tpu.vector_load %arg25[%parallel_loop3A_502, %parallel_loop3A_503] {strides = array<i32>} : memref<80x128xf32, #tpu.memory_space<vmem>>, vector<16xf32>,
      tpu.vector_store %arg25[%parallel_loop3A_502, %parallel_loop3A_503], %parallel_loop3A_501 {strides = array<i32>} : memref<80x128xf32, #tpu.memory_space<vmem>>, vector<16xf32>,
      %parallel_loop3A_505 = arith.index_cast %parallel_loop3A_486 : i32 to index
      %parallel_loop3A_506 = arith.constant 16 : index
      %parallel_loop3A_507 = tpu.vector_load %arg23[%parallel_loop3A_505, %parallel_loop3A_506] {strides = array<i32>} : memref<80x64xi32, #tpu.memory_space<vmem>>, vector<16xi32>,
      %parallel_loop3A_508 = arith.constant 16 : i32
      %parallel_loop3A_509 = vector.broadcast %parallel_loop3A_508 : i32 to vector<16xi32>
      %parallel_loop3A_510 = arith.shli %parallel_loop3A_507, %parallel_loop3A_509 : vector<16xi32>
      %parallel_loop3A_511 = vector.bitcast %parallel_loop3A_510 : vector<16xi32> to vector<16xf32>
      %parallel_loop3A_512 = vector.bitcast %parallel_loop3A_507 : vector<16xi32> to vector<16xf32>
      %parallel_loop3A_513 = arith.mulf %parallel_loop3A_511, %parallel_loop3A_488 : vector<16xf32>
      %parallel_loop3A_514 = arith.index_cast %parallel_loop3A_486 : i32 to index
      %parallel_loop3A_515 = arith.constant 32 : index
      %parallel_loop3A_516 = tpu.vector_load %arg25[%parallel_loop3A_514, %parallel_loop3A_515] {strides = array<i32>} : memref<80x128xf32, #tpu.memory_space<vmem>>, vector<16xf32>,
      tpu.vector_store %arg25[%parallel_loop3A_514, %parallel_loop3A_515], %parallel_loop3A_513 {strides = array<i32>} : memref<80x128xf32, #tpu.memory_space<vmem>>, vector<16xf32>,
      %parallel_loop3A_517 = arith.mulf %parallel_loop3A_512, %parallel_loop3A_488 : vector<16xf32>
      %parallel_loop3A_518 = arith.index_cast %parallel_loop3A_486 : i32 to index
      %parallel_loop3A_519 = arith.constant 48 : index
      %parallel_loop3A_520 = tpu.vector_load %arg25[%parallel_loop3A_518, %parallel_loop3A_519] {strides = array<i32>} : memref<80x128xf32, #tpu.memory_space<vmem>>, vector<16xf32>,
      tpu.vector_store %arg25[%parallel_loop3A_518, %parallel_loop3A_519], %parallel_loop3A_517 {strides = array<i32>} : memref<80x128xf32, #tpu.memory_space<vmem>>, vector<16xf32>,
      %parallel_loop3A_521 = arith.index_cast %parallel_loop3A_486 : i32 to index
      %parallel_loop3A_522 = arith.constant 32 : index
      %parallel_loop3A_523 = tpu.vector_load %arg23[%parallel_loop3A_521, %parallel_loop3A_522] {strides = array<i32>} : memref<80x64xi32, #tpu.memory_space<vmem>>, vector<16xi32>,
      %parallel_loop3A_524 = arith.constant 16 : i32
      %parallel_loop3A_525 = vector.broadcast %parallel_loop3A_524 : i32 to vector<16xi32>
      %parallel_loop3A_526 = arith.shli %parallel_loop3A_523, %parallel_loop3A_525 : vector<16xi32>
      %parallel_loop3A_527 = vector.bitcast %parallel_loop3A_526 : vector<16xi32> to vector<16xf32>
      %parallel_loop3A_528 = vector.bitcast %parallel_loop3A_523 : vector<16xi32> to vector<16xf32>
      %parallel_loop3A_529 = arith.mulf %parallel_loop3A_527, %parallel_loop3A_488 : vector<16xf32>
      %parallel_loop3A_530 = arith.index_cast %parallel_loop3A_486 : i32 to index
      %parallel_loop3A_531 = arith.constant 64 : index
      %parallel_loop3A_532 = tpu.vector_load %arg25[%parallel_loop3A_530, %parallel_loop3A_531] {strides = array<i32>} : memref<80x128xf32, #tpu.memory_space<vmem>>, vector<16xf32>,
      tpu.vector_store %arg25[%parallel_loop3A_530, %parallel_loop3A_531], %parallel_loop3A_529 {strides = array<i32>} : memref<80x128xf32, #tpu.memory_space<vmem>>, vector<16xf32>,
      %parallel_loop3A_533 = arith.mulf %parallel_loop3A_528, %parallel_loop3A_488 : vector<16xf32>
      %parallel_loop3A_534 = arith.index_cast %parallel_loop3A_486 : i32 to index
      %parallel_loop3A_535 = arith.constant 80 : index
      %parallel_loop3A_536 = tpu.vector_load %arg25[%parallel_loop3A_534, %parallel_loop3A_535] {strides = array<i32>} : memref<80x128xf32, #tpu.memory_space<vmem>>, vector<16xf32>,
      tpu.vector_store %arg25[%parallel_loop3A_534, %parallel_loop3A_535], %parallel_loop3A_533 {strides = array<i32>} : memref<80x128xf32, #tpu.memory_space<vmem>>, vector<16xf32>,
      %parallel_loop3A_537 = arith.index_cast %parallel_loop3A_486 : i32 to index
      %parallel_loop3A_538 = arith.constant 48 : index
      %parallel_loop3A_539 = tpu.vector_load %arg23[%parallel_loop3A_537, %parallel_loop3A_538] {strides = array<i32>} : memref<80x64xi32, #tpu.memory_space<vmem>>, vector<16xi32>,
      %parallel_loop3A_540 = arith.constant 16 : i32
      %parallel_loop3A_541 = vector.broadcast %parallel_loop3A_540 : i32 to vector<16xi32>
      %parallel_loop3A_542 = arith.shli %parallel_loop3A_539, %parallel_loop3A_541 : vector<16xi32>
      %parallel_loop3A_543 = vector.bitcast %parallel_loop3A_542 : vector<16xi32> to vector<16xf32>
      %parallel_loop3A_544 = vector.bitcast %parallel_loop3A_539 : vector<16xi32> to vector<16xf32>
      %parallel_loop3A_545 = arith.mulf %parallel_loop3A_543, %parallel_loop3A_488 : vector<16xf32>
      %parallel_loop3A_546 = arith.index_cast %parallel_loop3A_486 : i32 to index
      %parallel_loop3A_547 = arith.constant 96 : index
      %parallel_loop3A_548 = tpu.vector_load %arg25[%parallel_loop3A_546, %parallel_loop3A_547] {strides = array<i32>} : memref<80x128xf32, #tpu.memory_space<vmem>>, vector<16xf32>,
      tpu.vector_store %arg25[%parallel_loop3A_546, %parallel_loop3A_547], %parallel_loop3A_545 {strides = array<i32>} : memref<80x128xf32, #tpu.memory_space<vmem>>, vector<16xf32>,
      %parallel_loop3A_549 = arith.mulf %parallel_loop3A_544, %parallel_loop3A_488 : vector<16xf32>
      %parallel_loop3A_550 = arith.index_cast %parallel_loop3A_486 : i32 to index
      %parallel_loop3A_551 = arith.constant 112 : index
      %parallel_loop3A_552 = tpu.vector_load %arg25[%parallel_loop3A_550, %parallel_loop3A_551] {strides = array<i32>} : memref<80x128xf32, #tpu.memory_space<vmem>>, vector<16xf32>,
      tpu.vector_store %arg25[%parallel_loop3A_550, %parallel_loop3A_551], %parallel_loop3A_549 {strides = array<i32>} : memref<80x128xf32, #tpu.memory_space<vmem>>, vector<16xf32>,
    } {sc.loop_unroll_factor = 16 : i64, sc.parallel_access}
    %dma_start3A_451 = arith.constant 0 : i32
    %dma_start3A_452 = arith.constant 0 : i32
    %dma_start3A_453 = tpu.memref_slice %arg26[%dma_start3A_451, %dma_start3A_452] : memref<10000x128xf32, #tpu.memory_space<vmem_shared>> -> memref<10000x128xf32, #tpu.memory_space<vmem_shared>>
    tpu.enqueue_indirect_dma source(%arg25 : memref<80x128xf32, #tpu.memory_space<vmem>>) target(%dma_start3A_453 : memref<10000x128xf32, #tpu.memory_space<vmem_shared>>) offsets(%arg13 : memref<80xi32, #tpu.memory_space<vmem>>) semaphore(%arg34 : memref<!tpu.dma_semaphore, #tpu.memory_space<semaphore_mem>>) {add = true}
    %dma_wait3A_454 = arith.constant 0 : i32
    %dma_wait3A_455 = arith.constant 0 : i32
    %dma_wait3A_456 = tpu.memref_slice %arg26[%dma_wait3A_454, %dma_wait3A_455] : memref<10000x128xf32, #tpu.memory_space<vmem_shared>> -> memref<10000x128xf32, #tpu.memory_space<vmem_shared>>
    tpu.wait_indirect_dma semaphore(%arg33 : memref<!tpu.dma_semaphore, #tpu.memory_space<semaphore_mem>>) src(%arg24 : memref<80x128xf32, #tpu.memory_space<vmem>>) dst(%dma_wait3A_456 : memref<10000x128xf32, #tpu.memory_space<vmem_shared>>)
    %dma_wait3A_457 = arith.constant 0 : i32
    %dma_wait3A_458 = arith.constant 0 : i32
    %dma_wait3A_459 = tpu.memref_slice %arg4[%dma_wait3A_457, %dma_wait3A_458] : memref<10000x64xi32, #tpu.memory_space<hbm>> -> memref<10000x64xi32, #tpu.memory_space<hbm>>
    tpu.wait_indirect_dma semaphore(%arg31 : memref<!tpu.dma_semaphore, #tpu.memory_space<semaphore_mem>>) src(%dma_wait3A_459 : memref<10000x64xi32, #tpu.memory_space<hbm>>) dst(%arg22 : memref<80x64xi32, #tpu.memory_space<vmem>>)
    %parallel_loop3A_460 = arith.constant 0 : i32
    %parallel_loop3A_461 = arith.constant 80 : i32
    %parallel_loop3A_462 = arith.constant 1 : i32
    scf.for %parallel_loop3A_486 = %parallel_loop3A_460 to %parallel_loop3A_461 step %parallel_loop3A_462  : i32 {
      %parallel_loop3A_487 = vector.broadcast %parallel_loop3A_486 : i32 to vector<16xi32>
      %parallel_loop3A_488 = tpu.vector_load_idx %arg18[%parallel_loop3A_487] : memref<80xf32, #tpu.memory_space<vmem>>[vector<16xi32>], vector<16xf32>,
      %parallel_loop3A_489 = arith.index_cast %parallel_loop3A_486 : i32 to index
      %parallel_loop3A_490 = arith.constant 0 : index
      %parallel_loop3A_491 = tpu.vector_load %arg22[%parallel_loop3A_489, %parallel_loop3A_490] {strides = array<i32>} : memref<80x64xi32, #tpu.memory_space<vmem>>, vector<16xi32>,
      %parallel_loop3A_492 = arith.constant 16 : i32
      %parallel_loop3A_493 = vector.broadcast %parallel_loop3A_492 : i32 to vector<16xi32>
      %parallel_loop3A_494 = arith.shli %parallel_loop3A_491, %parallel_loop3A_493 : vector<16xi32>
      %parallel_loop3A_495 = vector.bitcast %parallel_loop3A_494 : vector<16xi32> to vector<16xf32>
      %parallel_loop3A_496 = vector.bitcast %parallel_loop3A_491 : vector<16xi32> to vector<16xf32>
      %parallel_loop3A_497 = arith.mulf %parallel_loop3A_495, %parallel_loop3A_488 : vector<16xf32>
      %parallel_loop3A_498 = arith.index_cast %parallel_loop3A_486 : i32 to index
      %parallel_loop3A_499 = arith.constant 0 : index
      %parallel_loop3A_500 = tpu.vector_load %arg24[%parallel_loop3A_498, %parallel_loop3A_499] {strides = array<i32>} : memref<80x128xf32, #tpu.memory_space<vmem>>, vector<16xf32>,
      tpu.vector_store %arg24[%parallel_loop3A_498, %parallel_loop3A_499], %parallel_loop3A_497 {strides = array<i32>} : memref<80x128xf32, #tpu.memory_space<vmem>>, vector<16xf32>,
      %parallel_loop3A_501 = arith.mulf %parallel_loop3A_496, %parallel_loop3A_488 : vector<16xf32>
      %parallel_loop3A_502 = arith.index_cast %parallel_loop3A_486 : i32 to index
      %parallel_loop3A_503 = arith.constant 16 : index
      %parallel_loop3A_504 = tpu.vector_load %arg24[%parallel_loop3A_502, %parallel_loop3A_503] {strides = array<i32>} : memref<80x128xf32, #tpu.memory_space<vmem>>, vector<16xf32>,
      tpu.vector_store %arg24[%parallel_loop3A_502, %parallel_loop3A_503], %parallel_loop3A_501 {strides = array<i32>} : memref<80x128xf32, #tpu.memory_space<vmem>>, vector<16xf32>,
      %parallel_loop3A_505 = arith.index_cast %parallel_loop3A_486 : i32 to index
      %parallel_loop3A_506 = arith.constant 16 : index
      %parallel_loop3A_507 = tpu.vector_load %arg22[%parallel_loop3A_505, %parallel_loop3A_506] {strides = array<i32>} : memref<80x64xi32, #tpu.memory_space<vmem>>, vector<16xi32>,
      %parallel_loop3A_508 = arith.constant 16 : i32
      %parallel_loop3A_509 = vector.broadcast %parallel_loop3A_508 : i32 to vector<16xi32>
      %parallel_loop3A_510 = arith.shli %parallel_loop3A_507, %parallel_loop3A_509 : vector<16xi32>
      %parallel_loop3A_511 = vector.bitcast %parallel_loop3A_510 : vector<16xi32> to vector<16xf32>
      %parallel_loop3A_512 = vector.bitcast %parallel_loop3A_507 : vector<16xi32> to vector<16xf32>
      %parallel_loop3A_513 = arith.mulf %parallel_loop3A_511, %parallel_loop3A_488 : vector<16xf32>
      %parallel_loop3A_514 = arith.index_cast %parallel_loop3A_486 : i32 to index
      %parallel_loop3A_515 = arith.constant 32 : index
      %parallel_loop3A_516 = tpu.vector_load %arg24[%parallel_loop3A_514, %parallel_loop3A_515] {strides = array<i32>} : memref<80x128xf32, #tpu.memory_space<vmem>>, vector<16xf32>,
      tpu.vector_store %arg24[%parallel_loop3A_514, %parallel_loop3A_515], %parallel_loop3A_513 {strides = array<i32>} : memref<80x128xf32, #tpu.memory_space<vmem>>, vector<16xf32>,
      %parallel_loop3A_517 = arith.mulf %parallel_loop3A_512, %parallel_loop3A_488 : vector<16xf32>
      %parallel_loop3A_518 = arith.index_cast %parallel_loop3A_486 : i32 to index
      %parallel_loop3A_519 = arith.constant 48 : index
      %parallel_loop3A_520 = tpu.vector_load %arg24[%parallel_loop3A_518, %parallel_loop3A_519] {strides = array<i32>} : memref<80x128xf32, #tpu.memory_space<vmem>>, vector<16xf32>,
      tpu.vector_store %arg24[%parallel_loop3A_518, %parallel_loop3A_519], %parallel_loop3A_517 {strides = array<i32>} : memref<80x128xf32, #tpu.memory_space<vmem>>, vector<16xf32>,
      %parallel_loop3A_521 = arith.index_cast %parallel_loop3A_486 : i32 to index
      %parallel_loop3A_522 = arith.constant 32 : index
      %parallel_loop3A_523 = tpu.vector_load %arg22[%parallel_loop3A_521, %parallel_loop3A_522] {strides = array<i32>} : memref<80x64xi32, #tpu.memory_space<vmem>>, vector<16xi32>,
      %parallel_loop3A_524 = arith.constant 16 : i32
      %parallel_loop3A_525 = vector.broadcast %parallel_loop3A_524 : i32 to vector<16xi32>
      %parallel_loop3A_526 = arith.shli %parallel_loop3A_523, %parallel_loop3A_525 : vector<16xi32>
      %parallel_loop3A_527 = vector.bitcast %parallel_loop3A_526 : vector<16xi32> to vector<16xf32>
      %parallel_loop3A_528 = vector.bitcast %parallel_loop3A_523 : vector<16xi32> to vector<16xf32>
      %parallel_loop3A_529 = arith.mulf %parallel_loop3A_527, %parallel_loop3A_488 : vector<16xf32>
      %parallel_loop3A_530 = arith.index_cast %parallel_loop3A_486 : i32 to index
      %parallel_loop3A_531 = arith.constant 64 : index
      %parallel_loop3A_532 = tpu.vector_load %arg24[%parallel_loop3A_530, %parallel_loop3A_531] {strides = array<i32>} : memref<80x128xf32, #tpu.memory_space<vmem>>, vector<16xf32>,
      tpu.vector_store %arg24[%parallel_loop3A_530, %parallel_loop3A_531], %parallel_loop3A_529 {strides = array<i32>} : memref<80x128xf32, #tpu.memory_space<vmem>>, vector<16xf32>,
      %parallel_loop3A_533 = arith.mulf %parallel_loop3A_528, %parallel_loop3A_488 : vector<16xf32>
      %parallel_loop3A_534 = arith.index_cast %parallel_loop3A_486 : i32 to index
      %parallel_loop3A_535 = arith.constant 80 : index
      %parallel_loop3A_536 = tpu.vector_load %arg24[%parallel_loop3A_534, %parallel_loop3A_535] {strides = array<i32>} : memref<80x128xf32, #tpu.memory_space<vmem>>, vector<16xf32>,
      tpu.vector_store %arg24[%parallel_loop3A_534, %parallel_loop3A_535], %parallel_loop3A_533 {strides = array<i32>} : memref<80x128xf32, #tpu.memory_space<vmem>>, vector<16xf32>,
      %parallel_loop3A_537 = arith.index_cast %parallel_loop3A_486 : i32 to index
      %parallel_loop3A_538 = arith.constant 48 : index
      %parallel_loop3A_539 = tpu.vector_load %arg22[%parallel_loop3A_537, %parallel_loop3A_538] {strides = array<i32>} : memref<80x64xi32, #tpu.memory_space<vmem>>, vector<16xi32>,
      %parallel_loop3A_540 = arith.constant 16 : i32
      %parallel_loop3A_541 = vector.broadcast %parallel_loop3A_540 : i32 to vector<16xi32>
      %parallel_loop3A_542 = arith.shli %parallel_loop3A_539, %parallel_loop3A_541 : vector<16xi32>
      %parallel_loop3A_543 = vector.bitcast %parallel_loop3A_542 : vector<16xi32> to vector<16xf32>
      %parallel_loop3A_544 = vector.bitcast %parallel_loop3A_539 : vector<16xi32> to vector<16xf32>
      %parallel_loop3A_545 = arith.mulf %parallel_loop3A_543, %parallel_loop3A_488 : vector<16xf32>
      %parallel_loop3A_546 = arith.index_cast %parallel_loop3A_486 : i32 to index
      %parallel_loop3A_547 = arith.constant 96 : index
      %parallel_loop3A_548 = tpu.vector_load %arg24[%parallel_loop3A_546, %parallel_loop3A_547] {strides = array<i32>} : memref<80x128xf32, #tpu.memory_space<vmem>>, vector<16xf32>,
      tpu.vector_store %arg24[%parallel_loop3A_546, %parallel_loop3A_547], %parallel_loop3A_545 {strides = array<i32>} : memref<80x128xf32, #tpu.memory_space<vmem>>, vector<16xf32>,
      %parallel_loop3A_549 = arith.mulf %parallel_loop3A_544, %parallel_loop3A_488 : vector<16xf32>
      %parallel_loop3A_550 = arith.index_cast %parallel_loop3A_486 : i32 to index
      %parallel_loop3A_551 = arith.constant 112 : index
      %parallel_loop3A_552 = tpu.vector_load %arg24[%parallel_loop3A_550, %parallel_loop3A_551] {strides = array<i32>} : memref<80x128xf32, #tpu.memory_space<vmem>>, vector<16xf32>,
      tpu.vector_store %arg24[%parallel_loop3A_550, %parallel_loop3A_551], %parallel_loop3A_549 {strides = array<i32>} : memref<80x128xf32, #tpu.memory_space<vmem>>, vector<16xf32>,
    } {sc.loop_unroll_factor = 16 : i64, sc.parallel_access}
    %dma_start3A_463 = arith.constant 0 : i32
    %dma_start3A_464 = arith.constant 0 : i32
    %dma_start3A_465 = tpu.memref_slice %arg26[%dma_start3A_463, %dma_start3A_464] : memref<10000x128xf32, #tpu.memory_space<vmem_shared>> -> memref<10000x128xf32, #tpu.memory_space<vmem_shared>>
    tpu.enqueue_indirect_dma source(%arg24 : memref<80x128xf32, #tpu.memory_space<vmem>>) target(%dma_start3A_465 : memref<10000x128xf32, #tpu.memory_space<vmem_shared>>) offsets(%arg10 : memref<80xi32, #tpu.memory_space<vmem>>) semaphore(%arg33 : memref<!tpu.dma_semaphore, #tpu.memory_space<semaphore_mem>>) {add = true}
    %dma_wait3A_466 = arith.constant 0 : i32
    %dma_wait3A_467 = arith.constant 0 : i32
    %dma_wait3A_468 = tpu.memref_slice %arg26[%dma_wait3A_466, %dma_wait3A_467] : memref<10000x128xf32, #tpu.memory_space<vmem_shared>> -> memref<10000x128xf32, #tpu.memory_space<vmem_shared>>
    tpu.wait_indirect_dma semaphore(%arg34 : memref<!tpu.dma_semaphore, #tpu.memory_space<semaphore_mem>>) src(%arg25 : memref<80x128xf32, #tpu.memory_space<vmem>>) dst(%dma_wait3A_468 : memref<10000x128xf32, #tpu.memory_space<vmem_shared>>)
    %dma_wait3A_469 = arith.constant 0 : i32
    %dma_wait3A_470 = arith.constant 0 : i32
    %dma_wait3A_471 = tpu.memref_slice %arg26[%dma_wait3A_469, %dma_wait3A_470] : memref<10000x128xf32, #tpu.memory_space<vmem_shared>> -> memref<10000x128xf32, #tpu.memory_space<vmem_shared>>
    tpu.wait_indirect_dma semaphore(%arg33 : memref<!tpu.dma_semaphore, #tpu.memory_space<semaphore_mem>>) src(%arg24 : memref<80x128xf32, #tpu.memory_space<vmem>>) dst(%dma_wait3A_471 : memref<10000x128xf32, #tpu.memory_space<vmem_shared>>)
    %barrier3A_472 = arith.constant 0 : index
    tpu.barrier barrier_id(%barrier3A_472)
    %mul3A_473 = arith.constant 10000 : i32
    %mul3A_474 = arith.muli %arg0, %mul3A_473 : i32
    %add3A_475 = arith.addi %mul3A_474, %mul3A_4 : i32
    %lt3A_476 = arith.constant 15 : i32
    %lt3A_477 = arith.cmpi slt, %arg1, %lt3A_476 : i32
    %convert_element_type3A_478 = arith.extui %lt3A_477 : i1 to i32
    %cond3A_479 = arith.constant 0 : i32
    %cond3A_480 = arith.cmpi ne, %convert_element_type3A_478, %cond3A_479 : i32
    scf.if %cond3A_480 {
      "tpu.region"() ({
        %run_scoped3A = tpu.sem_alloc : memref<!tpu.dma_semaphore, #tpu.memory_space<semaphore_mem>>
        %dma_start3A_486 = arith.constant 0 : i32
        %dma_start3A_487 = tpu.memref_slice %arg5[%add3A_475, %dma_start3A_486] : memref<20000x128xf32, #tpu.memory_space<hbm>> -> memref<624x128xf32, #tpu.memory_space<hbm>>
        %dma_start3A_488 = arith.constant 0 : i32
        %dma_start3A_489 = tpu.memref_slice %arg26[%mul3A_4, %dma_start3A_488] : memref<10000x128xf32, #tpu.memory_space<vmem_shared>> -> memref<624x128xf32, #tpu.memory_space<vmem_shared>>
        tpu.enqueue_dma source(%dma_start3A_489 : memref<624x128xf32, #tpu.memory_space<vmem_shared>>) target(%dma_start3A_487 : memref<624x128xf32, #tpu.memory_space<hbm>>) target_semaphore(%run_scoped3A : memref<!tpu.dma_semaphore, #tpu.memory_space<semaphore_mem>>)
        %dma_wait3A_490 = arith.constant 0 : i32
        %dma_wait3A_491 = tpu.memref_slice %arg5[%add3A_475, %dma_wait3A_490] : memref<20000x128xf32, #tpu.memory_space<hbm>> -> memref<624x128xf32, #tpu.memory_space<hbm>>
        %dma_wait3A_492 = arith.constant 0 : i32
        %dma_wait3A_493 = tpu.memref_slice %arg26[%mul3A_4, %dma_wait3A_492] : memref<10000x128xf32, #tpu.memory_space<vmem_shared>> -> memref<624x128xf32, #tpu.memory_space<vmem_shared>>
        tpu.wait_dma2 semaphore(%run_scoped3A : memref<!tpu.dma_semaphore, #tpu.memory_space<semaphore_mem>>) src(%dma_wait3A_493 : memref<624x128xf32, #tpu.memory_space<vmem_shared>>) dst(%dma_wait3A_491 : memref<624x128xf32, #tpu.memory_space<hbm>>)
        tpu.yield
      }) : () -> ()
    } else {
    }
    %eq3A_481 = arith.constant 15 : i32
    %eq3A_482 = arith.cmpi eq, %arg1, %eq3A_481 : i32
    %convert_element_type3A_483 = arith.extui %eq3A_482 : i1 to i32
    %cond3A_484 = arith.constant 0 : i32
    %cond3A_485 = arith.cmpi ne, %convert_element_type3A_483, %cond3A_484 : i32
    scf.if %cond3A_485 {
      "tpu.region"() ({
        %run_scoped3A = tpu.sem_alloc : memref<!tpu.dma_semaphore, #tpu.memory_space<semaphore_mem>>
        %dma_start3A_486 = arith.constant 0 : i32
        %dma_start3A_487 = tpu.memref_slice %arg5[%add3A_475, %dma_start3A_486] : memref<20000x128xf32, #tpu.memory_space<hbm>> -> memref<640x128xf32, #tpu.memory_space<hbm>>
        %dma_start3A_488 = arith.constant 0 : i32
        %dma_start3A_489 = tpu.memref_slice %arg26[%mul3A_4, %dma_start3A_488] : memref<10000x128xf32, #tpu.memory_space<vmem_shared>> -> memref<640x128xf32, #tpu.memory_space<vmem_shared>>
        tpu.enqueue_dma source(%dma_start3A_489 : memref<640x128xf32, #tpu.memory_space<vmem_shared>>) target(%dma_start3A_487 : memref<640x128xf32, #tpu.memory_space<hbm>>) target_semaphore(%run_scoped3A : memref<!tpu.dma_semaphore, #tpu.memory_space<semaphore_mem>>)
        %dma_wait3A_490 = arith.constant 0 : i32
        %dma_wait3A_491 = tpu.memref_slice %arg5[%add3A_475, %dma_wait3A_490] : memref<20000x128xf32, #tpu.memory_space<hbm>> -> memref<640x128xf32, #tpu.memory_space<hbm>>
        %dma_wait3A_492 = arith.constant 0 : i32
        %dma_wait3A_493 = tpu.memref_slice %arg26[%mul3A_4, %dma_wait3A_492] : memref<10000x128xf32, #tpu.memory_space<vmem_shared>> -> memref<640x128xf32, #tpu.memory_space<vmem_shared>>
        tpu.wait_dma2 semaphore(%run_scoped3A : memref<!tpu.dma_semaphore, #tpu.memory_space<semaphore_mem>>) src(%dma_wait3A_493 : memref<640x128xf32, #tpu.memory_space<vmem_shared>>) dst(%dma_wait3A_491 : memref<640x128xf32, #tpu.memory_space<hbm>>)
        tpu.yield
      }) : () -> ()
    } else {
    }
    return
  }
}

module attributes {stable_mosaic.version = 14 : i64} {
  func.func @_tc_edge_pack_body(%arg0: memref<2x320000xi32, #tpu.memory_space<vmem>>, %arg1: memref<320000xi32, #tpu.memory_space<vmem>>) attributes {dimension_semantics = [], scalar_prefetch = 0 : i64, scratch_operands = 0 : i64, tpu.core_type = #tpu.core_type<tc>} {
    %get3A = arith.constant 0 : index
    %get3A_0 = arith.constant 0 : index
    %get3A_1 = vector.load %arg0[%get3A, %get3A_0] : memref<2x320000xi32, #tpu.memory_space<vmem>>, vector<1x320000xi32>
    %get3A_2 = vector.shape_cast %get3A_1 : vector<1x320000xi32> to vector<320000xi32>
    %shift_left3A = arith.constant 16 : i32
    %shift_left3A_3 = vector.broadcast %shift_left3A : i32 to vector<320000xi32>
    %shift_left3A_4 = arith.shli %get3A_2, %shift_left3A_3 : vector<320000xi32>
    %get3A_5 = arith.constant 1 : index
    %get3A_6 = arith.constant 0 : index
    %get3A_7 = vector.load %arg0[%get3A_5, %get3A_6] : memref<2x320000xi32, #tpu.memory_space<vmem>>, vector<1x320000xi32>
    %get3A_8 = vector.shape_cast %get3A_7 : vector<1x320000xi32> to vector<320000xi32>
    %or3A = arith.ori %shift_left3A_4, %get3A_8 : vector<320000xi32>
    %swap3A = arith.constant 0 : index
    %swap3A_9 = vector.load %arg1[%swap3A] : memref<320000xi32, #tpu.memory_space<vmem>>, vector<320000xi32>
    tpu.vector_store %arg1[%swap3A], %or3A {strides = array<i32>} : memref<320000xi32, #tpu.memory_space<vmem>>, vector<320000xi32>,
    return
  }
}

module attributes {stable_mosaic.version = 14 : i64} {
  func.func @_tc_pack_body(%arg0: i32, %arg1: memref<2000x128xf32, #tpu.memory_space<vmem>>, %arg2: memref<2000x64xi32, #tpu.memory_space<vmem>>) attributes {dimension_semantics = [#tpu.dimension_semantics<arbitrary>], iteration_bounds = array<i64: 5>, scalar_prefetch = 0 : i64, scratch_operands = 0 : i64, tpu.core_type = #tpu.core_type<tc>, window_params = [{transform_indices = @transform_0, window_bounds = array<i64: 2000, 128>}, {transform_indices = @transform_1, window_bounds = array<i64: 2000, 64>}]} {
    %get3A = arith.constant 0 : index
    %get3A_0 = arith.constant 0 : index
    %get3A_1 = vector.load %arg1[%get3A, %get3A_0] : memref<2000x128xf32, #tpu.memory_space<vmem>>, vector<2000x128xf32>
    %bitcast_convert_type3A = tpu.bitcast %get3A_1 : vector<2000x128xf32> -> vector<2000x128xi32>
    %slice3A = vector.extract_strided_slice %bitcast_convert_type3A {offsets = [0, 0], sizes = [2000, 64], strides = [1, 1]} : vector<2000x128xi32> to vector<2000x64xi32>
    %add3A = arith.constant 32768 : i32
    %add3A_2 = vector.broadcast %add3A : i32 to vector<2000x64xi32>
    %add3A_3 = arith.addi %slice3A, %add3A_2 : vector<2000x64xi32>
    %slice3A_4 = vector.extract_strided_slice %bitcast_convert_type3A {offsets = [0, 64], sizes = [2000, 64], strides = [1, 1]} : vector<2000x128xi32> to vector<2000x64xi32>
    %add3A_5 = arith.constant 32768 : i32
    %add3A_6 = vector.broadcast %add3A_5 : i32 to vector<2000x64xi32>
    %add3A_7 = arith.addi %slice3A_4, %add3A_6 : vector<2000x64xi32>
    %shift_right_logical3A = arith.constant 16 : i32
    %shift_right_logical3A_8 = vector.broadcast %shift_right_logical3A : i32 to vector<2000x64xi32>
    %shift_right_logical3A_9 = arith.shrui %add3A_3, %shift_right_logical3A_8 : vector<2000x64xi32>
    %and3A = arith.constant -65536 : i32
    %and3A_10 = vector.broadcast %and3A : i32 to vector<2000x64xi32>
    %and3A_11 = arith.andi %add3A_7, %and3A_10 : vector<2000x64xi32>
    %or3A = arith.ori %shift_right_logical3A_9, %and3A_11 : vector<2000x64xi32>
    %swap3A = arith.constant 0 : index
    %swap3A_12 = arith.constant 0 : index
    %swap3A_13 = vector.load %arg2[%swap3A, %swap3A_12] : memref<2000x64xi32, #tpu.memory_space<vmem>>, vector<2000x64xi32>
    tpu.vector_store %arg2[%swap3A, %swap3A_12], %or3A {strides = array<i32>} : memref<2000x64xi32, #tpu.memory_space<vmem>>, vector<2000x64xi32>,
    return
  }
  func.func @transform_0(%arg0: i32) -> (i32, i32) {
    %c0_i32 = arith.constant 0 : i32
    %c0_i32_0 = arith.constant 0 : i32
    return %arg0, %c0_i32 : i32, i32
  }
  func.func @transform_1(%arg0: i32) -> (i32, i32) {
    %c0_i32 = arith.constant 0 : i32
    %c0_i32_0 = arith.constant 0 : i32
    return %arg0, %c0_i32 : i32, i32
  }
}

module attributes {stable_mosaic.version = 14 : i64} {
  func.func @_tc_combine_body(%arg0: i32, %arg1: memref<2x2000x128xf32, #tpu.memory_space<vmem>>, %arg2: memref<2000x128xf32, #tpu.memory_space<vmem>>, %arg3: memref<128x128xf32, #tpu.memory_space<vmem>>, %arg4: memref<128x128xf32, #tpu.memory_space<vmem>>, %arg5: memref<1x128xf32, #tpu.memory_space<vmem>>, %arg6: memref<2000x128xf32, #tpu.memory_space<vmem>>) attributes {dimension_semantics = [#tpu.dimension_semantics<arbitrary>], iteration_bounds = array<i64: 5>, scalar_prefetch = 0 : i64, scratch_operands = 0 : i64, tpu.core_type = #tpu.core_type<tc>, window_params = [{transform_indices = @transform_0, window_bounds = array<i64: 2, 2000, 128>}, {transform_indices = @transform_1, window_bounds = array<i64: 2000, 128>}, {pipeline_mode = #tpu.pipeline_mode<synchronous>, transform_indices = @transform_2, window_bounds = array<i64: 128, 128>}, {pipeline_mode = #tpu.pipeline_mode<synchronous>, transform_indices = @transform_3, window_bounds = array<i64: 128, 128>}, {pipeline_mode = #tpu.pipeline_mode<synchronous>, transform_indices = @transform_4, window_bounds = array<i64: 1, 128>}, {transform_indices = @transform_5, window_bounds = array<i64: 2000, 128>}]} {
    %get3A = arith.constant 0 : index
    %get3A_0 = arith.constant 0 : index
    %get3A_1 = arith.constant 0 : index
    %get3A_2 = vector.load %arg1[%get3A, %get3A_0, %get3A_1] : memref<2x2000x128xf32, #tpu.memory_space<vmem>>, vector<1x2000x128xf32>
    %get3A_3 = vector.shape_cast %get3A_2 : vector<1x2000x128xf32> to vector<2000x128xf32>
    %get3A_4 = arith.constant 1 : index
    %get3A_5 = arith.constant 0 : index
    %get3A_6 = arith.constant 0 : index
    %get3A_7 = vector.load %arg1[%get3A_4, %get3A_5, %get3A_6] : memref<2x2000x128xf32, #tpu.memory_space<vmem>>, vector<1x2000x128xf32>
    %get3A_8 = vector.shape_cast %get3A_7 : vector<1x2000x128xf32> to vector<2000x128xf32>
    %add3A = arith.addf %get3A_3, %get3A_8 : vector<2000x128xf32>
    %get3A_9 = arith.constant 0 : index
    %get3A_10 = arith.constant 0 : index
    %get3A_11 = vector.load %arg2[%get3A_9, %get3A_10] : memref<2000x128xf32, #tpu.memory_space<vmem>>, vector<2000x128xf32>
    %add3A_12 = arith.addf %get3A_11, %add3A : vector<2000x128xf32>
    %get3A_13 = arith.constant 0 : index
    %get3A_14 = arith.constant 0 : index
    %get3A_15 = vector.load %arg3[%get3A_13, %get3A_14] : memref<128x128xf32, #tpu.memory_space<vmem>>, vector<128x128xf32>
    %dot_general3A = arith.constant dense<0.000000e+00> : vector<2000x128xf32>
    %dot_general3A_16 = tpu.matmul %add3A_12, %get3A_15, %dot_general3A {dimension_numbers = #tpu.dot_dimension_numbers<[1], [0], [0], [1], [0, 0, 1, 1], [], []>, transpose_lhs_hint = false} : vector<2000x128xf32>, vector<128x128xf32>, vector<2000x128xf32> -> vector<2000x128xf32>
    %mul3A = arith.mulf %add3A, %get3A_11 : vector<2000x128xf32>
    %get3A_17 = arith.constant 0 : index
    %get3A_18 = arith.constant 0 : index
    %get3A_19 = vector.load %arg4[%get3A_17, %get3A_18] : memref<128x128xf32, #tpu.memory_space<vmem>>, vector<128x128xf32>
    %dot_general3A_20 = arith.constant dense<0.000000e+00> : vector<2000x128xf32>
    %dot_general3A_21 = tpu.matmul %mul3A, %get3A_19, %dot_general3A_20 {dimension_numbers = #tpu.dot_dimension_numbers<[1], [0], [0], [1], [0, 0, 1, 1], [], []>, transpose_lhs_hint = false} : vector<2000x128xf32>, vector<128x128xf32>, vector<2000x128xf32> -> vector<2000x128xf32>
    %add3A_22 = arith.addf %dot_general3A_16, %dot_general3A_21 : vector<2000x128xf32>
    %get3A_23 = arith.constant 0 : index
    %get3A_24 = arith.constant 0 : index
    %get3A_25 = vector.load %arg5[%get3A_23, %get3A_24] : memref<1x128xf32, #tpu.memory_space<vmem>>, vector<1x128xf32>
    %add3A_26 = vector.broadcast %get3A_25 : vector<1x128xf32> to vector<2000x128xf32>
    %add3A_27 = arith.addf %add3A_22, %add3A_26 : vector<2000x128xf32>
    %swap3A = arith.constant 0 : index
    %swap3A_28 = arith.constant 0 : index
    %swap3A_29 = vector.load %arg6[%swap3A, %swap3A_28] : memref<2000x128xf32, #tpu.memory_space<vmem>>, vector<2000x128xf32>
    tpu.vector_store %arg6[%swap3A, %swap3A_28], %add3A_27 {strides = array<i32>} : memref<2000x128xf32, #tpu.memory_space<vmem>>, vector<2000x128xf32>,
    return
  }
  func.func @transform_0(%arg0: i32) -> (i32, i32, i32) {
    %c0_i32 = arith.constant 0 : i32
    %c0_i32_0 = arith.constant 0 : i32
    %c0_i32_1 = arith.constant 0 : i32
    return %c0_i32, %arg0, %c0_i32_0 : i32, i32, i32
  }
  func.func @transform_1(%arg0: i32) -> (i32, i32) {
    %c0_i32 = arith.constant 0 : i32
    %c0_i32_0 = arith.constant 0 : i32
    return %arg0, %c0_i32 : i32, i32
  }
  func.func @transform_2(%arg0: i32) -> (i32, i32) {
    %c0_i32 = arith.constant 0 : i32
    %c0_i32_0 = arith.constant 0 : i32
    %c0_i32_1 = arith.constant 0 : i32
    return %c0_i32, %c0_i32_0 : i32, i32
  }
  func.func @transform_3(%arg0: i32) -> (i32, i32) {
    %c0_i32 = arith.constant 0 : i32
    %c0_i32_0 = arith.constant 0 : i32
    %c0_i32_1 = arith.constant 0 : i32
    return %c0_i32, %c0_i32_0 : i32, i32
  }
  func.func @transform_4(%arg0: i32) -> (i32, i32) {
    %c0_i32 = arith.constant 0 : i32
    %c0_i32_0 = arith.constant 0 : i32
    %c0_i32_1 = arith.constant 0 : i32
    return %c0_i32, %c0_i32_0 : i32, i32
  }
  func.func @transform_5(%arg0: i32) -> (i32, i32) {
    %c0_i32 = arith.constant 0 : i32
    %c0_i32_0 = arith.constant 0 : i32
    return %arg0, %c0_i32 : i32, i32
  }
}

</mosaic_0001>

<sc_bundles>
// kernel: kernel.6.cloned.1.call-start
scs
__scs_entry_jumppad:
0x0: {  	(pc) =	sbr.rel $0x88, $3  }
0x1: {  	(tag) =	ssettag $0x0;
	lr =	simm.s32 $0x1  }
0x2: {  	[smem:$0x3F9A] =	sst lr;
	_ =	strace $0xD0000000  }
0x3: {  	_ = 	snop  }
0x4: {  	_ = 	snop  }
0x5: {  	_ = 	snop  }
0x6: {  	_ = 	snop  }
0x7: {  	_ = 	snop  }
__scs_overlays_trampoline_lowered:
0x8: {  	[smem:$0x3FA9] =	sst s0  }
0x9: {  	[smem:$0x3FAA] =	sst s1  }
0xa: {  	[smem:$0x3FAB] =	sst s2  }
0xb: {  	[smem:$0x3FAC] =	sst s3  }
0xc: {  	[smem:$0x3FAD] =	sst s4  }
0xd: {  	[smem:$0x3FAE] =	sst s5  }
0xe: {  	[smem:$0x3FAF] =	sst s6  }
0xf: {  	[smem:$0x3FB0] =	sst s7  }
0x10: {  	[smem:$0x3FB1] =	sst s8  }
0x11: {  	[smem:$0x3FB2] =	sst s9;
	s0 =	simm.s32 @!p0 $0x0  }
0x12: {  	s1 =	sld [smem:$0x3F98];
	s0 =	simm.s32 @p0 $0x1  }
0x13: {  	[smem:$0x3FB3] =	sst s0;
	s0 =	simm.s32 @!p1 $0x0  }
0x14: {  	s2 =	sld [smem:$0x3F97];
	s0 =	simm.s32 @p1 $0x1  }
0x15: {  	[smem:$0x3FB4] =	sst s0;
	s0 =	simm.s32 @!p2 $0x0  }
0x16: {  	s3 =	sld [smem:$0x3FDB];
	s0 =	simm.s32 @p2 $0x1  }
0x17: {  	s4 =	simm.s32 $0x1BF5;
	[smem:$0x3FB6] =	sst s0  }
0x18: {  	s0 =	sld [smem:$0x3F99];
	_ =	swait.ge [sflag:s4], $0x0  }
0x19: {  	s7 =	sld [smem:$0x3F9A]  }
0x1a: {  	s8 =	sadd.s32 $0xFFFFE003, lr  }
0x1b: {  	s9 =	sadd.s32 $0xFFFFFEF7, lr;
	s5 =	simm.s32 $0xFFFFFFFF;
	p2 =	slt.u32 s8, $0xFFFFF086  }
0x1c: {  	p1 =	slt.u32 s9, $0xF7A;
	s5 =	simm.s32 @!p2 $0x0  }
0x1d: {  	s5 =	simm.s32 @p1 $0x1;
	p0 =	seq.s32 s7, s2  }
0x1e: {  	s7 =	smul.u32 @!p0 $0xF7A, s2;
	p2 =	seq.s32 @!p0 s5, $0x0  }
0x1f: {  	s9 =	smul.u32 $0xF7A, s1;
	s8 =	simm.s32 @!p0 $0x1BF5;
	p2 =	por !p2, p0  }
0x20: {  	[sflag:s8] =	ssyncset.s32 @!p0 $0xFFFFF086;
	s6 =	sadd.s32 @!p0 s3, s7;
	s7 =	simm.s32 @!p0 $0x108  }
0x21: {  	s3 =	sadd.s32 s3, s9;
	s6 =	sadd.s32 @!p0 $0x88, s6;
	s7 =	simm.s32 @p2 $0x1082  }
0x22: {  	[simem:s7], [sflag:s8] =	dma.local @!p0 [hbm:s6], $0xF7A  }
0x23: {  	s9 =	sor.u32 $0xD0000000, s2;
	s6 =	simm.s32 $0x108;
	_ =	swait.ge @!p0 [sflag:s8], $0x0  }
0x24: {  	s3 =	sadd.s32 $0x88, s3;
	s6 =	simm.s32 @!p1 $0x1082;
	[sflag:s4] =	ssyncset.s32 $0xFFFFF086  }
0x25: {  	[simem:s6], [sflag:s4] =	dma.local [hbm:s3], $0xF7A  }
0x26: {  	[smem:$0x3F9A] =	sst s1;
	(tag) =	ssettag s2;
	_ =	strace s9  }
0x27: {  	s1 =	sld [smem:$0x3FAA]  }
0x28: {  	s2 =	sld [smem:$0x3FAB]  }
0x29: {  	s4 =	sld [smem:$0x3FAD]  }
0x2a: {  	p0 =	seq.s32 s5, $0x0;
	s5 =	sld [smem:$0x3FAE]  }
0x2b: {  	s6 =	sld [smem:$0x3FAF]  }
0x2c: {  	s7 =	sld [smem:$0x3FB0]  }
0x2d: {  	s3 =	simm.s32 $0x108;
	s8 =	sld [smem:$0x3FB1]  }
0x2e: {  	s3 =	simm.s32 @!p0 $0x1082;
	s9 =	sld [smem:$0x3FB2]  }
0x2f: {  	lr =	sadd.s32 s0, s3;
	s0 =	sld [smem:$0x3FA9]  }
0x30: {  	s3 =	sld [smem:$0x3FAC]  }
0x31: {  	[smem:$0x3FB5] =	sst s10  }
0x32: {  	s10 =	sld [smem:$0x3FB3];
	_ =	sdelay $0x3  }
0x33: {  	p0 =	seq.s32 s10, $0x1;
	s10 =	sld [smem:$0x3FB5];
	_ =	sdelay $0x3  }
0x34: {  	[smem:$0x3FB5] =	sst s10  }
0x35: {  	s10 =	sld [smem:$0x3FB4];
	_ =	sdelay $0x3  }
0x36: {  	p1 =	seq.s32 s10, $0x1;
	s10 =	sld [smem:$0x3FB5];
	_ =	sdelay $0x3  }
0x37: {  	[smem:$0x3FB5] =	sst s10  }
0x38: {  	s10 =	sld [smem:$0x3FB6]  }
0x39: {  	_ = 	snop;
	(pc) =	sbr.ind lr, $3  }
0x3a: {  	_ = 	snop  }
0x3b: {  	_ = 	snop  }
0x3c: {  	p2 =	seq.s32 s10, $0x1;
	s10 =	sld [smem:$0x3FB5]  }
0x3d: {  	_ =	shalt  }
0x3e: {  	_ =	shalt  }
0x3f: {  	_ =	shalt  }
0x40: {  	_ =	shalt  }
0x41: {  	_ =	shalt  }
0x42: {  	_ =	shalt  }
0x43: {  	_ =	shalt  }
0x44: {  	_ =	shalt  }
0x45: {  	_ =	shalt  }
0x46: {  	_ =	shalt  }
0x47: {  	_ =	shalt  }
0x48: {  	_ =	shalt  }
0x49: {  	_ =	shalt  }
0x4a: {  	_ =	shalt  }
0x4b: {  	_ =	shalt  }
0x4c: {  	_ =	shalt  }
0x4d: {  	_ =	shalt  }
0x4e: {  	_ =	shalt  }
0x4f: {  	_ =	shalt  }
0x50: {  	_ =	shalt  }
0x51: {  	_ =	shalt  }
0x52: {  	_ =	shalt  }
0x53: {  	_ =	shalt  }
0x54: {  	_ =	shalt  }
0x55: {  	_ =	shalt  }
0x56: {  	_ =	shalt  }
0x57: {  	_ =	shalt  }
0x58: {  	_ =	shalt  }
0x59: {  	_ =	shalt  }
0x5a: {  	_ =	shalt  }
0x5b: {  	_ =	shalt  }
0x5c: {  	_ =	shalt  }
0x5d: {  	_ =	shalt  }
0x5e: {  	_ =	shalt  }
0x5f: {  	_ =	shalt  }
0x60: {  	_ =	shalt  }
0x61: {  	_ =	shalt  }
0x62: {  	_ =	shalt  }
0x63: {  	_ =	shalt  }
0x64: {  	_ =	shalt  }
0x65: {  	_ =	shalt  }
0x66: {  	_ =	shalt  }
0x67: {  	_ =	shalt  }
0x68: {  	_ =	shalt  }
0x69: {  	_ =	shalt  }
0x6a: {  	_ =	shalt  }
0x6b: {  	_ =	shalt  }
0x6c: {  	_ =	shalt  }
0x6d: {  	_ =	shalt  }
0x6e: {  	_ =	shalt  }
0x6f: {  	_ =	shalt  }
0x70: {  	_ =	shalt  }
0x71: {  	_ =	shalt  }
0x72: {  	_ =	shalt  }
0x73: {  	_ =	shalt  }
0x74: {  	_ =	shalt  }
0x75: {  	_ =	shalt  }
0x76: {  	_ =	shalt  }
0x77: {  	_ =	shalt  }
0x78: {  	_ =	shalt  }
0x79: {  	_ =	shalt  }
0x7a: {  	_ =	shalt  }
0x7b: {  	_ =	shalt  }
0x7c: {  	_ =	shalt  }
0x7d: {  	_ =	shalt  }
0x7e: {  	_ =	shalt  }
0x7f: {  	_ =	shalt  }
0x80: {  	_ =	shalt  }
0x81: {  	_ =	shalt  }
0x82: {  	_ =	shalt  }
0x83: {  	_ =	shalt  }
0x84: {  	_ =	shalt  }
0x85: {  	_ =	shalt  }
0x86: {  	_ =	shalt  }
0x87: {  	_ =	shalt  }
.Lfunc_end0:
.L_simem_size_0:
called_computation_lowered:
.L_overlay_start_0:
0x88: {  	s2 =	sld [smem:$0x3FD9]  }
0x89: {  	s3 =	sld [smem:$0x3FFE];
	_ =	sdelay $0x1  }
0x8a: {  	s1 =	srdreg.scid  }
0x8b: {  	s0 =	sand.u32 $0x1, s1  }
0x8c: {  	s17 =	sshll.u32 s0, $0xA;
	s2 =	sadd.s32 s3, s2  }
0x8d: {  	s2 =	sadd.s32 s2, s17  }
0x8e: {  	[smem:$0x3FC1] =	sst s2  }
0x8f: {  	_ = 	snop  }
0x90: {  	s2 =	sld [smem:$0x3FC8]  }
0x91: {  	s18 =	sld [smem:$0x3FD0];
	(tm) =	ssettm $0x1  }
0x92: {  	s4 =	sld [smem:$0x3FFB];
	_ =	sdelay $0x3  }
0x93: {  	_ =	strace s4  }
0x94: {  	s4 =	sld [smem:$0x3FFC];
	_ =	sdelay $0x3  }
0x95: {  	_ =	strace s4  }
0x96: {  	s4 =	sld [smem:$0x3FFD];
	_ =	sdelay $0x3  }
0x97: {  	_ =	strace s4  }
0x98: {  	_ =	strace $0x8FFFFFFF  }
0x99: {  	s19 =	sld [smem:$0x3FDB];
	_ =	sdelay $0x1  }
0x9a: {  	s5 =	simm.s32 $_scs_section_size  }
0x9b: {  	s6 =	simm.s32 $_size__tile_overlayer_lowered;
	s7 =	simm.s32 $_tile_overlayer_lowered  }
0x9c: {  	s22 =	simm.s32 $0x1BFF;
	s21 =	sshll.u32 s7, $0x1;
	s4 =	sadd.s32 s5, s19  }
0x9d: {  	s8 =	simm.s32 $0x0;
	s20 =	sshll.u32 s6, $0x1;
	s6 =	sadd.s32 s21, s4  }
0x9e: {  	[timem:s8], [sflag:s22] =	dma.local [hbm:s6], s20  }
0x9f: {  	_ =	swait.ge [sflag:s22], s20  }
0xa0: {  	s5 =	ssub.s32 $0x0, s20;
	[sflag:s22] =	ssyncset.done $0x0  }
0xa1: {  	[sflag:s22] =	ssyncadd.s32 s5;
	_ =	sdelay $0x1  }
0xa2: {  	s23 =	simm.s32 $0x1B8B  }
0xa3: {  	_ =	swait.ge [sflag:s23], $0x1  }
0xa4: {  	[sflag:s23] =	ssyncset.done $0x0  }
0xa5: {  	s25 =	simm.s32 $0x1B8E;
	s24 =	sld [smem:$0x3FFE];
	[sflag:s23] =	ssyncadd.s32 $0xFFFFFFFF  }
0xa6: {  	s26 =	simm.s32 $execute0_lowered;
	[smem:$0x3FD2] =	sst s25  }
0xa7: {  	s6 =	sshll.u32 s26, $0x1;
	_ =	strace $0x80000046;
	[dreg:$0x1] =	wrdreg $0xFFFFFFFF  }
0xa8: {  	s28 =	simm.s32 $_size_execute0_lowered;
	s4 =	sadd.s32 s4, s6;
	[dreg:$0x0] =	wrdreg $0x0  }
0xa9: {  	s6 =	sshll.u32 s28, $0x1;
	[dreg:$0x2] =	wrdreg s4  }
0xaa: {  	[dreg:$0x3] =	wrdreg s6  }
0xab: {  	[dreg:$0x4] =	wrdreg $0xC0  }
0xac: {  	_ =	task [dreg:s8], $0x5FFFF  }
0xad: {  	[dreg:$0x1] =	wrdreg $0xFFFFFFFF  }
0xae: {  	[dreg:$0x0] =	wrdreg $0x60  }
0xaf: {  	[dreg:$0x2] =	wrdreg s24  }
0xb0: {  	[dreg:$0x3] =	wrdreg s2  }
0xb1: {  	[dreg:$0x4] =	wrdreg s18  }
0xb2: {  	[dreg:$0x5] =	wrdreg $0x7D000  }
0xb3: {  	[dreg:$0x6] =	wrdreg $0x9  }
0xb4: {  	_ =	task.clear_ibuf [dreg:s8], $0x7FFFF;
	_ =	strace $0x90000046  }
0xb5: {  	s29 =	simm.s32 $0x9;
	_ =	strace $0x80000048  }
0xb6: {  	_ =	swait.ge [sflag:s29], $0x1  }
0xb7: {  	[sflag:s29] =	ssyncadd.s32 $0xFFFFFFFF  }
0xb8: {  	_ =	strace $0x90000048  }
0xb9: {  	_ =	sfence  }
0xba: {  	s30 =	sld [smem:$0x0];
	_ =	sdelay $0x2  }
0xbb: {  	s31 =	sshll.u32 s1, $0xD;
	s1 =	sshrl.u32 s1, $0x2  }
0xbc: {  	s3 =	sand.u32 $0x4000, s31;
	s1 =	sadd.s32 s1, s30  }
0xbd: {  	s0 =	sor.u32 s3, s0;
	s1 =	sshll.u32 s1, $0x11  }
0xbe: {  	s0 =	sor.u32 s1, s0  }
0xbf: {  	s0 =	sadd.s32 $0x8F2B, s0  }
0xc0: {  	[sflag:s0] =	ssyncadd.remote.s32 $0x1  }
0xc1: {  	_ =	sfence.sel $0xFFFF  }
0xc2: {  	[dreg:$0x0] =	wrdreg $0xFFFFFFFF;
	(pc) =	sbr.abs _section_cstart, $3  }
0xc3: {  	[dreg:$0x1] =	wrdreg $0xFFFFFFFF  }
0xc4: {  	_ =	task.clear_ibuf [dreg:s8], $0x2FFFF;
	_ =	strace $0x9FFFFFFF  }
0xc5: {  	(tm) =	ssettm $0x7FFFFFFF  }
tec
execute0_lowered:
.L_overlay_start_1:
0x0: {  	(tag) =	ssettag $0x1  }
0x1: {  	s0 =	rddreg [dreg:$0x0]  }
0x2: {  	s7 =	rddreg [dreg:$0x1]  }
0x3: {  	s9 =	rddreg [dreg:$0x3]  }
0x4: {  	s1 =	srdreg.scid;
	s8 =	stileid.u32  }
0x5: {  	s14 =	simm.s32 $0x0;
	s1 =	sand.u32 $0x1, s1;
	s24 =	smul.u32 $0x4E000, s8  }
0x6: {  	s2 =	smul.u32 $0x270, s8;
	[smem:$0x7FF] =	sst s14;
	s4 =	sshll.u32 s1, $0x4  }
0x7: {  	s3 =	smul.u32 $0x2710, s1;
	s23 =	sor.u32 s8, s4;
	s4 =	sshrl.u32 s24, $0x2  }
0x8: {  	_ =	strace $0x80000047;
	s1 =	ssub.s32 $0x2, s1;
	s16 =	sadd.s32 s4, s9  }
0x9: {  	s25 =	sshrl.u32 s1, $0x1;
	s4 =	sadd.s32 $0x2800, s16;
	[dreg:$0x6] =	wrdreg s16  }
0xa: {  	s1 =	ssub.s32 s1, s25;
	s28 =	sadd.s32 $0x5000, s16;
	[dreg:$0x7] =	wrdreg s4  }
0xb: {  	s2 =	sadd.s32 s2, s3;
	s22 =	smax.u32 s1, $0x1;
	[dreg:$0x8] =	wrdreg s28  }
0xc: {  	s3 =	smul.u32 $0x2710, s23;
	s23 =	sadd.s32 $0x7800, s16;
	[dreg:$0x18] =	wrdreg s22  }
0xd: {  	s24 =	sadd.s32 $0xA000, s16;
	[dreg:$0x19] =	wrdreg s23  }
0xe: {  	s25 =	sadd.s32 $0xC800, s16;
	[dreg:$0x1a] =	wrdreg s24  }
0xf: {  	s31 =	simm.s32 $0x4B0;
	s18 =	sadd.s32 $0x140, s3;
	[dreg:$0x1b] =	wrdreg s25  }
0x10: {  	s6 =	sadd.s32 $0x1600, s0;
	s19 =	sadd.s32 $0x190, s3;
	[dreg:$0x11] =	wrdreg s18  }
0x11: {  	s2 =	sshll.u32 s2, $0x4;
	s20 =	sadd.s32 $0x1E0, s3;
	[dreg:$0x12] =	wrdreg s19  }
0x12: {  	s26 =	sshrl.u32 s3, $0x3;
	s3 =	sadd.s32 $0x230, s3;
	[dreg:$0x13] =	wrdreg s20  }
0x13: {  	s0 =	sadd.s32 s2, s0;
	s28 =	sadd.s32 $0x11800, s16;
	[dreg:$0x14] =	wrdreg s3  }
0x14: {  	s30 =	sadd.s32 $0xA, s26;
	s5 =	sadd.s32 s6, s26;
	[dreg:$0x1d] =	wrdreg s28  }
0x15: {  	s10 =	sadd.s32 s7, s26;
	s12 =	sadd.s32 $0x14, s26;
	[dreg:$0x9] =	wrdreg s5  }
0x16: {  	s13 =	sadd.s32 $0x1E, s26;
	s0 =	sadd.s32 $0xB400, s0;
	[dreg:$0xa] =	wrdreg s10  }
0x17: {  	s2 =	sadd.s32 $0x4D8, s26;
	s26 =	sadd.s32 $0xF000, s16;
	[dreg:$0x17] =	wrdreg s0  }
0x18: {  	s29 =	simm.s32 $0x8;
	s11 =	sadd.s32 s6, s30;
	[dreg:$0x1c] =	wrdreg s26  }
0x19: {  	p0 =	seq.s32 s8, $0xF;
	s4 =	sadd.s32 s7, s30;
	[dreg:$0xb] =	wrdreg s11  }
0x1a: {  	s23 =	simm.s32 $0x460;
	s10 =	sadd.s32 s6, s12;
	[dreg:$0xc] =	wrdreg s4  }
0x1b: {  	s25 =	simm.s32 $0x5;
	s15 =	sadd.s32 s6, s13;
	[dreg:$0xd] =	wrdreg s10  }
0x1c: {  	s17 =	sadd.s32 s7, s13;
	s21 =	sadd.s32 s6, s2;
	[dreg:$0xf] =	wrdreg s15  }
0x1d: {  	s2 =	sadd.s32 s7, s2;
	s30 =	sadd.s32 $0x136000, s9;
	[dreg:$0x10] =	wrdreg s17  }
0x1e: {  	s13 =	simm.s32 $0x1;
	s0 =	simm.s32 $0x6;
	[dreg:$0x15] =	wrdreg s21  }
0x1f: {  	s5 =	simm.s32 $0x4;
	s4 =	sadd.s32 s7, s12;
	[dreg:$0x16] =	wrdreg s2  }
0x20: {  	v1 =	vimm.s32 $0x0;
	vm0 =	vcmask $0x300;
	[dreg:$0x1e] =	wrdreg s30;
	s10 =	simm.s32 $0x3C0;
	s12 =	simm.s32 $0x410  }
0x21: {  	v0 =	vimm.f32 $0.0e+00;
	v1 =	vsel vm0, $0x3, v1;
	s15 =	simm.s32 $0x50;
	s11 =	simm.s32 $0x7;
	[dreg:$0xe] =	wrdreg s4  }
.LBB2_1:
0x22: {  	[dreg:$0x5] =	wrdreg s14;
	s1 =	simm.s32 $0x0;
	s2 =	simm.s32 $0x200  }
.LBB2_2:
0x23: {  	p1 =	sne.s32 s2, $0x9E00;
	[tilespmem:s1+$0x2D70] =	vst v0  }
0x24: {  	[tilespmem:s1+$0x2D00] =	vst v0  }
0x25: {  	[tilespmem:s1+$0x2D10] =	vst v0  }
.Ltmp0:
0x26: {  	[tilespmem:s1+$0x2D20] =	vst v0;
	(pc) =	sbr.rel @p1 .LBB2_2-.Ltmp0, $4  }
0x27: {  	[tilespmem:s1+$0x2D30] =	vst v0  }
0x28: {  	[tilespmem:s1+$0x2D40] =	vst v0  }
0x29: {  	[tilespmem:s1+$0x2D50] =	vst v0  }
0x2a: {  	[tilespmem:s1+$0x2D60] =	vst v0;
	s1 =	sshra.s32 s2, $0x2;
	s2 =	sadd.s32 $0x200, s2  }
0x2b: {  	[tilespmem:s1+$0x2D70] =	vst v0  }
0x2c: {  	[tilespmem:s1+$0x2D00] =	vst v0  }
0x2d: {  	[tilespmem:s1+$0x2D10] =	vst v0  }
0x2e: {  	[tilespmem:s1+$0x2D20] =	vst v0  }
0x2f: {  	[tilespmem:s1+$0x2D30] =	vst v0  }
0x30: {  	[tilespmem:s1+$0x2D40] =	vst v0  }
0x31: {  	[tilespmem:s1+$0x2D50] =	vst v0  }
0x32: {  	[tilespmem:s1+$0x2D60] =	vst v0;
	s2 =	simm.s32 $0x2D00;
	s3 =	simm.s32 $0x9  }
0x33: {  	[spmem:s16] =	stream.linear.scatter [tilespmem:s2], [sflag:$0x9], $0x2800, $0x38;
	[tilespmem:$0x1B580] =	vst v63  }
0x34: {  	_ =	swait.ge [sflag:s3], $0x2800  }
0x35: {  	[sflag:s3] =	ssyncset.done $0x0  }
0x36: {  	s28 =	rddreg [dreg:$0x7];
	[sflag:s3] =	ssyncadd.s32 $0xFFFFD800  }
0x37: {  	[spmem:s28] =	stream.linear.scatter [tilespmem:s2], [sflag:$0x9], $0x2800, $0x38;
	[tilespmem:$0x1B580] =	vst v63  }
0x38: {  	_ =	swait.ge [sflag:s3], $0x2800  }
0x39: {  	[sflag:s3] =	ssyncset.done $0x0  }
0x3a: {  	s30 =	rddreg [dreg:$0x8];
	[sflag:s3] =	ssyncadd.s32 $0xFFFFD800  }
0x3b: {  	[spmem:s30] =	stream.linear.scatter [tilespmem:s2], [sflag:$0x9], $0x2800, $0x38;
	[tilespmem:$0x1B580] =	vst v63  }
0x3c: {  	_ =	swait.ge [sflag:s3], $0x2800  }
0x3d: {  	[sflag:s3] =	ssyncset.done $0x0  }
0x3e: {  	s4 =	rddreg [dreg:$0x19];
	[sflag:s3] =	ssyncadd.s32 $0xFFFFD800  }
0x3f: {  	[spmem:s4] =	stream.linear.scatter [tilespmem:s2], [sflag:$0x9], $0x2800, $0x38;
	[tilespmem:$0x1B580] =	vst v63  }
0x40: {  	_ =	swait.ge [sflag:s3], $0x2800  }
0x41: {  	[sflag:s3] =	ssyncset.done $0x0  }
0x42: {  	s7 =	rddreg [dreg:$0x1a];
	[sflag:s3] =	ssyncadd.s32 $0xFFFFD800  }
0x43: {  	[spmem:s7] =	stream.linear.scatter [tilespmem:s2], [sflag:$0x9], $0x2800, $0x38;
	[tilespmem:$0x1B580] =	vst v63  }
0x44: {  	_ =	swait.ge [sflag:s3], $0x2800  }
0x45: {  	[sflag:s3] =	ssyncset.done $0x0  }
0x46: {  	s8 =	rddreg [dreg:$0x1b];
	[sflag:s3] =	ssyncadd.s32 $0xFFFFD800  }
0x47: {  	[spmem:s8] =	stream.linear.scatter [tilespmem:s2], [sflag:$0x9], $0x2800, $0x38;
	[tilespmem:$0x1B580] =	vst v63  }
0x48: {  	_ =	swait.ge [sflag:s3], $0x2800  }
0x49: {  	[sflag:s3] =	ssyncset.done $0x0  }
0x4a: {  	s9 =	rddreg [dreg:$0x1c];
	[sflag:s3] =	ssyncadd.s32 $0xFFFFD800  }
0x4b: {  	[spmem:s9] =	stream.linear.scatter [tilespmem:s2], [sflag:$0x9], $0x2800, $0x38;
	[tilespmem:$0x1B580] =	vst v63  }
0x4c: {  	_ =	swait.ge [sflag:s3], $0x2800  }
0x4d: {  	[sflag:s3] =	ssyncset.done $0x0  }
0x4e: {  	s1 =	simm.s32 @p0 $0x2D00;
	s2 =	rddreg [dreg:$0x1e];
	[sflag:s3] =	ssyncadd.s32 $0xFFFFD800  }
0x4f: {  	[spmem:s2] =	stream.linear.scatter @p0 [tilespmem:s1], [sflag:$0x9], $0x2800, $0x38;
	[tilespmem:$0x1B580] =	vst v63  }
0x50: {  	s1 =	simm.s32 @p0 $0x9  }
0x51: {  	_ =	swait.ge @p0 [sflag:s1], $0x2800  }
0x52: {  	[sflag:s1] =	ssyncset.done @p0 $0x0  }
0x53: {  	s2 =	rddreg [dreg:$0x1d];
	[sflag:s1] =	ssyncadd.s32 @p0 $0xFFFFD800;
	s1 =	simm.s32 @!p0 $0x2D00  }
0x54: {  	[spmem:s2] =	stream.linear.scatter @!p0 [tilespmem:s1], [sflag:$0x9], $0x2000, $0x38;
	[tilespmem:$0x1B580] =	vst v63  }
0x55: {  	s1 =	simm.s32 @!p0 $0x9  }
0x56: {  	_ =	swait.ge @!p0 [sflag:s1], $0x2000  }
0x57: {  	[sflag:s1] =	ssyncset.done @!p0 $0x0  }
0x58: {  	[sflag:s1] =	ssyncadd.s32 @!p0 $0xFFFFE000  }
0x59: {  	[bflag:$0x0] =	sbarrier.arrive $0xFFFF  }
0x5a: {  	s16 =	simm.s32 $0x280;
	s8 =	simm.s32 $0x0;
	s14 =	rddreg [dreg:$0x9]  }
0x5b: {  	[tilespmem:s16], [sflag:$0x1] =	stream.linear.gather [hbm4b:s14+s8], $0x50, $0x38;
	[tilespmem:$0x1B580] =	vst v63  }
0x5c: {  	s17 =	rddreg [dreg:$0xa]  }
0x5d: {  	[tilespmem:s10], [sflag:$0x1] =	stream.linear.gather [hbm4b:s17+s8], $0x50, $0x38;
	[tilespmem:$0x1B580] =	vst v63  }
0x5e: {  	s19 =	simm.s32 $0x2D0;
	s18 =	rddreg [dreg:$0xb]  }
0x5f: {  	[tilespmem:s19], [sflag:$0x2] =	stream.linear.gather [hbm4b:s18+s8], $0x50, $0x38;
	[tilespmem:$0x1B580] =	vst v63  }
0x60: {  	s20 =	rddreg [dreg:$0xc]  }
0x61: {  	[tilespmem:s12], [sflag:$0x2] =	stream.linear.gather [hbm4b:s20+s8], $0x50, $0x38;
	[tilespmem:$0x1B580] =	vst v63  }
0x62: {  	_ =	swait.ge [sflag:s13], $0x50  }
0x63: {  	[sflag:s13] =	ssyncset.done $0x0  }
0x64: {  	[sflag:s13] =	ssyncadd.s32 $0xFFFFFFB0  }
0x65: {  	_ =	swait.ge [sflag:s13], $0x50  }
0x66: {  	[sflag:s13] =	ssyncset.done $0x0  }
0x67: {  	[sflag:s13] =	ssyncadd.s32 $0xFFFFFFB0  }
0x68: {  	v2 =	vld [tilespmem:$0x280];
	_ =	sdelay $0x1  }
0x69: {  	v3 =	vld [tilespmem:$0x290];
	_ =	sdelay $0x1  }
0x6a: {  	v4 =	vld [tilespmem:$0x2A0]  }
0x6b: {  	v5 =	vand.u32 $0xFFFF, v2  }
0x6c: {  	v60 =	vld [tilespmem:$0x2B0];
	v2 =	vshrl.u32 v2, $0x10;
	[tilespmem:$0x0] =	vst v5  }
0x6d: {  	[tilespmem:$0x140] =	vst v2;
	v2 =	vand.u32 $0xFFFF, v3  }
0x6e: {  	[tilespmem:$0x10] =	vst v2;
	v2 =	vshrl.u32 v3, $0x10;
	v3 =	vld [tilespmem:$0x2C0]  }
0x6f: {  	[tilespmem:$0x150] =	vst v2;
	v2 =	vand.u32 $0xFFFF, v4  }
0x70: {  	[tilespmem:$0x20] =	vst v2;
	v2 =	vshrl.u32 v4, $0x10  }
0x71: {  	[tilespmem:$0x160] =	vst v2;
	v2 =	vand.u32 $0xFFFF, v60  }
0x72: {  	[tilespmem:$0x30] =	vst v2;
	v2 =	vshrl.u32 v60, $0x10  }
0x73: {  	[tilespmem:$0x170] =	vst v2;
	v2 =	vand.u32 $0xFFFF, v3  }
0x74: {  	[tilespmem:$0x40] =	vst v2;
	v2 =	vshrl.u32 v3, $0x10  }
0x75: {  	s21 =	simm.s32 $0x2;
	[tilespmem:$0x180] =	vst v2  }
0x76: {  	_ =	swait.ge [sflag:s21], $0x50  }
0x77: {  	[sflag:s21] =	ssyncset.done $0x0  }
0x78: {  	[sflag:s21] =	ssyncadd.s32 $0xFFFFFFB0  }
0x79: {  	_ =	swait.ge [sflag:s21], $0x50  }
0x7a: {  	[sflag:s21] =	ssyncset.done $0x0  }
0x7b: {  	[sflag:s21] =	ssyncadd.s32 $0xFFFFFFB0  }
0x7c: {  	v2 =	vld [tilespmem:$0x2D0];
	_ =	sdelay $0x1  }
0x7d: {  	v3 =	vld [tilespmem:$0x2E0];
	_ =	sdelay $0x1  }
0x7e: {  	v61 =	vld [tilespmem:$0x2F0]  }
0x7f: {  	v62 =	vand.u32 $0xFFFF, v2  }
0x80: {  	v63 =	vld [tilespmem:$0x300];
	v2 =	vshrl.u32 v2, $0x10;
	[tilespmem:$0x50] =	vst v62  }
0x81: {  	[tilespmem:$0x190] =	vst v2;
	v2 =	vand.u32 $0xFFFF, v3  }
0x82: {  	[tilespmem:$0x60] =	vst v2;
	v2 =	vshrl.u32 v3, $0x10;
	v3 =	vld [tilespmem:$0x310]  }
0x83: {  	[tilespmem:$0x1A0] =	vst v2;
	v2 =	vand.u32 $0xFFFF, v61  }
0x84: {  	[tilespmem:$0x70] =	vst v2;
	v2 =	vshrl.u32 v61, $0x10  }
0x85: {  	[tilespmem:$0x1B0] =	vst v2;
	v2 =	vand.u32 $0xFFFF, v63  }
0x86: {  	[tilespmem:$0x80] =	vst v2;
	v2 =	vshrl.u32 v63, $0x10  }
0x87: {  	[tilespmem:$0x1C0] =	vst v2;
	v2 =	vand.u32 $0xFFFF, v3  }
0x88: {  	[tilespmem:$0x90] =	vst v2;
	v2 =	vshrl.u32 v3, $0x10  }
0x89: {  	s22 =	simm.s32 $0x500;
	s1 =	rddreg [dreg:$0x2];
	[tilespmem:$0x1D0] =	vst v2  }
0x8a: {  	[tilespmem:s22], [sflag:$0x5] =	stream.indirect.gather [hbm4b:s1+s15], $0x40, s8, s15, $0xb8;
	[tilespmem:$0x1B580] =	vst v63  }
0x8b: {  	s24 =	simm.s32 $0x1900  }
0x8c: {  	[tilespmem:s24], [sflag:$0x6] =	stream.indirect.gather [hbm4b:s1+s15], $0x40, s15, s15, $0xb8;
	[tilespmem:$0x1B580] =	vst v63  }
0x8d: {  	s28 =	simm.s32 $0x320;
	s26 =	rddreg [dreg:$0xd]  }
0x8e: {  	[tilespmem:s28], [sflag:$0x3] =	stream.linear.gather [hbm4b:s26+s8], $0x50, $0x38;
	[tilespmem:$0x1B580] =	vst v63  }
0x8f: {  	s30 =	rddreg [dreg:$0xe]  }
0x90: {  	[tilespmem:s23], [sflag:$0x3] =	stream.linear.gather [hbm4b:s30+s8], $0x50, $0x38;
	[tilespmem:$0x1B580] =	vst v63  }
0x91: {  	_ =	swait.ge [sflag:s25], $0x1400  }
0x92: {  	[sflag:s25] =	ssyncset.done $0x0  }
0x93: {  	[sflag:s25] =	ssyncadd.s32 $0xFFFFEC00  }
.LBB2_4:
0x94: {  	v2 =	vmov s8;
	s7 =	sor.u32 $0x1, s8  }
0x95: {  	v2 =	vshrl.u32 v2, $0x3;
	v3 =	vmov s7  }
0x96: {  	v2 =	vshll.u32 v2, v1;
	v3 =	vshrl.u32 v3, $0x3  }
0x97: {  	v2 =	vbroadcast v2, $0x0;
	v3 =	vshll.u32 v3, v1  }
0x98: {  	s9 =	sor.u32 $0x2, s8;
	v3 =	vadd.s32 $0x1, v3  }
0x99: {  	v4 =	vmov s9;
	v3 =	vbroadcast v3, $0x0  }
0x9a: {  	s1 =	sshll.u32 s8, $0x6;
	s14 =	sor.u32 $0x3, s8;
	v4 =	vshrl.u32 v4, $0x3  }
0x9b: {  	s4 =	sand.u32 $0x3FFFFFC0, s1;
	v5 =	vmov s14;
	v4 =	vshll.u32 v4, v1  }
0x9c: {  	s22 =	sshll.u32 s7, $0x6;
	v7 =	vld [tilespmem:s4+$0x500];
	v6 =	vshrl.u32 v5, $0x3;
	v4 =	vadd.s32 $0x2, v4  }
0x9d: {  	s16 =	sand.u32 $0x3FFFFFC0, s22;
	v36 =	vshll.u32 v6, v1;
	v35 =	vld.idx.msk [tilespmem:v2+s10+$0x0], $0xffff;
	v2 =	vbroadcast v4, $0x0  }
0x9e: {  	v9 =	vld [tilespmem:s16+$0x500];
	v4 =	vadd.s32 $0x3, v36  }
0x9f: {  	v6 =	vld.idx.msk [tilespmem:v3+s10+$0x0], $0xffff;
	v3 =	vbroadcast v4, $0x0  }
0xa0: {  	s24 =	sshll.u32 s9, $0x6  }
0xa1: {  	s3 =	sand.u32 $0x3FFFFFC0, s24  }
0xa2: {  	s2 =	sshll.u32 s14, $0x6;
	v10 =	vld [tilespmem:s3+$0x500];
	v37 =	vshll.u32 v7, $0x10  }
0xa3: {  	s26 =	sshll.u32 s8, $0x7;
	s2 =	sand.u32 $0x3FFFFFC0, s2;
	v4 =	vmul.f32 v37, v35;
	v8 =	vld.idx.msk [tilespmem:v2+s10+$0x0], $0xffff  }
0xa4: {  	s1 =	sand.u32 $0x3FFFFF80, s26;
	v39 =	vld [tilespmem:s2+$0x500];
	v11 =	vshll.u32 v9, $0x10;
	v7 =	vmul.f32 v7, v35  }
0xa5: {  	s7 =	sshll.u32 s7, $0x7;
	[tilespmem:s1+$0x2D00] =	vst v4;
	v38 =	vmul.f32 v11, v6;
	v2 =	vld.idx.msk [tilespmem:v3+s10+$0x0], $0xffff  }
0xa6: {  	s7 =	sand.u32 $0x3FFFFF80, s7;
	[tilespmem:s1+$0x2D10] =	vst v7;
	v40 =	vmul.f32 v9, v6  }
0xa7: {  	v41 =	vshll.u32 v10, $0x10;
	v3 =	vld [tilespmem:s4+$0x510];
	[tilespmem:s7+$0x2D00] =	vst v38  }
0xa8: {  	s9 =	sshll.u32 s9, $0x7;
	[tilespmem:s7+$0x2D10] =	vst v40;
	v4 =	vmul.f32 v41, v8  }
0xa9: {  	s30 =	sor.u32 $0x4, s8;
	s18 =	sor.u32 $0x5, s8;
	s17 =	sand.u32 $0x3FFFFF80, s9;
	v43 =	vshll.u32 v39, $0x10;
	v7 =	vld [tilespmem:s16+$0x510];
	v42 =	vmul.f32 v10, v8  }
0xaa: {  	s28 =	sshll.u32 s14, $0x7;
	v47 =	vmov s30;
	v53 =	vmov s18;
	[tilespmem:s17+$0x2D00] =	vst v4;
	v44 =	vmul.f32 v43, v2  }
0xab: {  	s22 =	sand.u32 $0x3FFFFF80, s28;
	v48 =	vshrl.u32 v47, $0x3;
	v9 =	vshrl.u32 v53, $0x3;
	[tilespmem:s17+$0x2D10] =	vst v42;
	v46 =	vmul.f32 v39, v2  }
0xac: {  	v45 =	vshll.u32 v3, $0x10;
	v3 =	vmul.f32 v3, v35;
	v4 =	vshll.u32 v48, v1;
	v12 =	vld [tilespmem:s3+$0x510];
	[tilespmem:s22+$0x2D00] =	vst v44  }
0xad: {  	v9 =	vshll.u32 v9, v1;
	v10 =	vmul.f32 v45, v35;
	v4 =	vadd.s32 $0x4, v4;
	[tilespmem:s22+$0x2D10] =	vst v46  }
0xae: {  	v49 =	vshll.u32 v7, $0x10;
	[tilespmem:s1+$0x2D30] =	vst v3;
	v3 =	vmul.f32 v7, v6;
	v4 =	vbroadcast v4, $0x0;
	v51 =	vld [tilespmem:s2+$0x510]  }
0xaf: {  	v9 =	vadd.s32 $0x5, v9;
	[tilespmem:s1+$0x2D20] =	vst v10;
	v50 =	vmul.f32 v49, v6  }
0xb0: {  	v9 =	vbroadcast v9, $0x0;
	v52 =	vld [tilespmem:s4+$0x520];
	[tilespmem:s7+$0x2D30] =	vst v3  }
0xb1: {  	s20 =	sshll.u32 s30, $0x6;
	[tilespmem:s7+$0x2D20] =	vst v50;
	v3 =	vshll.u32 v12, $0x10;
	v12 =	vmul.f32 v12, v8  }
0xb2: {  	s24 =	sand.u32 $0x3FFFFFC0, s20;
	v54 =	vld [tilespmem:s16+$0x520];
	v3 =	vmul.f32 v3, v8  }
0xb3: {  	s21 =	sshll.u32 s18, $0x6;
	v14 =	vld [tilespmem:s24+$0x500];
	v13 =	vshll.u32 v51, $0x10;
	[tilespmem:s17+$0x2D30] =	vst v12;
	v10 =	vmul.f32 v51, v2  }
0xb4: {  	s19 =	sand.u32 $0x3FFFFFC0, s21;
	[tilespmem:s17+$0x2D20] =	vst v3;
	v13 =	vmul.f32 v13, v2;
	v3 =	vld.idx.msk [tilespmem:v4+s10+$0x0], $0xffff  }
0xb5: {  	v60 =	vld [tilespmem:s19+$0x500];
	v15 =	vshll.u32 v52, $0x10;
	v7 =	vmul.f32 v52, v35;
	[tilespmem:s22+$0x2D30] =	vst v10  }
0xb6: {  	v4 =	vld.idx.msk [tilespmem:v9+s10+$0x0], $0xffff;
	v55 =	vmul.f32 v15, v35;
	[tilespmem:s22+$0x2D20] =	vst v13  }
0xb7: {  	v56 =	vshll.u32 v54, $0x10;
	[tilespmem:s1+$0x2D50] =	vst v7;
	v58 =	vmul.f32 v54, v6  }
0xb8: {  	v59 =	vshll.u32 v14, $0x10;
	v12 =	vld [tilespmem:s3+$0x520];
	[tilespmem:s1+$0x2D40] =	vst v55;
	v57 =	vmul.f32 v56, v6  }
0xb9: {  	s26 =	sshll.u32 s30, $0x7;
	[tilespmem:s7+$0x2D50] =	vst v58;
	v11 =	vmul.f32 v59, v3  }
0xba: {  	s9 =	sand.u32 $0x3FFFFF80, s26;
	v23 =	vshll.u32 v60, $0x10;
	v10 =	vld [tilespmem:s2+$0x520];
	[tilespmem:s7+$0x2D40] =	vst v57;
	v62 =	vmul.f32 v14, v3  }
0xbb: {  	s18 =	sshll.u32 s18, $0x7;
	s28 =	sor.u32 $0x6, s8;
	v24 =	vmul.f32 v23, v4;
	[tilespmem:s9+$0x2D00] =	vst v11  }
0xbc: {  	s18 =	sand.u32 $0x3FFFFF80, s18;
	v18 =	vmov s28;
	v63 =	vld [tilespmem:s4+$0x530];
	v26 =	vmul.f32 v60, v4;
	[tilespmem:s9+$0x2D10] =	vst v62  }
0xbd: {  	v20 =	vshrl.u32 v18, $0x3;
	v61 =	vshll.u32 v12, $0x10;
	v12 =	vmul.f32 v12, v8;
	v25 =	vld [tilespmem:s16+$0x530];
	[tilespmem:s18+$0x2D00] =	vst v24  }
0xbe: {  	v9 =	vshll.u32 v20, v1;
	v7 =	vmul.f32 v61, v8;
	[tilespmem:s18+$0x2D10] =	vst v26  }
0xbf: {  	s30 =	sor.u32 $0x7, s8;
	v9 =	vadd.s32 $0x6, v9;
	v19 =	vshll.u32 v10, $0x10;
	[tilespmem:s17+$0x2D50] =	vst v12;
	v10 =	vmul.f32 v10, v2  }
0xc0: {  	v27 =	vmov s30;
	v9 =	vbroadcast v9, $0x0;
	v22 =	vld [tilespmem:s24+$0x510];
	[tilespmem:s17+$0x2D40] =	vst v7;
	v21 =	vmul.f32 v19, v2  }
0xc1: {  	v28 =	vshrl.u32 v27, $0x3;
	v33 =	vld [tilespmem:s19+$0x510];
	v16 =	vshll.u32 v63, $0x10;
	v5 =	vmul.f32 v63, v35;
	[tilespmem:s22+$0x2D50] =	vst v10  }
0xc2: {  	v31 =	vshll.u32 v28, v1;
	v29 =	vmul.f32 v16, v35;
	[tilespmem:s22+$0x2D40] =	vst v21;
	v36 =	vshll.u32 v25, $0x10  }
0xc3: {  	v34 =	vadd.s32 $0x7, v31;
	s16 =	sshll.u32 s28, $0x6;
	[tilespmem:s1+$0x2D70] =	vst v5;
	v17 =	vmul.f32 v36, v6  }
0xc4: {  	s26 =	sand.u32 $0x3FFFFFC0, s16;
	v30 =	vld [tilespmem:s3+$0x530];
	v35 =	vbroadcast v34, $0x0;
	[tilespmem:s1+$0x2D60] =	vst v29;
	v6 =	vmul.f32 v25, v6  }
0xc5: {  	v37 =	vld [tilespmem:s26+$0x500];
	v11 =	vmul.f32 v22, v3;
	[tilespmem:s7+$0x2D60] =	vst v17  }
0xc6: {  	v5 =	vld.idx.msk [tilespmem:v9+s10+$0x0], $0xffff;
	v32 =	vshll.u32 v22, $0x10;
	v44 =	vmul.f32 v33, v4;
	[tilespmem:s7+$0x2D70] =	vst v6  }
0xc7: {  	s14 =	sor.u32 $0x9, s8;
	s20 =	sshll.u32 s30, $0x6;
	v7 =	vld [tilespmem:s2+$0x530];
	v39 =	vshll.u32 v33, $0x10;
	v10 =	vmul.f32 v32, v3;
	[tilespmem:s9+$0x2D30] =	vst v11  }
0xc8: {  	v51 =	vmov s14;
	s1 =	sand.u32 $0x3FFFFFC0, s20;
	s2 =	sor.u32 $0x8, s8;
	v41 =	vmul.f32 v39, v4;
	[tilespmem:s18+$0x2D30] =	vst v44  }
0xc9: {  	v42 =	vld [tilespmem:s1+$0x500];
	v43 =	vmov s2;
	v38 =	vshll.u32 v30, $0x10;
	v40 =	vmul.f32 v30, v8;
	[tilespmem:s9+$0x2D20] =	vst v10  }
0xca: {  	v45 =	vshll.u32 v37, $0x10;
	v46 =	vshrl.u32 v43, $0x3;
	v9 =	vmul.f32 v38, v8;
	v10 =	vld.idx.msk [tilespmem:v35+s10+$0x0], $0xffff;
	[tilespmem:s18+$0x2D20] =	vst v41  }
0xcb: {  	s21 =	sshll.u32 s28, $0x7;
	v55 =	vshrl.u32 v51, $0x3;
	v49 =	vshll.u32 v46, v1;
	v48 =	vmul.f32 v45, v5;
	[tilespmem:s17+$0x2D70] =	vst v40  }
0xcc: {  	s16 =	sor.u32 $0xA, s8;
	s20 =	sand.u32 $0x3FFFFF80, s21;
	v50 =	vmul.f32 v37, v5;
	v12 =	vbroadcast v49, $0x0;
	v11 =	vld [tilespmem:s24+$0x520];
	v47 =	vshll.u32 v7, $0x10;
	[tilespmem:s17+$0x2D60] =	vst v9  }
0xcd: {  	v57 =	vmov s16;
	v8 =	vshll.u32 v55, v1;
	v54 =	vld [tilespmem:s19+$0x520];
	v52 =	vmul.f32 v47, v2;
	[tilespmem:s20+$0x2D00] =	vst v48  }
0xce: {  	v8 =	vadd.s32 $0x1, v8;
	[tilespmem:s20+$0x2D10] =	vst v50;
	v56 =	vshll.u32 v42, $0x10;
	v2 =	vmul.f32 v7, v2  }
0xcf: {  	s28 =	sshll.u32 s30, $0x7;
	v59 =	vshrl.u32 v57, $0x3;
	s30 =	sshll.u32 s2, $0x6;
	v8 =	vbroadcast v8, $0x0;
	[tilespmem:s22+$0x2D60] =	vst v52;
	v58 =	vmul.f32 v56, v10  }
0xd0: {  	s21 =	sand.u32 $0x3FFFFF80, s28;
	s4 =	sand.u32 $0x3FFFFFC0, s30;
	v9 =	vshll.u32 v59, v1;
	v18 =	vld [tilespmem:s26+$0x510];
	[tilespmem:s22+$0x2D70] =	vst v2;
	v60 =	vmul.f32 v42, v10  }
0xd1: {  	s28 =	sshll.u32 s14, $0x6;
	v62 =	vld [tilespmem:s4+$0x500];
	v9 =	vadd.s32 $0x2, v9;
	v53 =	vshll.u32 v11, $0x10;
	v11 =	vmul.f32 v11, v3;
	[tilespmem:s21+$0x2D00] =	vst v58  }
0xd2: {  	s30 =	sand.u32 $0x3FFFFFC0, s28;
	v9 =	vbroadcast v9, $0x0;
	v6 =	vld.idx.msk [tilespmem:v12+s10+$0x0], $0xffff;
	v20 =	vmul.f32 v54, v4;
	[tilespmem:s21+$0x2D10] =	vst v60  }
0xd3: {  	v23 =	vld [tilespmem:s30+$0x500];
	v63 =	vshll.u32 v54, $0x10;
	v61 =	vmul.f32 v53, v3;
	[tilespmem:s9+$0x2D50] =	vst v11  }
0xd4: {  	v19 =	vmul.f32 v63, v4;
	v13 =	vld [tilespmem:s1+$0x510];
	[tilespmem:s18+$0x2D50] =	vst v20  }
0xd5: {  	s7 =	sshll.u32 s16, $0x6;
	v21 =	vshll.u32 v18, $0x10;
	v24 =	vmul.f32 v18, v5;
	v8 =	vld.idx.msk [tilespmem:v8+s10+$0x0], $0xffff;
	[tilespmem:s9+$0x2D40] =	vst v61  }
0xd6: {  	s3 =	sand.u32 $0x3FFFFFC0, s7;
	v25 =	vshll.u32 v62, $0x10;
	[tilespmem:s18+$0x2D40] =	vst v19;
	v22 =	vmul.f32 v21, v5  }
0xd7: {  	s2 =	sshll.u32 s2, $0x7;
	v27 =	vld [tilespmem:s3+$0x500];
	[tilespmem:s20+$0x2D30] =	vst v24;
	v26 =	vmul.f32 v25, v6  }
0xd8: {  	s7 =	sand.u32 $0x3FFFFF80, s2;
	v9 =	vld.idx.msk [tilespmem:v9+s10+$0x0], $0xffff;
	[tilespmem:s20+$0x2D20] =	vst v22;
	v15 =	vmul.f32 v62, v6  }
0xd9: {  	v31 =	vshll.u32 v23, $0x10;
	[tilespmem:s7+$0x2D00] =	vst v26;
	v30 =	vmul.f32 v13, v10  }
0xda: {  	s14 =	sshll.u32 s14, $0x7;
	v45 =	vld [tilespmem:s24+$0x530];
	v28 =	vshll.u32 v13, $0x10;
	[tilespmem:s7+$0x2D10] =	vst v15;
	v13 =	vmul.f32 v31, v8  }
0xdb: {  	s2 =	sand.u32 $0x3FFFFF80, s14;
	v48 =	vld [tilespmem:s19+$0x530];
	v33 =	vmul.f32 v23, v8;
	[tilespmem:s21+$0x2D30] =	vst v30  }
0xdc: {  	v34 =	vshll.u32 v27, $0x10;
	v29 =	vld [tilespmem:s26+$0x520];
	v11 =	vmul.f32 v28, v10;
	[tilespmem:s2+$0x2D00] =	vst v13  }
0xdd: {  	s16 =	sshll.u32 s16, $0x7;
	v36 =	vmul.f32 v34, v9;
	[tilespmem:s2+$0x2D10] =	vst v33  }
0xde: {  	s16 =	sand.u32 $0x3FFFFF80, s16;
	v38 =	vmul.f32 v27, v9;
	[tilespmem:s21+$0x2D20] =	vst v11  }
0xdf: {  	v32 =	vld [tilespmem:s4+$0x510];
	v54 =	vshll.u32 v45, $0x10;
	v2 =	vmul.f32 v45, v3;
	[tilespmem:s16+$0x2D00] =	vst v36  }
0xe0: {  	v7 =	vmul.f32 v54, v3;
	[tilespmem:s16+$0x2D10] =	vst v38  }
0xe1: {  	v3 =	vshll.u32 v48, $0x10;
	v40 =	vmul.f32 v29, v5;
	[tilespmem:s9+$0x2D70] =	vst v2  }
0xe2: {  	v39 =	vld [tilespmem:s30+$0x510];
	v3 =	vmul.f32 v3, v4;
	[tilespmem:s9+$0x2D60] =	vst v7  }
0xe3: {  	v4 =	vmul.f32 v48, v4;
	[tilespmem:s20+$0x2D50] =	vst v40  }
0xe4: {  	v43 =	vld [tilespmem:s3+$0x510];
	v41 =	vshll.u32 v32, $0x10;
	v11 =	vmul.f32 v32, v6;
	[tilespmem:s18+$0x2D60] =	vst v3  }
0xe5: {  	v35 =	vld [tilespmem:s1+$0x520];
	v37 =	vshll.u32 v29, $0x10;
	[tilespmem:s18+$0x2D70] =	vst v4;
	v42 =	vmul.f32 v41, v6  }
0xe6: {  	v14 =	vmul.f32 v37, v5;
	[tilespmem:s7+$0x2D30] =	vst v11  }
0xe7: {  	v46 =	vshll.u32 v39, $0x10;
	v49 =	vmul.f32 v39, v8;
	[tilespmem:s7+$0x2D20] =	vst v42  }
0xe8: {  	[tilespmem:s20+$0x2D40] =	vst v14;
	v11 =	vmul.f32 v46, v8;
	v47 =	vld [tilespmem:s4+$0x520]  }
0xe9: {  	s17 =	sor.u32 $0xC, s8;
	v51 =	vld [tilespmem:s26+$0x530];
	v50 =	vshll.u32 v43, $0x10;
	[tilespmem:s2+$0x2D30] =	vst v49;
	v14 =	vmul.f32 v43, v9  }
0xea: {  	s22 =	sor.u32 $0xB, s8;
	v21 =	vmov s17;
	v44 =	vshll.u32 v35, $0x10;
	[tilespmem:s2+$0x2D20] =	vst v11;
	v52 =	vmul.f32 v50, v9  }
0xeb: {  	v63 =	vmov s22;
	s24 =	sor.u32 $0xD, s8;
	v23 =	vshrl.u32 v21, $0x3;
	v13 =	vmul.f32 v44, v10;
	v55 =	vld [tilespmem:s30+$0x520];
	[tilespmem:s16+$0x2D30] =	vst v14  }
0xec: {  	s19 =	sor.u32 $0xF, s8;
	v25 =	vmov s24;
	v24 =	vshll.u32 v23, v1;
	v15 =	vmul.f32 v35, v10;
	[tilespmem:s16+$0x2D20] =	vst v52  }
0xed: {  	v34 =	vmov s19;
	[tilespmem:s21+$0x2D40] =	vst v13;
	v58 =	vld [tilespmem:s3+$0x520];
	v56 =	vshll.u32 v47, $0x10;
	v13 =	vmul.f32 v47, v6  }
0xee: {  	v37 =	vshrl.u32 v34, $0x3;
	s18 =	sor.u32 $0xE, s8;
	[tilespmem:s21+$0x2D50] =	vst v15;
	v59 =	vshll.u32 v51, $0x10;
	v57 =	vmul.f32 v56, v6  }
0xef: {  	v29 =	vmov s18;
	v15 =	vshrl.u32 v63, $0x3;
	v53 =	vld [tilespmem:s1+$0x530];
	v7 =	vmul.f32 v59, v5;
	[tilespmem:s7+$0x2D50] =	vst v13  }
0xf0: {  	v20 =	vshll.u32 v15, v1;
	v61 =	vshll.u32 v55, $0x10;
	v3 =	vmul.f32 v55, v8;
	[tilespmem:s7+$0x2D40] =	vst v57  }
0xf1: {  	v14 =	vshrl.u32 v25, $0x3;
	v11 =	vadd.s32 $0x3, v20;
	[tilespmem:s20+$0x2D60] =	vst v7;
	v13 =	vmul.f32 v61, v8;
	v62 =	vld [tilespmem:s4+$0x530]  }
0xf2: {  	v18 =	vshll.u32 v58, $0x10;
	v22 =	vmul.f32 v58, v9;
	[tilespmem:s2+$0x2D50] =	vst v3;
	v3 =	vbroadcast v11, $0x0  }
0xf3: {  	v28 =	vshll.u32 v14, v1;
	v11 =	vadd.s32 $0x4, v24;
	v19 =	vmul.f32 v18, v9;
	[tilespmem:s2+$0x2D40] =	vst v13  }
0xf4: {  	v5 =	vmul.f32 v51, v5;
	v60 =	vshll.u32 v53, $0x10;
	v11 =	vbroadcast v11, $0x0;
	v27 =	vld [tilespmem:s30+$0x530];
	[tilespmem:s16+$0x2D50] =	vst v22  }
0xf5: {  	s26 =	sshll.u32 s22, $0x6;
	v39 =	vshll.u32 v37, v1;
	v12 =	vmul.f32 v60, v10;
	v13 =	vadd.s32 $0x5, v28;
	[tilespmem:s16+$0x2D40] =	vst v19  }
0xf6: {  	s1 =	sand.u32 $0x3FFFFFC0, s26;
	[tilespmem:s20+$0x2D70] =	vst v5;
	v2 =	vmul.f32 v53, v10;
	v32 =	vbroadcast v13, $0x0;
	v31 =	vld [tilespmem:s3+$0x530];
	v26 =	vshll.u32 v62, $0x10  }
0xf7: {  	s28 =	sshll.u32 s17, $0x6;
	v14 =	vshrl.u32 v29, $0x3;
	v35 =	vld [tilespmem:s1+$0x500];
	[tilespmem:s21+$0x2D60] =	vst v12;
	v12 =	vadd.s32 $0x7, v39;
	v30 =	vmul.f32 v26, v6  }
0xf8: {  	v33 =	vshll.u32 v14, v1;
	[tilespmem:s21+$0x2D70] =	vst v2;
	v43 =	vbroadcast v12, $0x0;
	s3 =	sand.u32 $0x3FFFFFC0, s28;
	v6 =	vmul.f32 v62, v6;
	v2 =	vld.idx.msk [tilespmem:v3+s10+$0x0], $0xffff  }
0xf9: {  	v36 =	vadd.s32 $0x6, v33;
	s30 =	sshll.u32 s24, $0x6;
	v41 =	vld [tilespmem:s3+$0x500];
	v38 =	vshll.u32 v27, $0x10;
	v4 =	vmul.f32 v27, v8;
	[tilespmem:s7+$0x2D60] =	vst v30  }
0xfa: {  	s4 =	sand.u32 $0x3FFFFFC0, s30;
	v3 =	vbroadcast v36, $0x0;
	v40 =	vmul.f32 v38, v8;
	[tilespmem:s7+$0x2D70] =	vst v6;
	v8 =	vld.idx.msk [tilespmem:v11+s10+$0x0], $0xffff  }
0xfb: {  	s21 =	sshll.u32 s22, $0x7;
	s22 =	sshll.u32 s19, $0x6;
	v44 =	vld [tilespmem:s4+$0x500];
	v42 =	vshll.u32 v31, $0x10;
	[tilespmem:s2+$0x2D70] =	vst v4;
	v45 =	vmul.f32 v31, v9  }
0xfc: {  	v46 =	vshll.u32 v35, $0x10;
	s14 =	sand.u32 $0x3FFFFFC0, s22;
	v5 =	vld.idx.msk [tilespmem:v32+s10+$0x0], $0xffff;
	[tilespmem:s2+$0x2D60] =	vst v40;
	v6 =	vmul.f32 v42, v9  }
0xfd: {  	s20 =	sshll.u32 s18, $0x6;
	v52 =	vld [tilespmem:s14+$0x500];
	v47 =	vmul.f32 v46, v2;
	[tilespmem:s16+$0x2D70] =	vst v45  }
0xfe: {  	s7 =	sand.u32 $0x3FFFFFC0, s20;
	v11 =	vld.idx.msk [tilespmem:v43+s10+$0x0], $0xffff;
	s2 =	sand.u32 $0x3FFFFF80, s21;
	v50 =	vshll.u32 v41, $0x10;
	v49 =	vmul.f32 v35, v2;
	[tilespmem:s16+$0x2D60] =	vst v6  }
0xff: {  	s9 =	sshll.u32 s17, $0x7;
	v48 =	vld [tilespmem:s7+$0x500];
	[tilespmem:s2+$0x2D00] =	vst v47;
	v51 =	vmul.f32 v50, v8  }
0x100: {  	s9 =	sand.u32 $0x3FFFFF80, s9;
	v54 =	vshll.u32 v44, $0x10;
	v3 =	vld.idx.msk [tilespmem:v3+s10+$0x0], $0xffff;
	[tilespmem:s2+$0x2D10] =	vst v49;
	v53 =	vmul.f32 v41, v8  }
0x101: {  	s24 =	sshll.u32 s24, $0x7;
	v56 =	vmul.f32 v54, v5;
	[tilespmem:s9+$0x2D00] =	vst v51  }
0x102: {  	v62 =	vshll.u32 v52, $0x10;
	s16 =	sand.u32 $0x3FFFFF80, s24;
	v57 =	vmul.f32 v44, v5;
	v55 =	vld [tilespmem:s1+$0x510];
	[tilespmem:s9+$0x2D10] =	vst v53  }
0x103: {  	s28 =	sshll.u32 s19, $0x7;
	v15 =	vmul.f32 v62, v11;
	[tilespmem:s16+$0x2D00] =	vst v56  }
0x104: {  	s26 =	sshll.u32 s18, $0x7;
	s18 =	sand.u32 $0x3FFFFF80, s28;
	v58 =	vshll.u32 v48, $0x10;
	v17 =	vmul.f32 v52, v11;
	[tilespmem:s16+$0x2D10] =	vst v57;
	v59 =	vld [tilespmem:s3+$0x510]  }
0x105: {  	v63 =	vld [tilespmem:s4+$0x510];
	[tilespmem:s18+$0x2D00] =	vst v15;
	v60 =	vmul.f32 v58, v3  }
0x106: {  	s17 =	sand.u32 $0x3FFFFF80, s26;
	[tilespmem:s18+$0x2D10] =	vst v17;
	v61 =	vmul.f32 v48, v3  }
0x107: {  	[tilespmem:s17+$0x2D00] =	vst v60;
	v16 =	vshll.u32 v55, $0x10;
	v19 =	vmul.f32 v55, v2  }
0x108: {  	v22 =	vld [tilespmem:s14+$0x510];
	[tilespmem:s17+$0x2D10] =	vst v61;
	v7 =	vmul.f32 v16, v2  }
0x109: {  	v18 =	vld [tilespmem:s7+$0x510];
	[tilespmem:s2+$0x2D30] =	vst v19;
	v23 =	vmul.f32 v59, v8  }
0x10a: {  	v20 =	vshll.u32 v59, $0x10;
	v27 =	vmul.f32 v63, v5;
	[tilespmem:s2+$0x2D20] =	vst v7  }
0x10b: {  	v24 =	vshll.u32 v63, $0x10;
	v21 =	vmul.f32 v20, v8;
	[tilespmem:s9+$0x2D30] =	vst v23  }
0x10c: {  	v26 =	vmul.f32 v24, v5;
	v25 =	vld [tilespmem:s1+$0x520];
	[tilespmem:s16+$0x2D30] =	vst v27  }
0x10d: {  	v36 =	vmul.f32 v22, v11;
	[tilespmem:s9+$0x2D20] =	vst v21  }
0x10e: {  	[tilespmem:s16+$0x2D20] =	vst v26;
	v28 =	vshll.u32 v18, $0x10;
	v29 =	vld [tilespmem:s3+$0x520];
	v31 =	vmul.f32 v18, v3  }
0x10f: {  	v32 =	vshll.u32 v22, $0x10;
	[tilespmem:s18+$0x2D30] =	vst v36;
	v30 =	vmul.f32 v28, v3  }
0x110: {  	v34 =	vmul.f32 v32, v11;
	v33 =	vld [tilespmem:s4+$0x520];
	[tilespmem:s17+$0x2D30] =	vst v31  }
0x111: {  	[tilespmem:s17+$0x2D20] =	vst v30;
	v35 =	vshll.u32 v25, $0x10;
	v39 =	vmul.f32 v25, v2  }
0x112: {  	[tilespmem:s18+$0x2D20] =	vst v34;
	v37 =	vmul.f32 v35, v2;
	v38 =	vld [tilespmem:s7+$0x520]  }
0x113: {  	v40 =	vshll.u32 v29, $0x10;
	[tilespmem:s2+$0x2D50] =	vst v39;
	v43 =	vmul.f32 v29, v8  }
0x114: {  	v42 =	vld [tilespmem:s14+$0x520];
	[tilespmem:s2+$0x2D40] =	vst v37;
	v41 =	vmul.f32 v40, v8  }
0x115: {  	v44 =	vshll.u32 v33, $0x10;
	v47 =	vmul.f32 v33, v5;
	v45 =	vld [tilespmem:s1+$0x530];
	[tilespmem:s9+$0x2D50] =	vst v43  }
0x116: {  	v46 =	vmul.f32 v44, v5;
	[tilespmem:s9+$0x2D40] =	vst v41  }
0x117: {  	[tilespmem:s16+$0x2D50] =	vst v47;
	v48 =	vshll.u32 v38, $0x10;
	v49 =	vld [tilespmem:s3+$0x530];
	v51 =	vmul.f32 v38, v3  }
0x118: {  	[tilespmem:s16+$0x2D40] =	vst v46;
	v50 =	vmul.f32 v48, v3  }
0x119: {  	v52 =	vshll.u32 v42, $0x10;
	v56 =	vmul.f32 v42, v11;
	v53 =	vld [tilespmem:s4+$0x530];
	[tilespmem:s17+$0x2D50] =	vst v51  }
0x11a: {  	v54 =	vmul.f32 v52, v11;
	[tilespmem:s17+$0x2D40] =	vst v50;
	v55 =	vshll.u32 v45, $0x10  }
0x11b: {  	[tilespmem:s18+$0x2D50] =	vst v56;
	v57 =	vld [tilespmem:s7+$0x530];
	v58 =	vmul.f32 v55, v2  }
0x11c: {  	[tilespmem:s18+$0x2D40] =	vst v54;
	v2 =	vmul.f32 v45, v2;
	v59 =	vshll.u32 v49, $0x10  }
0x11d: {  	v4 =	vld [tilespmem:s14+$0x530];
	[tilespmem:s2+$0x2D60] =	vst v58;
	v60 =	vmul.f32 v59, v8  }
0x11e: {  	v61 =	vshll.u32 v53, $0x10;
	[tilespmem:s2+$0x2D70] =	vst v2;
	v2 =	vmul.f32 v49, v8  }
0x11f: {  	v62 =	vmul.f32 v61, v5;
	[tilespmem:s9+$0x2D60] =	vst v60  }
0x120: {  	[tilespmem:s9+$0x2D70] =	vst v2;
	v2 =	vmul.f32 v53, v5;
	v63 =	vshll.u32 v57, $0x10  }
0x121: {  	p1 =	slt.u32 s8, $0x40;
	[tilespmem:s16+$0x2D60] =	vst v62;
	v5 =	vmul.f32 v63, v3  }
.Ltmp1:
0x122: {  	[tilespmem:s16+$0x2D70] =	vst v2;
	v2 =	vmul.f32 v57, v3;
	v3 =	vshll.u32 v4, $0x10;
	(pc) =	sbr.rel @p1 .LBB2_4-.Ltmp1, $4  }
0x123: {  	v3 =	vmul.f32 v3, v11;
	[tilespmem:s17+$0x2D60] =	vst v5  }
0x124: {  	[tilespmem:s17+$0x2D70] =	vst v2;
	v2 =	vmul.f32 v4, v11  }
0x125: {  	s30 =	sadd.s32 $0x10, s8;
	[tilespmem:s18+$0x2D60] =	vst v3  }
0x126: {  	s8 =	smov.u32 s30;
	[tilespmem:s18+$0x2D70] =	vst v2  }
0x127: {  	s1 =	rddreg [dreg:$0x3]  }
0x128: {  	s2 =	simm.s32 $0x2D00;
	s3 =	simm.s32 $0x140;
	s21 =	simm.s32 $0x3  }
0x129: {  	[spmem:s1] =	stream.indirect.scatter.add.f32 [tilespmem:s2], [sflag:$0x7], $0x80, s3, s15, $0xb8;
	[tilespmem:$0x1B580] =	vst v63  }
0x12a: {  	_ =	swait.ge [sflag:s21], $0x50  }
0x12b: {  	[sflag:s21] =	ssyncset.done $0x0  }
0x12c: {  	[sflag:s21] =	ssyncadd.s32 $0xFFFFFFB0  }
0x12d: {  	_ =	swait.ge [sflag:s21], $0x50  }
0x12e: {  	[sflag:s21] =	ssyncset.done $0x0  }
0x12f: {  	[sflag:s21] =	ssyncadd.s32 $0xFFFFFFB0  }
0x130: {  	v2 =	vld [tilespmem:$0x320];
	_ =	sdelay $0x1  }
0x131: {  	v3 =	vld [tilespmem:$0x330];
	_ =	sdelay $0x1  }
0x132: {  	v4 =	vld [tilespmem:$0x340]  }
0x133: {  	v5 =	vand.u32 $0xFFFF, v2  }
0x134: {  	v63 =	vld [tilespmem:$0x350];
	v2 =	vshrl.u32 v2, $0x10;
	[tilespmem:$0xA0] =	vst v5  }
0x135: {  	[tilespmem:$0x1E0] =	vst v2;
	v2 =	vand.u32 $0xFFFF, v3  }
0x136: {  	[tilespmem:$0xB0] =	vst v2;
	v2 =	vshrl.u32 v3, $0x10;
	v3 =	vld [tilespmem:$0x360]  }
0x137: {  	[tilespmem:$0x1F0] =	vst v2;
	v2 =	vand.u32 $0xFFFF, v4  }
0x138: {  	[tilespmem:$0xC0] =	vst v2;
	v2 =	vshrl.u32 v4, $0x10  }
0x139: {  	[tilespmem:$0x200] =	vst v2;
	v2 =	vand.u32 $0xFFFF, v63  }
0x13a: {  	[tilespmem:$0xD0] =	vst v2;
	v2 =	vshrl.u32 v63, $0x10  }
0x13b: {  	[tilespmem:$0x210] =	vst v2;
	v2 =	vand.u32 $0xFFFF, v3  }
0x13c: {  	[tilespmem:$0xE0] =	vst v2;
	v2 =	vshrl.u32 v3, $0x10  }
0x13d: {  	s22 =	simm.s32 $0x500;
	s24 =	simm.s32 $0xA0;
	s1 =	rddreg [dreg:$0x2];
	[tilespmem:$0x220] =	vst v2  }
0x13e: {  	[tilespmem:s22], [sflag:$0x5] =	stream.indirect.gather [hbm4b:s1+s15], $0x40, s24, s15, $0xb8;
	[tilespmem:$0x1B580] =	vst v63  }
0x13f: {  	s8 =	simm.s32 $0x0;
	s28 =	simm.s32 $0x370;
	s26 =	rddreg [dreg:$0xf]  }
0x140: {  	[tilespmem:s28], [sflag:$0x4] =	stream.linear.gather [hbm4b:s26+s8], $0x50, $0x38;
	[tilespmem:$0x1B580] =	vst v63  }
0x141: {  	s30 =	rddreg [dreg:$0x10]  }
0x142: {  	[tilespmem:s31], [sflag:$0x4] =	stream.linear.gather [hbm4b:s30+s8], $0x50, $0x38;
	[tilespmem:$0x1B580] =	vst v63  }
0x143: {  	_ =	swait.ge [sflag:s0], $0x1400  }
0x144: {  	[sflag:s0] =	ssyncset.done $0x0  }
0x145: {  	[sflag:s0] =	ssyncadd.s32 $0xFFFFEC00  }
.LBB2_6:
0x146: {  	v2 =	vmov s8;
	s7 =	sor.u32 $0x1, s8  }
0x147: {  	v2 =	vshrl.u32 v2, $0x3;
	v3 =	vmov s7  }
0x148: {  	v2 =	vshll.u32 v2, v1;
	v3 =	vshrl.u32 v3, $0x3  }
0x149: {  	v2 =	vbroadcast v2, $0x0;
	v3 =	vshll.u32 v3, v1  }
0x14a: {  	s9 =	sor.u32 $0x2, s8;
	v3 =	vadd.s32 $0x1, v3  }
0x14b: {  	v4 =	vmov s9;
	v3 =	vbroadcast v3, $0x0  }
0x14c: {  	s1 =	sshll.u32 s8, $0x6;
	s14 =	sor.u32 $0x3, s8;
	v4 =	vshrl.u32 v4, $0x3  }
0x14d: {  	s4 =	sand.u32 $0x3FFFFFC0, s1;
	v5 =	vmov s14;
	v4 =	vshll.u32 v4, v1  }
0x14e: {  	s22 =	sshll.u32 s7, $0x6;
	v7 =	vld [tilespmem:s4+$0x1900];
	v6 =	vshrl.u32 v5, $0x3;
	v4 =	vadd.s32 $0x2, v4  }
0x14f: {  	s16 =	sand.u32 $0x3FFFFFC0, s22;
	v36 =	vshll.u32 v6, v1;
	v35 =	vld.idx.msk [tilespmem:v2+s12+$0x0], $0xffff;
	v2 =	vbroadcast v4, $0x0  }
0x150: {  	v9 =	vld [tilespmem:s16+$0x1900];
	v4 =	vadd.s32 $0x3, v36  }
0x151: {  	v6 =	vld.idx.msk [tilespmem:v3+s12+$0x0], $0xffff;
	v3 =	vbroadcast v4, $0x0  }
0x152: {  	s24 =	sshll.u32 s9, $0x6  }
0x153: {  	s3 =	sand.u32 $0x3FFFFFC0, s24  }
0x154: {  	s2 =	sshll.u32 s14, $0x6;
	v10 =	vld [tilespmem:s3+$0x1900];
	v37 =	vshll.u32 v7, $0x10  }
0x155: {  	s26 =	sshll.u32 s8, $0x7;
	s2 =	sand.u32 $0x3FFFFFC0, s2;
	v4 =	vmul.f32 v37, v35;
	v8 =	vld.idx.msk [tilespmem:v2+s12+$0x0], $0xffff  }
0x156: {  	s1 =	sand.u32 $0x3FFFFF80, s26;
	v39 =	vld [tilespmem:s2+$0x1900];
	v11 =	vshll.u32 v9, $0x10;
	v7 =	vmul.f32 v7, v35  }
0x157: {  	s7 =	sshll.u32 s7, $0x7;
	[tilespmem:s1+$0x5500] =	vst v4;
	v38 =	vmul.f32 v11, v6;
	v2 =	vld.idx.msk [tilespmem:v3+s12+$0x0], $0xffff  }
0x158: {  	s7 =	sand.u32 $0x3FFFFF80, s7;
	[tilespmem:s1+$0x5510] =	vst v7;
	v40 =	vmul.f32 v9, v6  }
0x159: {  	v41 =	vshll.u32 v10, $0x10;
	v3 =	vld [tilespmem:s4+$0x1910];
	[tilespmem:s7+$0x5500] =	vst v38  }
0x15a: {  	s9 =	sshll.u32 s9, $0x7;
	[tilespmem:s7+$0x5510] =	vst v40;
	v4 =	vmul.f32 v41, v8  }
0x15b: {  	s30 =	sor.u32 $0x4, s8;
	s18 =	sor.u32 $0x5, s8;
	s17 =	sand.u32 $0x3FFFFF80, s9;
	v43 =	vshll.u32 v39, $0x10;
	v7 =	vld [tilespmem:s16+$0x1910];
	v42 =	vmul.f32 v10, v8  }
0x15c: {  	s28 =	sshll.u32 s14, $0x7;
	v47 =	vmov s30;
	v53 =	vmov s18;
	[tilespmem:s17+$0x5500] =	vst v4;
	v44 =	vmul.f32 v43, v2  }
0x15d: {  	s22 =	sand.u32 $0x3FFFFF80, s28;
	v48 =	vshrl.u32 v47, $0x3;
	v9 =	vshrl.u32 v53, $0x3;
	[tilespmem:s17+$0x5510] =	vst v42;
	v46 =	vmul.f32 v39, v2  }
0x15e: {  	v45 =	vshll.u32 v3, $0x10;
	v3 =	vmul.f32 v3, v35;
	v4 =	vshll.u32 v48, v1;
	v12 =	vld [tilespmem:s3+$0x1910];
	[tilespmem:s22+$0x5500] =	vst v44  }
0x15f: {  	v9 =	vshll.u32 v9, v1;
	v10 =	vmul.f32 v45, v35;
	v4 =	vadd.s32 $0x4, v4;
	[tilespmem:s22+$0x5510] =	vst v46  }
0x160: {  	v49 =	vshll.u32 v7, $0x10;
	[tilespmem:s1+$0x5530] =	vst v3;
	v3 =	vmul.f32 v7, v6;
	v4 =	vbroadcast v4, $0x0;
	v51 =	vld [tilespmem:s2+$0x1910]  }
0x161: {  	v9 =	vadd.s32 $0x5, v9;
	[tilespmem:s1+$0x5520] =	vst v10;
	v50 =	vmul.f32 v49, v6  }
0x162: {  	v9 =	vbroadcast v9, $0x0;
	v52 =	vld [tilespmem:s4+$0x1920];
	[tilespmem:s7+$0x5530] =	vst v3  }
0x163: {  	s20 =	sshll.u32 s30, $0x6;
	[tilespmem:s7+$0x5520] =	vst v50;
	v3 =	vshll.u32 v12, $0x10;
	v12 =	vmul.f32 v12, v8  }
0x164: {  	s24 =	sand.u32 $0x3FFFFFC0, s20;
	v54 =	vld [tilespmem:s16+$0x1920];
	v3 =	vmul.f32 v3, v8  }
0x165: {  	s21 =	sshll.u32 s18, $0x6;
	v14 =	vld [tilespmem:s24+$0x1900];
	v13 =	vshll.u32 v51, $0x10;
	[tilespmem:s17+$0x5530] =	vst v12;
	v10 =	vmul.f32 v51, v2  }
0x166: {  	s19 =	sand.u32 $0x3FFFFFC0, s21;
	[tilespmem:s17+$0x5520] =	vst v3;
	v13 =	vmul.f32 v13, v2;
	v3 =	vld.idx.msk [tilespmem:v4+s12+$0x0], $0xffff  }
0x167: {  	v60 =	vld [tilespmem:s19+$0x1900];
	v15 =	vshll.u32 v52, $0x10;
	v7 =	vmul.f32 v52, v35;
	[tilespmem:s22+$0x5530] =	vst v10  }
0x168: {  	v4 =	vld.idx.msk [tilespmem:v9+s12+$0x0], $0xffff;
	v55 =	vmul.f32 v15, v35;
	[tilespmem:s22+$0x5520] =	vst v13  }
0x169: {  	v56 =	vshll.u32 v54, $0x10;
	[tilespmem:s1+$0x5550] =	vst v7;
	v58 =	vmul.f32 v54, v6  }
0x16a: {  	v59 =	vshll.u32 v14, $0x10;
	v12 =	vld [tilespmem:s3+$0x1920];
	[tilespmem:s1+$0x5540] =	vst v55;
	v57 =	vmul.f32 v56, v6  }
0x16b: {  	s26 =	sshll.u32 s30, $0x7;
	[tilespmem:s7+$0x5550] =	vst v58;
	v11 =	vmul.f32 v59, v3  }
0x16c: {  	s9 =	sand.u32 $0x3FFFFF80, s26;
	v23 =	vshll.u32 v60, $0x10;
	v10 =	vld [tilespmem:s2+$0x1920];
	[tilespmem:s7+$0x5540] =	vst v57;
	v62 =	vmul.f32 v14, v3  }
0x16d: {  	s18 =	sshll.u32 s18, $0x7;
	s28 =	sor.u32 $0x6, s8;
	v24 =	vmul.f32 v23, v4;
	[tilespmem:s9+$0x5500] =	vst v11  }
0x16e: {  	s18 =	sand.u32 $0x3FFFFF80, s18;
	v18 =	vmov s28;
	v63 =	vld [tilespmem:s4+$0x1930];
	v26 =	vmul.f32 v60, v4;
	[tilespmem:s9+$0x5510] =	vst v62  }
0x16f: {  	v20 =	vshrl.u32 v18, $0x3;
	v61 =	vshll.u32 v12, $0x10;
	v12 =	vmul.f32 v12, v8;
	v25 =	vld [tilespmem:s16+$0x1930];
	[tilespmem:s18+$0x5500] =	vst v24  }
0x170: {  	v9 =	vshll.u32 v20, v1;
	v7 =	vmul.f32 v61, v8;
	[tilespmem:s18+$0x5510] =	vst v26  }
0x171: {  	s30 =	sor.u32 $0x7, s8;
	v9 =	vadd.s32 $0x6, v9;
	v19 =	vshll.u32 v10, $0x10;
	[tilespmem:s17+$0x5550] =	vst v12;
	v10 =	vmul.f32 v10, v2  }
0x172: {  	v27 =	vmov s30;
	v9 =	vbroadcast v9, $0x0;
	v22 =	vld [tilespmem:s24+$0x1910];
	[tilespmem:s17+$0x5540] =	vst v7;
	v21 =	vmul.f32 v19, v2  }
0x173: {  	v28 =	vshrl.u32 v27, $0x3;
	v33 =	vld [tilespmem:s19+$0x1910];
	v16 =	vshll.u32 v63, $0x10;
	v5 =	vmul.f32 v63, v35;
	[tilespmem:s22+$0x5550] =	vst v10  }
0x174: {  	v31 =	vshll.u32 v28, v1;
	v29 =	vmul.f32 v16, v35;
	[tilespmem:s22+$0x5540] =	vst v21;
	v36 =	vshll.u32 v25, $0x10  }
0x175: {  	v34 =	vadd.s32 $0x7, v31;
	s16 =	sshll.u32 s28, $0x6;
	[tilespmem:s1+$0x5570] =	vst v5;
	v17 =	vmul.f32 v36, v6  }
0x176: {  	s26 =	sand.u32 $0x3FFFFFC0, s16;
	v30 =	vld [tilespmem:s3+$0x1930];
	v35 =	vbroadcast v34, $0x0;
	[tilespmem:s1+$0x5560] =	vst v29;
	v6 =	vmul.f32 v25, v6  }
0x177: {  	v37 =	vld [tilespmem:s26+$0x1900];
	v11 =	vmul.f32 v22, v3;
	[tilespmem:s7+$0x5560] =	vst v17  }
0x178: {  	v5 =	vld.idx.msk [tilespmem:v9+s12+$0x0], $0xffff;
	v32 =	vshll.u32 v22, $0x10;
	v44 =	vmul.f32 v33, v4;
	[tilespmem:s7+$0x5570] =	vst v6  }
0x179: {  	s14 =	sor.u32 $0x9, s8;
	s20 =	sshll.u32 s30, $0x6;
	v7 =	vld [tilespmem:s2+$0x1930];
	v39 =	vshll.u32 v33, $0x10;
	v10 =	vmul.f32 v32, v3;
	[tilespmem:s9+$0x5530] =	vst v11  }
0x17a: {  	v51 =	vmov s14;
	s1 =	sand.u32 $0x3FFFFFC0, s20;
	s2 =	sor.u32 $0x8, s8;
	v41 =	vmul.f32 v39, v4;
	[tilespmem:s18+$0x5530] =	vst v44  }
0x17b: {  	v42 =	vld [tilespmem:s1+$0x1900];
	v43 =	vmov s2;
	v38 =	vshll.u32 v30, $0x10;
	v40 =	vmul.f32 v30, v8;
	[tilespmem:s9+$0x5520] =	vst v10  }
0x17c: {  	v45 =	vshll.u32 v37, $0x10;
	v46 =	vshrl.u32 v43, $0x3;
	v9 =	vmul.f32 v38, v8;
	v10 =	vld.idx.msk [tilespmem:v35+s12+$0x0], $0xffff;
	[tilespmem:s18+$0x5520] =	vst v41  }
0x17d: {  	s21 =	sshll.u32 s28, $0x7;
	v55 =	vshrl.u32 v51, $0x3;
	v49 =	vshll.u32 v46, v1;
	v48 =	vmul.f32 v45, v5;
	[tilespmem:s17+$0x5570] =	vst v40  }
0x17e: {  	s16 =	sor.u32 $0xA, s8;
	s20 =	sand.u32 $0x3FFFFF80, s21;
	v50 =	vmul.f32 v37, v5;
	v12 =	vbroadcast v49, $0x0;
	v11 =	vld [tilespmem:s24+$0x1920];
	v47 =	vshll.u32 v7, $0x10;
	[tilespmem:s17+$0x5560] =	vst v9  }
0x17f: {  	v57 =	vmov s16;
	v8 =	vshll.u32 v55, v1;
	v54 =	vld [tilespmem:s19+$0x1920];
	v52 =	vmul.f32 v47, v2;
	[tilespmem:s20+$0x5500] =	vst v48  }
0x180: {  	v8 =	vadd.s32 $0x1, v8;
	[tilespmem:s20+$0x5510] =	vst v50;
	v56 =	vshll.u32 v42, $0x10;
	v2 =	vmul.f32 v7, v2  }
0x181: {  	s28 =	sshll.u32 s30, $0x7;
	v59 =	vshrl.u32 v57, $0x3;
	s30 =	sshll.u32 s2, $0x6;
	v8 =	vbroadcast v8, $0x0;
	[tilespmem:s22+$0x5560] =	vst v52;
	v58 =	vmul.f32 v56, v10  }
0x182: {  	s21 =	sand.u32 $0x3FFFFF80, s28;
	s4 =	sand.u32 $0x3FFFFFC0, s30;
	v9 =	vshll.u32 v59, v1;
	v18 =	vld [tilespmem:s26+$0x1910];
	[tilespmem:s22+$0x5570] =	vst v2;
	v60 =	vmul.f32 v42, v10  }
0x183: {  	s28 =	sshll.u32 s14, $0x6;
	v62 =	vld [tilespmem:s4+$0x1900];
	v9 =	vadd.s32 $0x2, v9;
	v53 =	vshll.u32 v11, $0x10;
	v11 =	vmul.f32 v11, v3;
	[tilespmem:s21+$0x5500] =	vst v58  }
0x184: {  	s30 =	sand.u32 $0x3FFFFFC0, s28;
	v9 =	vbroadcast v9, $0x0;
	v6 =	vld.idx.msk [tilespmem:v12+s12+$0x0], $0xffff;
	v20 =	vmul.f32 v54, v4;
	[tilespmem:s21+$0x5510] =	vst v60  }
0x185: {  	v23 =	vld [tilespmem:s30+$0x1900];
	v63 =	vshll.u32 v54, $0x10;
	v61 =	vmul.f32 v53, v3;
	[tilespmem:s9+$0x5550] =	vst v11  }
0x186: {  	v19 =	vmul.f32 v63, v4;
	v13 =	vld [tilespmem:s1+$0x1910];
	[tilespmem:s18+$0x5550] =	vst v20  }
0x187: {  	s7 =	sshll.u32 s16, $0x6;
	v21 =	vshll.u32 v18, $0x10;
	v24 =	vmul.f32 v18, v5;
	v8 =	vld.idx.msk [tilespmem:v8+s12+$0x0], $0xffff;
	[tilespmem:s9+$0x5540] =	vst v61  }
0x188: {  	s3 =	sand.u32 $0x3FFFFFC0, s7;
	v25 =	vshll.u32 v62, $0x10;
	[tilespmem:s18+$0x5540] =	vst v19;
	v22 =	vmul.f32 v21, v5  }
0x189: {  	s2 =	sshll.u32 s2, $0x7;
	v27 =	vld [tilespmem:s3+$0x1900];
	[tilespmem:s20+$0x5530] =	vst v24;
	v26 =	vmul.f32 v25, v6  }
0x18a: {  	s7 =	sand.u32 $0x3FFFFF80, s2;
	v9 =	vld.idx.msk [tilespmem:v9+s12+$0x0], $0xffff;
	[tilespmem:s20+$0x5520] =	vst v22;
	v15 =	vmul.f32 v62, v6  }
0x18b: {  	v31 =	vshll.u32 v23, $0x10;
	[tilespmem:s7+$0x5500] =	vst v26;
	v30 =	vmul.f32 v13, v10  }
0x18c: {  	s14 =	sshll.u32 s14, $0x7;
	v45 =	vld [tilespmem:s24+$0x1930];
	v28 =	vshll.u32 v13, $0x10;
	[tilespmem:s7+$0x5510] =	vst v15;
	v13 =	vmul.f32 v31, v8  }
0x18d: {  	s2 =	sand.u32 $0x3FFFFF80, s14;
	v48 =	vld [tilespmem:s19+$0x1930];
	v33 =	vmul.f32 v23, v8;
	[tilespmem:s21+$0x5530] =	vst v30  }
0x18e: {  	v34 =	vshll.u32 v27, $0x10;
	v29 =	vld [tilespmem:s26+$0x1920];
	v11 =	vmul.f32 v28, v10;
	[tilespmem:s2+$0x5500] =	vst v13  }
0x18f: {  	s16 =	sshll.u32 s16, $0x7;
	v36 =	vmul.f32 v34, v9;
	[tilespmem:s2+$0x5510] =	vst v33  }
0x190: {  	s16 =	sand.u32 $0x3FFFFF80, s16;
	v38 =	vmul.f32 v27, v9;
	[tilespmem:s21+$0x5520] =	vst v11  }
0x191: {  	v32 =	vld [tilespmem:s4+$0x1910];
	v54 =	vshll.u32 v45, $0x10;
	v2 =	vmul.f32 v45, v3;
	[tilespmem:s16+$0x5500] =	vst v36  }
0x192: {  	v7 =	vmul.f32 v54, v3;
	[tilespmem:s16+$0x5510] =	vst v38  }
0x193: {  	v3 =	vshll.u32 v48, $0x10;
	v40 =	vmul.f32 v29, v5;
	[tilespmem:s9+$0x5570] =	vst v2  }
0x194: {  	v39 =	vld [tilespmem:s30+$0x1910];
	v3 =	vmul.f32 v3, v4;
	[tilespmem:s9+$0x5560] =	vst v7  }
0x195: {  	v4 =	vmul.f32 v48, v4;
	[tilespmem:s20+$0x5550] =	vst v40  }
0x196: {  	v43 =	vld [tilespmem:s3+$0x1910];
	v41 =	vshll.u32 v32, $0x10;
	v11 =	vmul.f32 v32, v6;
	[tilespmem:s18+$0x5560] =	vst v3  }
0x197: {  	v35 =	vld [tilespmem:s1+$0x1920];
	v37 =	vshll.u32 v29, $0x10;
	[tilespmem:s18+$0x5570] =	vst v4;
	v42 =	vmul.f32 v41, v6  }
0x198: {  	v14 =	vmul.f32 v37, v5;
	[tilespmem:s7+$0x5530] =	vst v11  }
0x199: {  	v46 =	vshll.u32 v39, $0x10;
	v49 =	vmul.f32 v39, v8;
	[tilespmem:s7+$0x5520] =	vst v42  }
0x19a: {  	[tilespmem:s20+$0x5540] =	vst v14;
	v11 =	vmul.f32 v46, v8;
	v47 =	vld [tilespmem:s4+$0x1920]  }
0x19b: {  	s17 =	sor.u32 $0xC, s8;
	v51 =	vld [tilespmem:s26+$0x1930];
	v50 =	vshll.u32 v43, $0x10;
	[tilespmem:s2+$0x5530] =	vst v49;
	v14 =	vmul.f32 v43, v9  }
0x19c: {  	s22 =	sor.u32 $0xB, s8;
	v21 =	vmov s17;
	v44 =	vshll.u32 v35, $0x10;
	[tilespmem:s2+$0x5520] =	vst v11;
	v52 =	vmul.f32 v50, v9  }
0x19d: {  	v63 =	vmov s22;
	s24 =	sor.u32 $0xD, s8;
	v23 =	vshrl.u32 v21, $0x3;
	v13 =	vmul.f32 v44, v10;
	v55 =	vld [tilespmem:s30+$0x1920];
	[tilespmem:s16+$0x5530] =	vst v14  }
0x19e: {  	s19 =	sor.u32 $0xF, s8;
	v25 =	vmov s24;
	v24 =	vshll.u32 v23, v1;
	v15 =	vmul.f32 v35, v10;
	[tilespmem:s16+$0x5520] =	vst v52  }
0x19f: {  	v34 =	vmov s19;
	[tilespmem:s21+$0x5540] =	vst v13;
	v58 =	vld [tilespmem:s3+$0x1920];
	v56 =	vshll.u32 v47, $0x10;
	v13 =	vmul.f32 v47, v6  }
0x1a0: {  	v37 =	vshrl.u32 v34, $0x3;
	s18 =	sor.u32 $0xE, s8;
	[tilespmem:s21+$0x5550] =	vst v15;
	v59 =	vshll.u32 v51, $0x10;
	v57 =	vmul.f32 v56, v6  }
0x1a1: {  	v29 =	vmov s18;
	v15 =	vshrl.u32 v63, $0x3;
	v53 =	vld [tilespmem:s1+$0x1930];
	v7 =	vmul.f32 v59, v5;
	[tilespmem:s7+$0x5550] =	vst v13  }
0x1a2: {  	v20 =	vshll.u32 v15, v1;
	v61 =	vshll.u32 v55, $0x10;
	v3 =	vmul.f32 v55, v8;
	[tilespmem:s7+$0x5540] =	vst v57  }
0x1a3: {  	v14 =	vshrl.u32 v25, $0x3;
	v11 =	vadd.s32 $0x3, v20;
	[tilespmem:s20+$0x5560] =	vst v7;
	v13 =	vmul.f32 v61, v8;
	v62 =	vld [tilespmem:s4+$0x1930]  }
0x1a4: {  	v18 =	vshll.u32 v58, $0x10;
	v22 =	vmul.f32 v58, v9;
	[tilespmem:s2+$0x5550] =	vst v3;
	v3 =	vbroadcast v11, $0x0  }
0x1a5: {  	v28 =	vshll.u32 v14, v1;
	v11 =	vadd.s32 $0x4, v24;
	v19 =	vmul.f32 v18, v9;
	[tilespmem:s2+$0x5540] =	vst v13  }
0x1a6: {  	v5 =	vmul.f32 v51, v5;
	v60 =	vshll.u32 v53, $0x10;
	v11 =	vbroadcast v11, $0x0;
	v27 =	vld [tilespmem:s30+$0x1930];
	[tilespmem:s16+$0x5550] =	vst v22  }
0x1a7: {  	s26 =	sshll.u32 s22, $0x6;
	v39 =	vshll.u32 v37, v1;
	v12 =	vmul.f32 v60, v10;
	v13 =	vadd.s32 $0x5, v28;
	[tilespmem:s16+$0x5540] =	vst v19  }
0x1a8: {  	s1 =	sand.u32 $0x3FFFFFC0, s26;
	[tilespmem:s20+$0x5570] =	vst v5;
	v2 =	vmul.f32 v53, v10;
	v32 =	vbroadcast v13, $0x0;
	v31 =	vld [tilespmem:s3+$0x1930];
	v26 =	vshll.u32 v62, $0x10  }
0x1a9: {  	s28 =	sshll.u32 s17, $0x6;
	v14 =	vshrl.u32 v29, $0x3;
	v35 =	vld [tilespmem:s1+$0x1900];
	[tilespmem:s21+$0x5560] =	vst v12;
	v12 =	vadd.s32 $0x7, v39;
	v30 =	vmul.f32 v26, v6  }
0x1aa: {  	v33 =	vshll.u32 v14, v1;
	[tilespmem:s21+$0x5570] =	vst v2;
	v43 =	vbroadcast v12, $0x0;
	s3 =	sand.u32 $0x3FFFFFC0, s28;
	v6 =	vmul.f32 v62, v6;
	v2 =	vld.idx.msk [tilespmem:v3+s12+$0x0], $0xffff  }
0x1ab: {  	v36 =	vadd.s32 $0x6, v33;
	s30 =	sshll.u32 s24, $0x6;
	v41 =	vld [tilespmem:s3+$0x1900];
	v38 =	vshll.u32 v27, $0x10;
	v4 =	vmul.f32 v27, v8;
	[tilespmem:s7+$0x5560] =	vst v30  }
0x1ac: {  	s4 =	sand.u32 $0x3FFFFFC0, s30;
	v3 =	vbroadcast v36, $0x0;
	v40 =	vmul.f32 v38, v8;
	[tilespmem:s7+$0x5570] =	vst v6;
	v8 =	vld.idx.msk [tilespmem:v11+s12+$0x0], $0xffff  }
0x1ad: {  	s21 =	sshll.u32 s22, $0x7;
	s22 =	sshll.u32 s19, $0x6;
	v44 =	vld [tilespmem:s4+$0x1900];
	v42 =	vshll.u32 v31, $0x10;
	[tilespmem:s2+$0x5570] =	vst v4;
	v45 =	vmul.f32 v31, v9  }
0x1ae: {  	v46 =	vshll.u32 v35, $0x10;
	s14 =	sand.u32 $0x3FFFFFC0, s22;
	v5 =	vld.idx.msk [tilespmem:v32+s12+$0x0], $0xffff;
	[tilespmem:s2+$0x5560] =	vst v40;
	v6 =	vmul.f32 v42, v9  }
0x1af: {  	s20 =	sshll.u32 s18, $0x6;
	v52 =	vld [tilespmem:s14+$0x1900];
	v47 =	vmul.f32 v46, v2;
	[tilespmem:s16+$0x5570] =	vst v45  }
0x1b0: {  	s7 =	sand.u32 $0x3FFFFFC0, s20;
	v11 =	vld.idx.msk [tilespmem:v43+s12+$0x0], $0xffff;
	s2 =	sand.u32 $0x3FFFFF80, s21;
	v50 =	vshll.u32 v41, $0x10;
	v49 =	vmul.f32 v35, v2;
	[tilespmem:s16+$0x5560] =	vst v6  }
0x1b1: {  	s9 =	sshll.u32 s17, $0x7;
	v48 =	vld [tilespmem:s7+$0x1900];
	[tilespmem:s2+$0x5500] =	vst v47;
	v51 =	vmul.f32 v50, v8  }
0x1b2: {  	s9 =	sand.u32 $0x3FFFFF80, s9;
	v54 =	vshll.u32 v44, $0x10;
	v3 =	vld.idx.msk [tilespmem:v3+s12+$0x0], $0xffff;
	[tilespmem:s2+$0x5510] =	vst v49;
	v53 =	vmul.f32 v41, v8  }
0x1b3: {  	s24 =	sshll.u32 s24, $0x7;
	v56 =	vmul.f32 v54, v5;
	[tilespmem:s9+$0x5500] =	vst v51  }
0x1b4: {  	v62 =	vshll.u32 v52, $0x10;
	s16 =	sand.u32 $0x3FFFFF80, s24;
	v57 =	vmul.f32 v44, v5;
	v55 =	vld [tilespmem:s1+$0x1910];
	[tilespmem:s9+$0x5510] =	vst v53  }
0x1b5: {  	s28 =	sshll.u32 s19, $0x7;
	v15 =	vmul.f32 v62, v11;
	[tilespmem:s16+$0x5500] =	vst v56  }
0x1b6: {  	s26 =	sshll.u32 s18, $0x7;
	s18 =	sand.u32 $0x3FFFFF80, s28;
	v58 =	vshll.u32 v48, $0x10;
	v17 =	vmul.f32 v52, v11;
	[tilespmem:s16+$0x5510] =	vst v57;
	v59 =	vld [tilespmem:s3+$0x1910]  }
0x1b7: {  	v63 =	vld [tilespmem:s4+$0x1910];
	[tilespmem:s18+$0x5500] =	vst v15;
	v60 =	vmul.f32 v58, v3  }
0x1b8: {  	s17 =	sand.u32 $0x3FFFFF80, s26;
	[tilespmem:s18+$0x5510] =	vst v17;
	v61 =	vmul.f32 v48, v3  }
0x1b9: {  	[tilespmem:s17+$0x5500] =	vst v60;
	v16 =	vshll.u32 v55, $0x10;
	v19 =	vmul.f32 v55, v2  }
0x1ba: {  	v22 =	vld [tilespmem:s14+$0x1910];
	[tilespmem:s17+$0x5510] =	vst v61;
	v7 =	vmul.f32 v16, v2  }
0x1bb: {  	v18 =	vld [tilespmem:s7+$0x1910];
	[tilespmem:s2+$0x5530] =	vst v19;
	v23 =	vmul.f32 v59, v8  }
0x1bc: {  	v20 =	vshll.u32 v59, $0x10;
	v27 =	vmul.f32 v63, v5;
	[tilespmem:s2+$0x5520] =	vst v7  }
0x1bd: {  	v24 =	vshll.u32 v63, $0x10;
	v21 =	vmul.f32 v20, v8;
	[tilespmem:s9+$0x5530] =	vst v23  }
0x1be: {  	v26 =	vmul.f32 v24, v5;
	v25 =	vld [tilespmem:s1+$0x1920];
	[tilespmem:s16+$0x5530] =	vst v27  }
0x1bf: {  	v36 =	vmul.f32 v22, v11;
	[tilespmem:s9+$0x5520] =	vst v21  }
0x1c0: {  	[tilespmem:s16+$0x5520] =	vst v26;
	v28 =	vshll.u32 v18, $0x10;
	v29 =	vld [tilespmem:s3+$0x1920];
	v31 =	vmul.f32 v18, v3  }
0x1c1: {  	v32 =	vshll.u32 v22, $0x10;
	[tilespmem:s18+$0x5530] =	vst v36;
	v30 =	vmul.f32 v28, v3  }
0x1c2: {  	v34 =	vmul.f32 v32, v11;
	v33 =	vld [tilespmem:s4+$0x1920];
	[tilespmem:s17+$0x5530] =	vst v31  }
0x1c3: {  	[tilespmem:s17+$0x5520] =	vst v30;
	v35 =	vshll.u32 v25, $0x10;
	v39 =	vmul.f32 v25, v2  }
0x1c4: {  	[tilespmem:s18+$0x5520] =	vst v34;
	v37 =	vmul.f32 v35, v2;
	v38 =	vld [tilespmem:s7+$0x1920]  }
0x1c5: {  	v40 =	vshll.u32 v29, $0x10;
	[tilespmem:s2+$0x5550] =	vst v39;
	v43 =	vmul.f32 v29, v8  }
0x1c6: {  	v42 =	vld [tilespmem:s14+$0x1920];
	[tilespmem:s2+$0x5540] =	vst v37;
	v41 =	vmul.f32 v40, v8  }
0x1c7: {  	v44 =	vshll.u32 v33, $0x10;
	v47 =	vmul.f32 v33, v5;
	v45 =	vld [tilespmem:s1+$0x1930];
	[tilespmem:s9+$0x5550] =	vst v43  }
0x1c8: {  	v46 =	vmul.f32 v44, v5;
	[tilespmem:s9+$0x5540] =	vst v41  }
0x1c9: {  	[tilespmem:s16+$0x5550] =	vst v47;
	v48 =	vshll.u32 v38, $0x10;
	v49 =	vld [tilespmem:s3+$0x1930];
	v51 =	vmul.f32 v38, v3  }
0x1ca: {  	[tilespmem:s16+$0x5540] =	vst v46;
	v50 =	vmul.f32 v48, v3  }
0x1cb: {  	v52 =	vshll.u32 v42, $0x10;
	v56 =	vmul.f32 v42, v11;
	v53 =	vld [tilespmem:s4+$0x1930];
	[tilespmem:s17+$0x5550] =	vst v51  }
0x1cc: {  	v54 =	vmul.f32 v52, v11;
	[tilespmem:s17+$0x5540] =	vst v50;
	v55 =	vshll.u32 v45, $0x10  }
0x1cd: {  	[tilespmem:s18+$0x5550] =	vst v56;
	v57 =	vld [tilespmem:s7+$0x1930];
	v58 =	vmul.f32 v55, v2  }
0x1ce: {  	[tilespmem:s18+$0x5540] =	vst v54;
	v2 =	vmul.f32 v45, v2;
	v59 =	vshll.u32 v49, $0x10  }
0x1cf: {  	v4 =	vld [tilespmem:s14+$0x1930];
	[tilespmem:s2+$0x5560] =	vst v58;
	v60 =	vmul.f32 v59, v8  }
0x1d0: {  	v61 =	vshll.u32 v53, $0x10;
	[tilespmem:s2+$0x5570] =	vst v2;
	v2 =	vmul.f32 v49, v8  }
0x1d1: {  	v62 =	vmul.f32 v61, v5;
	[tilespmem:s9+$0x5560] =	vst v60  }
0x1d2: {  	[tilespmem:s9+$0x5570] =	vst v2;
	v2 =	vmul.f32 v53, v5;
	v63 =	vshll.u32 v57, $0x10  }
0x1d3: {  	p1 =	slt.u32 s8, $0x40;
	[tilespmem:s16+$0x5560] =	vst v62;
	v5 =	vmul.f32 v63, v3  }
.Ltmp2:
0x1d4: {  	[tilespmem:s16+$0x5570] =	vst v2;
	v2 =	vmul.f32 v57, v3;
	v3 =	vshll.u32 v4, $0x10;
	(pc) =	sbr.rel @p1 .LBB2_6-.Ltmp2, $4  }
0x1d5: {  	v3 =	vmul.f32 v3, v11;
	[tilespmem:s17+$0x5560] =	vst v5  }
0x1d6: {  	[tilespmem:s17+$0x5570] =	vst v2;
	v2 =	vmul.f32 v4, v11  }
0x1d7: {  	s30 =	sadd.s32 $0x10, s8;
	[tilespmem:s18+$0x5560] =	vst v3  }
0x1d8: {  	s8 =	smov.u32 s30;
	[tilespmem:s18+$0x5570] =	vst v2  }
0x1d9: {  	s1 =	rddreg [dreg:$0x3];
	s2 =	simm.s32 $0x190;
	s3 =	simm.s32 $0x5500  }
0x1da: {  	[spmem:s1] =	stream.indirect.scatter.add.f32 [tilespmem:s3], [sflag:$0x8], $0x80, s2, s15, $0xb8;
	[tilespmem:$0x1B580] =	vst v63  }
0x1db: {  	_ =	swait.ge [sflag:s5], $0x50  }
0x1dc: {  	[sflag:s5] =	ssyncset.done $0x0  }
0x1dd: {  	[sflag:s5] =	ssyncadd.s32 $0xFFFFFFB0  }
0x1de: {  	_ =	swait.ge [sflag:s5], $0x50  }
0x1df: {  	[sflag:s5] =	ssyncset.done $0x0  }
0x1e0: {  	[sflag:s5] =	ssyncadd.s32 $0xFFFFFFB0  }
0x1e1: {  	v2 =	vld [tilespmem:$0x370];
	_ =	sdelay $0x1  }
0x1e2: {  	v3 =	vld [tilespmem:$0x380];
	_ =	sdelay $0x1  }
0x1e3: {  	v4 =	vld [tilespmem:$0x390]  }
0x1e4: {  	v5 =	vand.u32 $0xFFFF, v2  }
0x1e5: {  	v63 =	vld [tilespmem:$0x3A0];
	v2 =	vshrl.u32 v2, $0x10;
	[tilespmem:$0xF0] =	vst v5  }
0x1e6: {  	[tilespmem:$0x230] =	vst v2;
	v2 =	vand.u32 $0xFFFF, v3  }
0x1e7: {  	[tilespmem:$0x100] =	vst v2;
	v2 =	vshrl.u32 v3, $0x10;
	v3 =	vld [tilespmem:$0x3B0]  }
0x1e8: {  	[tilespmem:$0x240] =	vst v2;
	v2 =	vand.u32 $0xFFFF, v4  }
0x1e9: {  	[tilespmem:$0x110] =	vst v2;
	v2 =	vshrl.u32 v4, $0x10  }
0x1ea: {  	[tilespmem:$0x250] =	vst v2;
	v2 =	vand.u32 $0xFFFF, v63  }
0x1eb: {  	[tilespmem:$0x120] =	vst v2;
	v2 =	vshrl.u32 v63, $0x10  }
0x1ec: {  	[tilespmem:$0x260] =	vst v2;
	v2 =	vand.u32 $0xFFFF, v3  }
0x1ed: {  	s28 =	simm.s32 $0x1900;
	[tilespmem:$0x130] =	vst v2;
	v2 =	vshrl.u32 v3, $0x10  }
0x1ee: {  	s30 =	simm.s32 $0xF0;
	s8 =	simm.s32 $0x0;
	s26 =	rddreg [dreg:$0x2];
	[tilespmem:$0x270] =	vst v2  }
0x1ef: {  	[tilespmem:s28], [sflag:$0x6] =	stream.indirect.gather [hbm4b:s26+s15], $0x40, s30, s15, $0xb8;
	[tilespmem:$0x1B580] =	vst v63  }
.LBB2_8:
0x1f0: {  	s22 =	smul.u32 $0x140, s8;
	_ =	swait.ge [sflag:s11], $0x2800  }
0x1f1: {  	s1 =	rddreg [dreg:$0x11]  }
0x1f2: {  	[sflag:s11] =	ssyncset.done $0x0;
	s1 =	sadd.s32 s22, s1  }
0x1f3: {  	s3 =	simm.s32 $0x280;
	[sflag:s11] =	ssyncadd.s32 $0xFFFFD800;
	s1 =	sshrl.u32 s1, $0x3  }
0x1f4: {  	s4 =	simm.s32 $0x0;
	s28 =	rddreg [dreg:$0x1];
	s2 =	sadd.s32 s6, s1  }
0x1f5: {  	[tilespmem:s3], [sflag:$0x1] =	stream.linear.gather [hbm4b:s2+s4], $0x50, $0x38;
	[tilespmem:$0x1B580] =	vst v63  }
0x1f6: {  	s1 =	sadd.s32 s28, s1  }
0x1f7: {  	[tilespmem:s10], [sflag:$0x1] =	stream.linear.gather [hbm4b:s1+s4], $0x50, $0x38;
	[tilespmem:$0x1B580] =	vst v63  }
0x1f8: {  	_ =	swait.ge [sflag:s25], $0x1400  }
0x1f9: {  	[sflag:s25] =	ssyncset.done $0x0  }
0x1fa: {  	s30 =	simm.s32 $0x0;
	[sflag:s25] =	ssyncadd.s32 $0xFFFFEC00  }
.LBB2_9:
0x1fb: {  	v2 =	vmov s30;
	s9 =	sor.u32 $0x1, s30  }
0x1fc: {  	v2 =	vshrl.u32 v2, $0x3;
	v3 =	vmov s9  }
0x1fd: {  	v2 =	vshll.u32 v2, v1;
	v3 =	vshrl.u32 v3, $0x3  }
0x1fe: {  	v2 =	vbroadcast v2, $0x0;
	v3 =	vshll.u32 v3, v1  }
0x1ff: {  	s14 =	sor.u32 $0x2, s30;
	v3 =	vadd.s32 $0x1, v3  }
0x200: {  	v4 =	vmov s14;
	v3 =	vbroadcast v3, $0x0  }
0x201: {  	s1 =	sshll.u32 s30, $0x6;
	s16 =	sor.u32 $0x3, s30;
	v4 =	vshrl.u32 v4, $0x3  }
0x202: {  	s4 =	sand.u32 $0x3FFFFFC0, s1;
	v5 =	vmov s16;
	v4 =	vshll.u32 v4, v1  }
0x203: {  	s17 =	sshll.u32 s9, $0x6;
	v7 =	vld [tilespmem:s4+$0x500];
	v6 =	vshrl.u32 v5, $0x3;
	v4 =	vadd.s32 $0x2, v4  }
0x204: {  	s7 =	sand.u32 $0x3FFFFFC0, s17;
	v36 =	vshll.u32 v6, v1;
	v35 =	vld.idx.msk [tilespmem:v2+s23+$0x0], $0xffff;
	v2 =	vbroadcast v4, $0x0  }
0x205: {  	v9 =	vld [tilespmem:s7+$0x500];
	v4 =	vadd.s32 $0x3, v36  }
0x206: {  	v6 =	vld.idx.msk [tilespmem:v3+s23+$0x0], $0xffff;
	v3 =	vbroadcast v4, $0x0  }
0x207: {  	s18 =	sshll.u32 s14, $0x6  }
0x208: {  	s3 =	sand.u32 $0x3FFFFFC0, s18  }
0x209: {  	s2 =	sshll.u32 s16, $0x6;
	v10 =	vld [tilespmem:s3+$0x500];
	v37 =	vshll.u32 v7, $0x10  }
0x20a: {  	s19 =	sshll.u32 s30, $0x7;
	s2 =	sand.u32 $0x3FFFFFC0, s2;
	v4 =	vmul.f32 v37, v35;
	v8 =	vld.idx.msk [tilespmem:v2+s23+$0x0], $0xffff  }
0x20b: {  	s1 =	sand.u32 $0x3FFFFF80, s19;
	v39 =	vld [tilespmem:s2+$0x500];
	v11 =	vshll.u32 v9, $0x10;
	v7 =	vmul.f32 v7, v35  }
0x20c: {  	s9 =	sshll.u32 s9, $0x7;
	[tilespmem:s1+$0x2D00] =	vst v4;
	v38 =	vmul.f32 v11, v6;
	v2 =	vld.idx.msk [tilespmem:v3+s23+$0x0], $0xffff  }
0x20d: {  	s21 =	sand.u32 $0x3FFFFF80, s9;
	[tilespmem:s1+$0x2D10] =	vst v7;
	v40 =	vmul.f32 v9, v6  }
0x20e: {  	v41 =	vshll.u32 v10, $0x10;
	v3 =	vld [tilespmem:s4+$0x510];
	[tilespmem:s21+$0x2D00] =	vst v38  }
0x20f: {  	s20 =	sshll.u32 s14, $0x7;
	[tilespmem:s21+$0x2D10] =	vst v40;
	v4 =	vmul.f32 v41, v8  }
0x210: {  	s26 =	sor.u32 $0x4, s30;
	s28 =	sor.u32 $0x5, s30;
	s17 =	sand.u32 $0x3FFFFF80, s20;
	v43 =	vshll.u32 v39, $0x10;
	v7 =	vld [tilespmem:s7+$0x510];
	v42 =	vmul.f32 v10, v8  }
0x211: {  	s24 =	sshll.u32 s16, $0x7;
	v47 =	vmov s26;
	v53 =	vmov s28;
	[tilespmem:s17+$0x2D00] =	vst v4;
	v44 =	vmul.f32 v43, v2  }
0x212: {  	s9 =	sand.u32 $0x3FFFFF80, s24;
	v48 =	vshrl.u32 v47, $0x3;
	v9 =	vshrl.u32 v53, $0x3;
	[tilespmem:s17+$0x2D10] =	vst v42;
	v46 =	vmul.f32 v39, v2  }
0x213: {  	v45 =	vshll.u32 v3, $0x10;
	v3 =	vmul.f32 v3, v35;
	v4 =	vshll.u32 v48, v1;
	v12 =	vld [tilespmem:s3+$0x510];
	[tilespmem:s9+$0x2D00] =	vst v44  }
0x214: {  	v9 =	vshll.u32 v9, v1;
	v10 =	vmul.f32 v45, v35;
	v4 =	vadd.s32 $0x4, v4;
	[tilespmem:s9+$0x2D10] =	vst v46  }
0x215: {  	v49 =	vshll.u32 v7, $0x10;
	[tilespmem:s1+$0x2D30] =	vst v3;
	v3 =	vmul.f32 v7, v6;
	v4 =	vbroadcast v4, $0x0;
	v51 =	vld [tilespmem:s2+$0x510]  }
0x216: {  	v9 =	vadd.s32 $0x5, v9;
	[tilespmem:s1+$0x2D20] =	vst v10;
	v50 =	vmul.f32 v49, v6  }
0x217: {  	v9 =	vbroadcast v9, $0x0;
	v52 =	vld [tilespmem:s4+$0x520];
	[tilespmem:s21+$0x2D30] =	vst v3  }
0x218: {  	s18 =	sshll.u32 s26, $0x6;
	[tilespmem:s21+$0x2D20] =	vst v50;
	v3 =	vshll.u32 v12, $0x10;
	v12 =	vmul.f32 v12, v8  }
0x219: {  	s18 =	sand.u32 $0x3FFFFFC0, s18;
	v54 =	vld [tilespmem:s7+$0x520];
	v3 =	vmul.f32 v3, v8  }
0x21a: {  	s19 =	sshll.u32 s28, $0x6;
	v14 =	vld [tilespmem:s18+$0x500];
	v13 =	vshll.u32 v51, $0x10;
	[tilespmem:s17+$0x2D30] =	vst v12;
	v10 =	vmul.f32 v51, v2  }
0x21b: {  	s20 =	sand.u32 $0x3FFFFFC0, s19;
	[tilespmem:s17+$0x2D20] =	vst v3;
	v13 =	vmul.f32 v13, v2;
	v3 =	vld.idx.msk [tilespmem:v4+s23+$0x0], $0xffff  }
0x21c: {  	v60 =	vld [tilespmem:s20+$0x500];
	v15 =	vshll.u32 v52, $0x10;
	v7 =	vmul.f32 v52, v35;
	[tilespmem:s9+$0x2D30] =	vst v10  }
0x21d: {  	v4 =	vld.idx.msk [tilespmem:v9+s23+$0x0], $0xffff;
	v55 =	vmul.f32 v15, v35;
	[tilespmem:s9+$0x2D20] =	vst v13  }
0x21e: {  	v56 =	vshll.u32 v54, $0x10;
	[tilespmem:s1+$0x2D50] =	vst v7;
	v58 =	vmul.f32 v54, v6  }
0x21f: {  	v59 =	vshll.u32 v14, $0x10;
	v12 =	vld [tilespmem:s3+$0x520];
	[tilespmem:s1+$0x2D40] =	vst v55;
	v57 =	vmul.f32 v56, v6  }
0x220: {  	s14 =	sshll.u32 s26, $0x7;
	[tilespmem:s21+$0x2D50] =	vst v58;
	v11 =	vmul.f32 v59, v3  }
0x221: {  	s26 =	sand.u32 $0x3FFFFF80, s14;
	v23 =	vshll.u32 v60, $0x10;
	v10 =	vld [tilespmem:s2+$0x520];
	[tilespmem:s21+$0x2D40] =	vst v57;
	v62 =	vmul.f32 v14, v3  }
0x222: {  	s16 =	sshll.u32 s28, $0x7;
	s14 =	sor.u32 $0x6, s30;
	v24 =	vmul.f32 v23, v4;
	[tilespmem:s26+$0x2D00] =	vst v11  }
0x223: {  	s19 =	sand.u32 $0x3FFFFF80, s16;
	v18 =	vmov s14;
	v63 =	vld [tilespmem:s4+$0x530];
	v26 =	vmul.f32 v60, v4;
	[tilespmem:s26+$0x2D10] =	vst v62  }
0x224: {  	v20 =	vshrl.u32 v18, $0x3;
	v61 =	vshll.u32 v12, $0x10;
	v12 =	vmul.f32 v12, v8;
	v25 =	vld [tilespmem:s7+$0x530];
	[tilespmem:s19+$0x2D00] =	vst v24  }
0x225: {  	v9 =	vshll.u32 v20, v1;
	v7 =	vmul.f32 v61, v8;
	[tilespmem:s19+$0x2D10] =	vst v26  }
0x226: {  	s24 =	sor.u32 $0x7, s30;
	v9 =	vadd.s32 $0x6, v9;
	v19 =	vshll.u32 v10, $0x10;
	[tilespmem:s17+$0x2D50] =	vst v12;
	v10 =	vmul.f32 v10, v2  }
0x227: {  	v27 =	vmov s24;
	v9 =	vbroadcast v9, $0x0;
	v22 =	vld [tilespmem:s18+$0x510];
	[tilespmem:s17+$0x2D40] =	vst v7;
	v21 =	vmul.f32 v19, v2  }
0x228: {  	s28 =	sshll.u32 s14, $0x6;
	v28 =	vshrl.u32 v27, $0x3;
	v33 =	vld [tilespmem:s20+$0x510];
	v16 =	vshll.u32 v63, $0x10;
	v5 =	vmul.f32 v63, v35;
	[tilespmem:s9+$0x2D50] =	vst v10  }
0x229: {  	v31 =	vshll.u32 v28, v1;
	s7 =	sand.u32 $0x3FFFFFC0, s28;
	v29 =	vmul.f32 v16, v35;
	[tilespmem:s9+$0x2D40] =	vst v21;
	v36 =	vshll.u32 v25, $0x10  }
0x22a: {  	v34 =	vadd.s32 $0x7, v31;
	v37 =	vld [tilespmem:s7+$0x500];
	[tilespmem:s1+$0x2D70] =	vst v5;
	v17 =	vmul.f32 v36, v6  }
0x22b: {  	v30 =	vld [tilespmem:s3+$0x530];
	v35 =	vbroadcast v34, $0x0;
	[tilespmem:s1+$0x2D60] =	vst v29;
	v6 =	vmul.f32 v25, v6  }
0x22c: {  	v11 =	vmul.f32 v22, v3;
	[tilespmem:s21+$0x2D60] =	vst v17  }
0x22d: {  	v5 =	vld.idx.msk [tilespmem:v9+s23+$0x0], $0xffff;
	v32 =	vshll.u32 v22, $0x10;
	v44 =	vmul.f32 v33, v4;
	[tilespmem:s21+$0x2D70] =	vst v6  }
0x22e: {  	s3 =	sshll.u32 s24, $0x6;
	v7 =	vld [tilespmem:s2+$0x530];
	v39 =	vshll.u32 v33, $0x10;
	v10 =	vmul.f32 v32, v3;
	[tilespmem:s26+$0x2D30] =	vst v11  }
0x22f: {  	s3 =	sand.u32 $0x3FFFFFC0, s3;
	s1 =	sor.u32 $0x8, s30;
	v45 =	vshll.u32 v37, $0x10;
	v41 =	vmul.f32 v39, v4;
	[tilespmem:s19+$0x2D30] =	vst v44  }
0x230: {  	v42 =	vld [tilespmem:s3+$0x500];
	s2 =	sor.u32 $0x9, s30;
	v43 =	vmov s1;
	v38 =	vshll.u32 v30, $0x10;
	v40 =	vmul.f32 v30, v8;
	[tilespmem:s26+$0x2D20] =	vst v10  }
0x231: {  	v51 =	vmov s2;
	v46 =	vshrl.u32 v43, $0x3;
	v9 =	vmul.f32 v38, v8;
	v10 =	vld.idx.msk [tilespmem:v35+s23+$0x0], $0xffff;
	[tilespmem:s19+$0x2D20] =	vst v41  }
0x232: {  	s14 =	sshll.u32 s14, $0x7;
	v55 =	vshrl.u32 v51, $0x3;
	v49 =	vshll.u32 v46, v1;
	v48 =	vmul.f32 v45, v5;
	[tilespmem:s17+$0x2D70] =	vst v40  }
0x233: {  	s28 =	sor.u32 $0xA, s30;
	s21 =	sand.u32 $0x3FFFFF80, s14;
	v50 =	vmul.f32 v37, v5;
	v12 =	vbroadcast v49, $0x0;
	v11 =	vld [tilespmem:s18+$0x520];
	v47 =	vshll.u32 v7, $0x10;
	[tilespmem:s17+$0x2D60] =	vst v9  }
0x234: {  	v57 =	vmov s28;
	v8 =	vshll.u32 v55, v1;
	v54 =	vld [tilespmem:s20+$0x520];
	v52 =	vmul.f32 v47, v2;
	[tilespmem:s21+$0x2D00] =	vst v48  }
0x235: {  	v56 =	vshll.u32 v42, $0x10;
	v8 =	vadd.s32 $0x1, v8;
	[tilespmem:s21+$0x2D10] =	vst v50;
	v2 =	vmul.f32 v7, v2  }
0x236: {  	s4 =	sshll.u32 s24, $0x7;
	v59 =	vshrl.u32 v57, $0x3;
	s16 =	sshll.u32 s1, $0x6;
	v8 =	vbroadcast v8, $0x0;
	[tilespmem:s9+$0x2D60] =	vst v52;
	v58 =	vmul.f32 v56, v10  }
0x237: {  	s14 =	sand.u32 $0x3FFFFFC0, s16;
	s17 =	sand.u32 $0x3FFFFF80, s4;
	v9 =	vshll.u32 v59, v1;
	v18 =	vld [tilespmem:s7+$0x510];
	[tilespmem:s9+$0x2D70] =	vst v2;
	v60 =	vmul.f32 v42, v10  }
0x238: {  	s24 =	sshll.u32 s2, $0x6;
	v62 =	vld [tilespmem:s14+$0x500];
	v9 =	vadd.s32 $0x2, v9;
	v53 =	vshll.u32 v11, $0x10;
	v11 =	vmul.f32 v11, v3;
	[tilespmem:s17+$0x2D00] =	vst v58  }
0x239: {  	s24 =	sand.u32 $0x3FFFFFC0, s24;
	v9 =	vbroadcast v9, $0x0;
	v6 =	vld.idx.msk [tilespmem:v12+s23+$0x0], $0xffff;
	v20 =	vmul.f32 v54, v4;
	[tilespmem:s17+$0x2D10] =	vst v60  }
0x23a: {  	v23 =	vld [tilespmem:s24+$0x500];
	v63 =	vshll.u32 v54, $0x10;
	v61 =	vmul.f32 v53, v3;
	[tilespmem:s26+$0x2D50] =	vst v11  }
0x23b: {  	v19 =	vmul.f32 v63, v4;
	v13 =	vld [tilespmem:s3+$0x510];
	[tilespmem:s19+$0x2D50] =	vst v20  }
0x23c: {  	s16 =	sshll.u32 s28, $0x6;
	v21 =	vshll.u32 v18, $0x10;
	v24 =	vmul.f32 v18, v5;
	v8 =	vld.idx.msk [tilespmem:v8+s23+$0x0], $0xffff;
	[tilespmem:s26+$0x2D40] =	vst v61  }
0x23d: {  	s4 =	sand.u32 $0x3FFFFFC0, s16;
	v25 =	vshll.u32 v62, $0x10;
	[tilespmem:s19+$0x2D40] =	vst v19;
	v22 =	vmul.f32 v21, v5  }
0x23e: {  	s1 =	sshll.u32 s1, $0x7;
	v27 =	vld [tilespmem:s4+$0x500];
	[tilespmem:s21+$0x2D30] =	vst v24;
	v26 =	vmul.f32 v25, v6  }
0x23f: {  	s16 =	sand.u32 $0x3FFFFF80, s1;
	v9 =	vld.idx.msk [tilespmem:v9+s23+$0x0], $0xffff;
	[tilespmem:s21+$0x2D20] =	vst v22;
	v15 =	vmul.f32 v62, v6  }
0x240: {  	v31 =	vshll.u32 v23, $0x10;
	[tilespmem:s16+$0x2D00] =	vst v26;
	v30 =	vmul.f32 v13, v10  }
0x241: {  	s2 =	sshll.u32 s2, $0x7;
	v45 =	vld [tilespmem:s18+$0x530];
	v28 =	vshll.u32 v13, $0x10;
	[tilespmem:s16+$0x2D10] =	vst v15;
	v13 =	vmul.f32 v31, v8  }
0x242: {  	s1 =	sand.u32 $0x3FFFFF80, s2;
	v48 =	vld [tilespmem:s20+$0x530];
	v33 =	vmul.f32 v23, v8;
	[tilespmem:s17+$0x2D30] =	vst v30  }
0x243: {  	v34 =	vshll.u32 v27, $0x10;
	v29 =	vld [tilespmem:s7+$0x520];
	v11 =	vmul.f32 v28, v10;
	[tilespmem:s1+$0x2D00] =	vst v13  }
0x244: {  	s28 =	sshll.u32 s28, $0x7;
	v36 =	vmul.f32 v34, v9;
	[tilespmem:s1+$0x2D10] =	vst v33  }
0x245: {  	s2 =	sand.u32 $0x3FFFFF80, s28;
	v38 =	vmul.f32 v27, v9;
	[tilespmem:s17+$0x2D20] =	vst v11  }
0x246: {  	v32 =	vld [tilespmem:s14+$0x510];
	v54 =	vshll.u32 v45, $0x10;
	v2 =	vmul.f32 v45, v3;
	[tilespmem:s2+$0x2D00] =	vst v36  }
0x247: {  	v7 =	vmul.f32 v54, v3;
	[tilespmem:s2+$0x2D10] =	vst v38  }
0x248: {  	v3 =	vshll.u32 v48, $0x10;
	v40 =	vmul.f32 v29, v5;
	[tilespmem:s26+$0x2D70] =	vst v2  }
0x249: {  	v39 =	vld [tilespmem:s24+$0x510];
	v3 =	vmul.f32 v3, v4;
	[tilespmem:s26+$0x2D60] =	vst v7  }
0x24a: {  	v4 =	vmul.f32 v48, v4;
	[tilespmem:s21+$0x2D50] =	vst v40  }
0x24b: {  	v43 =	vld [tilespmem:s4+$0x510];
	v41 =	vshll.u32 v32, $0x10;
	v11 =	vmul.f32 v32, v6;
	[tilespmem:s19+$0x2D60] =	vst v3  }
0x24c: {  	v35 =	vld [tilespmem:s3+$0x520];
	v37 =	vshll.u32 v29, $0x10;
	[tilespmem:s19+$0x2D70] =	vst v4;
	v42 =	vmul.f32 v41, v6  }
0x24d: {  	v14 =	vmul.f32 v37, v5;
	[tilespmem:s16+$0x2D30] =	vst v11  }
0x24e: {  	v46 =	vshll.u32 v39, $0x10;
	v49 =	vmul.f32 v39, v8;
	[tilespmem:s16+$0x2D20] =	vst v42  }
0x24f: {  	[tilespmem:s21+$0x2D40] =	vst v14;
	v11 =	vmul.f32 v46, v8;
	v47 =	vld [tilespmem:s14+$0x520]  }
0x250: {  	s20 =	sor.u32 $0xC, s30;
	v51 =	vld [tilespmem:s7+$0x530];
	v50 =	vshll.u32 v43, $0x10;
	[tilespmem:s1+$0x2D30] =	vst v49;
	v14 =	vmul.f32 v43, v9  }
0x251: {  	s28 =	sor.u32 $0xB, s30;
	v21 =	vmov s20;
	v44 =	vshll.u32 v35, $0x10;
	[tilespmem:s1+$0x2D20] =	vst v11;
	v52 =	vmul.f32 v50, v9  }
0x252: {  	v63 =	vmov s28;
	s18 =	sor.u32 $0xD, s30;
	v23 =	vshrl.u32 v21, $0x3;
	v13 =	vmul.f32 v44, v10;
	v55 =	vld [tilespmem:s24+$0x520];
	[tilespmem:s2+$0x2D30] =	vst v14  }
0x253: {  	v25 =	vmov s18;
	v24 =	vshll.u32 v23, v1;
	s19 =	sor.u32 $0xE, s30;
	v15 =	vmul.f32 v35, v10;
	[tilespmem:s2+$0x2D20] =	vst v52  }
0x254: {  	v29 =	vmov s19;
	[tilespmem:s17+$0x2D40] =	vst v13;
	v58 =	vld [tilespmem:s4+$0x520];
	v56 =	vshll.u32 v47, $0x10;
	v13 =	vmul.f32 v47, v6  }
0x255: {  	[tilespmem:s17+$0x2D50] =	vst v15;
	v15 =	vshrl.u32 v63, $0x3;
	v59 =	vshll.u32 v51, $0x10;
	v57 =	vmul.f32 v56, v6  }
0x256: {  	v20 =	vshll.u32 v15, v1;
	v14 =	vshrl.u32 v25, $0x3;
	v53 =	vld [tilespmem:s3+$0x530];
	v7 =	vmul.f32 v59, v5;
	[tilespmem:s16+$0x2D50] =	vst v13  }
0x257: {  	v11 =	vadd.s32 $0x3, v20;
	v61 =	vshll.u32 v55, $0x10;
	v3 =	vmul.f32 v55, v8;
	[tilespmem:s16+$0x2D40] =	vst v57  }
0x258: {  	v28 =	vshll.u32 v14, v1;
	v14 =	vshrl.u32 v29, $0x3;
	[tilespmem:s21+$0x2D60] =	vst v7;
	v13 =	vmul.f32 v61, v8;
	v62 =	vld [tilespmem:s14+$0x530]  }
0x259: {  	v18 =	vshll.u32 v58, $0x10;
	v22 =	vmul.f32 v58, v9;
	[tilespmem:s1+$0x2D50] =	vst v3;
	v3 =	vbroadcast v11, $0x0  }
0x25a: {  	v5 =	vmul.f32 v51, v5;
	v11 =	vadd.s32 $0x4, v24;
	v19 =	vmul.f32 v18, v9;
	[tilespmem:s1+$0x2D40] =	vst v13  }
0x25b: {  	v33 =	vshll.u32 v14, v1;
	v60 =	vshll.u32 v53, $0x10;
	v11 =	vbroadcast v11, $0x0;
	v27 =	vld [tilespmem:s24+$0x530];
	[tilespmem:s2+$0x2D50] =	vst v22  }
0x25c: {  	s9 =	sshll.u32 s28, $0x6;
	v2 =	vmul.f32 v53, v10;
	v12 =	vmul.f32 v60, v10;
	v13 =	vadd.s32 $0x5, v28;
	s24 =	sor.u32 $0xF, s30;
	[tilespmem:s2+$0x2D40] =	vst v19  }
0x25d: {  	s3 =	sand.u32 $0x3FFFFFC0, s9;
	[tilespmem:s21+$0x2D70] =	vst v5;
	v32 =	vbroadcast v13, $0x0;
	v34 =	vmov s24;
	v31 =	vld [tilespmem:s4+$0x530];
	v26 =	vshll.u32 v62, $0x10  }
0x25e: {  	v35 =	vld [tilespmem:s3+$0x500];
	v36 =	vadd.s32 $0x6, v33;
	s14 =	sshll.u32 s20, $0x6;
	[tilespmem:s17+$0x2D70] =	vst v2;
	v37 =	vshrl.u32 v34, $0x3;
	v30 =	vmul.f32 v26, v6  }
0x25f: {  	[tilespmem:s17+$0x2D60] =	vst v12;
	s4 =	sand.u32 $0x3FFFFFC0, s14;
	v39 =	vshll.u32 v37, v1;
	v6 =	vmul.f32 v62, v6;
	v2 =	vld.idx.msk [tilespmem:v3+s23+$0x0], $0xffff;
	v3 =	vbroadcast v36, $0x0  }
0x260: {  	s21 =	sshll.u32 s18, $0x6;
	v41 =	vld [tilespmem:s4+$0x500];
	v12 =	vadd.s32 $0x7, v39;
	v38 =	vshll.u32 v27, $0x10;
	v4 =	vmul.f32 v27, v8;
	[tilespmem:s16+$0x2D60] =	vst v30  }
0x261: {  	s7 =	sand.u32 $0x3FFFFFC0, s21;
	v43 =	vbroadcast v12, $0x0;
	v40 =	vmul.f32 v38, v8;
	[tilespmem:s16+$0x2D70] =	vst v6;
	v8 =	vld.idx.msk [tilespmem:v11+s23+$0x0], $0xffff  }
0x262: {  	s26 =	sshll.u32 s19, $0x6;
	v44 =	vld [tilespmem:s7+$0x500];
	v42 =	vshll.u32 v31, $0x10;
	[tilespmem:s1+$0x2D70] =	vst v4;
	v45 =	vmul.f32 v31, v9  }
0x263: {  	s9 =	sand.u32 $0x3FFFFFC0, s26;
	v46 =	vshll.u32 v35, $0x10;
	v5 =	vld.idx.msk [tilespmem:v32+s23+$0x0], $0xffff;
	[tilespmem:s1+$0x2D60] =	vst v40;
	v6 =	vmul.f32 v42, v9  }
0x264: {  	v48 =	vld [tilespmem:s9+$0x500];
	s14 =	sshll.u32 s28, $0x7;
	s16 =	sshll.u32 s24, $0x6;
	v47 =	vmul.f32 v46, v2;
	[tilespmem:s2+$0x2D70] =	vst v45  }
0x265: {  	s1 =	sand.u32 $0x3FFFFF80, s14;
	v50 =	vshll.u32 v41, $0x10;
	s14 =	sand.u32 $0x3FFFFFC0, s16;
	v49 =	vmul.f32 v35, v2;
	[tilespmem:s2+$0x2D60] =	vst v6;
	v3 =	vld.idx.msk [tilespmem:v3+s23+$0x0], $0xffff  }
0x266: {  	s17 =	sshll.u32 s20, $0x7;
	v52 =	vld [tilespmem:s14+$0x500];
	[tilespmem:s1+$0x2D00] =	vst v47;
	v51 =	vmul.f32 v50, v8  }
0x267: {  	v54 =	vshll.u32 v44, $0x10;
	s2 =	sand.u32 $0x3FFFFF80, s17;
	[tilespmem:s1+$0x2D10] =	vst v49;
	v53 =	vmul.f32 v41, v8;
	v11 =	vld.idx.msk [tilespmem:v43+s23+$0x0], $0xffff  }
0x268: {  	s20 =	sshll.u32 s18, $0x7;
	v56 =	vmul.f32 v54, v5;
	[tilespmem:s2+$0x2D00] =	vst v51  }
0x269: {  	v58 =	vshll.u32 v48, $0x10;
	s16 =	sand.u32 $0x3FFFFF80, s20;
	v57 =	vmul.f32 v44, v5;
	v55 =	vld [tilespmem:s3+$0x510];
	[tilespmem:s2+$0x2D10] =	vst v53  }
0x26a: {  	s21 =	sshll.u32 s19, $0x7;
	[tilespmem:s16+$0x2D00] =	vst v56;
	v60 =	vmul.f32 v58, v3  }
0x26b: {  	s17 =	sand.u32 $0x3FFFFF80, s21;
	[tilespmem:s16+$0x2D10] =	vst v57;
	v59 =	vld [tilespmem:s4+$0x510];
	v62 =	vshll.u32 v52, $0x10;
	v61 =	vmul.f32 v48, v3  }
0x26c: {  	s26 =	sshll.u32 s24, $0x7;
	v63 =	vld [tilespmem:s7+$0x510];
	v15 =	vmul.f32 v62, v11;
	[tilespmem:s17+$0x2D00] =	vst v60  }
0x26d: {  	s18 =	sand.u32 $0x3FFFFF80, s26;
	v17 =	vmul.f32 v52, v11;
	[tilespmem:s17+$0x2D10] =	vst v61  }
0x26e: {  	v16 =	vshll.u32 v55, $0x10;
	v19 =	vmul.f32 v55, v2;
	[tilespmem:s18+$0x2D00] =	vst v15  }
0x26f: {  	v7 =	vmul.f32 v16, v2;
	v18 =	vld [tilespmem:s9+$0x510];
	[tilespmem:s18+$0x2D10] =	vst v17  }
0x270: {  	[tilespmem:s1+$0x2D30] =	vst v19;
	v23 =	vmul.f32 v59, v8  }
0x271: {  	v20 =	vshll.u32 v59, $0x10;
	v22 =	vld [tilespmem:s14+$0x510];
	v27 =	vmul.f32 v63, v5;
	[tilespmem:s1+$0x2D20] =	vst v7  }
0x272: {  	v24 =	vshll.u32 v63, $0x10;
	v21 =	vmul.f32 v20, v8;
	[tilespmem:s2+$0x2D30] =	vst v23  }
0x273: {  	v26 =	vmul.f32 v24, v5;
	v25 =	vld [tilespmem:s3+$0x520];
	[tilespmem:s16+$0x2D30] =	vst v27  }
0x274: {  	[tilespmem:s2+$0x2D20] =	vst v21;
	v28 =	vshll.u32 v18, $0x10;
	v31 =	vmul.f32 v18, v3  }
0x275: {  	[tilespmem:s16+$0x2D20] =	vst v26;
	v29 =	vld [tilespmem:s4+$0x520];
	v30 =	vmul.f32 v28, v3  }
0x276: {  	v32 =	vshll.u32 v22, $0x10;
	v36 =	vmul.f32 v22, v11;
	[tilespmem:s17+$0x2D30] =	vst v31  }
0x277: {  	v33 =	vld [tilespmem:s7+$0x520];
	v34 =	vmul.f32 v32, v11;
	[tilespmem:s17+$0x2D20] =	vst v30  }
0x278: {  	v35 =	vshll.u32 v25, $0x10;
	v39 =	vmul.f32 v25, v2;
	[tilespmem:s18+$0x2D30] =	vst v36  }
0x279: {  	v37 =	vmul.f32 v35, v2;
	v38 =	vld [tilespmem:s9+$0x520];
	[tilespmem:s18+$0x2D20] =	vst v34  }
0x27a: {  	v40 =	vshll.u32 v29, $0x10;
	[tilespmem:s1+$0x2D50] =	vst v39;
	v43 =	vmul.f32 v29, v8  }
0x27b: {  	v42 =	vld [tilespmem:s14+$0x520];
	[tilespmem:s1+$0x2D40] =	vst v37;
	v41 =	vmul.f32 v40, v8  }
0x27c: {  	v44 =	vshll.u32 v33, $0x10;
	v47 =	vmul.f32 v33, v5;
	v45 =	vld [tilespmem:s3+$0x530];
	[tilespmem:s2+$0x2D50] =	vst v43  }
0x27d: {  	v46 =	vmul.f32 v44, v5;
	[tilespmem:s2+$0x2D40] =	vst v41  }
0x27e: {  	[tilespmem:s16+$0x2D50] =	vst v47;
	v48 =	vshll.u32 v38, $0x10;
	v49 =	vld [tilespmem:s4+$0x530];
	v51 =	vmul.f32 v38, v3  }
0x27f: {  	[tilespmem:s16+$0x2D40] =	vst v46;
	v50 =	vmul.f32 v48, v3  }
0x280: {  	v53 =	vld [tilespmem:s7+$0x530];
	v52 =	vshll.u32 v42, $0x10;
	v56 =	vmul.f32 v42, v11;
	[tilespmem:s17+$0x2D50] =	vst v51  }
0x281: {  	v54 =	vmul.f32 v52, v11;
	[tilespmem:s17+$0x2D40] =	vst v50;
	v55 =	vshll.u32 v45, $0x10  }
0x282: {  	[tilespmem:s18+$0x2D50] =	vst v56;
	v57 =	vld [tilespmem:s9+$0x530];
	v58 =	vmul.f32 v55, v2  }
0x283: {  	[tilespmem:s18+$0x2D40] =	vst v54;
	v2 =	vmul.f32 v45, v2;
	v59 =	vshll.u32 v49, $0x10  }
0x284: {  	v4 =	vld [tilespmem:s14+$0x530];
	[tilespmem:s1+$0x2D60] =	vst v58;
	v60 =	vmul.f32 v59, v8  }
0x285: {  	v61 =	vshll.u32 v53, $0x10;
	[tilespmem:s1+$0x2D70] =	vst v2;
	v2 =	vmul.f32 v49, v8  }
0x286: {  	v62 =	vmul.f32 v61, v5;
	[tilespmem:s2+$0x2D60] =	vst v60  }
0x287: {  	[tilespmem:s2+$0x2D70] =	vst v2;
	v2 =	vmul.f32 v53, v5;
	v63 =	vshll.u32 v57, $0x10  }
0x288: {  	p1 =	slt.u32 s30, $0x40;
	[tilespmem:s16+$0x2D60] =	vst v62;
	v5 =	vmul.f32 v63, v3  }
.Ltmp3:
0x289: {  	[tilespmem:s16+$0x2D70] =	vst v2;
	v2 =	vmul.f32 v57, v3;
	v3 =	vshll.u32 v4, $0x10;
	(pc) =	sbr.rel @p1 .LBB2_9-.Ltmp3, $4  }
0x28a: {  	v3 =	vmul.f32 v3, v11;
	[tilespmem:s17+$0x2D60] =	vst v5  }
0x28b: {  	[tilespmem:s17+$0x2D70] =	vst v2;
	v2 =	vmul.f32 v4, v11  }
0x28c: {  	s28 =	sadd.s32 $0x10, s30;
	[tilespmem:s18+$0x2D60] =	vst v3  }
0x28d: {  	s30 =	smov.u32 s28;
	[tilespmem:s18+$0x2D70] =	vst v2  }
0x28e: {  	s1 =	rddreg [dreg:$0x3];
	s2 =	simm.s32 $0x2D00;
	s3 =	simm.s32 $0x1E0  }
0x28f: {  	[spmem:s1] =	stream.indirect.scatter.add.f32 [tilespmem:s2], [sflag:$0x7], $0x80, s3, s15, $0xb8;
	[tilespmem:$0x1B580] =	vst v63  }
0x290: {  	_ =	swait.ge [sflag:s13], $0x50  }
0x291: {  	[sflag:s13] =	ssyncset.done $0x0  }
0x292: {  	[sflag:s13] =	ssyncadd.s32 $0xFFFFFFB0  }
0x293: {  	_ =	swait.ge [sflag:s13], $0x50  }
0x294: {  	[sflag:s13] =	ssyncset.done $0x0  }
0x295: {  	[sflag:s13] =	ssyncadd.s32 $0xFFFFFFB0  }
0x296: {  	v2 =	vld [tilespmem:$0x280];
	_ =	sdelay $0x1  }
0x297: {  	v3 =	vld [tilespmem:$0x290];
	_ =	sdelay $0x1  }
0x298: {  	v4 =	vld [tilespmem:$0x2A0]  }
0x299: {  	v5 =	vand.u32 $0xFFFF, v2  }
0x29a: {  	v63 =	vld [tilespmem:$0x2B0];
	v2 =	vshrl.u32 v2, $0x10;
	[tilespmem:$0x0] =	vst v5  }
0x29b: {  	[tilespmem:$0x140] =	vst v2;
	v2 =	vand.u32 $0xFFFF, v3  }
0x29c: {  	[tilespmem:$0x10] =	vst v2;
	v2 =	vshrl.u32 v3, $0x10;
	v3 =	vld [tilespmem:$0x2C0]  }
0x29d: {  	[tilespmem:$0x150] =	vst v2;
	v2 =	vand.u32 $0xFFFF, v4  }
0x29e: {  	[tilespmem:$0x20] =	vst v2;
	v2 =	vshrl.u32 v4, $0x10  }
0x29f: {  	[tilespmem:$0x160] =	vst v2;
	v2 =	vand.u32 $0xFFFF, v63  }
0x2a0: {  	[tilespmem:$0x30] =	vst v2;
	v2 =	vshrl.u32 v63, $0x10  }
0x2a1: {  	[tilespmem:$0x170] =	vst v2;
	v2 =	vand.u32 $0xFFFF, v3  }
0x2a2: {  	[tilespmem:$0x40] =	vst v2;
	v2 =	vshrl.u32 v3, $0x10  }
0x2a3: {  	s30 =	simm.s32 $0x0;
	s20 =	simm.s32 $0x500;
	s19 =	rddreg [dreg:$0x2];
	[tilespmem:$0x180] =	vst v2  }
0x2a4: {  	[tilespmem:s20], [sflag:$0x5] =	stream.indirect.gather [hbm4b:s19+s15], $0x40, s30, s15, $0xb8;
	[tilespmem:$0x1B580] =	vst v63  }
0x2a5: {  	_ =	swait.ge [sflag:s29], $0x2800  }
0x2a6: {  	s21 =	rddreg [dreg:$0x12]  }
0x2a7: {  	[sflag:s29] =	ssyncset.done $0x0;
	s1 =	sadd.s32 s22, s21  }
0x2a8: {  	[sflag:s29] =	ssyncadd.s32 $0xFFFFD800;
	s1 =	sshrl.u32 s1, $0x3  }
0x2a9: {  	s26 =	simm.s32 $0x2D0;
	s28 =	rddreg [dreg:$0x1];
	s24 =	sadd.s32 s6, s1  }
0x2aa: {  	[tilespmem:s26], [sflag:$0x2] =	stream.linear.gather [hbm4b:s24+s30], $0x50, $0x38;
	[tilespmem:$0x1B580] =	vst v63  }
0x2ab: {  	s1 =	sadd.s32 s28, s1  }
0x2ac: {  	[tilespmem:s12], [sflag:$0x2] =	stream.linear.gather [hbm4b:s1+s30], $0x50, $0x38;
	[tilespmem:$0x1B580] =	vst v63  }
0x2ad: {  	_ =	swait.ge [sflag:s0], $0x1400  }
0x2ae: {  	[sflag:s0] =	ssyncset.done $0x0  }
0x2af: {  	[sflag:s0] =	ssyncadd.s32 $0xFFFFEC00  }
.LBB2_11:
0x2b0: {  	v2 =	vmov s30;
	s9 =	sor.u32 $0x1, s30  }
0x2b1: {  	v2 =	vshrl.u32 v2, $0x3;
	v3 =	vmov s9  }
0x2b2: {  	v2 =	vshll.u32 v2, v1;
	v3 =	vshrl.u32 v3, $0x3  }
0x2b3: {  	v2 =	vbroadcast v2, $0x0;
	v3 =	vshll.u32 v3, v1  }
0x2b4: {  	s14 =	sor.u32 $0x2, s30;
	v3 =	vadd.s32 $0x1, v3  }
0x2b5: {  	v4 =	vmov s14;
	v3 =	vbroadcast v3, $0x0  }
0x2b6: {  	s1 =	sshll.u32 s30, $0x6;
	s16 =	sor.u32 $0x3, s30;
	v4 =	vshrl.u32 v4, $0x3  }
0x2b7: {  	s4 =	sand.u32 $0x3FFFFFC0, s1;
	v5 =	vmov s16;
	v4 =	vshll.u32 v4, v1  }
0x2b8: {  	s17 =	sshll.u32 s9, $0x6;
	v7 =	vld [tilespmem:s4+$0x1900];
	v6 =	vshrl.u32 v5, $0x3;
	v4 =	vadd.s32 $0x2, v4  }
0x2b9: {  	s7 =	sand.u32 $0x3FFFFFC0, s17;
	v36 =	vshll.u32 v6, v1;
	v35 =	vld.idx.msk [tilespmem:v2+s31+$0x0], $0xffff;
	v2 =	vbroadcast v4, $0x0  }
0x2ba: {  	v9 =	vld [tilespmem:s7+$0x1900];
	v4 =	vadd.s32 $0x3, v36  }
0x2bb: {  	v6 =	vld.idx.msk [tilespmem:v3+s31+$0x0], $0xffff;
	v3 =	vbroadcast v4, $0x0  }
0x2bc: {  	s18 =	sshll.u32 s14, $0x6  }
0x2bd: {  	s3 =	sand.u32 $0x3FFFFFC0, s18  }
0x2be: {  	s2 =	sshll.u32 s16, $0x6;
	v10 =	vld [tilespmem:s3+$0x1900];
	v37 =	vshll.u32 v7, $0x10  }
0x2bf: {  	s19 =	sshll.u32 s30, $0x7;
	s2 =	sand.u32 $0x3FFFFFC0, s2;
	v4 =	vmul.f32 v37, v35;
	v8 =	vld.idx.msk [tilespmem:v2+s31+$0x0], $0xffff  }
0x2c0: {  	s1 =	sand.u32 $0x3FFFFF80, s19;
	v39 =	vld [tilespmem:s2+$0x1900];
	v11 =	vshll.u32 v9, $0x10;
	v7 =	vmul.f32 v7, v35  }
0x2c1: {  	s9 =	sshll.u32 s9, $0x7;
	[tilespmem:s1+$0x5500] =	vst v4;
	v38 =	vmul.f32 v11, v6;
	v2 =	vld.idx.msk [tilespmem:v3+s31+$0x0], $0xffff  }
0x2c2: {  	s21 =	sand.u32 $0x3FFFFF80, s9;
	[tilespmem:s1+$0x5510] =	vst v7;
	v40 =	vmul.f32 v9, v6  }
0x2c3: {  	v41 =	vshll.u32 v10, $0x10;
	v3 =	vld [tilespmem:s4+$0x1910];
	[tilespmem:s21+$0x5500] =	vst v38  }
0x2c4: {  	s20 =	sshll.u32 s14, $0x7;
	[tilespmem:s21+$0x5510] =	vst v40;
	v4 =	vmul.f32 v41, v8  }
0x2c5: {  	s26 =	sor.u32 $0x4, s30;
	s28 =	sor.u32 $0x5, s30;
	s17 =	sand.u32 $0x3FFFFF80, s20;
	v43 =	vshll.u32 v39, $0x10;
	v7 =	vld [tilespmem:s7+$0x1910];
	v42 =	vmul.f32 v10, v8  }
0x2c6: {  	s24 =	sshll.u32 s16, $0x7;
	v47 =	vmov s26;
	v53 =	vmov s28;
	[tilespmem:s17+$0x5500] =	vst v4;
	v44 =	vmul.f32 v43, v2  }
0x2c7: {  	s9 =	sand.u32 $0x3FFFFF80, s24;
	v48 =	vshrl.u32 v47, $0x3;
	v9 =	vshrl.u32 v53, $0x3;
	[tilespmem:s17+$0x5510] =	vst v42;
	v46 =	vmul.f32 v39, v2  }
0x2c8: {  	v45 =	vshll.u32 v3, $0x10;
	v3 =	vmul.f32 v3, v35;
	v4 =	vshll.u32 v48, v1;
	v12 =	vld [tilespmem:s3+$0x1910];
	[tilespmem:s9+$0x5500] =	vst v44  }
0x2c9: {  	v9 =	vshll.u32 v9, v1;
	v10 =	vmul.f32 v45, v35;
	v4 =	vadd.s32 $0x4, v4;
	[tilespmem:s9+$0x5510] =	vst v46  }
0x2ca: {  	v49 =	vshll.u32 v7, $0x10;
	[tilespmem:s1+$0x5530] =	vst v3;
	v3 =	vmul.f32 v7, v6;
	v4 =	vbroadcast v4, $0x0;
	v51 =	vld [tilespmem:s2+$0x1910]  }
0x2cb: {  	v9 =	vadd.s32 $0x5, v9;
	[tilespmem:s1+$0x5520] =	vst v10;
	v50 =	vmul.f32 v49, v6  }
0x2cc: {  	v9 =	vbroadcast v9, $0x0;
	v52 =	vld [tilespmem:s4+$0x1920];
	[tilespmem:s21+$0x5530] =	vst v3  }
0x2cd: {  	s18 =	sshll.u32 s26, $0x6;
	[tilespmem:s21+$0x5520] =	vst v50;
	v3 =	vshll.u32 v12, $0x10;
	v12 =	vmul.f32 v12, v8  }
0x2ce: {  	s18 =	sand.u32 $0x3FFFFFC0, s18;
	v54 =	vld [tilespmem:s7+$0x1920];
	v3 =	vmul.f32 v3, v8  }
0x2cf: {  	s19 =	sshll.u32 s28, $0x6;
	v14 =	vld [tilespmem:s18+$0x1900];
	v13 =	vshll.u32 v51, $0x10;
	[tilespmem:s17+$0x5530] =	vst v12;
	v10 =	vmul.f32 v51, v2  }
0x2d0: {  	s20 =	sand.u32 $0x3FFFFFC0, s19;
	[tilespmem:s17+$0x5520] =	vst v3;
	v13 =	vmul.f32 v13, v2;
	v3 =	vld.idx.msk [tilespmem:v4+s31+$0x0], $0xffff  }
0x2d1: {  	v60 =	vld [tilespmem:s20+$0x1900];
	v15 =	vshll.u32 v52, $0x10;
	v7 =	vmul.f32 v52, v35;
	[tilespmem:s9+$0x5530] =	vst v10  }
0x2d2: {  	v4 =	vld.idx.msk [tilespmem:v9+s31+$0x0], $0xffff;
	v55 =	vmul.f32 v15, v35;
	[tilespmem:s9+$0x5520] =	vst v13  }
0x2d3: {  	v56 =	vshll.u32 v54, $0x10;
	[tilespmem:s1+$0x5550] =	vst v7;
	v58 =	vmul.f32 v54, v6  }
0x2d4: {  	v59 =	vshll.u32 v14, $0x10;
	v12 =	vld [tilespmem:s3+$0x1920];
	[tilespmem:s1+$0x5540] =	vst v55;
	v57 =	vmul.f32 v56, v6  }
0x2d5: {  	s14 =	sshll.u32 s26, $0x7;
	[tilespmem:s21+$0x5550] =	vst v58;
	v11 =	vmul.f32 v59, v3  }
0x2d6: {  	s26 =	sand.u32 $0x3FFFFF80, s14;
	v23 =	vshll.u32 v60, $0x10;
	v10 =	vld [tilespmem:s2+$0x1920];
	[tilespmem:s21+$0x5540] =	vst v57;
	v62 =	vmul.f32 v14, v3  }
0x2d7: {  	s16 =	sshll.u32 s28, $0x7;
	s14 =	sor.u32 $0x6, s30;
	v24 =	vmul.f32 v23, v4;
	[tilespmem:s26+$0x5500] =	vst v11  }
0x2d8: {  	s19 =	sand.u32 $0x3FFFFF80, s16;
	v18 =	vmov s14;
	v63 =	vld [tilespmem:s4+$0x1930];
	v26 =	vmul.f32 v60, v4;
	[tilespmem:s26+$0x5510] =	vst v62  }
0x2d9: {  	v20 =	vshrl.u32 v18, $0x3;
	v61 =	vshll.u32 v12, $0x10;
	v12 =	vmul.f32 v12, v8;
	v25 =	vld [tilespmem:s7+$0x1930];
	[tilespmem:s19+$0x5500] =	vst v24  }
0x2da: {  	v9 =	vshll.u32 v20, v1;
	v7 =	vmul.f32 v61, v8;
	[tilespmem:s19+$0x5510] =	vst v26  }
0x2db: {  	s24 =	sor.u32 $0x7, s30;
	v9 =	vadd.s32 $0x6, v9;
	v19 =	vshll.u32 v10, $0x10;
	[tilespmem:s17+$0x5550] =	vst v12;
	v10 =	vmul.f32 v10, v2  }
0x2dc: {  	v27 =	vmov s24;
	v9 =	vbroadcast v9, $0x0;
	v22 =	vld [tilespmem:s18+$0x1910];
	[tilespmem:s17+$0x5540] =	vst v7;
	v21 =	vmul.f32 v19, v2  }
0x2dd: {  	s28 =	sshll.u32 s14, $0x6;
	v28 =	vshrl.u32 v27, $0x3;
	v33 =	vld [tilespmem:s20+$0x1910];
	v16 =	vshll.u32 v63, $0x10;
	v5 =	vmul.f32 v63, v35;
	[tilespmem:s9+$0x5550] =	vst v10  }
0x2de: {  	v31 =	vshll.u32 v28, v1;
	s7 =	sand.u32 $0x3FFFFFC0, s28;
	v29 =	vmul.f32 v16, v35;
	[tilespmem:s9+$0x5540] =	vst v21;
	v36 =	vshll.u32 v25, $0x10  }
0x2df: {  	v34 =	vadd.s32 $0x7, v31;
	v37 =	vld [tilespmem:s7+$0x1900];
	[tilespmem:s1+$0x5570] =	vst v5;
	v17 =	vmul.f32 v36, v6  }
0x2e0: {  	v30 =	vld [tilespmem:s3+$0x1930];
	v35 =	vbroadcast v34, $0x0;
	[tilespmem:s1+$0x5560] =	vst v29;
	v6 =	vmul.f32 v25, v6  }
0x2e1: {  	v11 =	vmul.f32 v22, v3;
	[tilespmem:s21+$0x5560] =	vst v17  }
0x2e2: {  	v5 =	vld.idx.msk [tilespmem:v9+s31+$0x0], $0xffff;
	v32 =	vshll.u32 v22, $0x10;
	v44 =	vmul.f32 v33, v4;
	[tilespmem:s21+$0x5570] =	vst v6  }
0x2e3: {  	s3 =	sshll.u32 s24, $0x6;
	v7 =	vld [tilespmem:s2+$0x1930];
	v39 =	vshll.u32 v33, $0x10;
	v10 =	vmul.f32 v32, v3;
	[tilespmem:s26+$0x5530] =	vst v11  }
0x2e4: {  	s3 =	sand.u32 $0x3FFFFFC0, s3;
	s1 =	sor.u32 $0x8, s30;
	v45 =	vshll.u32 v37, $0x10;
	v41 =	vmul.f32 v39, v4;
	[tilespmem:s19+$0x5530] =	vst v44  }
0x2e5: {  	v42 =	vld [tilespmem:s3+$0x1900];
	s2 =	sor.u32 $0x9, s30;
	v43 =	vmov s1;
	v38 =	vshll.u32 v30, $0x10;
	v40 =	vmul.f32 v30, v8;
	[tilespmem:s26+$0x5520] =	vst v10  }
0x2e6: {  	v51 =	vmov s2;
	v46 =	vshrl.u32 v43, $0x3;
	v9 =	vmul.f32 v38, v8;
	v10 =	vld.idx.msk [tilespmem:v35+s31+$0x0], $0xffff;
	[tilespmem:s19+$0x5520] =	vst v41  }
0x2e7: {  	s14 =	sshll.u32 s14, $0x7;
	v55 =	vshrl.u32 v51, $0x3;
	v49 =	vshll.u32 v46, v1;
	v48 =	vmul.f32 v45, v5;
	[tilespmem:s17+$0x5570] =	vst v40  }
0x2e8: {  	s28 =	sor.u32 $0xA, s30;
	s21 =	sand.u32 $0x3FFFFF80, s14;
	v50 =	vmul.f32 v37, v5;
	v12 =	vbroadcast v49, $0x0;
	v11 =	vld [tilespmem:s18+$0x1920];
	v47 =	vshll.u32 v7, $0x10;
	[tilespmem:s17+$0x5560] =	vst v9  }
0x2e9: {  	v57 =	vmov s28;
	v8 =	vshll.u32 v55, v1;
	v54 =	vld [tilespmem:s20+$0x1920];
	v52 =	vmul.f32 v47, v2;
	[tilespmem:s21+$0x5500] =	vst v48  }
0x2ea: {  	v56 =	vshll.u32 v42, $0x10;
	v8 =	vadd.s32 $0x1, v8;
	[tilespmem:s21+$0x5510] =	vst v50;
	v2 =	vmul.f32 v7, v2  }
0x2eb: {  	s4 =	sshll.u32 s24, $0x7;
	v59 =	vshrl.u32 v57, $0x3;
	s16 =	sshll.u32 s1, $0x6;
	v8 =	vbroadcast v8, $0x0;
	[tilespmem:s9+$0x5560] =	vst v52;
	v58 =	vmul.f32 v56, v10  }
0x2ec: {  	s14 =	sand.u32 $0x3FFFFFC0, s16;
	s17 =	sand.u32 $0x3FFFFF80, s4;
	v9 =	vshll.u32 v59, v1;
	v18 =	vld [tilespmem:s7+$0x1910];
	[tilespmem:s9+$0x5570] =	vst v2;
	v60 =	vmul.f32 v42, v10  }
0x2ed: {  	s24 =	sshll.u32 s2, $0x6;
	v62 =	vld [tilespmem:s14+$0x1900];
	v9 =	vadd.s32 $0x2, v9;
	v53 =	vshll.u32 v11, $0x10;
	v11 =	vmul.f32 v11, v3;
	[tilespmem:s17+$0x5500] =	vst v58  }
0x2ee: {  	s24 =	sand.u32 $0x3FFFFFC0, s24;
	v9 =	vbroadcast v9, $0x0;
	v6 =	vld.idx.msk [tilespmem:v12+s31+$0x0], $0xffff;
	v20 =	vmul.f32 v54, v4;
	[tilespmem:s17+$0x5510] =	vst v60  }
0x2ef: {  	v23 =	vld [tilespmem:s24+$0x1900];
	v63 =	vshll.u32 v54, $0x10;
	v61 =	vmul.f32 v53, v3;
	[tilespmem:s26+$0x5550] =	vst v11  }
0x2f0: {  	v19 =	vmul.f32 v63, v4;
	v13 =	vld [tilespmem:s3+$0x1910];
	[tilespmem:s19+$0x5550] =	vst v20  }
0x2f1: {  	s16 =	sshll.u32 s28, $0x6;
	v21 =	vshll.u32 v18, $0x10;
	v24 =	vmul.f32 v18, v5;
	v8 =	vld.idx.msk [tilespmem:v8+s31+$0x0], $0xffff;
	[tilespmem:s26+$0x5540] =	vst v61  }
0x2f2: {  	s4 =	sand.u32 $0x3FFFFFC0, s16;
	v25 =	vshll.u32 v62, $0x10;
	[tilespmem:s19+$0x5540] =	vst v19;
	v22 =	vmul.f32 v21, v5  }
0x2f3: {  	s1 =	sshll.u32 s1, $0x7;
	v27 =	vld [tilespmem:s4+$0x1900];
	[tilespmem:s21+$0x5530] =	vst v24;
	v26 =	vmul.f32 v25, v6  }
0x2f4: {  	s16 =	sand.u32 $0x3FFFFF80, s1;
	v9 =	vld.idx.msk [tilespmem:v9+s31+$0x0], $0xffff;
	[tilespmem:s21+$0x5520] =	vst v22;
	v15 =	vmul.f32 v62, v6  }
0x2f5: {  	v31 =	vshll.u32 v23, $0x10;
	[tilespmem:s16+$0x5500] =	vst v26;
	v30 =	vmul.f32 v13, v10  }
0x2f6: {  	s2 =	sshll.u32 s2, $0x7;
	v45 =	vld [tilespmem:s18+$0x1930];
	v28 =	vshll.u32 v13, $0x10;
	[tilespmem:s16+$0x5510] =	vst v15;
	v13 =	vmul.f32 v31, v8  }
0x2f7: {  	s1 =	sand.u32 $0x3FFFFF80, s2;
	v48 =	vld [tilespmem:s20+$0x1930];
	v33 =	vmul.f32 v23, v8;
	[tilespmem:s17+$0x5530] =	vst v30  }
0x2f8: {  	v34 =	vshll.u32 v27, $0x10;
	v29 =	vld [tilespmem:s7+$0x1920];
	v11 =	vmul.f32 v28, v10;
	[tilespmem:s1+$0x5500] =	vst v13  }
0x2f9: {  	s28 =	sshll.u32 s28, $0x7;
	v36 =	vmul.f32 v34, v9;
	[tilespmem:s1+$0x5510] =	vst v33  }
0x2fa: {  	s2 =	sand.u32 $0x3FFFFF80, s28;
	v38 =	vmul.f32 v27, v9;
	[tilespmem:s17+$0x5520] =	vst v11  }
0x2fb: {  	v32 =	vld [tilespmem:s14+$0x1910];
	v54 =	vshll.u32 v45, $0x10;
	v2 =	vmul.f32 v45, v3;
	[tilespmem:s2+$0x5500] =	vst v36  }
0x2fc: {  	v7 =	vmul.f32 v54, v3;
	[tilespmem:s2+$0x5510] =	vst v38  }
0x2fd: {  	v3 =	vshll.u32 v48, $0x10;
	v40 =	vmul.f32 v29, v5;
	[tilespmem:s26+$0x5570] =	vst v2  }
0x2fe: {  	v39 =	vld [tilespmem:s24+$0x1910];
	v3 =	vmul.f32 v3, v4;
	[tilespmem:s26+$0x5560] =	vst v7  }
0x2ff: {  	v4 =	vmul.f32 v48, v4;
	[tilespmem:s21+$0x5550] =	vst v40  }
0x300: {  	v43 =	vld [tilespmem:s4+$0x1910];
	v41 =	vshll.u32 v32, $0x10;
	v11 =	vmul.f32 v32, v6;
	[tilespmem:s19+$0x5560] =	vst v3  }
0x301: {  	v35 =	vld [tilespmem:s3+$0x1920];
	v37 =	vshll.u32 v29, $0x10;
	[tilespmem:s19+$0x5570] =	vst v4;
	v42 =	vmul.f32 v41, v6  }
0x302: {  	v14 =	vmul.f32 v37, v5;
	[tilespmem:s16+$0x5530] =	vst v11  }
0x303: {  	v46 =	vshll.u32 v39, $0x10;
	v49 =	vmul.f32 v39, v8;
	[tilespmem:s16+$0x5520] =	vst v42  }
0x304: {  	[tilespmem:s21+$0x5540] =	vst v14;
	v11 =	vmul.f32 v46, v8;
	v47 =	vld [tilespmem:s14+$0x1920]  }
0x305: {  	s20 =	sor.u32 $0xC, s30;
	v51 =	vld [tilespmem:s7+$0x1930];
	v50 =	vshll.u32 v43, $0x10;
	[tilespmem:s1+$0x5530] =	vst v49;
	v14 =	vmul.f32 v43, v9  }
0x306: {  	s28 =	sor.u32 $0xB, s30;
	v21 =	vmov s20;
	v44 =	vshll.u32 v35, $0x10;
	[tilespmem:s1+$0x5520] =	vst v11;
	v52 =	vmul.f32 v50, v9  }
0x307: {  	v63 =	vmov s28;
	s18 =	sor.u32 $0xD, s30;
	v23 =	vshrl.u32 v21, $0x3;
	v13 =	vmul.f32 v44, v10;
	v55 =	vld [tilespmem:s24+$0x1920];
	[tilespmem:s2+$0x5530] =	vst v14  }
0x308: {  	v25 =	vmov s18;
	v24 =	vshll.u32 v23, v1;
	s19 =	sor.u32 $0xE, s30;
	v15 =	vmul.f32 v35, v10;
	[tilespmem:s2+$0x5520] =	vst v52  }
0x309: {  	v29 =	vmov s19;
	[tilespmem:s17+$0x5540] =	vst v13;
	v58 =	vld [tilespmem:s4+$0x1920];
	v56 =	vshll.u32 v47, $0x10;
	v13 =	vmul.f32 v47, v6  }
0x30a: {  	[tilespmem:s17+$0x5550] =	vst v15;
	v15 =	vshrl.u32 v63, $0x3;
	v59 =	vshll.u32 v51, $0x10;
	v57 =	vmul.f32 v56, v6  }
0x30b: {  	v20 =	vshll.u32 v15, v1;
	v14 =	vshrl.u32 v25, $0x3;
	v53 =	vld [tilespmem:s3+$0x1930];
	v7 =	vmul.f32 v59, v5;
	[tilespmem:s16+$0x5550] =	vst v13  }
0x30c: {  	v11 =	vadd.s32 $0x3, v20;
	v61 =	vshll.u32 v55, $0x10;
	v3 =	vmul.f32 v55, v8;
	[tilespmem:s16+$0x5540] =	vst v57  }
0x30d: {  	v28 =	vshll.u32 v14, v1;
	v14 =	vshrl.u32 v29, $0x3;
	[tilespmem:s21+$0x5560] =	vst v7;
	v13 =	vmul.f32 v61, v8;
	v62 =	vld [tilespmem:s14+$0x1930]  }
0x30e: {  	v18 =	vshll.u32 v58, $0x10;
	v22 =	vmul.f32 v58, v9;
	[tilespmem:s1+$0x5550] =	vst v3;
	v3 =	vbroadcast v11, $0x0  }
0x30f: {  	v5 =	vmul.f32 v51, v5;
	v11 =	vadd.s32 $0x4, v24;
	v19 =	vmul.f32 v18, v9;
	[tilespmem:s1+$0x5540] =	vst v13  }
0x310: {  	v33 =	vshll.u32 v14, v1;
	v60 =	vshll.u32 v53, $0x10;
	v11 =	vbroadcast v11, $0x0;
	v27 =	vld [tilespmem:s24+$0x1930];
	[tilespmem:s2+$0x5550] =	vst v22  }
0x311: {  	s9 =	sshll.u32 s28, $0x6;
	v2 =	vmul.f32 v53, v10;
	v12 =	vmul.f32 v60, v10;
	v13 =	vadd.s32 $0x5, v28;
	s24 =	sor.u32 $0xF, s30;
	[tilespmem:s2+$0x5540] =	vst v19  }
0x312: {  	s3 =	sand.u32 $0x3FFFFFC0, s9;
	[tilespmem:s21+$0x5570] =	vst v5;
	v32 =	vbroadcast v13, $0x0;
	v34 =	vmov s24;
	v31 =	vld [tilespmem:s4+$0x1930];
	v26 =	vshll.u32 v62, $0x10  }
0x313: {  	v35 =	vld [tilespmem:s3+$0x1900];
	v36 =	vadd.s32 $0x6, v33;
	s14 =	sshll.u32 s20, $0x6;
	[tilespmem:s17+$0x5570] =	vst v2;
	v37 =	vshrl.u32 v34, $0x3;
	v30 =	vmul.f32 v26, v6  }
0x314: {  	[tilespmem:s17+$0x5560] =	vst v12;
	s4 =	sand.u32 $0x3FFFFFC0, s14;
	v39 =	vshll.u32 v37, v1;
	v6 =	vmul.f32 v62, v6;
	v2 =	vld.idx.msk [tilespmem:v3+s31+$0x0], $0xffff;
	v3 =	vbroadcast v36, $0x0  }
0x315: {  	s21 =	sshll.u32 s18, $0x6;
	v41 =	vld [tilespmem:s4+$0x1900];
	v12 =	vadd.s32 $0x7, v39;
	v38 =	vshll.u32 v27, $0x10;
	v4 =	vmul.f32 v27, v8;
	[tilespmem:s16+$0x5560] =	vst v30  }
0x316: {  	s7 =	sand.u32 $0x3FFFFFC0, s21;
	v43 =	vbroadcast v12, $0x0;
	v40 =	vmul.f32 v38, v8;
	[tilespmem:s16+$0x5570] =	vst v6;
	v8 =	vld.idx.msk [tilespmem:v11+s31+$0x0], $0xffff  }
0x317: {  	s26 =	sshll.u32 s19, $0x6;
	v44 =	vld [tilespmem:s7+$0x1900];
	v42 =	vshll.u32 v31, $0x10;
	[tilespmem:s1+$0x5570] =	vst v4;
	v45 =	vmul.f32 v31, v9  }
0x318: {  	s9 =	sand.u32 $0x3FFFFFC0, s26;
	v46 =	vshll.u32 v35, $0x10;
	v5 =	vld.idx.msk [tilespmem:v32+s31+$0x0], $0xffff;
	[tilespmem:s1+$0x5560] =	vst v40;
	v6 =	vmul.f32 v42, v9  }
0x319: {  	v48 =	vld [tilespmem:s9+$0x1900];
	s14 =	sshll.u32 s28, $0x7;
	s16 =	sshll.u32 s24, $0x6;
	v47 =	vmul.f32 v46, v2;
	[tilespmem:s2+$0x5570] =	vst v45  }
0x31a: {  	s1 =	sand.u32 $0x3FFFFF80, s14;
	v50 =	vshll.u32 v41, $0x10;
	s14 =	sand.u32 $0x3FFFFFC0, s16;
	v49 =	vmul.f32 v35, v2;
	[tilespmem:s2+$0x5560] =	vst v6;
	v3 =	vld.idx.msk [tilespmem:v3+s31+$0x0], $0xffff  }
0x31b: {  	s17 =	sshll.u32 s20, $0x7;
	v52 =	vld [tilespmem:s14+$0x1900];
	[tilespmem:s1+$0x5500] =	vst v47;
	v51 =	vmul.f32 v50, v8  }
0x31c: {  	v54 =	vshll.u32 v44, $0x10;
	s2 =	sand.u32 $0x3FFFFF80, s17;
	[tilespmem:s1+$0x5510] =	vst v49;
	v53 =	vmul.f32 v41, v8;
	v11 =	vld.idx.msk [tilespmem:v43+s31+$0x0], $0xffff  }
0x31d: {  	s20 =	sshll.u32 s18, $0x7;
	v56 =	vmul.f32 v54, v5;
	[tilespmem:s2+$0x5500] =	vst v51  }
0x31e: {  	v58 =	vshll.u32 v48, $0x10;
	s16 =	sand.u32 $0x3FFFFF80, s20;
	v57 =	vmul.f32 v44, v5;
	v55 =	vld [tilespmem:s3+$0x1910];
	[tilespmem:s2+$0x5510] =	vst v53  }
0x31f: {  	s21 =	sshll.u32 s19, $0x7;
	[tilespmem:s16+$0x5500] =	vst v56;
	v60 =	vmul.f32 v58, v3  }
0x320: {  	s17 =	sand.u32 $0x3FFFFF80, s21;
	[tilespmem:s16+$0x5510] =	vst v57;
	v59 =	vld [tilespmem:s4+$0x1910];
	v62 =	vshll.u32 v52, $0x10;
	v61 =	vmul.f32 v48, v3  }
0x321: {  	s26 =	sshll.u32 s24, $0x7;
	v63 =	vld [tilespmem:s7+$0x1910];
	v15 =	vmul.f32 v62, v11;
	[tilespmem:s17+$0x5500] =	vst v60  }
0x322: {  	s18 =	sand.u32 $0x3FFFFF80, s26;
	v17 =	vmul.f32 v52, v11;
	[tilespmem:s17+$0x5510] =	vst v61  }
0x323: {  	v16 =	vshll.u32 v55, $0x10;
	v19 =	vmul.f32 v55, v2;
	[tilespmem:s18+$0x5500] =	vst v15  }
0x324: {  	v7 =	vmul.f32 v16, v2;
	v18 =	vld [tilespmem:s9+$0x1910];
	[tilespmem:s18+$0x5510] =	vst v17  }
0x325: {  	[tilespmem:s1+$0x5530] =	vst v19;
	v23 =	vmul.f32 v59, v8  }
0x326: {  	v20 =	vshll.u32 v59, $0x10;
	v22 =	vld [tilespmem:s14+$0x1910];
	v27 =	vmul.f32 v63, v5;
	[tilespmem:s1+$0x5520] =	vst v7  }
0x327: {  	v24 =	vshll.u32 v63, $0x10;
	v21 =	vmul.f32 v20, v8;
	[tilespmem:s2+$0x5530] =	vst v23  }
0x328: {  	v26 =	vmul.f32 v24, v5;
	v25 =	vld [tilespmem:s3+$0x1920];
	[tilespmem:s16+$0x5530] =	vst v27  }
0x329: {  	[tilespmem:s2+$0x5520] =	vst v21;
	v28 =	vshll.u32 v18, $0x10;
	v31 =	vmul.f32 v18, v3  }
0x32a: {  	[tilespmem:s16+$0x5520] =	vst v26;
	v29 =	vld [tilespmem:s4+$0x1920];
	v30 =	vmul.f32 v28, v3  }
0x32b: {  	v32 =	vshll.u32 v22, $0x10;
	v36 =	vmul.f32 v22, v11;
	[tilespmem:s17+$0x5530] =	vst v31  }
0x32c: {  	v33 =	vld [tilespmem:s7+$0x1920];
	v34 =	vmul.f32 v32, v11;
	[tilespmem:s17+$0x5520] =	vst v30  }
0x32d: {  	v35 =	vshll.u32 v25, $0x10;
	v39 =	vmul.f32 v25, v2;
	[tilespmem:s18+$0x5530] =	vst v36  }
0x32e: {  	v37 =	vmul.f32 v35, v2;
	v38 =	vld [tilespmem:s9+$0x1920];
	[tilespmem:s18+$0x5520] =	vst v34  }
0x32f: {  	v40 =	vshll.u32 v29, $0x10;
	[tilespmem:s1+$0x5550] =	vst v39;
	v43 =	vmul.f32 v29, v8  }
0x330: {  	v42 =	vld [tilespmem:s14+$0x1920];
	[tilespmem:s1+$0x5540] =	vst v37;
	v41 =	vmul.f32 v40, v8  }
0x331: {  	v44 =	vshll.u32 v33, $0x10;
	v47 =	vmul.f32 v33, v5;
	v45 =	vld [tilespmem:s3+$0x1930];
	[tilespmem:s2+$0x5550] =	vst v43  }
0x332: {  	v46 =	vmul.f32 v44, v5;
	[tilespmem:s2+$0x5540] =	vst v41  }
0x333: {  	[tilespmem:s16+$0x5550] =	vst v47;
	v48 =	vshll.u32 v38, $0x10;
	v49 =	vld [tilespmem:s4+$0x1930];
	v51 =	vmul.f32 v38, v3  }
0x334: {  	[tilespmem:s16+$0x5540] =	vst v46;
	v50 =	vmul.f32 v48, v3  }
0x335: {  	v53 =	vld [tilespmem:s7+$0x1930];
	v52 =	vshll.u32 v42, $0x10;
	v56 =	vmul.f32 v42, v11;
	[tilespmem:s17+$0x5550] =	vst v51  }
0x336: {  	v54 =	vmul.f32 v52, v11;
	[tilespmem:s17+$0x5540] =	vst v50;
	v55 =	vshll.u32 v45, $0x10  }
0x337: {  	[tilespmem:s18+$0x5550] =	vst v56;
	v57 =	vld [tilespmem:s9+$0x1930];
	v58 =	vmul.f32 v55, v2  }
0x338: {  	[tilespmem:s18+$0x5540] =	vst v54;
	v2 =	vmul.f32 v45, v2;
	v59 =	vshll.u32 v49, $0x10  }
0x339: {  	v4 =	vld [tilespmem:s14+$0x1930];
	[tilespmem:s1+$0x5560] =	vst v58;
	v60 =	vmul.f32 v59, v8  }
0x33a: {  	v61 =	vshll.u32 v53, $0x10;
	[tilespmem:s1+$0x5570] =	vst v2;
	v2 =	vmul.f32 v49, v8  }
0x33b: {  	v62 =	vmul.f32 v61, v5;
	[tilespmem:s2+$0x5560] =	vst v60  }
0x33c: {  	[tilespmem:s2+$0x5570] =	vst v2;
	v2 =	vmul.f32 v53, v5;
	v63 =	vshll.u32 v57, $0x10  }
0x33d: {  	p1 =	slt.u32 s30, $0x40;
	[tilespmem:s16+$0x5560] =	vst v62;
	v5 =	vmul.f32 v63, v3  }
.Ltmp4:
0x33e: {  	[tilespmem:s16+$0x5570] =	vst v2;
	v2 =	vmul.f32 v57, v3;
	v3 =	vshll.u32 v4, $0x10;
	(pc) =	sbr.rel @p1 .LBB2_11-.Ltmp4, $4  }
0x33f: {  	v3 =	vmul.f32 v3, v11;
	[tilespmem:s17+$0x5560] =	vst v5  }
0x340: {  	[tilespmem:s17+$0x5570] =	vst v2;
	v2 =	vmul.f32 v4, v11  }
0x341: {  	s28 =	sadd.s32 $0x10, s30;
	[tilespmem:s18+$0x5560] =	vst v3  }
0x342: {  	s30 =	smov.u32 s28;
	[tilespmem:s18+$0x5570] =	vst v2  }
0x343: {  	s1 =	rddreg [dreg:$0x3]  }
0x344: {  	s2 =	simm.s32 $0x5500;
	s3 =	simm.s32 $0x230;
	s19 =	simm.s32 $0x2  }
0x345: {  	[spmem:s1] =	stream.indirect.scatter.add.f32 [tilespmem:s2], [sflag:$0x8], $0x80, s3, s15, $0xb8;
	[tilespmem:$0x1B580] =	vst v63  }
0x346: {  	_ =	swait.ge [sflag:s19], $0x50  }
0x347: {  	[sflag:s19] =	ssyncset.done $0x0  }
0x348: {  	[sflag:s19] =	ssyncadd.s32 $0xFFFFFFB0  }
0x349: {  	_ =	swait.ge [sflag:s19], $0x50  }
0x34a: {  	[sflag:s19] =	ssyncset.done $0x0  }
0x34b: {  	[sflag:s19] =	ssyncadd.s32 $0xFFFFFFB0  }
0x34c: {  	v2 =	vld [tilespmem:$0x2D0];
	_ =	sdelay $0x1  }
0x34d: {  	v3 =	vld [tilespmem:$0x2E0];
	_ =	sdelay $0x1  }
0x34e: {  	v4 =	vld [tilespmem:$0x2F0]  }
0x34f: {  	v5 =	vand.u32 $0xFFFF, v2  }
0x350: {  	v63 =	vld [tilespmem:$0x300];
	v2 =	vshrl.u32 v2, $0x10;
	[tilespmem:$0x50] =	vst v5  }
0x351: {  	[tilespmem:$0x190] =	vst v2;
	v2 =	vand.u32 $0xFFFF, v3  }
0x352: {  	[tilespmem:$0x60] =	vst v2;
	v2 =	vshrl.u32 v3, $0x10;
	v3 =	vld [tilespmem:$0x310]  }
0x353: {  	[tilespmem:$0x1A0] =	vst v2;
	v2 =	vand.u32 $0xFFFF, v4  }
0x354: {  	[tilespmem:$0x70] =	vst v2;
	v2 =	vshrl.u32 v4, $0x10  }
0x355: {  	[tilespmem:$0x1B0] =	vst v2;
	v2 =	vand.u32 $0xFFFF, v63  }
0x356: {  	[tilespmem:$0x80] =	vst v2;
	v2 =	vshrl.u32 v63, $0x10  }
0x357: {  	[tilespmem:$0x1C0] =	vst v2;
	v2 =	vand.u32 $0xFFFF, v3  }
0x358: {  	[tilespmem:$0x90] =	vst v2;
	v2 =	vshrl.u32 v3, $0x10  }
0x359: {  	s20 =	simm.s32 $0x1900;
	s1 =	rddreg [dreg:$0x2];
	[tilespmem:$0x1D0] =	vst v2  }
0x35a: {  	[tilespmem:s20], [sflag:$0x6] =	stream.indirect.gather [hbm4b:s1+s15], $0x40, s15, s15, $0xb8;
	[tilespmem:$0x1B580] =	vst v63  }
0x35b: {  	_ =	swait.ge [sflag:s11], $0x2800  }
0x35c: {  	s21 =	rddreg [dreg:$0x13]  }
0x35d: {  	[sflag:s11] =	ssyncset.done $0x0;
	s1 =	sadd.s32 s22, s21  }
0x35e: {  	s30 =	simm.s32 $0x0;
	[sflag:s11] =	ssyncadd.s32 $0xFFFFD800;
	s1 =	sshrl.u32 s1, $0x3  }
0x35f: {  	s26 =	simm.s32 $0x320;
	s28 =	rddreg [dreg:$0x1];
	s24 =	sadd.s32 s6, s1  }
0x360: {  	[tilespmem:s26], [sflag:$0x3] =	stream.linear.gather [hbm4b:s24+s30], $0x50, $0x38;
	[tilespmem:$0x1B580] =	vst v63  }
0x361: {  	s1 =	sadd.s32 s28, s1  }
0x362: {  	[tilespmem:s23], [sflag:$0x3] =	stream.linear.gather [hbm4b:s1+s30], $0x50, $0x38;
	[tilespmem:$0x1B580] =	vst v63  }
0x363: {  	_ =	swait.ge [sflag:s25], $0x1400  }
0x364: {  	[sflag:s25] =	ssyncset.done $0x0  }
0x365: {  	[sflag:s25] =	ssyncadd.s32 $0xFFFFEC00  }
.LBB2_13:
0x366: {  	v2 =	vmov s30;
	s9 =	sor.u32 $0x1, s30  }
0x367: {  	v2 =	vshrl.u32 v2, $0x3;
	v3 =	vmov s9  }
0x368: {  	v2 =	vshll.u32 v2, v1;
	v3 =	vshrl.u32 v3, $0x3  }
0x369: {  	v2 =	vbroadcast v2, $0x0;
	v3 =	vshll.u32 v3, v1  }
0x36a: {  	s14 =	sor.u32 $0x2, s30;
	v3 =	vadd.s32 $0x1, v3  }
0x36b: {  	v4 =	vmov s14;
	v3 =	vbroadcast v3, $0x0  }
0x36c: {  	s1 =	sshll.u32 s30, $0x6;
	s16 =	sor.u32 $0x3, s30;
	v4 =	vshrl.u32 v4, $0x3  }
0x36d: {  	s4 =	sand.u32 $0x3FFFFFC0, s1;
	v5 =	vmov s16;
	v4 =	vshll.u32 v4, v1  }
0x36e: {  	s17 =	sshll.u32 s9, $0x6;
	v7 =	vld [tilespmem:s4+$0x500];
	v6 =	vshrl.u32 v5, $0x3;
	v4 =	vadd.s32 $0x2, v4  }
0x36f: {  	s7 =	sand.u32 $0x3FFFFFC0, s17;
	v36 =	vshll.u32 v6, v1;
	v35 =	vld.idx.msk [tilespmem:v2+s10+$0x0], $0xffff;
	v2 =	vbroadcast v4, $0x0  }
0x370: {  	v9 =	vld [tilespmem:s7+$0x500];
	v4 =	vadd.s32 $0x3, v36  }
0x371: {  	v6 =	vld.idx.msk [tilespmem:v3+s10+$0x0], $0xffff;
	v3 =	vbroadcast v4, $0x0  }
0x372: {  	s18 =	sshll.u32 s14, $0x6  }
0x373: {  	s3 =	sand.u32 $0x3FFFFFC0, s18  }
0x374: {  	s2 =	sshll.u32 s16, $0x6;
	v10 =	vld [tilespmem:s3+$0x500];
	v37 =	vshll.u32 v7, $0x10  }
0x375: {  	s19 =	sshll.u32 s30, $0x7;
	s2 =	sand.u32 $0x3FFFFFC0, s2;
	v4 =	vmul.f32 v37, v35;
	v8 =	vld.idx.msk [tilespmem:v2+s10+$0x0], $0xffff  }
0x376: {  	s1 =	sand.u32 $0x3FFFFF80, s19;
	v39 =	vld [tilespmem:s2+$0x500];
	v11 =	vshll.u32 v9, $0x10;
	v7 =	vmul.f32 v7, v35  }
0x377: {  	s9 =	sshll.u32 s9, $0x7;
	[tilespmem:s1+$0x2D00] =	vst v4;
	v38 =	vmul.f32 v11, v6;
	v2 =	vld.idx.msk [tilespmem:v3+s10+$0x0], $0xffff  }
0x378: {  	s21 =	sand.u32 $0x3FFFFF80, s9;
	[tilespmem:s1+$0x2D10] =	vst v7;
	v40 =	vmul.f32 v9, v6  }
0x379: {  	v41 =	vshll.u32 v10, $0x10;
	v3 =	vld [tilespmem:s4+$0x510];
	[tilespmem:s21+$0x2D00] =	vst v38  }
0x37a: {  	s20 =	sshll.u32 s14, $0x7;
	[tilespmem:s21+$0x2D10] =	vst v40;
	v4 =	vmul.f32 v41, v8  }
0x37b: {  	s26 =	sor.u32 $0x4, s30;
	s28 =	sor.u32 $0x5, s30;
	s17 =	sand.u32 $0x3FFFFF80, s20;
	v43 =	vshll.u32 v39, $0x10;
	v7 =	vld [tilespmem:s7+$0x510];
	v42 =	vmul.f32 v10, v8  }
0x37c: {  	s24 =	sshll.u32 s16, $0x7;
	v47 =	vmov s26;
	v53 =	vmov s28;
	[tilespmem:s17+$0x2D00] =	vst v4;
	v44 =	vmul.f32 v43, v2  }
0x37d: {  	s9 =	sand.u32 $0x3FFFFF80, s24;
	v48 =	vshrl.u32 v47, $0x3;
	v9 =	vshrl.u32 v53, $0x3;
	[tilespmem:s17+$0x2D10] =	vst v42;
	v46 =	vmul.f32 v39, v2  }
0x37e: {  	v45 =	vshll.u32 v3, $0x10;
	v3 =	vmul.f32 v3, v35;
	v4 =	vshll.u32 v48, v1;
	v12 =	vld [tilespmem:s3+$0x510];
	[tilespmem:s9+$0x2D00] =	vst v44  }
0x37f: {  	v9 =	vshll.u32 v9, v1;
	v10 =	vmul.f32 v45, v35;
	v4 =	vadd.s32 $0x4, v4;
	[tilespmem:s9+$0x2D10] =	vst v46  }
0x380: {  	v49 =	vshll.u32 v7, $0x10;
	[tilespmem:s1+$0x2D30] =	vst v3;
	v3 =	vmul.f32 v7, v6;
	v4 =	vbroadcast v4, $0x0;
	v51 =	vld [tilespmem:s2+$0x510]  }
0x381: {  	v9 =	vadd.s32 $0x5, v9;
	[tilespmem:s1+$0x2D20] =	vst v10;
	v50 =	vmul.f32 v49, v6  }
0x382: {  	v9 =	vbroadcast v9, $0x0;
	v52 =	vld [tilespmem:s4+$0x520];
	[tilespmem:s21+$0x2D30] =	vst v3  }
0x383: {  	s18 =	sshll.u32 s26, $0x6;
	[tilespmem:s21+$0x2D20] =	vst v50;
	v3 =	vshll.u32 v12, $0x10;
	v12 =	vmul.f32 v12, v8  }
0x384: {  	s18 =	sand.u32 $0x3FFFFFC0, s18;
	v54 =	vld [tilespmem:s7+$0x520];
	v3 =	vmul.f32 v3, v8  }
0x385: {  	s19 =	sshll.u32 s28, $0x6;
	v14 =	vld [tilespmem:s18+$0x500];
	v13 =	vshll.u32 v51, $0x10;
	[tilespmem:s17+$0x2D30] =	vst v12;
	v10 =	vmul.f32 v51, v2  }
0x386: {  	s20 =	sand.u32 $0x3FFFFFC0, s19;
	[tilespmem:s17+$0x2D20] =	vst v3;
	v13 =	vmul.f32 v13, v2;
	v3 =	vld.idx.msk [tilespmem:v4+s10+$0x0], $0xffff  }
0x387: {  	v60 =	vld [tilespmem:s20+$0x500];
	v15 =	vshll.u32 v52, $0x10;
	v7 =	vmul.f32 v52, v35;
	[tilespmem:s9+$0x2D30] =	vst v10  }
0x388: {  	v4 =	vld.idx.msk [tilespmem:v9+s10+$0x0], $0xffff;
	v55 =	vmul.f32 v15, v35;
	[tilespmem:s9+$0x2D20] =	vst v13  }
0x389: {  	v56 =	vshll.u32 v54, $0x10;
	[tilespmem:s1+$0x2D50] =	vst v7;
	v58 =	vmul.f32 v54, v6  }
0x38a: {  	v59 =	vshll.u32 v14, $0x10;
	v12 =	vld [tilespmem:s3+$0x520];
	[tilespmem:s1+$0x2D40] =	vst v55;
	v57 =	vmul.f32 v56, v6  }
0x38b: {  	s14 =	sshll.u32 s26, $0x7;
	[tilespmem:s21+$0x2D50] =	vst v58;
	v11 =	vmul.f32 v59, v3  }
0x38c: {  	s26 =	sand.u32 $0x3FFFFF80, s14;
	v23 =	vshll.u32 v60, $0x10;
	v10 =	vld [tilespmem:s2+$0x520];
	[tilespmem:s21+$0x2D40] =	vst v57;
	v62 =	vmul.f32 v14, v3  }
0x38d: {  	s16 =	sshll.u32 s28, $0x7;
	s14 =	sor.u32 $0x6, s30;
	v24 =	vmul.f32 v23, v4;
	[tilespmem:s26+$0x2D00] =	vst v11  }
0x38e: {  	s19 =	sand.u32 $0x3FFFFF80, s16;
	v18 =	vmov s14;
	v63 =	vld [tilespmem:s4+$0x530];
	v26 =	vmul.f32 v60, v4;
	[tilespmem:s26+$0x2D10] =	vst v62  }
0x38f: {  	v20 =	vshrl.u32 v18, $0x3;
	v61 =	vshll.u32 v12, $0x10;
	v12 =	vmul.f32 v12, v8;
	v25 =	vld [tilespmem:s7+$0x530];
	[tilespmem:s19+$0x2D00] =	vst v24  }
0x390: {  	v9 =	vshll.u32 v20, v1;
	v7 =	vmul.f32 v61, v8;
	[tilespmem:s19+$0x2D10] =	vst v26  }
0x391: {  	s24 =	sor.u32 $0x7, s30;
	v9 =	vadd.s32 $0x6, v9;
	v19 =	vshll.u32 v10, $0x10;
	[tilespmem:s17+$0x2D50] =	vst v12;
	v10 =	vmul.f32 v10, v2  }
0x392: {  	v27 =	vmov s24;
	v9 =	vbroadcast v9, $0x0;
	v22 =	vld [tilespmem:s18+$0x510];
	[tilespmem:s17+$0x2D40] =	vst v7;
	v21 =	vmul.f32 v19, v2  }
0x393: {  	s28 =	sshll.u32 s14, $0x6;
	v28 =	vshrl.u32 v27, $0x3;
	v33 =	vld [tilespmem:s20+$0x510];
	v16 =	vshll.u32 v63, $0x10;
	v5 =	vmul.f32 v63, v35;
	[tilespmem:s9+$0x2D50] =	vst v10  }
0x394: {  	v31 =	vshll.u32 v28, v1;
	s7 =	sand.u32 $0x3FFFFFC0, s28;
	v29 =	vmul.f32 v16, v35;
	[tilespmem:s9+$0x2D40] =	vst v21;
	v36 =	vshll.u32 v25, $0x10  }
0x395: {  	v34 =	vadd.s32 $0x7, v31;
	v37 =	vld [tilespmem:s7+$0x500];
	[tilespmem:s1+$0x2D70] =	vst v5;
	v17 =	vmul.f32 v36, v6  }
0x396: {  	v30 =	vld [tilespmem:s3+$0x530];
	v35 =	vbroadcast v34, $0x0;
	[tilespmem:s1+$0x2D60] =	vst v29;
	v6 =	vmul.f32 v25, v6  }
0x397: {  	v11 =	vmul.f32 v22, v3;
	[tilespmem:s21+$0x2D60] =	vst v17  }
0x398: {  	v5 =	vld.idx.msk [tilespmem:v9+s10+$0x0], $0xffff;
	v32 =	vshll.u32 v22, $0x10;
	v44 =	vmul.f32 v33, v4;
	[tilespmem:s21+$0x2D70] =	vst v6  }
0x399: {  	s3 =	sshll.u32 s24, $0x6;
	v7 =	vld [tilespmem:s2+$0x530];
	v39 =	vshll.u32 v33, $0x10;
	v10 =	vmul.f32 v32, v3;
	[tilespmem:s26+$0x2D30] =	vst v11  }
0x39a: {  	s3 =	sand.u32 $0x3FFFFFC0, s3;
	s1 =	sor.u32 $0x8, s30;
	v45 =	vshll.u32 v37, $0x10;
	v41 =	vmul.f32 v39, v4;
	[tilespmem:s19+$0x2D30] =	vst v44  }
0x39b: {  	v42 =	vld [tilespmem:s3+$0x500];
	s2 =	sor.u32 $0x9, s30;
	v43 =	vmov s1;
	v38 =	vshll.u32 v30, $0x10;
	v40 =	vmul.f32 v30, v8;
	[tilespmem:s26+$0x2D20] =	vst v10  }
0x39c: {  	v51 =	vmov s2;
	v46 =	vshrl.u32 v43, $0x3;
	v9 =	vmul.f32 v38, v8;
	v10 =	vld.idx.msk [tilespmem:v35+s10+$0x0], $0xffff;
	[tilespmem:s19+$0x2D20] =	vst v41  }
0x39d: {  	s14 =	sshll.u32 s14, $0x7;
	v55 =	vshrl.u32 v51, $0x3;
	v49 =	vshll.u32 v46, v1;
	v48 =	vmul.f32 v45, v5;
	[tilespmem:s17+$0x2D70] =	vst v40  }
0x39e: {  	s28 =	sor.u32 $0xA, s30;
	s21 =	sand.u32 $0x3FFFFF80, s14;
	v50 =	vmul.f32 v37, v5;
	v12 =	vbroadcast v49, $0x0;
	v11 =	vld [tilespmem:s18+$0x520];
	v47 =	vshll.u32 v7, $0x10;
	[tilespmem:s17+$0x2D60] =	vst v9  }
0x39f: {  	v57 =	vmov s28;
	v8 =	vshll.u32 v55, v1;
	v54 =	vld [tilespmem:s20+$0x520];
	v52 =	vmul.f32 v47, v2;
	[tilespmem:s21+$0x2D00] =	vst v48  }
0x3a0: {  	v56 =	vshll.u32 v42, $0x10;
	v8 =	vadd.s32 $0x1, v8;
	[tilespmem:s21+$0x2D10] =	vst v50;
	v2 =	vmul.f32 v7, v2  }
0x3a1: {  	s4 =	sshll.u32 s24, $0x7;
	v59 =	vshrl.u32 v57, $0x3;
	s16 =	sshll.u32 s1, $0x6;
	v8 =	vbroadcast v8, $0x0;
	[tilespmem:s9+$0x2D60] =	vst v52;
	v58 =	vmul.f32 v56, v10  }
0x3a2: {  	s14 =	sand.u32 $0x3FFFFFC0, s16;
	s17 =	sand.u32 $0x3FFFFF80, s4;
	v9 =	vshll.u32 v59, v1;
	v18 =	vld [tilespmem:s7+$0x510];
	[tilespmem:s9+$0x2D70] =	vst v2;
	v60 =	vmul.f32 v42, v10  }
0x3a3: {  	s24 =	sshll.u32 s2, $0x6;
	v62 =	vld [tilespmem:s14+$0x500];
	v9 =	vadd.s32 $0x2, v9;
	v53 =	vshll.u32 v11, $0x10;
	v11 =	vmul.f32 v11, v3;
	[tilespmem:s17+$0x2D00] =	vst v58  }
0x3a4: {  	s24 =	sand.u32 $0x3FFFFFC0, s24;
	v9 =	vbroadcast v9, $0x0;
	v6 =	vld.idx.msk [tilespmem:v12+s10+$0x0], $0xffff;
	v20 =	vmul.f32 v54, v4;
	[tilespmem:s17+$0x2D10] =	vst v60  }
0x3a5: {  	v23 =	vld [tilespmem:s24+$0x500];
	v63 =	vshll.u32 v54, $0x10;
	v61 =	vmul.f32 v53, v3;
	[tilespmem:s26+$0x2D50] =	vst v11  }
0x3a6: {  	v19 =	vmul.f32 v63, v4;
	v13 =	vld [tilespmem:s3+$0x510];
	[tilespmem:s19+$0x2D50] =	vst v20  }
0x3a7: {  	s16 =	sshll.u32 s28, $0x6;
	v21 =	vshll.u32 v18, $0x10;
	v24 =	vmul.f32 v18, v5;
	v8 =	vld.idx.msk [tilespmem:v8+s10+$0x0], $0xffff;
	[tilespmem:s26+$0x2D40] =	vst v61  }
0x3a8: {  	s4 =	sand.u32 $0x3FFFFFC0, s16;
	v25 =	vshll.u32 v62, $0x10;
	[tilespmem:s19+$0x2D40] =	vst v19;
	v22 =	vmul.f32 v21, v5  }
0x3a9: {  	s1 =	sshll.u32 s1, $0x7;
	v27 =	vld [tilespmem:s4+$0x500];
	[tilespmem:s21+$0x2D30] =	vst v24;
	v26 =	vmul.f32 v25, v6  }
0x3aa: {  	s16 =	sand.u32 $0x3FFFFF80, s1;
	v9 =	vld.idx.msk [tilespmem:v9+s10+$0x0], $0xffff;
	[tilespmem:s21+$0x2D20] =	vst v22;
	v15 =	vmul.f32 v62, v6  }
0x3ab: {  	v31 =	vshll.u32 v23, $0x10;
	[tilespmem:s16+$0x2D00] =	vst v26;
	v30 =	vmul.f32 v13, v10  }
0x3ac: {  	s2 =	sshll.u32 s2, $0x7;
	v45 =	vld [tilespmem:s18+$0x530];
	v28 =	vshll.u32 v13, $0x10;
	[tilespmem:s16+$0x2D10] =	vst v15;
	v13 =	vmul.f32 v31, v8  }
0x3ad: {  	s1 =	sand.u32 $0x3FFFFF80, s2;
	v48 =	vld [tilespmem:s20+$0x530];
	v33 =	vmul.f32 v23, v8;
	[tilespmem:s17+$0x2D30] =	vst v30  }
0x3ae: {  	v34 =	vshll.u32 v27, $0x10;
	v29 =	vld [tilespmem:s7+$0x520];
	v11 =	vmul.f32 v28, v10;
	[tilespmem:s1+$0x2D00] =	vst v13  }
0x3af: {  	s28 =	sshll.u32 s28, $0x7;
	v36 =	vmul.f32 v34, v9;
	[tilespmem:s1+$0x2D10] =	vst v33  }
0x3b0: {  	s2 =	sand.u32 $0x3FFFFF80, s28;
	v38 =	vmul.f32 v27, v9;
	[tilespmem:s17+$0x2D20] =	vst v11  }
0x3b1: {  	v32 =	vld [tilespmem:s14+$0x510];
	v54 =	vshll.u32 v45, $0x10;
	v2 =	vmul.f32 v45, v3;
	[tilespmem:s2+$0x2D00] =	vst v36  }
0x3b2: {  	v7 =	vmul.f32 v54, v3;
	[tilespmem:s2+$0x2D10] =	vst v38  }
0x3b3: {  	v3 =	vshll.u32 v48, $0x10;
	v40 =	vmul.f32 v29, v5;
	[tilespmem:s26+$0x2D70] =	vst v2  }
0x3b4: {  	v39 =	vld [tilespmem:s24+$0x510];
	v3 =	vmul.f32 v3, v4;
	[tilespmem:s26+$0x2D60] =	vst v7  }
0x3b5: {  	v4 =	vmul.f32 v48, v4;
	[tilespmem:s21+$0x2D50] =	vst v40  }
0x3b6: {  	v43 =	vld [tilespmem:s4+$0x510];
	v41 =	vshll.u32 v32, $0x10;
	v11 =	vmul.f32 v32, v6;
	[tilespmem:s19+$0x2D60] =	vst v3  }
0x3b7: {  	v35 =	vld [tilespmem:s3+$0x520];
	v37 =	vshll.u32 v29, $0x10;
	[tilespmem:s19+$0x2D70] =	vst v4;
	v42 =	vmul.f32 v41, v6  }
0x3b8: {  	v14 =	vmul.f32 v37, v5;
	[tilespmem:s16+$0x2D30] =	vst v11  }
0x3b9: {  	v46 =	vshll.u32 v39, $0x10;
	v49 =	vmul.f32 v39, v8;
	[tilespmem:s16+$0x2D20] =	vst v42  }
0x3ba: {  	[tilespmem:s21+$0x2D40] =	vst v14;
	v11 =	vmul.f32 v46, v8;
	v47 =	vld [tilespmem:s14+$0x520]  }
0x3bb: {  	s20 =	sor.u32 $0xC, s30;
	v51 =	vld [tilespmem:s7+$0x530];
	v50 =	vshll.u32 v43, $0x10;
	[tilespmem:s1+$0x2D30] =	vst v49;
	v14 =	vmul.f32 v43, v9  }
0x3bc: {  	s28 =	sor.u32 $0xB, s30;
	v21 =	vmov s20;
	v44 =	vshll.u32 v35, $0x10;
	[tilespmem:s1+$0x2D20] =	vst v11;
	v52 =	vmul.f32 v50, v9  }
0x3bd: {  	v63 =	vmov s28;
	s18 =	sor.u32 $0xD, s30;
	v23 =	vshrl.u32 v21, $0x3;
	v13 =	vmul.f32 v44, v10;
	v55 =	vld [tilespmem:s24+$0x520];
	[tilespmem:s2+$0x2D30] =	vst v14  }
0x3be: {  	v25 =	vmov s18;
	v24 =	vshll.u32 v23, v1;
	s19 =	sor.u32 $0xE, s30;
	v15 =	vmul.f32 v35, v10;
	[tilespmem:s2+$0x2D20] =	vst v52  }
0x3bf: {  	v29 =	vmov s19;
	[tilespmem:s17+$0x2D40] =	vst v13;
	v58 =	vld [tilespmem:s4+$0x520];
	v56 =	vshll.u32 v47, $0x10;
	v13 =	vmul.f32 v47, v6  }
0x3c0: {  	[tilespmem:s17+$0x2D50] =	vst v15;
	v15 =	vshrl.u32 v63, $0x3;
	v59 =	vshll.u32 v51, $0x10;
	v57 =	vmul.f32 v56, v6  }
0x3c1: {  	v20 =	vshll.u32 v15, v1;
	v14 =	vshrl.u32 v25, $0x3;
	v53 =	vld [tilespmem:s3+$0x530];
	v7 =	vmul.f32 v59, v5;
	[tilespmem:s16+$0x2D50] =	vst v13  }
0x3c2: {  	v11 =	vadd.s32 $0x3, v20;
	v61 =	vshll.u32 v55, $0x10;
	v3 =	vmul.f32 v55, v8;
	[tilespmem:s16+$0x2D40] =	vst v57  }
0x3c3: {  	v28 =	vshll.u32 v14, v1;
	v14 =	vshrl.u32 v29, $0x3;
	[tilespmem:s21+$0x2D60] =	vst v7;
	v13 =	vmul.f32 v61, v8;
	v62 =	vld [tilespmem:s14+$0x530]  }
0x3c4: {  	v18 =	vshll.u32 v58, $0x10;
	v22 =	vmul.f32 v58, v9;
	[tilespmem:s1+$0x2D50] =	vst v3;
	v3 =	vbroadcast v11, $0x0  }
0x3c5: {  	v5 =	vmul.f32 v51, v5;
	v11 =	vadd.s32 $0x4, v24;
	v19 =	vmul.f32 v18, v9;
	[tilespmem:s1+$0x2D40] =	vst v13  }
0x3c6: {  	v33 =	vshll.u32 v14, v1;
	v60 =	vshll.u32 v53, $0x10;
	v11 =	vbroadcast v11, $0x0;
	v27 =	vld [tilespmem:s24+$0x530];
	[tilespmem:s2+$0x2D50] =	vst v22  }
0x3c7: {  	s9 =	sshll.u32 s28, $0x6;
	v2 =	vmul.f32 v53, v10;
	v12 =	vmul.f32 v60, v10;
	v13 =	vadd.s32 $0x5, v28;
	s24 =	sor.u32 $0xF, s30;
	[tilespmem:s2+$0x2D40] =	vst v19  }
0x3c8: {  	s3 =	sand.u32 $0x3FFFFFC0, s9;
	[tilespmem:s21+$0x2D70] =	vst v5;
	v32 =	vbroadcast v13, $0x0;
	v34 =	vmov s24;
	v31 =	vld [tilespmem:s4+$0x530];
	v26 =	vshll.u32 v62, $0x10  }
0x3c9: {  	v35 =	vld [tilespmem:s3+$0x500];
	v36 =	vadd.s32 $0x6, v33;
	s14 =	sshll.u32 s20, $0x6;
	[tilespmem:s17+$0x2D70] =	vst v2;
	v37 =	vshrl.u32 v34, $0x3;
	v30 =	vmul.f32 v26, v6  }
0x3ca: {  	[tilespmem:s17+$0x2D60] =	vst v12;
	s4 =	sand.u32 $0x3FFFFFC0, s14;
	v39 =	vshll.u32 v37, v1;
	v6 =	vmul.f32 v62, v6;
	v2 =	vld.idx.msk [tilespmem:v3+s10+$0x0], $0xffff;
	v3 =	vbroadcast v36, $0x0  }
0x3cb: {  	s21 =	sshll.u32 s18, $0x6;
	v41 =	vld [tilespmem:s4+$0x500];
	v12 =	vadd.s32 $0x7, v39;
	v38 =	vshll.u32 v27, $0x10;
	v4 =	vmul.f32 v27, v8;
	[tilespmem:s16+$0x2D60] =	vst v30  }
0x3cc: {  	s7 =	sand.u32 $0x3FFFFFC0, s21;
	v43 =	vbroadcast v12, $0x0;
	v40 =	vmul.f32 v38, v8;
	[tilespmem:s16+$0x2D70] =	vst v6;
	v8 =	vld.idx.msk [tilespmem:v11+s10+$0x0], $0xffff  }
0x3cd: {  	s26 =	sshll.u32 s19, $0x6;
	v44 =	vld [tilespmem:s7+$0x500];
	v42 =	vshll.u32 v31, $0x10;
	[tilespmem:s1+$0x2D70] =	vst v4;
	v45 =	vmul.f32 v31, v9  }
0x3ce: {  	s9 =	sand.u32 $0x3FFFFFC0, s26;
	v46 =	vshll.u32 v35, $0x10;
	v5 =	vld.idx.msk [tilespmem:v32+s10+$0x0], $0xffff;
	[tilespmem:s1+$0x2D60] =	vst v40;
	v6 =	vmul.f32 v42, v9  }
0x3cf: {  	v48 =	vld [tilespmem:s9+$0x500];
	s14 =	sshll.u32 s28, $0x7;
	s16 =	sshll.u32 s24, $0x6;
	v47 =	vmul.f32 v46, v2;
	[tilespmem:s2+$0x2D70] =	vst v45  }
0x3d0: {  	s1 =	sand.u32 $0x3FFFFF80, s14;
	v50 =	vshll.u32 v41, $0x10;
	s14 =	sand.u32 $0x3FFFFFC0, s16;
	v49 =	vmul.f32 v35, v2;
	[tilespmem:s2+$0x2D60] =	vst v6;
	v3 =	vld.idx.msk [tilespmem:v3+s10+$0x0], $0xffff  }
0x3d1: {  	s17 =	sshll.u32 s20, $0x7;
	v52 =	vld [tilespmem:s14+$0x500];
	[tilespmem:s1+$0x2D00] =	vst v47;
	v51 =	vmul.f32 v50, v8  }
0x3d2: {  	v54 =	vshll.u32 v44, $0x10;
	s2 =	sand.u32 $0x3FFFFF80, s17;
	[tilespmem:s1+$0x2D10] =	vst v49;
	v53 =	vmul.f32 v41, v8;
	v11 =	vld.idx.msk [tilespmem:v43+s10+$0x0], $0xffff  }
0x3d3: {  	s20 =	sshll.u32 s18, $0x7;
	v56 =	vmul.f32 v54, v5;
	[tilespmem:s2+$0x2D00] =	vst v51  }
0x3d4: {  	v58 =	vshll.u32 v48, $0x10;
	s16 =	sand.u32 $0x3FFFFF80, s20;
	v57 =	vmul.f32 v44, v5;
	v55 =	vld [tilespmem:s3+$0x510];
	[tilespmem:s2+$0x2D10] =	vst v53  }
0x3d5: {  	s21 =	sshll.u32 s19, $0x7;
	[tilespmem:s16+$0x2D00] =	vst v56;
	v60 =	vmul.f32 v58, v3  }
0x3d6: {  	s17 =	sand.u32 $0x3FFFFF80, s21;
	[tilespmem:s16+$0x2D10] =	vst v57;
	v59 =	vld [tilespmem:s4+$0x510];
	v62 =	vshll.u32 v52, $0x10;
	v61 =	vmul.f32 v48, v3  }
0x3d7: {  	s26 =	sshll.u32 s24, $0x7;
	v63 =	vld [tilespmem:s7+$0x510];
	v15 =	vmul.f32 v62, v11;
	[tilespmem:s17+$0x2D00] =	vst v60  }
0x3d8: {  	s18 =	sand.u32 $0x3FFFFF80, s26;
	v17 =	vmul.f32 v52, v11;
	[tilespmem:s17+$0x2D10] =	vst v61  }
0x3d9: {  	v16 =	vshll.u32 v55, $0x10;
	v19 =	vmul.f32 v55, v2;
	[tilespmem:s18+$0x2D00] =	vst v15  }
0x3da: {  	v7 =	vmul.f32 v16, v2;
	v18 =	vld [tilespmem:s9+$0x510];
	[tilespmem:s18+$0x2D10] =	vst v17  }
0x3db: {  	[tilespmem:s1+$0x2D30] =	vst v19;
	v23 =	vmul.f32 v59, v8  }
0x3dc: {  	v20 =	vshll.u32 v59, $0x10;
	v22 =	vld [tilespmem:s14+$0x510];
	v27 =	vmul.f32 v63, v5;
	[tilespmem:s1+$0x2D20] =	vst v7  }
0x3dd: {  	v24 =	vshll.u32 v63, $0x10;
	v21 =	vmul.f32 v20, v8;
	[tilespmem:s2+$0x2D30] =	vst v23  }
0x3de: {  	v26 =	vmul.f32 v24, v5;
	v25 =	vld [tilespmem:s3+$0x520];
	[tilespmem:s16+$0x2D30] =	vst v27  }
0x3df: {  	[tilespmem:s2+$0x2D20] =	vst v21;
	v28 =	vshll.u32 v18, $0x10;
	v31 =	vmul.f32 v18, v3  }
0x3e0: {  	[tilespmem:s16+$0x2D20] =	vst v26;
	v29 =	vld [tilespmem:s4+$0x520];
	v30 =	vmul.f32 v28, v3  }
0x3e1: {  	v32 =	vshll.u32 v22, $0x10;
	v36 =	vmul.f32 v22, v11;
	[tilespmem:s17+$0x2D30] =	vst v31  }
0x3e2: {  	v33 =	vld [tilespmem:s7+$0x520];
	v34 =	vmul.f32 v32, v11;
	[tilespmem:s17+$0x2D20] =	vst v30  }
0x3e3: {  	v35 =	vshll.u32 v25, $0x10;
	v39 =	vmul.f32 v25, v2;
	[tilespmem:s18+$0x2D30] =	vst v36  }
0x3e4: {  	v37 =	vmul.f32 v35, v2;
	v38 =	vld [tilespmem:s9+$0x520];
	[tilespmem:s18+$0x2D20] =	vst v34  }
0x3e5: {  	v40 =	vshll.u32 v29, $0x10;
	[tilespmem:s1+$0x2D50] =	vst v39;
	v43 =	vmul.f32 v29, v8  }
0x3e6: {  	v42 =	vld [tilespmem:s14+$0x520];
	[tilespmem:s1+$0x2D40] =	vst v37;
	v41 =	vmul.f32 v40, v8  }
0x3e7: {  	v44 =	vshll.u32 v33, $0x10;
	v47 =	vmul.f32 v33, v5;
	v45 =	vld [tilespmem:s3+$0x530];
	[tilespmem:s2+$0x2D50] =	vst v43  }
0x3e8: {  	v46 =	vmul.f32 v44, v5;
	[tilespmem:s2+$0x2D40] =	vst v41  }
0x3e9: {  	[tilespmem:s16+$0x2D50] =	vst v47;
	v48 =	vshll.u32 v38, $0x10;
	v49 =	vld [tilespmem:s4+$0x530];
	v51 =	vmul.f32 v38, v3  }
0x3ea: {  	[tilespmem:s16+$0x2D40] =	vst v46;
	v50 =	vmul.f32 v48, v3  }
0x3eb: {  	v53 =	vld [tilespmem:s7+$0x530];
	v52 =	vshll.u32 v42, $0x10;
	v56 =	vmul.f32 v42, v11;
	[tilespmem:s17+$0x2D50] =	vst v51  }
0x3ec: {  	v54 =	vmul.f32 v52, v11;
	[tilespmem:s17+$0x2D40] =	vst v50;
	v55 =	vshll.u32 v45, $0x10  }
0x3ed: {  	[tilespmem:s18+$0x2D50] =	vst v56;
	v57 =	vld [tilespmem:s9+$0x530];
	v58 =	vmul.f32 v55, v2  }
0x3ee: {  	[tilespmem:s18+$0x2D40] =	vst v54;
	v2 =	vmul.f32 v45, v2;
	v59 =	vshll.u32 v49, $0x10  }
0x3ef: {  	v4 =	vld [tilespmem:s14+$0x530];
	[tilespmem:s1+$0x2D60] =	vst v58;
	v60 =	vmul.f32 v59, v8  }
0x3f0: {  	v61 =	vshll.u32 v53, $0x10;
	[tilespmem:s1+$0x2D70] =	vst v2;
	v2 =	vmul.f32 v49, v8  }
0x3f1: {  	v62 =	vmul.f32 v61, v5;
	[tilespmem:s2+$0x2D60] =	vst v60  }
0x3f2: {  	[tilespmem:s2+$0x2D70] =	vst v2;
	v2 =	vmul.f32 v53, v5;
	v63 =	vshll.u32 v57, $0x10  }
0x3f3: {  	p1 =	slt.u32 s30, $0x40;
	[tilespmem:s16+$0x2D60] =	vst v62;
	v5 =	vmul.f32 v63, v3  }
.Ltmp5:
0x3f4: {  	[tilespmem:s16+$0x2D70] =	vst v2;
	v2 =	vmul.f32 v57, v3;
	v3 =	vshll.u32 v4, $0x10;
	(pc) =	sbr.rel @p1 .LBB2_13-.Ltmp5, $4  }
0x3f5: {  	v3 =	vmul.f32 v3, v11;
	[tilespmem:s17+$0x2D60] =	vst v5  }
0x3f6: {  	[tilespmem:s17+$0x2D70] =	vst v2;
	v2 =	vmul.f32 v4, v11  }
0x3f7: {  	s28 =	sadd.s32 $0x10, s30;
	[tilespmem:s18+$0x2D60] =	vst v3  }
0x3f8: {  	s30 =	smov.u32 s28;
	[tilespmem:s18+$0x2D70] =	vst v2  }
0x3f9: {  	s1 =	rddreg [dreg:$0x3]  }
0x3fa: {  	s2 =	simm.s32 $0x2D00;
	s3 =	simm.s32 $0x140;
	s19 =	simm.s32 $0x3  }
0x3fb: {  	[spmem:s1] =	stream.indirect.scatter.add.f32 [tilespmem:s2], [sflag:$0x7], $0x80, s3, s15, $0xb8;
	[tilespmem:$0x1B580] =	vst v63  }
0x3fc: {  	_ =	swait.ge [sflag:s19], $0x50  }
0x3fd: {  	[sflag:s19] =	ssyncset.done $0x0  }
0x3fe: {  	[sflag:s19] =	ssyncadd.s32 $0xFFFFFFB0  }
0x3ff: {  	_ =	swait.ge [sflag:s19], $0x50  }
0x400: {  	[sflag:s19] =	ssyncset.done $0x0  }
0x401: {  	[sflag:s19] =	ssyncadd.s32 $0xFFFFFFB0  }
0x402: {  	v2 =	vld [tilespmem:$0x320];
	_ =	sdelay $0x1  }
0x403: {  	v3 =	vld [tilespmem:$0x330];
	_ =	sdelay $0x1  }
0x404: {  	v4 =	vld [tilespmem:$0x340]  }
0x405: {  	v5 =	vand.u32 $0xFFFF, v2  }
0x406: {  	v63 =	vld [tilespmem:$0x350];
	v2 =	vshrl.u32 v2, $0x10;
	[tilespmem:$0xA0] =	vst v5  }
0x407: {  	[tilespmem:$0x1E0] =	vst v2;
	v2 =	vand.u32 $0xFFFF, v3  }
0x408: {  	[tilespmem:$0xB0] =	vst v2;
	v2 =	vshrl.u32 v3, $0x10;
	v3 =	vld [tilespmem:$0x360]  }
0x409: {  	[tilespmem:$0x1F0] =	vst v2;
	v2 =	vand.u32 $0xFFFF, v4  }
0x40a: {  	[tilespmem:$0xC0] =	vst v2;
	v2 =	vshrl.u32 v4, $0x10  }
0x40b: {  	[tilespmem:$0x200] =	vst v2;
	v2 =	vand.u32 $0xFFFF, v63  }
0x40c: {  	[tilespmem:$0xD0] =	vst v2;
	v2 =	vshrl.u32 v63, $0x10  }
0x40d: {  	[tilespmem:$0x210] =	vst v2;
	v2 =	vand.u32 $0xFFFF, v3  }
0x40e: {  	[tilespmem:$0xE0] =	vst v2;
	v2 =	vshrl.u32 v3, $0x10  }
0x40f: {  	s20 =	simm.s32 $0x500;
	s21 =	simm.s32 $0xA0;
	s1 =	rddreg [dreg:$0x2];
	[tilespmem:$0x220] =	vst v2  }
0x410: {  	[tilespmem:s20], [sflag:$0x5] =	stream.indirect.gather [hbm4b:s1+s15], $0x40, s21, s15, $0xb8;
	[tilespmem:$0x1B580] =	vst v63  }
0x411: {  	_ =	swait.ge [sflag:s29], $0x2800  }
0x412: {  	s24 =	rddreg [dreg:$0x14]  }
0x413: {  	[sflag:s29] =	ssyncset.done $0x0;
	s1 =	sadd.s32 s22, s24  }
0x414: {  	s28 =	simm.s32 $0x370;
	[sflag:s29] =	ssyncadd.s32 $0xFFFFD800;
	s1 =	sshrl.u32 s1, $0x3  }
0x415: {  	s22 =	simm.s32 $0x0;
	s30 =	rddreg [dreg:$0x1];
	s26 =	sadd.s32 s6, s1  }
0x416: {  	[tilespmem:s28], [sflag:$0x4] =	stream.linear.gather [hbm4b:s26+s22], $0x50, $0x38;
	[tilespmem:$0x1B580] =	vst v63  }
0x417: {  	s1 =	sadd.s32 s30, s1  }
0x418: {  	[tilespmem:s31], [sflag:$0x4] =	stream.linear.gather [hbm4b:s1+s22], $0x50, $0x38;
	[tilespmem:$0x1B580] =	vst v63  }
0x419: {  	_ =	swait.ge [sflag:s0], $0x1400  }
0x41a: {  	[sflag:s0] =	ssyncset.done $0x0  }
0x41b: {  	[sflag:s0] =	ssyncadd.s32 $0xFFFFEC00  }
.LBB2_15:
0x41c: {  	v2 =	vmov s22;
	s9 =	sor.u32 $0x1, s22  }
0x41d: {  	v2 =	vshrl.u32 v2, $0x3;
	v3 =	vmov s9  }
0x41e: {  	v2 =	vshll.u32 v2, v1;
	v3 =	vshrl.u32 v3, $0x3  }
0x41f: {  	v2 =	vbroadcast v2, $0x0;
	v3 =	vshll.u32 v3, v1  }
0x420: {  	s14 =	sor.u32 $0x2, s22;
	v3 =	vadd.s32 $0x1, v3  }
0x421: {  	v4 =	vmov s14;
	v3 =	vbroadcast v3, $0x0  }
0x422: {  	s1 =	sshll.u32 s22, $0x6;
	s16 =	sor.u32 $0x3, s22;
	v4 =	vshrl.u32 v4, $0x3  }
0x423: {  	s4 =	sand.u32 $0x3FFFFFC0, s1;
	v5 =	vmov s16;
	v4 =	vshll.u32 v4, v1  }
0x424: {  	s24 =	sshll.u32 s9, $0x6;
	v7 =	vld [tilespmem:s4+$0x1900];
	v6 =	vshrl.u32 v5, $0x3;
	v4 =	vadd.s32 $0x2, v4  }
0x425: {  	s7 =	sand.u32 $0x3FFFFFC0, s24;
	v36 =	vshll.u32 v6, v1;
	v35 =	vld.idx.msk [tilespmem:v2+s12+$0x0], $0xffff;
	v2 =	vbroadcast v4, $0x0  }
0x426: {  	v9 =	vld [tilespmem:s7+$0x1900];
	v4 =	vadd.s32 $0x3, v36  }
0x427: {  	v6 =	vld.idx.msk [tilespmem:v3+s12+$0x0], $0xffff;
	v3 =	vbroadcast v4, $0x0  }
0x428: {  	s26 =	sshll.u32 s14, $0x6  }
0x429: {  	s3 =	sand.u32 $0x3FFFFFC0, s26  }
0x42a: {  	s2 =	sshll.u32 s16, $0x6;
	v10 =	vld [tilespmem:s3+$0x1900];
	v37 =	vshll.u32 v7, $0x10  }
0x42b: {  	s28 =	sshll.u32 s22, $0x7;
	s2 =	sand.u32 $0x3FFFFFC0, s2;
	v4 =	vmul.f32 v37, v35;
	v8 =	vld.idx.msk [tilespmem:v2+s12+$0x0], $0xffff  }
0x42c: {  	s1 =	sand.u32 $0x3FFFFF80, s28;
	v39 =	vld [tilespmem:s2+$0x1900];
	v11 =	vshll.u32 v9, $0x10;
	v7 =	vmul.f32 v7, v35  }
0x42d: {  	s9 =	sshll.u32 s9, $0x7;
	[tilespmem:s1+$0x5500] =	vst v4;
	v38 =	vmul.f32 v11, v6;
	v2 =	vld.idx.msk [tilespmem:v3+s12+$0x0], $0xffff  }
0x42e: {  	s21 =	sand.u32 $0x3FFFFF80, s9;
	[tilespmem:s1+$0x5510] =	vst v7;
	v40 =	vmul.f32 v9, v6  }
0x42f: {  	v41 =	vshll.u32 v10, $0x10;
	v3 =	vld [tilespmem:s4+$0x1910];
	[tilespmem:s21+$0x5500] =	vst v38  }
0x430: {  	s30 =	sshll.u32 s14, $0x7;
	s14 =	sshll.u32 s16, $0x7;
	[tilespmem:s21+$0x5510] =	vst v40;
	v4 =	vmul.f32 v41, v8  }
0x431: {  	s16 =	sor.u32 $0x4, s22;
	s17 =	sand.u32 $0x3FFFFF80, s30;
	s24 =	sor.u32 $0x5, s22;
	v43 =	vshll.u32 v39, $0x10;
	v7 =	vld [tilespmem:s7+$0x1910];
	v42 =	vmul.f32 v10, v8  }
0x432: {  	v47 =	vmov s16;
	v53 =	vmov s24;
	[tilespmem:s17+$0x5500] =	vst v4;
	v44 =	vmul.f32 v43, v2  }
0x433: {  	s9 =	sand.u32 $0x3FFFFF80, s14;
	v48 =	vshrl.u32 v47, $0x3;
	v9 =	vshrl.u32 v53, $0x3;
	[tilespmem:s17+$0x5510] =	vst v42;
	v46 =	vmul.f32 v39, v2  }
0x434: {  	v45 =	vshll.u32 v3, $0x10;
	v3 =	vmul.f32 v3, v35;
	v4 =	vshll.u32 v48, v1;
	v12 =	vld [tilespmem:s3+$0x1910];
	[tilespmem:s9+$0x5500] =	vst v44  }
0x435: {  	v9 =	vshll.u32 v9, v1;
	v10 =	vmul.f32 v45, v35;
	v4 =	vadd.s32 $0x4, v4;
	[tilespmem:s9+$0x5510] =	vst v46  }
0x436: {  	v49 =	vshll.u32 v7, $0x10;
	[tilespmem:s1+$0x5530] =	vst v3;
	v3 =	vmul.f32 v7, v6;
	v4 =	vbroadcast v4, $0x0;
	v51 =	vld [tilespmem:s2+$0x1910]  }
0x437: {  	v9 =	vadd.s32 $0x5, v9;
	[tilespmem:s1+$0x5520] =	vst v10;
	v50 =	vmul.f32 v49, v6  }
0x438: {  	v9 =	vbroadcast v9, $0x0;
	v52 =	vld [tilespmem:s4+$0x1920];
	[tilespmem:s21+$0x5530] =	vst v3  }
0x439: {  	s18 =	sshll.u32 s16, $0x6;
	[tilespmem:s21+$0x5520] =	vst v50;
	v3 =	vshll.u32 v12, $0x10;
	v12 =	vmul.f32 v12, v8  }
0x43a: {  	s18 =	sand.u32 $0x3FFFFFC0, s18;
	v54 =	vld [tilespmem:s7+$0x1920];
	v3 =	vmul.f32 v3, v8  }
0x43b: {  	s19 =	sshll.u32 s24, $0x6;
	v14 =	vld [tilespmem:s18+$0x1900];
	v13 =	vshll.u32 v51, $0x10;
	[tilespmem:s17+$0x5530] =	vst v12;
	v10 =	vmul.f32 v51, v2  }
0x43c: {  	s20 =	sand.u32 $0x3FFFFFC0, s19;
	[tilespmem:s17+$0x5520] =	vst v3;
	v13 =	vmul.f32 v13, v2;
	v3 =	vld.idx.msk [tilespmem:v4+s12+$0x0], $0xffff  }
0x43d: {  	v60 =	vld [tilespmem:s20+$0x1900];
	v15 =	vshll.u32 v52, $0x10;
	v7 =	vmul.f32 v52, v35;
	[tilespmem:s9+$0x5530] =	vst v10  }
0x43e: {  	v4 =	vld.idx.msk [tilespmem:v9+s12+$0x0], $0xffff;
	v55 =	vmul.f32 v15, v35;
	[tilespmem:s9+$0x5520] =	vst v13  }
0x43f: {  	v56 =	vshll.u32 v54, $0x10;
	[tilespmem:s1+$0x5550] =	vst v7;
	v58 =	vmul.f32 v54, v6  }
0x440: {  	v59 =	vshll.u32 v14, $0x10;
	v12 =	vld [tilespmem:s3+$0x1920];
	[tilespmem:s1+$0x5540] =	vst v55;
	v57 =	vmul.f32 v56, v6  }
0x441: {  	s14 =	sshll.u32 s16, $0x7;
	[tilespmem:s21+$0x5550] =	vst v58;
	v11 =	vmul.f32 v59, v3  }
0x442: {  	s26 =	sand.u32 $0x3FFFFF80, s14;
	v23 =	vshll.u32 v60, $0x10;
	v10 =	vld [tilespmem:s2+$0x1920];
	[tilespmem:s21+$0x5540] =	vst v57;
	v62 =	vmul.f32 v14, v3  }
0x443: {  	s28 =	sor.u32 $0x6, s22;
	s16 =	sshll.u32 s24, $0x7;
	v24 =	vmul.f32 v23, v4;
	[tilespmem:s26+$0x5500] =	vst v11  }
0x444: {  	v18 =	vmov s28;
	s19 =	sand.u32 $0x3FFFFF80, s16;
	v63 =	vld [tilespmem:s4+$0x1930];
	v26 =	vmul.f32 v60, v4;
	[tilespmem:s26+$0x5510] =	vst v62  }
0x445: {  	v20 =	vshrl.u32 v18, $0x3;
	v61 =	vshll.u32 v12, $0x10;
	v12 =	vmul.f32 v12, v8;
	v25 =	vld [tilespmem:s7+$0x1930];
	[tilespmem:s19+$0x5500] =	vst v24  }
0x446: {  	v9 =	vshll.u32 v20, v1;
	v7 =	vmul.f32 v61, v8;
	[tilespmem:s19+$0x5510] =	vst v26  }
0x447: {  	s24 =	sor.u32 $0x7, s22;
	v9 =	vadd.s32 $0x6, v9;
	v19 =	vshll.u32 v10, $0x10;
	[tilespmem:s17+$0x5550] =	vst v12;
	v10 =	vmul.f32 v10, v2  }
0x448: {  	v27 =	vmov s24;
	v9 =	vbroadcast v9, $0x0;
	v22 =	vld [tilespmem:s18+$0x1910];
	[tilespmem:s17+$0x5540] =	vst v7;
	v21 =	vmul.f32 v19, v2  }
0x449: {  	s30 =	sshll.u32 s28, $0x6;
	v28 =	vshrl.u32 v27, $0x3;
	v33 =	vld [tilespmem:s20+$0x1910];
	v16 =	vshll.u32 v63, $0x10;
	v5 =	vmul.f32 v63, v35;
	[tilespmem:s9+$0x5550] =	vst v10  }
0x44a: {  	v31 =	vshll.u32 v28, v1;
	s7 =	sand.u32 $0x3FFFFFC0, s30;
	v29 =	vmul.f32 v16, v35;
	[tilespmem:s9+$0x5540] =	vst v21;
	v36 =	vshll.u32 v25, $0x10  }
0x44b: {  	v34 =	vadd.s32 $0x7, v31;
	v37 =	vld [tilespmem:s7+$0x1900];
	[tilespmem:s1+$0x5570] =	vst v5;
	v17 =	vmul.f32 v36, v6  }
0x44c: {  	v30 =	vld [tilespmem:s3+$0x1930];
	v35 =	vbroadcast v34, $0x0;
	[tilespmem:s1+$0x5560] =	vst v29;
	v6 =	vmul.f32 v25, v6  }
0x44d: {  	v11 =	vmul.f32 v22, v3;
	[tilespmem:s21+$0x5560] =	vst v17  }
0x44e: {  	v5 =	vld.idx.msk [tilespmem:v9+s12+$0x0], $0xffff;
	v32 =	vshll.u32 v22, $0x10;
	v44 =	vmul.f32 v33, v4;
	[tilespmem:s21+$0x5570] =	vst v6  }
0x44f: {  	s3 =	sshll.u32 s24, $0x6;
	v7 =	vld [tilespmem:s2+$0x1930];
	v39 =	vshll.u32 v33, $0x10;
	v10 =	vmul.f32 v32, v3;
	[tilespmem:s26+$0x5530] =	vst v11  }
0x450: {  	s3 =	sand.u32 $0x3FFFFFC0, s3;
	s1 =	sor.u32 $0x8, s22;
	v45 =	vshll.u32 v37, $0x10;
	v41 =	vmul.f32 v39, v4;
	[tilespmem:s19+$0x5530] =	vst v44  }
0x451: {  	v42 =	vld [tilespmem:s3+$0x1900];
	s2 =	sor.u32 $0x9, s22;
	v43 =	vmov s1;
	v38 =	vshll.u32 v30, $0x10;
	v40 =	vmul.f32 v30, v8;
	[tilespmem:s26+$0x5520] =	vst v10  }
0x452: {  	v51 =	vmov s2;
	v46 =	vshrl.u32 v43, $0x3;
	v9 =	vmul.f32 v38, v8;
	v10 =	vld.idx.msk [tilespmem:v35+s12+$0x0], $0xffff;
	[tilespmem:s19+$0x5520] =	vst v41  }
0x453: {  	s14 =	sshll.u32 s28, $0x7;
	v55 =	vshrl.u32 v51, $0x3;
	v49 =	vshll.u32 v46, v1;
	v48 =	vmul.f32 v45, v5;
	[tilespmem:s17+$0x5570] =	vst v40  }
0x454: {  	s28 =	sor.u32 $0xA, s22;
	s21 =	sand.u32 $0x3FFFFF80, s14;
	v50 =	vmul.f32 v37, v5;
	v12 =	vbroadcast v49, $0x0;
	v11 =	vld [tilespmem:s18+$0x1920];
	v47 =	vshll.u32 v7, $0x10;
	[tilespmem:s17+$0x5560] =	vst v9  }
0x455: {  	v57 =	vmov s28;
	v8 =	vshll.u32 v55, v1;
	v54 =	vld [tilespmem:s20+$0x1920];
	v52 =	vmul.f32 v47, v2;
	[tilespmem:s21+$0x5500] =	vst v48  }
0x456: {  	v56 =	vshll.u32 v42, $0x10;
	v8 =	vadd.s32 $0x1, v8;
	[tilespmem:s21+$0x5510] =	vst v50;
	v2 =	vmul.f32 v7, v2  }
0x457: {  	s4 =	sshll.u32 s24, $0x7;
	v59 =	vshrl.u32 v57, $0x3;
	s16 =	sshll.u32 s1, $0x6;
	v8 =	vbroadcast v8, $0x0;
	[tilespmem:s9+$0x5560] =	vst v52;
	v58 =	vmul.f32 v56, v10  }
0x458: {  	s14 =	sand.u32 $0x3FFFFFC0, s16;
	s17 =	sand.u32 $0x3FFFFF80, s4;
	v9 =	vshll.u32 v59, v1;
	v18 =	vld [tilespmem:s7+$0x1910];
	[tilespmem:s9+$0x5570] =	vst v2;
	v60 =	vmul.f32 v42, v10  }
0x459: {  	s24 =	sshll.u32 s2, $0x6;
	v62 =	vld [tilespmem:s14+$0x1900];
	v9 =	vadd.s32 $0x2, v9;
	v53 =	vshll.u32 v11, $0x10;
	v11 =	vmul.f32 v11, v3;
	[tilespmem:s17+$0x5500] =	vst v58  }
0x45a: {  	s24 =	sand.u32 $0x3FFFFFC0, s24;
	v9 =	vbroadcast v9, $0x0;
	v6 =	vld.idx.msk [tilespmem:v12+s12+$0x0], $0xffff;
	v20 =	vmul.f32 v54, v4;
	[tilespmem:s17+$0x5510] =	vst v60  }
0x45b: {  	v23 =	vld [tilespmem:s24+$0x1900];
	v63 =	vshll.u32 v54, $0x10;
	v61 =	vmul.f32 v53, v3;
	[tilespmem:s26+$0x5550] =	vst v11  }
0x45c: {  	v19 =	vmul.f32 v63, v4;
	v13 =	vld [tilespmem:s3+$0x1910];
	[tilespmem:s19+$0x5550] =	vst v20  }
0x45d: {  	s30 =	sshll.u32 s28, $0x6;
	v21 =	vshll.u32 v18, $0x10;
	v24 =	vmul.f32 v18, v5;
	v8 =	vld.idx.msk [tilespmem:v8+s12+$0x0], $0xffff;
	[tilespmem:s26+$0x5540] =	vst v61  }
0x45e: {  	s4 =	sand.u32 $0x3FFFFFC0, s30;
	v25 =	vshll.u32 v62, $0x10;
	[tilespmem:s19+$0x5540] =	vst v19;
	v22 =	vmul.f32 v21, v5  }
0x45f: {  	s1 =	sshll.u32 s1, $0x7;
	v27 =	vld [tilespmem:s4+$0x1900];
	[tilespmem:s21+$0x5530] =	vst v24;
	v26 =	vmul.f32 v25, v6  }
0x460: {  	s16 =	sand.u32 $0x3FFFFF80, s1;
	v9 =	vld.idx.msk [tilespmem:v9+s12+$0x0], $0xffff;
	[tilespmem:s21+$0x5520] =	vst v22;
	v15 =	vmul.f32 v62, v6  }
0x461: {  	v31 =	vshll.u32 v23, $0x10;
	[tilespmem:s16+$0x5500] =	vst v26;
	v30 =	vmul.f32 v13, v10  }
0x462: {  	s2 =	sshll.u32 s2, $0x7;
	v45 =	vld [tilespmem:s18+$0x1930];
	v28 =	vshll.u32 v13, $0x10;
	[tilespmem:s16+$0x5510] =	vst v15;
	v13 =	vmul.f32 v31, v8  }
0x463: {  	s1 =	sand.u32 $0x3FFFFF80, s2;
	v48 =	vld [tilespmem:s20+$0x1930];
	v33 =	vmul.f32 v23, v8;
	[tilespmem:s17+$0x5530] =	vst v30  }
0x464: {  	v34 =	vshll.u32 v27, $0x10;
	v29 =	vld [tilespmem:s7+$0x1920];
	v11 =	vmul.f32 v28, v10;
	[tilespmem:s1+$0x5500] =	vst v13  }
0x465: {  	s30 =	sshll.u32 s28, $0x7;
	v36 =	vmul.f32 v34, v9;
	[tilespmem:s1+$0x5510] =	vst v33  }
0x466: {  	s2 =	sand.u32 $0x3FFFFF80, s30;
	v38 =	vmul.f32 v27, v9;
	[tilespmem:s17+$0x5520] =	vst v11  }
0x467: {  	v32 =	vld [tilespmem:s14+$0x1910];
	v54 =	vshll.u32 v45, $0x10;
	v2 =	vmul.f32 v45, v3;
	[tilespmem:s2+$0x5500] =	vst v36  }
0x468: {  	v7 =	vmul.f32 v54, v3;
	[tilespmem:s2+$0x5510] =	vst v38  }
0x469: {  	v3 =	vshll.u32 v48, $0x10;
	v40 =	vmul.f32 v29, v5;
	[tilespmem:s26+$0x5570] =	vst v2  }
0x46a: {  	v39 =	vld [tilespmem:s24+$0x1910];
	v3 =	vmul.f32 v3, v4;
	[tilespmem:s26+$0x5560] =	vst v7  }
0x46b: {  	v4 =	vmul.f32 v48, v4;
	[tilespmem:s21+$0x5550] =	vst v40  }
0x46c: {  	v43 =	vld [tilespmem:s4+$0x1910];
	v41 =	vshll.u32 v32, $0x10;
	v11 =	vmul.f32 v32, v6;
	[tilespmem:s19+$0x5560] =	vst v3  }
0x46d: {  	v35 =	vld [tilespmem:s3+$0x1920];
	v37 =	vshll.u32 v29, $0x10;
	[tilespmem:s19+$0x5570] =	vst v4;
	v42 =	vmul.f32 v41, v6  }
0x46e: {  	v14 =	vmul.f32 v37, v5;
	[tilespmem:s16+$0x5530] =	vst v11  }
0x46f: {  	v46 =	vshll.u32 v39, $0x10;
	v49 =	vmul.f32 v39, v8;
	[tilespmem:s16+$0x5520] =	vst v42  }
0x470: {  	[tilespmem:s21+$0x5540] =	vst v14;
	v11 =	vmul.f32 v46, v8;
	v47 =	vld [tilespmem:s14+$0x1920]  }
0x471: {  	s18 =	sor.u32 $0xC, s22;
	v51 =	vld [tilespmem:s7+$0x1930];
	v50 =	vshll.u32 v43, $0x10;
	[tilespmem:s1+$0x5530] =	vst v49;
	v14 =	vmul.f32 v43, v9  }
0x472: {  	s20 =	sor.u32 $0xB, s22;
	v21 =	vmov s18;
	v44 =	vshll.u32 v35, $0x10;
	[tilespmem:s1+$0x5520] =	vst v11;
	v52 =	vmul.f32 v50, v9  }
0x473: {  	s30 =	sor.u32 $0xF, s22;
	v63 =	vmov s20;
	v23 =	vshrl.u32 v21, $0x3;
	v13 =	vmul.f32 v44, v10;
	v55 =	vld [tilespmem:s24+$0x1920];
	[tilespmem:s2+$0x5530] =	vst v14  }
0x474: {  	v24 =	vshll.u32 v23, v1;
	v34 =	vmov s30;
	v15 =	vmul.f32 v35, v10;
	[tilespmem:s2+$0x5520] =	vst v52  }
0x475: {  	v37 =	vshrl.u32 v34, $0x3;
	s19 =	sor.u32 $0xD, s22;
	[tilespmem:s17+$0x5540] =	vst v13;
	v58 =	vld [tilespmem:s4+$0x1920];
	v56 =	vshll.u32 v47, $0x10;
	v13 =	vmul.f32 v47, v6  }
0x476: {  	v25 =	vmov s19;
	[tilespmem:s17+$0x5550] =	vst v15;
	v59 =	vshll.u32 v51, $0x10;
	v57 =	vmul.f32 v56, v6  }
0x477: {  	v39 =	vshll.u32 v37, v1;
	v15 =	vshrl.u32 v63, $0x3;
	v53 =	vld [tilespmem:s3+$0x1930];
	v7 =	vmul.f32 v59, v5;
	[tilespmem:s16+$0x5550] =	vst v13  }
0x478: {  	v20 =	vshll.u32 v15, v1;
	v61 =	vshll.u32 v55, $0x10;
	v3 =	vmul.f32 v55, v8;
	[tilespmem:s16+$0x5540] =	vst v57  }
0x479: {  	v14 =	vshrl.u32 v25, $0x3;
	v11 =	vadd.s32 $0x3, v20;
	[tilespmem:s21+$0x5560] =	vst v7;
	v13 =	vmul.f32 v61, v8;
	v62 =	vld [tilespmem:s14+$0x1930]  }
0x47a: {  	v18 =	vshll.u32 v58, $0x10;
	v22 =	vmul.f32 v58, v9;
	[tilespmem:s1+$0x5550] =	vst v3;
	v3 =	vbroadcast v11, $0x0  }
0x47b: {  	v28 =	vshll.u32 v14, v1;
	v11 =	vadd.s32 $0x4, v24;
	v19 =	vmul.f32 v18, v9;
	[tilespmem:s1+$0x5540] =	vst v13  }
0x47c: {  	v5 =	vmul.f32 v51, v5;
	v60 =	vshll.u32 v53, $0x10;
	v11 =	vbroadcast v11, $0x0;
	v27 =	vld [tilespmem:s24+$0x1930];
	[tilespmem:s2+$0x5550] =	vst v22  }
0x47d: {  	s26 =	sshll.u32 s20, $0x6;
	v2 =	vmul.f32 v53, v10;
	v12 =	vmul.f32 v60, v10;
	v13 =	vadd.s32 $0x5, v28;
	s24 =	sor.u32 $0xE, s22;
	[tilespmem:s2+$0x5540] =	vst v19  }
0x47e: {  	s3 =	sand.u32 $0x3FFFFFC0, s26;
	[tilespmem:s21+$0x5570] =	vst v5;
	v32 =	vbroadcast v13, $0x0;
	v29 =	vmov s24;
	v31 =	vld [tilespmem:s4+$0x1930];
	v26 =	vshll.u32 v62, $0x10  }
0x47f: {  	s7 =	sshll.u32 s18, $0x6;
	v35 =	vld [tilespmem:s3+$0x1900];
	[tilespmem:s17+$0x5560] =	vst v12;
	v12 =	vadd.s32 $0x7, v39;
	v14 =	vshrl.u32 v29, $0x3;
	v30 =	vmul.f32 v26, v6  }
0x480: {  	[tilespmem:s17+$0x5570] =	vst v2;
	v43 =	vbroadcast v12, $0x0;
	s4 =	sand.u32 $0x3FFFFFC0, s7;
	v33 =	vshll.u32 v14, v1;
	v6 =	vmul.f32 v62, v6;
	v2 =	vld.idx.msk [tilespmem:v3+s12+$0x0], $0xffff  }
0x481: {  	s9 =	sshll.u32 s19, $0x6;
	v41 =	vld [tilespmem:s4+$0x1900];
	v36 =	vadd.s32 $0x6, v33;
	v38 =	vshll.u32 v27, $0x10;
	v4 =	vmul.f32 v27, v8;
	[tilespmem:s16+$0x5560] =	vst v30  }
0x482: {  	s7 =	sand.u32 $0x3FFFFFC0, s9;
	v3 =	vbroadcast v36, $0x0;
	v40 =	vmul.f32 v38, v8;
	[tilespmem:s16+$0x5570] =	vst v6;
	v8 =	vld.idx.msk [tilespmem:v11+s12+$0x0], $0xffff  }
0x483: {  	s17 =	sshll.u32 s30, $0x6;
	s14 =	sshll.u32 s24, $0x6;
	v44 =	vld [tilespmem:s7+$0x1900];
	v42 =	vshll.u32 v31, $0x10;
	[tilespmem:s1+$0x5570] =	vst v4;
	v45 =	vmul.f32 v31, v9  }
0x484: {  	v46 =	vshll.u32 v35, $0x10;
	s9 =	sand.u32 $0x3FFFFFC0, s14;
	s14 =	sand.u32 $0x3FFFFFC0, s17;
	v5 =	vld.idx.msk [tilespmem:v32+s12+$0x0], $0xffff;
	[tilespmem:s1+$0x5560] =	vst v40;
	v6 =	vmul.f32 v42, v9  }
0x485: {  	v52 =	vld [tilespmem:s14+$0x1900];
	s16 =	sshll.u32 s20, $0x7;
	v47 =	vmul.f32 v46, v2;
	[tilespmem:s2+$0x5570] =	vst v45  }
0x486: {  	v11 =	vld.idx.msk [tilespmem:v43+s12+$0x0], $0xffff;
	s1 =	sand.u32 $0x3FFFFF80, s16;
	v50 =	vshll.u32 v41, $0x10;
	v49 =	vmul.f32 v35, v2;
	[tilespmem:s2+$0x5560] =	vst v6  }
0x487: {  	v48 =	vld [tilespmem:s9+$0x1900];
	s20 =	sshll.u32 s18, $0x7;
	[tilespmem:s1+$0x5500] =	vst v47;
	v51 =	vmul.f32 v50, v8  }
0x488: {  	v54 =	vshll.u32 v44, $0x10;
	s2 =	sand.u32 $0x3FFFFF80, s20;
	v3 =	vld.idx.msk [tilespmem:v3+s12+$0x0], $0xffff;
	[tilespmem:s1+$0x5510] =	vst v49;
	v53 =	vmul.f32 v41, v8  }
0x489: {  	s21 =	sshll.u32 s19, $0x7;
	v56 =	vmul.f32 v54, v5;
	[tilespmem:s2+$0x5500] =	vst v51  }
0x48a: {  	s16 =	sand.u32 $0x3FFFFF80, s21;
	v62 =	vshll.u32 v52, $0x10;
	v57 =	vmul.f32 v44, v5;
	v55 =	vld [tilespmem:s3+$0x1910];
	[tilespmem:s2+$0x5510] =	vst v53  }
0x48b: {  	s28 =	sshll.u32 s30, $0x7;
	v15 =	vmul.f32 v62, v11;
	[tilespmem:s16+$0x5500] =	vst v56  }
0x48c: {  	s18 =	sand.u32 $0x3FFFFF80, s28;
	v58 =	vshll.u32 v48, $0x10;
	v17 =	vmul.f32 v52, v11;
	[tilespmem:s16+$0x5510] =	vst v57;
	v59 =	vld [tilespmem:s4+$0x1910]  }
0x48d: {  	s26 =	sshll.u32 s24, $0x7;
	v63 =	vld [tilespmem:s7+$0x1910];
	[tilespmem:s18+$0x5500] =	vst v15;
	v60 =	vmul.f32 v58, v3  }
0x48e: {  	s17 =	sand.u32 $0x3FFFFF80, s26;
	[tilespmem:s18+$0x5510] =	vst v17;
	v61 =	vmul.f32 v48, v3  }
0x48f: {  	v16 =	vshll.u32 v55, $0x10;
	v19 =	vmul.f32 v55, v2;
	[tilespmem:s17+$0x5500] =	vst v60  }
0x490: {  	v22 =	vld [tilespmem:s14+$0x1910];
	[tilespmem:s17+$0x5510] =	vst v61;
	v7 =	vmul.f32 v16, v2  }
0x491: {  	[tilespmem:s1+$0x5530] =	vst v19;
	v23 =	vmul.f32 v59, v8  }
0x492: {  	v18 =	vld [tilespmem:s9+$0x1910];
	v20 =	vshll.u32 v59, $0x10;
	v27 =	vmul.f32 v63, v5;
	[tilespmem:s1+$0x5520] =	vst v7  }
0x493: {  	v24 =	vshll.u32 v63, $0x10;
	v21 =	vmul.f32 v20, v8;
	[tilespmem:s2+$0x5530] =	vst v23  }
0x494: {  	v26 =	vmul.f32 v24, v5;
	v25 =	vld [tilespmem:s3+$0x1920];
	[tilespmem:s16+$0x5530] =	vst v27  }
0x495: {  	v32 =	vshll.u32 v22, $0x10;
	v36 =	vmul.f32 v22, v11;
	[tilespmem:s2+$0x5520] =	vst v21  }
0x496: {  	v34 =	vmul.f32 v32, v11;
	[tilespmem:s16+$0x5520] =	vst v26;
	v29 =	vld [tilespmem:s4+$0x1920]  }
0x497: {  	[tilespmem:s18+$0x5530] =	vst v36;
	v33 =	vld [tilespmem:s7+$0x1920];
	v28 =	vshll.u32 v18, $0x10;
	v31 =	vmul.f32 v18, v3  }
0x498: {  	[tilespmem:s18+$0x5520] =	vst v34;
	v30 =	vmul.f32 v28, v3  }
0x499: {  	v35 =	vshll.u32 v25, $0x10;
	[tilespmem:s17+$0x5530] =	vst v31;
	v39 =	vmul.f32 v25, v2  }
0x49a: {  	v42 =	vld [tilespmem:s14+$0x1920];
	[tilespmem:s17+$0x5520] =	vst v30;
	v37 =	vmul.f32 v35, v2  }
0x49b: {  	v38 =	vld [tilespmem:s9+$0x1920];
	[tilespmem:s1+$0x5550] =	vst v39;
	v43 =	vmul.f32 v29, v8  }
0x49c: {  	v40 =	vshll.u32 v29, $0x10;
	v47 =	vmul.f32 v33, v5;
	[tilespmem:s1+$0x5540] =	vst v37  }
0x49d: {  	v44 =	vshll.u32 v33, $0x10;
	v41 =	vmul.f32 v40, v8;
	v45 =	vld [tilespmem:s3+$0x1930];
	[tilespmem:s2+$0x5550] =	vst v43  }
0x49e: {  	v46 =	vmul.f32 v44, v5;
	[tilespmem:s16+$0x5550] =	vst v47  }
0x49f: {  	v56 =	vmul.f32 v42, v11;
	[tilespmem:s2+$0x5540] =	vst v41  }
0x4a0: {  	[tilespmem:s16+$0x5540] =	vst v46;
	v49 =	vld [tilespmem:s4+$0x1930];
	v48 =	vshll.u32 v38, $0x10;
	v51 =	vmul.f32 v38, v3  }
0x4a1: {  	v52 =	vshll.u32 v42, $0x10;
	[tilespmem:s18+$0x5550] =	vst v56;
	v50 =	vmul.f32 v48, v3  }
0x4a2: {  	v54 =	vmul.f32 v52, v11;
	v53 =	vld [tilespmem:s7+$0x1930];
	v55 =	vshll.u32 v45, $0x10;
	[tilespmem:s17+$0x5550] =	vst v51  }
0x4a3: {  	[tilespmem:s17+$0x5540] =	vst v50;
	v58 =	vmul.f32 v55, v2;
	v2 =	vmul.f32 v45, v2  }
0x4a4: {  	[tilespmem:s18+$0x5540] =	vst v54;
	v57 =	vld [tilespmem:s9+$0x1930]  }
0x4a5: {  	v4 =	vld [tilespmem:s14+$0x1930];
	v59 =	vshll.u32 v49, $0x10;
	[tilespmem:s1+$0x5570] =	vst v2;
	v2 =	vmul.f32 v49, v8  }
0x4a6: {  	[tilespmem:s1+$0x5560] =	vst v58;
	v60 =	vmul.f32 v59, v8  }
0x4a7: {  	v61 =	vshll.u32 v53, $0x10;
	[tilespmem:s2+$0x5570] =	vst v2;
	v2 =	vmul.f32 v53, v5  }
0x4a8: {  	v62 =	vmul.f32 v61, v5;
	[tilespmem:s2+$0x5560] =	vst v60  }
0x4a9: {  	p1 =	slt.u32 s22, $0x40;
	v63 =	vshll.u32 v57, $0x10;
	[tilespmem:s16+$0x5570] =	vst v2;
	v2 =	vmul.f32 v57, v3  }
.Ltmp6:
0x4aa: {  	[tilespmem:s16+$0x5560] =	vst v62;
	v5 =	vmul.f32 v63, v3;
	v3 =	vshll.u32 v4, $0x10;
	(pc) =	sbr.rel @p1 .LBB2_15-.Ltmp6, $4  }
0x4ab: {  	v3 =	vmul.f32 v3, v11;
	[tilespmem:s17+$0x5570] =	vst v2  }
0x4ac: {  	v2 =	vmul.f32 v4, v11;
	[tilespmem:s17+$0x5560] =	vst v5  }
0x4ad: {  	s30 =	sadd.s32 $0x10, s22;
	[tilespmem:s18+$0x5560] =	vst v3  }
0x4ae: {  	s22 =	smov.u32 s30;
	[tilespmem:s18+$0x5570] =	vst v2  }
0x4af: {  	s1 =	rddreg [dreg:$0x3];
	s2 =	simm.s32 $0x190;
	s3 =	simm.s32 $0x5500  }
0x4b0: {  	[spmem:s1] =	stream.indirect.scatter.add.f32 [tilespmem:s3], [sflag:$0x8], $0x80, s2, s15, $0xb8;
	[tilespmem:$0x1B580] =	vst v63  }
0x4b1: {  	_ =	swait.ge [sflag:s5], $0x50  }
0x4b2: {  	[sflag:s5] =	ssyncset.done $0x0  }
0x4b3: {  	[sflag:s5] =	ssyncadd.s32 $0xFFFFFFB0  }
0x4b4: {  	_ =	swait.ge [sflag:s5], $0x50  }
0x4b5: {  	[sflag:s5] =	ssyncset.done $0x0  }
0x4b6: {  	[sflag:s5] =	ssyncadd.s32 $0xFFFFFFB0  }
0x4b7: {  	v2 =	vld [tilespmem:$0x370];
	_ =	sdelay $0x1  }
0x4b8: {  	v3 =	vld [tilespmem:$0x380];
	_ =	sdelay $0x1  }
0x4b9: {  	v4 =	vld [tilespmem:$0x390]  }
0x4ba: {  	v5 =	vand.u32 $0xFFFF, v2  }
0x4bb: {  	v63 =	vld [tilespmem:$0x3A0];
	v2 =	vshrl.u32 v2, $0x10;
	[tilespmem:$0xF0] =	vst v5  }
0x4bc: {  	[tilespmem:$0x230] =	vst v2;
	v2 =	vand.u32 $0xFFFF, v3  }
0x4bd: {  	[tilespmem:$0x100] =	vst v2;
	v2 =	vshrl.u32 v3, $0x10;
	v3 =	vld [tilespmem:$0x3B0]  }
0x4be: {  	[tilespmem:$0x240] =	vst v2;
	v2 =	vand.u32 $0xFFFF, v4  }
0x4bf: {  	s8 =	sadd.s32 $0x1, s8;
	[tilespmem:$0x110] =	vst v2;
	v2 =	vshrl.u32 v4, $0x10  }
0x4c0: {  	p1 =	sne.s32 s8, $0x1E;
	[tilespmem:$0x250] =	vst v2;
	v2 =	vand.u32 $0xFFFF, v63  }
.Ltmp7:
0x4c1: {  	[tilespmem:$0x120] =	vst v2;
	v2 =	vshrl.u32 v63, $0x10;
	(pc) =	sbr.rel @p1 .LBB2_8-.Ltmp7, $4  }
0x4c2: {  	[tilespmem:$0x260] =	vst v2;
	v2 =	vand.u32 $0xFFFF, v3  }
0x4c3: {  	[tilespmem:$0x130] =	vst v2;
	v2 =	vshrl.u32 v3, $0x10  }
0x4c4: {  	s28 =	simm.s32 $0x1900;
	s30 =	simm.s32 $0xF0;
	s26 =	rddreg [dreg:$0x2];
	[tilespmem:$0x270] =	vst v2  }
0x4c5: {  	[tilespmem:s28], [sflag:$0x6] =	stream.indirect.gather [hbm4b:s26+s15], $0x40, s30, s15, $0xb8;
	[tilespmem:$0x1B580] =	vst v63  }
0x4c6: {  	_ =	swait.ge [sflag:s11], $0x2800  }
0x4c7: {  	s8 =	simm.s32 $0x0;
	[sflag:s11] =	ssyncset.done $0x0  }
0x4c8: {  	s2 =	simm.s32 $0x280;
	s1 =	rddreg [dreg:$0x15];
	[sflag:s11] =	ssyncadd.s32 $0xFFFFD800  }
0x4c9: {  	[tilespmem:s2], [sflag:$0x1] =	stream.linear.gather [hbm4b:s1+s8], $0x50, $0x38;
	[tilespmem:$0x1B580] =	vst v63  }
0x4ca: {  	s30 =	rddreg [dreg:$0x16]  }
0x4cb: {  	[tilespmem:s10], [sflag:$0x1] =	stream.linear.gather [hbm4b:s30+s8], $0x50, $0x38;
	[tilespmem:$0x1B580] =	vst v63  }
0x4cc: {  	_ =	swait.ge [sflag:s25], $0x1400  }
0x4cd: {  	[sflag:s25] =	ssyncset.done $0x0  }
0x4ce: {  	[sflag:s25] =	ssyncadd.s32 $0xFFFFEC00  }
.LBB2_18:
0x4cf: {  	v2 =	vmov s8;
	s9 =	sor.u32 $0x1, s8  }
0x4d0: {  	v2 =	vshrl.u32 v2, $0x3;
	v3 =	vmov s9  }
0x4d1: {  	v2 =	vshll.u32 v2, v1;
	v3 =	vshrl.u32 v3, $0x3  }
0x4d2: {  	v2 =	vbroadcast v2, $0x0;
	v3 =	vshll.u32 v3, v1  }
0x4d3: {  	s14 =	sor.u32 $0x2, s8;
	v3 =	vadd.s32 $0x1, v3  }
0x4d4: {  	v4 =	vmov s14;
	v3 =	vbroadcast v3, $0x0  }
0x4d5: {  	s1 =	sshll.u32 s8, $0x6;
	s16 =	sor.u32 $0x3, s8;
	v4 =	vshrl.u32 v4, $0x3  }
0x4d6: {  	s4 =	sand.u32 $0x3FFFFFC0, s1;
	v5 =	vmov s16;
	v4 =	vshll.u32 v4, v1  }
0x4d7: {  	s17 =	sshll.u32 s9, $0x6;
	v7 =	vld [tilespmem:s4+$0x500];
	v6 =	vshrl.u32 v5, $0x3;
	v4 =	vadd.s32 $0x2, v4  }
0x4d8: {  	s7 =	sand.u32 $0x3FFFFFC0, s17;
	v36 =	vshll.u32 v6, v1;
	v35 =	vld.idx.msk [tilespmem:v2+s23+$0x0], $0xffff;
	v2 =	vbroadcast v4, $0x0  }
0x4d9: {  	v9 =	vld [tilespmem:s7+$0x500];
	v4 =	vadd.s32 $0x3, v36  }
0x4da: {  	v6 =	vld.idx.msk [tilespmem:v3+s23+$0x0], $0xffff;
	v3 =	vbroadcast v4, $0x0  }
0x4db: {  	s18 =	sshll.u32 s14, $0x6  }
0x4dc: {  	s3 =	sand.u32 $0x3FFFFFC0, s18  }
0x4dd: {  	s2 =	sshll.u32 s16, $0x6;
	v10 =	vld [tilespmem:s3+$0x500];
	v37 =	vshll.u32 v7, $0x10  }
0x4de: {  	s19 =	sshll.u32 s8, $0x7;
	s2 =	sand.u32 $0x3FFFFFC0, s2;
	v4 =	vmul.f32 v37, v35;
	v8 =	vld.idx.msk [tilespmem:v2+s23+$0x0], $0xffff  }
0x4df: {  	s1 =	sand.u32 $0x3FFFFF80, s19;
	v39 =	vld [tilespmem:s2+$0x500];
	v11 =	vshll.u32 v9, $0x10;
	v7 =	vmul.f32 v7, v35  }
0x4e0: {  	s9 =	sshll.u32 s9, $0x7;
	[tilespmem:s1+$0x2D00] =	vst v4;
	v38 =	vmul.f32 v11, v6;
	v2 =	vld.idx.msk [tilespmem:v3+s23+$0x0], $0xffff  }
0x4e1: {  	s21 =	sand.u32 $0x3FFFFF80, s9;
	[tilespmem:s1+$0x2D10] =	vst v7;
	v40 =	vmul.f32 v9, v6  }
0x4e2: {  	v41 =	vshll.u32 v10, $0x10;
	v3 =	vld [tilespmem:s4+$0x510];
	[tilespmem:s21+$0x2D00] =	vst v38  }
0x4e3: {  	s20 =	sshll.u32 s14, $0x7;
	[tilespmem:s21+$0x2D10] =	vst v40;
	v4 =	vmul.f32 v41, v8  }
0x4e4: {  	s24 =	sor.u32 $0x4, s8;
	s26 =	sor.u32 $0x5, s8;
	s17 =	sand.u32 $0x3FFFFF80, s20;
	v43 =	vshll.u32 v39, $0x10;
	v7 =	vld [tilespmem:s7+$0x510];
	v42 =	vmul.f32 v10, v8  }
0x4e5: {  	s22 =	sshll.u32 s16, $0x7;
	v47 =	vmov s24;
	v53 =	vmov s26;
	[tilespmem:s17+$0x2D00] =	vst v4;
	v44 =	vmul.f32 v43, v2  }
0x4e6: {  	s9 =	sand.u32 $0x3FFFFF80, s22;
	v48 =	vshrl.u32 v47, $0x3;
	v9 =	vshrl.u32 v53, $0x3;
	[tilespmem:s17+$0x2D10] =	vst v42;
	v46 =	vmul.f32 v39, v2  }
0x4e7: {  	v45 =	vshll.u32 v3, $0x10;
	v3 =	vmul.f32 v3, v35;
	v4 =	vshll.u32 v48, v1;
	v12 =	vld [tilespmem:s3+$0x510];
	[tilespmem:s9+$0x2D00] =	vst v44  }
0x4e8: {  	v9 =	vshll.u32 v9, v1;
	v10 =	vmul.f32 v45, v35;
	v4 =	vadd.s32 $0x4, v4;
	[tilespmem:s9+$0x2D10] =	vst v46  }
0x4e9: {  	v49 =	vshll.u32 v7, $0x10;
	[tilespmem:s1+$0x2D30] =	vst v3;
	v3 =	vmul.f32 v7, v6;
	v4 =	vbroadcast v4, $0x0;
	v51 =	vld [tilespmem:s2+$0x510]  }
0x4ea: {  	v9 =	vadd.s32 $0x5, v9;
	[tilespmem:s1+$0x2D20] =	vst v10;
	v50 =	vmul.f32 v49, v6  }
0x4eb: {  	v9 =	vbroadcast v9, $0x0;
	v52 =	vld [tilespmem:s4+$0x520];
	[tilespmem:s21+$0x2D30] =	vst v3  }
0x4ec: {  	s18 =	sshll.u32 s24, $0x6;
	[tilespmem:s21+$0x2D20] =	vst v50;
	v3 =	vshll.u32 v12, $0x10;
	v12 =	vmul.f32 v12, v8  }
0x4ed: {  	s18 =	sand.u32 $0x3FFFFFC0, s18;
	v54 =	vld [tilespmem:s7+$0x520];
	v3 =	vmul.f32 v3, v8  }
0x4ee: {  	s19 =	sshll.u32 s26, $0x6;
	v14 =	vld [tilespmem:s18+$0x500];
	v13 =	vshll.u32 v51, $0x10;
	[tilespmem:s17+$0x2D30] =	vst v12;
	v10 =	vmul.f32 v51, v2  }
0x4ef: {  	s20 =	sand.u32 $0x3FFFFFC0, s19;
	[tilespmem:s17+$0x2D20] =	vst v3;
	v13 =	vmul.f32 v13, v2;
	v3 =	vld.idx.msk [tilespmem:v4+s23+$0x0], $0xffff  }
0x4f0: {  	v60 =	vld [tilespmem:s20+$0x500];
	v15 =	vshll.u32 v52, $0x10;
	v7 =	vmul.f32 v52, v35;
	[tilespmem:s9+$0x2D30] =	vst v10  }
0x4f1: {  	v4 =	vld.idx.msk [tilespmem:v9+s23+$0x0], $0xffff;
	v55 =	vmul.f32 v15, v35;
	[tilespmem:s9+$0x2D20] =	vst v13  }
0x4f2: {  	v56 =	vshll.u32 v54, $0x10;
	[tilespmem:s1+$0x2D50] =	vst v7;
	v58 =	vmul.f32 v54, v6  }
0x4f3: {  	v59 =	vshll.u32 v14, $0x10;
	v12 =	vld [tilespmem:s3+$0x520];
	[tilespmem:s1+$0x2D40] =	vst v55;
	v57 =	vmul.f32 v56, v6  }
0x4f4: {  	s14 =	sshll.u32 s24, $0x7;
	[tilespmem:s21+$0x2D50] =	vst v58;
	v11 =	vmul.f32 v59, v3  }
0x4f5: {  	s22 =	sand.u32 $0x3FFFFF80, s14;
	v23 =	vshll.u32 v60, $0x10;
	v10 =	vld [tilespmem:s2+$0x520];
	[tilespmem:s21+$0x2D40] =	vst v57;
	v62 =	vmul.f32 v14, v3  }
0x4f6: {  	s28 =	sor.u32 $0x6, s8;
	s16 =	sshll.u32 s26, $0x7;
	v24 =	vmul.f32 v23, v4;
	[tilespmem:s22+$0x2D00] =	vst v11  }
0x4f7: {  	v18 =	vmov s28;
	s19 =	sand.u32 $0x3FFFFF80, s16;
	v63 =	vld [tilespmem:s4+$0x530];
	v26 =	vmul.f32 v60, v4;
	[tilespmem:s22+$0x2D10] =	vst v62  }
0x4f8: {  	v20 =	vshrl.u32 v18, $0x3;
	v61 =	vshll.u32 v12, $0x10;
	v12 =	vmul.f32 v12, v8;
	v25 =	vld [tilespmem:s7+$0x530];
	[tilespmem:s19+$0x2D00] =	vst v24  }
0x4f9: {  	v9 =	vshll.u32 v20, v1;
	v7 =	vmul.f32 v61, v8;
	[tilespmem:s19+$0x2D10] =	vst v26  }
0x4fa: {  	s30 =	sor.u32 $0x7, s8;
	v9 =	vadd.s32 $0x6, v9;
	v19 =	vshll.u32 v10, $0x10;
	[tilespmem:s17+$0x2D50] =	vst v12;
	v10 =	vmul.f32 v10, v2  }
0x4fb: {  	v27 =	vmov s30;
	v9 =	vbroadcast v9, $0x0;
	v22 =	vld [tilespmem:s18+$0x510];
	[tilespmem:s17+$0x2D40] =	vst v7;
	v21 =	vmul.f32 v19, v2  }
0x4fc: {  	v28 =	vshrl.u32 v27, $0x3;
	s24 =	sshll.u32 s28, $0x6;
	v33 =	vld [tilespmem:s20+$0x510];
	v16 =	vshll.u32 v63, $0x10;
	v5 =	vmul.f32 v63, v35;
	[tilespmem:s9+$0x2D50] =	vst v10  }
0x4fd: {  	v31 =	vshll.u32 v28, v1;
	s7 =	sand.u32 $0x3FFFFFC0, s24;
	v29 =	vmul.f32 v16, v35;
	[tilespmem:s9+$0x2D40] =	vst v21;
	v36 =	vshll.u32 v25, $0x10  }
0x4fe: {  	v34 =	vadd.s32 $0x7, v31;
	v37 =	vld [tilespmem:s7+$0x500];
	[tilespmem:s1+$0x2D70] =	vst v5;
	v17 =	vmul.f32 v36, v6  }
0x4ff: {  	v30 =	vld [tilespmem:s3+$0x530];
	v35 =	vbroadcast v34, $0x0;
	[tilespmem:s1+$0x2D60] =	vst v29;
	v6 =	vmul.f32 v25, v6  }
0x500: {  	v11 =	vmul.f32 v22, v3;
	[tilespmem:s21+$0x2D60] =	vst v17  }
0x501: {  	v5 =	vld.idx.msk [tilespmem:v9+s23+$0x0], $0xffff;
	v32 =	vshll.u32 v22, $0x10;
	v44 =	vmul.f32 v33, v4;
	[tilespmem:s21+$0x2D70] =	vst v6  }
0x502: {  	s26 =	sshll.u32 s30, $0x6;
	v7 =	vld [tilespmem:s2+$0x530];
	v39 =	vshll.u32 v33, $0x10;
	v10 =	vmul.f32 v32, v3;
	[tilespmem:s22+$0x2D30] =	vst v11  }
0x503: {  	s3 =	sand.u32 $0x3FFFFFC0, s26;
	s1 =	sor.u32 $0x8, s8;
	v45 =	vshll.u32 v37, $0x10;
	v41 =	vmul.f32 v39, v4;
	[tilespmem:s19+$0x2D30] =	vst v44  }
0x504: {  	v42 =	vld [tilespmem:s3+$0x500];
	s2 =	sor.u32 $0x9, s8;
	v43 =	vmov s1;
	v38 =	vshll.u32 v30, $0x10;
	v40 =	vmul.f32 v30, v8;
	[tilespmem:s22+$0x2D20] =	vst v10  }
0x505: {  	v51 =	vmov s2;
	v46 =	vshrl.u32 v43, $0x3;
	v9 =	vmul.f32 v38, v8;
	v10 =	vld.idx.msk [tilespmem:v35+s23+$0x0], $0xffff;
	[tilespmem:s19+$0x2D20] =	vst v41  }
0x506: {  	s14 =	sshll.u32 s28, $0x7;
	v55 =	vshrl.u32 v51, $0x3;
	v49 =	vshll.u32 v46, v1;
	v48 =	vmul.f32 v45, v5;
	[tilespmem:s17+$0x2D70] =	vst v40  }
0x507: {  	s26 =	sor.u32 $0xA, s8;
	s21 =	sand.u32 $0x3FFFFF80, s14;
	v50 =	vmul.f32 v37, v5;
	v12 =	vbroadcast v49, $0x0;
	v11 =	vld [tilespmem:s18+$0x520];
	v47 =	vshll.u32 v7, $0x10;
	[tilespmem:s17+$0x2D60] =	vst v9  }
0x508: {  	v57 =	vmov s26;
	v8 =	vshll.u32 v55, v1;
	v54 =	vld [tilespmem:s20+$0x520];
	v52 =	vmul.f32 v47, v2;
	[tilespmem:s21+$0x2D00] =	vst v48  }
0x509: {  	v56 =	vshll.u32 v42, $0x10;
	v8 =	vadd.s32 $0x1, v8;
	[tilespmem:s21+$0x2D10] =	vst v50;
	v2 =	vmul.f32 v7, v2  }
0x50a: {  	s4 =	sshll.u32 s30, $0x7;
	v59 =	vshrl.u32 v57, $0x3;
	s28 =	sshll.u32 s1, $0x6;
	v8 =	vbroadcast v8, $0x0;
	[tilespmem:s9+$0x2D60] =	vst v52;
	v58 =	vmul.f32 v56, v10  }
0x50b: {  	s14 =	sand.u32 $0x3FFFFFC0, s28;
	s17 =	sand.u32 $0x3FFFFF80, s4;
	v9 =	vshll.u32 v59, v1;
	v18 =	vld [tilespmem:s7+$0x510];
	[tilespmem:s9+$0x2D70] =	vst v2;
	v60 =	vmul.f32 v42, v10  }
0x50c: {  	s30 =	sshll.u32 s2, $0x6;
	v62 =	vld [tilespmem:s14+$0x500];
	v9 =	vadd.s32 $0x2, v9;
	v53 =	vshll.u32 v11, $0x10;
	v11 =	vmul.f32 v11, v3;
	[tilespmem:s17+$0x2D00] =	vst v58  }
0x50d: {  	s24 =	sand.u32 $0x3FFFFFC0, s30;
	v9 =	vbroadcast v9, $0x0;
	v6 =	vld.idx.msk [tilespmem:v12+s23+$0x0], $0xffff;
	v20 =	vmul.f32 v54, v4;
	[tilespmem:s17+$0x2D10] =	vst v60  }
0x50e: {  	v23 =	vld [tilespmem:s24+$0x500];
	v63 =	vshll.u32 v54, $0x10;
	v61 =	vmul.f32 v53, v3;
	[tilespmem:s22+$0x2D50] =	vst v11  }
0x50f: {  	v19 =	vmul.f32 v63, v4;
	v13 =	vld [tilespmem:s3+$0x510];
	[tilespmem:s19+$0x2D50] =	vst v20  }
0x510: {  	s16 =	sshll.u32 s26, $0x6;
	v21 =	vshll.u32 v18, $0x10;
	v24 =	vmul.f32 v18, v5;
	v8 =	vld.idx.msk [tilespmem:v8+s23+$0x0], $0xffff;
	[tilespmem:s22+$0x2D40] =	vst v61  }
0x511: {  	s4 =	sand.u32 $0x3FFFFFC0, s16;
	v25 =	vshll.u32 v62, $0x10;
	[tilespmem:s19+$0x2D40] =	vst v19;
	v22 =	vmul.f32 v21, v5  }
0x512: {  	s1 =	sshll.u32 s1, $0x7;
	v27 =	vld [tilespmem:s4+$0x500];
	[tilespmem:s21+$0x2D30] =	vst v24;
	v26 =	vmul.f32 v25, v6  }
0x513: {  	s16 =	sand.u32 $0x3FFFFF80, s1;
	v9 =	vld.idx.msk [tilespmem:v9+s23+$0x0], $0xffff;
	[tilespmem:s21+$0x2D20] =	vst v22;
	v15 =	vmul.f32 v62, v6  }
0x514: {  	v31 =	vshll.u32 v23, $0x10;
	[tilespmem:s16+$0x2D00] =	vst v26;
	v30 =	vmul.f32 v13, v10  }
0x515: {  	s28 =	sshll.u32 s2, $0x7;
	v45 =	vld [tilespmem:s18+$0x530];
	v28 =	vshll.u32 v13, $0x10;
	[tilespmem:s16+$0x2D10] =	vst v15;
	v13 =	vmul.f32 v31, v8  }
0x516: {  	s1 =	sand.u32 $0x3FFFFF80, s28;
	v48 =	vld [tilespmem:s20+$0x530];
	v33 =	vmul.f32 v23, v8;
	[tilespmem:s17+$0x2D30] =	vst v30  }
0x517: {  	v34 =	vshll.u32 v27, $0x10;
	v29 =	vld [tilespmem:s7+$0x520];
	v11 =	vmul.f32 v28, v10;
	[tilespmem:s1+$0x2D00] =	vst v13  }
0x518: {  	s30 =	sshll.u32 s26, $0x7;
	v36 =	vmul.f32 v34, v9;
	[tilespmem:s1+$0x2D10] =	vst v33  }
0x519: {  	s2 =	sand.u32 $0x3FFFFF80, s30;
	v38 =	vmul.f32 v27, v9;
	[tilespmem:s17+$0x2D20] =	vst v11  }
0x51a: {  	v32 =	vld [tilespmem:s14+$0x510];
	v54 =	vshll.u32 v45, $0x10;
	v2 =	vmul.f32 v45, v3;
	[tilespmem:s2+$0x2D00] =	vst v36  }
0x51b: {  	v7 =	vmul.f32 v54, v3;
	[tilespmem:s2+$0x2D10] =	vst v38  }
0x51c: {  	v3 =	vshll.u32 v48, $0x10;
	v40 =	vmul.f32 v29, v5;
	[tilespmem:s22+$0x2D70] =	vst v2  }
0x51d: {  	v39 =	vld [tilespmem:s24+$0x510];
	v3 =	vmul.f32 v3, v4;
	[tilespmem:s22+$0x2D60] =	vst v7  }
0x51e: {  	v4 =	vmul.f32 v48, v4;
	[tilespmem:s21+$0x2D50] =	vst v40  }
0x51f: {  	v43 =	vld [tilespmem:s4+$0x510];
	v41 =	vshll.u32 v32, $0x10;
	v11 =	vmul.f32 v32, v6;
	[tilespmem:s19+$0x2D60] =	vst v3  }
0x520: {  	v35 =	vld [tilespmem:s3+$0x520];
	v37 =	vshll.u32 v29, $0x10;
	[tilespmem:s19+$0x2D70] =	vst v4;
	v42 =	vmul.f32 v41, v6  }
0x521: {  	v14 =	vmul.f32 v37, v5;
	[tilespmem:s16+$0x2D30] =	vst v11  }
0x522: {  	v46 =	vshll.u32 v39, $0x10;
	v49 =	vmul.f32 v39, v8;
	[tilespmem:s16+$0x2D20] =	vst v42  }
0x523: {  	[tilespmem:s21+$0x2D40] =	vst v14;
	v11 =	vmul.f32 v46, v8;
	v47 =	vld [tilespmem:s14+$0x520]  }
0x524: {  	s18 =	sor.u32 $0xC, s8;
	v51 =	vld [tilespmem:s7+$0x530];
	v50 =	vshll.u32 v43, $0x10;
	[tilespmem:s1+$0x2D30] =	vst v49;
	v14 =	vmul.f32 v43, v9  }
0x525: {  	s20 =	sor.u32 $0xB, s8;
	v21 =	vmov s18;
	v44 =	vshll.u32 v35, $0x10;
	[tilespmem:s1+$0x2D20] =	vst v11;
	v52 =	vmul.f32 v50, v9  }
0x526: {  	s30 =	sor.u32 $0xF, s8;
	v63 =	vmov s20;
	v23 =	vshrl.u32 v21, $0x3;
	v13 =	vmul.f32 v44, v10;
	v55 =	vld [tilespmem:s24+$0x520];
	[tilespmem:s2+$0x2D30] =	vst v14  }
0x527: {  	v24 =	vshll.u32 v23, v1;
	v34 =	vmov s30;
	v15 =	vmul.f32 v35, v10;
	[tilespmem:s2+$0x2D20] =	vst v52  }
0x528: {  	s22 =	sor.u32 $0xE, s8;
	v37 =	vshrl.u32 v34, $0x3;
	[tilespmem:s17+$0x2D40] =	vst v13;
	v58 =	vld [tilespmem:s4+$0x520];
	v56 =	vshll.u32 v47, $0x10;
	v13 =	vmul.f32 v47, v6  }
0x529: {  	s19 =	sor.u32 $0xD, s8;
	v29 =	vmov s22;
	[tilespmem:s17+$0x2D50] =	vst v15;
	v59 =	vshll.u32 v51, $0x10;
	v57 =	vmul.f32 v56, v6  }
0x52a: {  	v25 =	vmov s19;
	v15 =	vshrl.u32 v63, $0x3;
	v53 =	vld [tilespmem:s3+$0x530];
	v7 =	vmul.f32 v59, v5;
	[tilespmem:s16+$0x2D50] =	vst v13  }
0x52b: {  	v20 =	vshll.u32 v15, v1;
	v61 =	vshll.u32 v55, $0x10;
	v3 =	vmul.f32 v55, v8;
	[tilespmem:s16+$0x2D40] =	vst v57  }
0x52c: {  	v14 =	vshrl.u32 v25, $0x3;
	v11 =	vadd.s32 $0x3, v20;
	[tilespmem:s21+$0x2D60] =	vst v7;
	v13 =	vmul.f32 v61, v8;
	v62 =	vld [tilespmem:s14+$0x530]  }
0x52d: {  	v18 =	vshll.u32 v58, $0x10;
	v22 =	vmul.f32 v58, v9;
	[tilespmem:s1+$0x2D50] =	vst v3;
	v3 =	vbroadcast v11, $0x0  }
0x52e: {  	v28 =	vshll.u32 v14, v1;
	v11 =	vadd.s32 $0x4, v24;
	v19 =	vmul.f32 v18, v9;
	[tilespmem:s1+$0x2D40] =	vst v13  }
0x52f: {  	v5 =	vmul.f32 v51, v5;
	v60 =	vshll.u32 v53, $0x10;
	v11 =	vbroadcast v11, $0x0;
	v27 =	vld [tilespmem:s24+$0x530];
	[tilespmem:s2+$0x2D50] =	vst v22  }
0x530: {  	s28 =	sshll.u32 s20, $0x6;
	v39 =	vshll.u32 v37, v1;
	v12 =	vmul.f32 v60, v10;
	v13 =	vadd.s32 $0x5, v28;
	[tilespmem:s2+$0x2D40] =	vst v19  }
0x531: {  	s3 =	sand.u32 $0x3FFFFFC0, s28;
	[tilespmem:s21+$0x2D70] =	vst v5;
	v2 =	vmul.f32 v53, v10;
	v32 =	vbroadcast v13, $0x0;
	v31 =	vld [tilespmem:s4+$0x530];
	v26 =	vshll.u32 v62, $0x10  }
0x532: {  	s7 =	sshll.u32 s18, $0x6;
	v14 =	vshrl.u32 v29, $0x3;
	v35 =	vld [tilespmem:s3+$0x500];
	[tilespmem:s17+$0x2D60] =	vst v12;
	v12 =	vadd.s32 $0x7, v39;
	v30 =	vmul.f32 v26, v6  }
0x533: {  	v33 =	vshll.u32 v14, v1;
	[tilespmem:s17+$0x2D70] =	vst v2;
	v43 =	vbroadcast v12, $0x0;
	s4 =	sand.u32 $0x3FFFFFC0, s7;
	v6 =	vmul.f32 v62, v6;
	v2 =	vld.idx.msk [tilespmem:v3+s23+$0x0], $0xffff  }
0x534: {  	s9 =	sshll.u32 s19, $0x6;
	v36 =	vadd.s32 $0x6, v33;
	v41 =	vld [tilespmem:s4+$0x500];
	v38 =	vshll.u32 v27, $0x10;
	v4 =	vmul.f32 v27, v8;
	[tilespmem:s16+$0x2D60] =	vst v30  }
0x535: {  	s7 =	sand.u32 $0x3FFFFFC0, s9;
	v3 =	vbroadcast v36, $0x0;
	v40 =	vmul.f32 v38, v8;
	[tilespmem:s16+$0x2D70] =	vst v6;
	v8 =	vld.idx.msk [tilespmem:v11+s23+$0x0], $0xffff  }
0x536: {  	s14 =	sshll.u32 s22, $0x6;
	s17 =	sshll.u32 s30, $0x6;
	v44 =	vld [tilespmem:s7+$0x500];
	v42 =	vshll.u32 v31, $0x10;
	[tilespmem:s1+$0x2D70] =	vst v4;
	v45 =	vmul.f32 v31, v9  }
0x537: {  	v46 =	vshll.u32 v35, $0x10;
	s9 =	sand.u32 $0x3FFFFFC0, s14;
	s14 =	sand.u32 $0x3FFFFFC0, s17;
	v5 =	vld.idx.msk [tilespmem:v32+s23+$0x0], $0xffff;
	[tilespmem:s1+$0x2D60] =	vst v40;
	v6 =	vmul.f32 v42, v9  }
0x538: {  	v52 =	vld [tilespmem:s14+$0x500];
	s16 =	sshll.u32 s20, $0x7;
	v47 =	vmul.f32 v46, v2;
	[tilespmem:s2+$0x2D70] =	vst v45  }
0x539: {  	v11 =	vld.idx.msk [tilespmem:v43+s23+$0x0], $0xffff;
	s1 =	sand.u32 $0x3FFFFF80, s16;
	v50 =	vshll.u32 v41, $0x10;
	v49 =	vmul.f32 v35, v2;
	[tilespmem:s2+$0x2D60] =	vst v6  }
0x53a: {  	s21 =	sshll.u32 s18, $0x7;
	v48 =	vld [tilespmem:s9+$0x500];
	[tilespmem:s1+$0x2D00] =	vst v47;
	v51 =	vmul.f32 v50, v8  }
0x53b: {  	v54 =	vshll.u32 v44, $0x10;
	v3 =	vld.idx.msk [tilespmem:v3+s23+$0x0], $0xffff;
	s2 =	sand.u32 $0x3FFFFF80, s21;
	[tilespmem:s1+$0x2D10] =	vst v49;
	v53 =	vmul.f32 v41, v8  }
0x53c: {  	s24 =	sshll.u32 s19, $0x7;
	v56 =	vmul.f32 v54, v5;
	[tilespmem:s2+$0x2D00] =	vst v51  }
0x53d: {  	s16 =	sand.u32 $0x3FFFFF80, s24;
	v62 =	vshll.u32 v52, $0x10;
	v57 =	vmul.f32 v44, v5;
	v55 =	vld [tilespmem:s3+$0x510];
	[tilespmem:s2+$0x2D10] =	vst v53  }
0x53e: {  	s28 =	sshll.u32 s30, $0x7;
	v15 =	vmul.f32 v62, v11;
	[tilespmem:s16+$0x2D00] =	vst v56  }
0x53f: {  	s18 =	sand.u32 $0x3FFFFF80, s28;
	v58 =	vshll.u32 v48, $0x10;
	v17 =	vmul.f32 v52, v11;
	[tilespmem:s16+$0x2D10] =	vst v57;
	v59 =	vld [tilespmem:s4+$0x510]  }
0x540: {  	s26 =	sshll.u32 s22, $0x7;
	v63 =	vld [tilespmem:s7+$0x510];
	[tilespmem:s18+$0x2D00] =	vst v15;
	v60 =	vmul.f32 v58, v3  }
0x541: {  	s17 =	sand.u32 $0x3FFFFF80, s26;
	[tilespmem:s18+$0x2D10] =	vst v17;
	v61 =	vmul.f32 v48, v3  }
0x542: {  	[tilespmem:s17+$0x2D00] =	vst v60;
	v16 =	vshll.u32 v55, $0x10;
	v19 =	vmul.f32 v55, v2  }
0x543: {  	v22 =	vld [tilespmem:s14+$0x510];
	[tilespmem:s17+$0x2D10] =	vst v61;
	v7 =	vmul.f32 v16, v2  }
0x544: {  	v18 =	vld [tilespmem:s9+$0x510];
	[tilespmem:s1+$0x2D30] =	vst v19;
	v23 =	vmul.f32 v59, v8  }
0x545: {  	v20 =	vshll.u32 v59, $0x10;
	v27 =	vmul.f32 v63, v5;
	[tilespmem:s1+$0x2D20] =	vst v7  }
0x546: {  	v24 =	vshll.u32 v63, $0x10;
	v21 =	vmul.f32 v20, v8;
	[tilespmem:s2+$0x2D30] =	vst v23  }
0x547: {  	v26 =	vmul.f32 v24, v5;
	v25 =	vld [tilespmem:s3+$0x520];
	[tilespmem:s16+$0x2D30] =	vst v27  }
0x548: {  	v36 =	vmul.f32 v22, v11;
	[tilespmem:s2+$0x2D20] =	vst v21  }
0x549: {  	[tilespmem:s16+$0x2D20] =	vst v26;
	v28 =	vshll.u32 v18, $0x10;
	v29 =	vld [tilespmem:s4+$0x520];
	v31 =	vmul.f32 v18, v3  }
0x54a: {  	v32 =	vshll.u32 v22, $0x10;
	[tilespmem:s18+$0x2D30] =	vst v36;
	v30 =	vmul.f32 v28, v3  }
0x54b: {  	v34 =	vmul.f32 v32, v11;
	v33 =	vld [tilespmem:s7+$0x520];
	[tilespmem:s17+$0x2D30] =	vst v31  }
0x54c: {  	[tilespmem:s17+$0x2D20] =	vst v30;
	v35 =	vshll.u32 v25, $0x10;
	v39 =	vmul.f32 v25, v2  }
0x54d: {  	[tilespmem:s18+$0x2D20] =	vst v34;
	v37 =	vmul.f32 v35, v2;
	v38 =	vld [tilespmem:s9+$0x520]  }
0x54e: {  	v40 =	vshll.u32 v29, $0x10;
	[tilespmem:s1+$0x2D50] =	vst v39;
	v43 =	vmul.f32 v29, v8  }
0x54f: {  	v42 =	vld [tilespmem:s14+$0x520];
	[tilespmem:s1+$0x2D40] =	vst v37;
	v41 =	vmul.f32 v40, v8  }
0x550: {  	v44 =	vshll.u32 v33, $0x10;
	v47 =	vmul.f32 v33, v5;
	v45 =	vld [tilespmem:s3+$0x530];
	[tilespmem:s2+$0x2D50] =	vst v43  }
0x551: {  	v46 =	vmul.f32 v44, v5;
	[tilespmem:s2+$0x2D40] =	vst v41  }
0x552: {  	[tilespmem:s16+$0x2D50] =	vst v47;
	v48 =	vshll.u32 v38, $0x10;
	v49 =	vld [tilespmem:s4+$0x530];
	v51 =	vmul.f32 v38, v3  }
0x553: {  	[tilespmem:s16+$0x2D40] =	vst v46;
	v50 =	vmul.f32 v48, v3  }
0x554: {  	v52 =	vshll.u32 v42, $0x10;
	v56 =	vmul.f32 v42, v11;
	v53 =	vld [tilespmem:s7+$0x530];
	[tilespmem:s17+$0x2D50] =	vst v51  }
0x555: {  	v54 =	vmul.f32 v52, v11;
	[tilespmem:s17+$0x2D40] =	vst v50;
	v55 =	vshll.u32 v45, $0x10  }
0x556: {  	[tilespmem:s18+$0x2D50] =	vst v56;
	v57 =	vld [tilespmem:s9+$0x530];
	v58 =	vmul.f32 v55, v2  }
0x557: {  	[tilespmem:s18+$0x2D40] =	vst v54;
	v2 =	vmul.f32 v45, v2;
	v59 =	vshll.u32 v49, $0x10  }
0x558: {  	v4 =	vld [tilespmem:s14+$0x530];
	[tilespmem:s1+$0x2D60] =	vst v58;
	v60 =	vmul.f32 v59, v8  }
0x559: {  	v61 =	vshll.u32 v53, $0x10;
	[tilespmem:s1+$0x2D70] =	vst v2;
	v2 =	vmul.f32 v49, v8  }
0x55a: {  	v62 =	vmul.f32 v61, v5;
	[tilespmem:s2+$0x2D60] =	vst v60  }
0x55b: {  	[tilespmem:s2+$0x2D70] =	vst v2;
	v2 =	vmul.f32 v53, v5;
	v63 =	vshll.u32 v57, $0x10  }
0x55c: {  	p1 =	slt.u32 s8, $0x40;
	[tilespmem:s16+$0x2D60] =	vst v62;
	v5 =	vmul.f32 v63, v3  }
.Ltmp8:
0x55d: {  	[tilespmem:s16+$0x2D70] =	vst v2;
	v2 =	vmul.f32 v57, v3;
	v3 =	vshll.u32 v4, $0x10;
	(pc) =	sbr.rel @p1 .LBB2_18-.Ltmp8, $4  }
0x55e: {  	v3 =	vmul.f32 v3, v11;
	[tilespmem:s17+$0x2D60] =	vst v5  }
0x55f: {  	[tilespmem:s17+$0x2D70] =	vst v2;
	v2 =	vmul.f32 v4, v11  }
0x560: {  	s30 =	sadd.s32 $0x10, s8;
	[tilespmem:s18+$0x2D60] =	vst v3  }
0x561: {  	s8 =	smov.u32 s30;
	[tilespmem:s18+$0x2D70] =	vst v2  }
0x562: {  	s1 =	rddreg [dreg:$0x3];
	s2 =	simm.s32 $0x2D00;
	s3 =	simm.s32 $0x1E0  }
0x563: {  	[spmem:s1] =	stream.indirect.scatter.add.f32 [tilespmem:s2], [sflag:$0x7], $0x80, s3, s15, $0xb8;
	[tilespmem:$0x1B580] =	vst v63  }
0x564: {  	_ =	swait.ge [sflag:s13], $0x50  }
0x565: {  	[sflag:s13] =	ssyncset.done $0x0  }
0x566: {  	[sflag:s13] =	ssyncadd.s32 $0xFFFFFFB0  }
0x567: {  	_ =	swait.ge [sflag:s13], $0x50  }
0x568: {  	[sflag:s13] =	ssyncset.done $0x0  }
0x569: {  	[sflag:s13] =	ssyncadd.s32 $0xFFFFFFB0  }
0x56a: {  	v2 =	vld [tilespmem:$0x280];
	_ =	sdelay $0x1  }
0x56b: {  	v3 =	vld [tilespmem:$0x290];
	_ =	sdelay $0x1  }
0x56c: {  	v4 =	vld [tilespmem:$0x2A0]  }
0x56d: {  	v5 =	vand.u32 $0xFFFF, v2  }
0x56e: {  	v63 =	vld [tilespmem:$0x2B0];
	v2 =	vshrl.u32 v2, $0x10;
	[tilespmem:$0x0] =	vst v5  }
0x56f: {  	[tilespmem:$0x140] =	vst v2;
	v2 =	vand.u32 $0xFFFF, v3  }
0x570: {  	[tilespmem:$0x10] =	vst v2;
	v2 =	vshrl.u32 v3, $0x10;
	v3 =	vld [tilespmem:$0x2C0]  }
0x571: {  	[tilespmem:$0x150] =	vst v2;
	v2 =	vand.u32 $0xFFFF, v4  }
0x572: {  	[tilespmem:$0x20] =	vst v2;
	v2 =	vshrl.u32 v4, $0x10  }
0x573: {  	[tilespmem:$0x160] =	vst v2;
	v2 =	vand.u32 $0xFFFF, v63  }
0x574: {  	[tilespmem:$0x30] =	vst v2;
	v2 =	vshrl.u32 v63, $0x10  }
0x575: {  	[tilespmem:$0x170] =	vst v2;
	v2 =	vand.u32 $0xFFFF, v3  }
0x576: {  	[tilespmem:$0x40] =	vst v2;
	v2 =	vshrl.u32 v3, $0x10  }
0x577: {  	s8 =	simm.s32 $0x0;
	s30 =	simm.s32 $0x500;
	s28 =	rddreg [dreg:$0x2];
	[tilespmem:$0x180] =	vst v2  }
0x578: {  	[tilespmem:s30], [sflag:$0x5] =	stream.indirect.gather [hbm4b:s28+s15], $0x40, s8, s15, $0xb8;
	[tilespmem:$0x1B580] =	vst v63  }
0x579: {  	_ =	swait.ge [sflag:s29], $0x2800  }
0x57a: {  	[sflag:s29] =	ssyncset.done $0x0  }
0x57b: {  	[sflag:s29] =	ssyncadd.s32 $0xFFFFD800  }
0x57c: {  	_ =	swait.ge [sflag:s0], $0x1400  }
0x57d: {  	[sflag:s0] =	ssyncset.done $0x0  }
0x57e: {  	[sflag:s0] =	ssyncadd.s32 $0xFFFFEC00  }
.LBB2_20:
0x57f: {  	v2 =	vmov s8;
	s9 =	sor.u32 $0x1, s8  }
0x580: {  	v2 =	vshrl.u32 v2, $0x3;
	v3 =	vmov s9  }
0x581: {  	v2 =	vshll.u32 v2, v1;
	v3 =	vshrl.u32 v3, $0x3  }
0x582: {  	v2 =	vbroadcast v2, $0x0;
	v3 =	vshll.u32 v3, v1  }
0x583: {  	s14 =	sor.u32 $0x2, s8;
	v3 =	vadd.s32 $0x1, v3  }
0x584: {  	v4 =	vmov s14;
	v3 =	vbroadcast v3, $0x0  }
0x585: {  	s1 =	sshll.u32 s8, $0x6;
	s16 =	sor.u32 $0x3, s8;
	v4 =	vshrl.u32 v4, $0x3  }
0x586: {  	s4 =	sand.u32 $0x3FFFFFC0, s1;
	v5 =	vmov s16;
	v4 =	vshll.u32 v4, v1  }
0x587: {  	s17 =	sshll.u32 s9, $0x6;
	v7 =	vld [tilespmem:s4+$0x1900];
	v6 =	vshrl.u32 v5, $0x3;
	v4 =	vadd.s32 $0x2, v4  }
0x588: {  	s7 =	sand.u32 $0x3FFFFFC0, s17;
	v36 =	vshll.u32 v6, v1;
	v35 =	vld.idx.msk [tilespmem:v2+s31+$0x0], $0xffff;
	v2 =	vbroadcast v4, $0x0  }
0x589: {  	v9 =	vld [tilespmem:s7+$0x1900];
	v4 =	vadd.s32 $0x3, v36  }
0x58a: {  	v6 =	vld.idx.msk [tilespmem:v3+s31+$0x0], $0xffff;
	v3 =	vbroadcast v4, $0x0  }
0x58b: {  	s18 =	sshll.u32 s14, $0x6  }
0x58c: {  	s3 =	sand.u32 $0x3FFFFFC0, s18  }
0x58d: {  	s2 =	sshll.u32 s16, $0x6;
	v10 =	vld [tilespmem:s3+$0x1900];
	v37 =	vshll.u32 v7, $0x10  }
0x58e: {  	s19 =	sshll.u32 s8, $0x7;
	s2 =	sand.u32 $0x3FFFFFC0, s2;
	v4 =	vmul.f32 v37, v35;
	v8 =	vld.idx.msk [tilespmem:v2+s31+$0x0], $0xffff  }
0x58f: {  	s1 =	sand.u32 $0x3FFFFF80, s19;
	v39 =	vld [tilespmem:s2+$0x1900];
	v11 =	vshll.u32 v9, $0x10;
	v7 =	vmul.f32 v7, v35  }
0x590: {  	s9 =	sshll.u32 s9, $0x7;
	[tilespmem:s1+$0x5500] =	vst v4;
	v38 =	vmul.f32 v11, v6;
	v2 =	vld.idx.msk [tilespmem:v3+s31+$0x0], $0xffff  }
0x591: {  	s21 =	sand.u32 $0x3FFFFF80, s9;
	[tilespmem:s1+$0x5510] =	vst v7;
	v40 =	vmul.f32 v9, v6  }
0x592: {  	v41 =	vshll.u32 v10, $0x10;
	v3 =	vld [tilespmem:s4+$0x1910];
	[tilespmem:s21+$0x5500] =	vst v38  }
0x593: {  	s20 =	sshll.u32 s14, $0x7;
	[tilespmem:s21+$0x5510] =	vst v40;
	v4 =	vmul.f32 v41, v8  }
0x594: {  	s24 =	sor.u32 $0x4, s8;
	s26 =	sor.u32 $0x5, s8;
	s17 =	sand.u32 $0x3FFFFF80, s20;
	v43 =	vshll.u32 v39, $0x10;
	v7 =	vld [tilespmem:s7+$0x1910];
	v42 =	vmul.f32 v10, v8  }
0x595: {  	s22 =	sshll.u32 s16, $0x7;
	v47 =	vmov s24;
	v53 =	vmov s26;
	[tilespmem:s17+$0x5500] =	vst v4;
	v44 =	vmul.f32 v43, v2  }
0x596: {  	s9 =	sand.u32 $0x3FFFFF80, s22;
	v48 =	vshrl.u32 v47, $0x3;
	v9 =	vshrl.u32 v53, $0x3;
	[tilespmem:s17+$0x5510] =	vst v42;
	v46 =	vmul.f32 v39, v2  }
0x597: {  	v45 =	vshll.u32 v3, $0x10;
	v3 =	vmul.f32 v3, v35;
	v4 =	vshll.u32 v48, v1;
	v12 =	vld [tilespmem:s3+$0x1910];
	[tilespmem:s9+$0x5500] =	vst v44  }
0x598: {  	v9 =	vshll.u32 v9, v1;
	v10 =	vmul.f32 v45, v35;
	v4 =	vadd.s32 $0x4, v4;
	[tilespmem:s9+$0x5510] =	vst v46  }
0x599: {  	v49 =	vshll.u32 v7, $0x10;
	[tilespmem:s1+$0x5530] =	vst v3;
	v3 =	vmul.f32 v7, v6;
	v4 =	vbroadcast v4, $0x0;
	v51 =	vld [tilespmem:s2+$0x1910]  }
0x59a: {  	v9 =	vadd.s32 $0x5, v9;
	[tilespmem:s1+$0x5520] =	vst v10;
	v50 =	vmul.f32 v49, v6  }
0x59b: {  	v9 =	vbroadcast v9, $0x0;
	v52 =	vld [tilespmem:s4+$0x1920];
	[tilespmem:s21+$0x5530] =	vst v3  }
0x59c: {  	s18 =	sshll.u32 s24, $0x6;
	[tilespmem:s21+$0x5520] =	vst v50;
	v3 =	vshll.u32 v12, $0x10;
	v12 =	vmul.f32 v12, v8  }
0x59d: {  	s18 =	sand.u32 $0x3FFFFFC0, s18;
	v54 =	vld [tilespmem:s7+$0x1920];
	v3 =	vmul.f32 v3, v8  }
0x59e: {  	s19 =	sshll.u32 s26, $0x6;
	v14 =	vld [tilespmem:s18+$0x1900];
	v13 =	vshll.u32 v51, $0x10;
	[tilespmem:s17+$0x5530] =	vst v12;
	v10 =	vmul.f32 v51, v2  }
0x59f: {  	s20 =	sand.u32 $0x3FFFFFC0, s19;
	[tilespmem:s17+$0x5520] =	vst v3;
	v13 =	vmul.f32 v13, v2;
	v3 =	vld.idx.msk [tilespmem:v4+s31+$0x0], $0xffff  }
0x5a0: {  	v60 =	vld [tilespmem:s20+$0x1900];
	v15 =	vshll.u32 v52, $0x10;
	v7 =	vmul.f32 v52, v35;
	[tilespmem:s9+$0x5530] =	vst v10  }
0x5a1: {  	v4 =	vld.idx.msk [tilespmem:v9+s31+$0x0], $0xffff;
	v55 =	vmul.f32 v15, v35;
	[tilespmem:s9+$0x5520] =	vst v13  }
0x5a2: {  	v56 =	vshll.u32 v54, $0x10;
	[tilespmem:s1+$0x5550] =	vst v7;
	v58 =	vmul.f32 v54, v6  }
0x5a3: {  	v59 =	vshll.u32 v14, $0x10;
	v12 =	vld [tilespmem:s3+$0x1920];
	[tilespmem:s1+$0x5540] =	vst v55;
	v57 =	vmul.f32 v56, v6  }
0x5a4: {  	s14 =	sshll.u32 s24, $0x7;
	[tilespmem:s21+$0x5550] =	vst v58;
	v11 =	vmul.f32 v59, v3  }
0x5a5: {  	s22 =	sand.u32 $0x3FFFFF80, s14;
	v23 =	vshll.u32 v60, $0x10;
	v10 =	vld [tilespmem:s2+$0x1920];
	[tilespmem:s21+$0x5540] =	vst v57;
	v62 =	vmul.f32 v14, v3  }
0x5a6: {  	s28 =	sor.u32 $0x6, s8;
	s16 =	sshll.u32 s26, $0x7;
	v24 =	vmul.f32 v23, v4;
	[tilespmem:s22+$0x5500] =	vst v11  }
0x5a7: {  	v18 =	vmov s28;
	s19 =	sand.u32 $0x3FFFFF80, s16;
	v63 =	vld [tilespmem:s4+$0x1930];
	v26 =	vmul.f32 v60, v4;
	[tilespmem:s22+$0x5510] =	vst v62  }
0x5a8: {  	v20 =	vshrl.u32 v18, $0x3;
	v61 =	vshll.u32 v12, $0x10;
	v12 =	vmul.f32 v12, v8;
	v25 =	vld [tilespmem:s7+$0x1930];
	[tilespmem:s19+$0x5500] =	vst v24  }
0x5a9: {  	v9 =	vshll.u32 v20, v1;
	v7 =	vmul.f32 v61, v8;
	[tilespmem:s19+$0x5510] =	vst v26  }
0x5aa: {  	s30 =	sor.u32 $0x7, s8;
	v9 =	vadd.s32 $0x6, v9;
	v19 =	vshll.u32 v10, $0x10;
	[tilespmem:s17+$0x5550] =	vst v12;
	v10 =	vmul.f32 v10, v2  }
0x5ab: {  	v27 =	vmov s30;
	v9 =	vbroadcast v9, $0x0;
	v22 =	vld [tilespmem:s18+$0x1910];
	[tilespmem:s17+$0x5540] =	vst v7;
	v21 =	vmul.f32 v19, v2  }
0x5ac: {  	v28 =	vshrl.u32 v27, $0x3;
	s24 =	sshll.u32 s28, $0x6;
	v33 =	vld [tilespmem:s20+$0x1910];
	v16 =	vshll.u32 v63, $0x10;
	v5 =	vmul.f32 v63, v35;
	[tilespmem:s9+$0x5550] =	vst v10  }
0x5ad: {  	v31 =	vshll.u32 v28, v1;
	s7 =	sand.u32 $0x3FFFFFC0, s24;
	v29 =	vmul.f32 v16, v35;
	[tilespmem:s9+$0x5540] =	vst v21;
	v36 =	vshll.u32 v25, $0x10  }
0x5ae: {  	v34 =	vadd.s32 $0x7, v31;
	v37 =	vld [tilespmem:s7+$0x1900];
	[tilespmem:s1+$0x5570] =	vst v5;
	v17 =	vmul.f32 v36, v6  }
0x5af: {  	v30 =	vld [tilespmem:s3+$0x1930];
	v35 =	vbroadcast v34, $0x0;
	[tilespmem:s1+$0x5560] =	vst v29;
	v6 =	vmul.f32 v25, v6  }
0x5b0: {  	v11 =	vmul.f32 v22, v3;
	[tilespmem:s21+$0x5560] =	vst v17  }
0x5b1: {  	v5 =	vld.idx.msk [tilespmem:v9+s31+$0x0], $0xffff;
	v32 =	vshll.u32 v22, $0x10;
	v44 =	vmul.f32 v33, v4;
	[tilespmem:s21+$0x5570] =	vst v6  }
0x5b2: {  	s26 =	sshll.u32 s30, $0x6;
	v7 =	vld [tilespmem:s2+$0x1930];
	v39 =	vshll.u32 v33, $0x10;
	v10 =	vmul.f32 v32, v3;
	[tilespmem:s22+$0x5530] =	vst v11  }
0x5b3: {  	s3 =	sand.u32 $0x3FFFFFC0, s26;
	s1 =	sor.u32 $0x8, s8;
	v45 =	vshll.u32 v37, $0x10;
	v41 =	vmul.f32 v39, v4;
	[tilespmem:s19+$0x5530] =	vst v44  }
0x5b4: {  	v42 =	vld [tilespmem:s3+$0x1900];
	s2 =	sor.u32 $0x9, s8;
	v43 =	vmov s1;
	v38 =	vshll.u32 v30, $0x10;
	v40 =	vmul.f32 v30, v8;
	[tilespmem:s22+$0x5520] =	vst v10  }
0x5b5: {  	v51 =	vmov s2;
	v46 =	vshrl.u32 v43, $0x3;
	v9 =	vmul.f32 v38, v8;
	v10 =	vld.idx.msk [tilespmem:v35+s31+$0x0], $0xffff;
	[tilespmem:s19+$0x5520] =	vst v41  }
0x5b6: {  	s14 =	sshll.u32 s28, $0x7;
	v55 =	vshrl.u32 v51, $0x3;
	v49 =	vshll.u32 v46, v1;
	v48 =	vmul.f32 v45, v5;
	[tilespmem:s17+$0x5570] =	vst v40  }
0x5b7: {  	s26 =	sor.u32 $0xA, s8;
	s21 =	sand.u32 $0x3FFFFF80, s14;
	v50 =	vmul.f32 v37, v5;
	v12 =	vbroadcast v49, $0x0;
	v11 =	vld [tilespmem:s18+$0x1920];
	v47 =	vshll.u32 v7, $0x10;
	[tilespmem:s17+$0x5560] =	vst v9  }
0x5b8: {  	v57 =	vmov s26;
	v8 =	vshll.u32 v55, v1;
	v54 =	vld [tilespmem:s20+$0x1920];
	v52 =	vmul.f32 v47, v2;
	[tilespmem:s21+$0x5500] =	vst v48  }
0x5b9: {  	v56 =	vshll.u32 v42, $0x10;
	v8 =	vadd.s32 $0x1, v8;
	[tilespmem:s21+$0x5510] =	vst v50;
	v2 =	vmul.f32 v7, v2  }
0x5ba: {  	s4 =	sshll.u32 s30, $0x7;
	v59 =	vshrl.u32 v57, $0x3;
	s28 =	sshll.u32 s1, $0x6;
	v8 =	vbroadcast v8, $0x0;
	[tilespmem:s9+$0x5560] =	vst v52;
	v58 =	vmul.f32 v56, v10  }
0x5bb: {  	s14 =	sand.u32 $0x3FFFFFC0, s28;
	s17 =	sand.u32 $0x3FFFFF80, s4;
	v9 =	vshll.u32 v59, v1;
	v18 =	vld [tilespmem:s7+$0x1910];
	[tilespmem:s9+$0x5570] =	vst v2;
	v60 =	vmul.f32 v42, v10  }
0x5bc: {  	s30 =	sshll.u32 s2, $0x6;
	v62 =	vld [tilespmem:s14+$0x1900];
	v9 =	vadd.s32 $0x2, v9;
	v53 =	vshll.u32 v11, $0x10;
	v11 =	vmul.f32 v11, v3;
	[tilespmem:s17+$0x5500] =	vst v58  }
0x5bd: {  	s24 =	sand.u32 $0x3FFFFFC0, s30;
	v9 =	vbroadcast v9, $0x0;
	v6 =	vld.idx.msk [tilespmem:v12+s31+$0x0], $0xffff;
	v20 =	vmul.f32 v54, v4;
	[tilespmem:s17+$0x5510] =	vst v60  }
0x5be: {  	v23 =	vld [tilespmem:s24+$0x1900];
	v63 =	vshll.u32 v54, $0x10;
	v61 =	vmul.f32 v53, v3;
	[tilespmem:s22+$0x5550] =	vst v11  }
0x5bf: {  	v19 =	vmul.f32 v63, v4;
	v13 =	vld [tilespmem:s3+$0x1910];
	[tilespmem:s19+$0x5550] =	vst v20  }
0x5c0: {  	s16 =	sshll.u32 s26, $0x6;
	v21 =	vshll.u32 v18, $0x10;
	v24 =	vmul.f32 v18, v5;
	v8 =	vld.idx.msk [tilespmem:v8+s31+$0x0], $0xffff;
	[tilespmem:s22+$0x5540] =	vst v61  }
0x5c1: {  	s4 =	sand.u32 $0x3FFFFFC0, s16;
	v25 =	vshll.u32 v62, $0x10;
	[tilespmem:s19+$0x5540] =	vst v19;
	v22 =	vmul.f32 v21, v5  }
0x5c2: {  	s1 =	sshll.u32 s1, $0x7;
	v27 =	vld [tilespmem:s4+$0x1900];
	[tilespmem:s21+$0x5530] =	vst v24;
	v26 =	vmul.f32 v25, v6  }
0x5c3: {  	s16 =	sand.u32 $0x3FFFFF80, s1;
	v9 =	vld.idx.msk [tilespmem:v9+s31+$0x0], $0xffff;
	[tilespmem:s21+$0x5520] =	vst v22;
	v15 =	vmul.f32 v62, v6  }
0x5c4: {  	v31 =	vshll.u32 v23, $0x10;
	[tilespmem:s16+$0x5500] =	vst v26;
	v30 =	vmul.f32 v13, v10  }
0x5c5: {  	s28 =	sshll.u32 s2, $0x7;
	v45 =	vld [tilespmem:s18+$0x1930];
	v28 =	vshll.u32 v13, $0x10;
	[tilespmem:s16+$0x5510] =	vst v15;
	v13 =	vmul.f32 v31, v8  }
0x5c6: {  	s1 =	sand.u32 $0x3FFFFF80, s28;
	v48 =	vld [tilespmem:s20+$0x1930];
	v33 =	vmul.f32 v23, v8;
	[tilespmem:s17+$0x5530] =	vst v30  }
0x5c7: {  	v34 =	vshll.u32 v27, $0x10;
	v29 =	vld [tilespmem:s7+$0x1920];
	v11 =	vmul.f32 v28, v10;
	[tilespmem:s1+$0x5500] =	vst v13  }
0x5c8: {  	s30 =	sshll.u32 s26, $0x7;
	v36 =	vmul.f32 v34, v9;
	[tilespmem:s1+$0x5510] =	vst v33  }
0x5c9: {  	s2 =	sand.u32 $0x3FFFFF80, s30;
	v38 =	vmul.f32 v27, v9;
	[tilespmem:s17+$0x5520] =	vst v11  }
0x5ca: {  	v32 =	vld [tilespmem:s14+$0x1910];
	v54 =	vshll.u32 v45, $0x10;
	v2 =	vmul.f32 v45, v3;
	[tilespmem:s2+$0x5500] =	vst v36  }
0x5cb: {  	v7 =	vmul.f32 v54, v3;
	[tilespmem:s2+$0x5510] =	vst v38  }
0x5cc: {  	v3 =	vshll.u32 v48, $0x10;
	v40 =	vmul.f32 v29, v5;
	[tilespmem:s22+$0x5570] =	vst v2  }
0x5cd: {  	v39 =	vld [tilespmem:s24+$0x1910];
	v3 =	vmul.f32 v3, v4;
	[tilespmem:s22+$0x5560] =	vst v7  }
0x5ce: {  	v4 =	vmul.f32 v48, v4;
	[tilespmem:s21+$0x5550] =	vst v40  }
0x5cf: {  	v43 =	vld [tilespmem:s4+$0x1910];
	v41 =	vshll.u32 v32, $0x10;
	v11 =	vmul.f32 v32, v6;
	[tilespmem:s19+$0x5560] =	vst v3  }
0x5d0: {  	v35 =	vld [tilespmem:s3+$0x1920];
	v37 =	vshll.u32 v29, $0x10;
	[tilespmem:s19+$0x5570] =	vst v4;
	v42 =	vmul.f32 v41, v6  }
0x5d1: {  	v14 =	vmul.f32 v37, v5;
	[tilespmem:s16+$0x5530] =	vst v11  }
0x5d2: {  	v46 =	vshll.u32 v39, $0x10;
	v49 =	vmul.f32 v39, v8;
	[tilespmem:s16+$0x5520] =	vst v42  }
0x5d3: {  	[tilespmem:s21+$0x5540] =	vst v14;
	v11 =	vmul.f32 v46, v8;
	v47 =	vld [tilespmem:s14+$0x1920]  }
0x5d4: {  	s18 =	sor.u32 $0xC, s8;
	v51 =	vld [tilespmem:s7+$0x1930];
	v50 =	vshll.u32 v43, $0x10;
	[tilespmem:s1+$0x5530] =	vst v49;
	v14 =	vmul.f32 v43, v9  }
0x5d5: {  	s20 =	sor.u32 $0xB, s8;
	v21 =	vmov s18;
	v44 =	vshll.u32 v35, $0x10;
	[tilespmem:s1+$0x5520] =	vst v11;
	v52 =	vmul.f32 v50, v9  }
0x5d6: {  	s30 =	sor.u32 $0xF, s8;
	v63 =	vmov s20;
	v23 =	vshrl.u32 v21, $0x3;
	v13 =	vmul.f32 v44, v10;
	v55 =	vld [tilespmem:s24+$0x1920];
	[tilespmem:s2+$0x5530] =	vst v14  }
0x5d7: {  	v24 =	vshll.u32 v23, v1;
	v34 =	vmov s30;
	v15 =	vmul.f32 v35, v10;
	[tilespmem:s2+$0x5520] =	vst v52  }
0x5d8: {  	s22 =	sor.u32 $0xE, s8;
	v37 =	vshrl.u32 v34, $0x3;
	[tilespmem:s17+$0x5540] =	vst v13;
	v58 =	vld [tilespmem:s4+$0x1920];
	v56 =	vshll.u32 v47, $0x10;
	v13 =	vmul.f32 v47, v6  }
0x5d9: {  	s19 =	sor.u32 $0xD, s8;
	v29 =	vmov s22;
	[tilespmem:s17+$0x5550] =	vst v15;
	v59 =	vshll.u32 v51, $0x10;
	v57 =	vmul.f32 v56, v6  }
0x5da: {  	v25 =	vmov s19;
	v15 =	vshrl.u32 v63, $0x3;
	v53 =	vld [tilespmem:s3+$0x1930];
	v7 =	vmul.f32 v59, v5;
	[tilespmem:s16+$0x5550] =	vst v13  }
0x5db: {  	v20 =	vshll.u32 v15, v1;
	v61 =	vshll.u32 v55, $0x10;
	v3 =	vmul.f32 v55, v8;
	[tilespmem:s16+$0x5540] =	vst v57  }
0x5dc: {  	v14 =	vshrl.u32 v25, $0x3;
	v11 =	vadd.s32 $0x3, v20;
	[tilespmem:s21+$0x5560] =	vst v7;
	v13 =	vmul.f32 v61, v8;
	v62 =	vld [tilespmem:s14+$0x1930]  }
0x5dd: {  	v18 =	vshll.u32 v58, $0x10;
	v22 =	vmul.f32 v58, v9;
	[tilespmem:s1+$0x5550] =	vst v3;
	v3 =	vbroadcast v11, $0x0  }
0x5de: {  	v28 =	vshll.u32 v14, v1;
	v11 =	vadd.s32 $0x4, v24;
	v19 =	vmul.f32 v18, v9;
	[tilespmem:s1+$0x5540] =	vst v13  }
0x5df: {  	v5 =	vmul.f32 v51, v5;
	v60 =	vshll.u32 v53, $0x10;
	v11 =	vbroadcast v11, $0x0;
	v27 =	vld [tilespmem:s24+$0x1930];
	[tilespmem:s2+$0x5550] =	vst v22  }
0x5e0: {  	s28 =	sshll.u32 s20, $0x6;
	v39 =	vshll.u32 v37, v1;
	v12 =	vmul.f32 v60, v10;
	v13 =	vadd.s32 $0x5, v28;
	[tilespmem:s2+$0x5540] =	vst v19  }
0x5e1: {  	s3 =	sand.u32 $0x3FFFFFC0, s28;
	[tilespmem:s21+$0x5570] =	vst v5;
	v2 =	vmul.f32 v53, v10;
	v32 =	vbroadcast v13, $0x0;
	v31 =	vld [tilespmem:s4+$0x1930];
	v26 =	vshll.u32 v62, $0x10  }
0x5e2: {  	s7 =	sshll.u32 s18, $0x6;
	v14 =	vshrl.u32 v29, $0x3;
	v35 =	vld [tilespmem:s3+$0x1900];
	[tilespmem:s17+$0x5560] =	vst v12;
	v12 =	vadd.s32 $0x7, v39;
	v30 =	vmul.f32 v26, v6  }
0x5e3: {  	v33 =	vshll.u32 v14, v1;
	[tilespmem:s17+$0x5570] =	vst v2;
	v43 =	vbroadcast v12, $0x0;
	s4 =	sand.u32 $0x3FFFFFC0, s7;
	v6 =	vmul.f32 v62, v6;
	v2 =	vld.idx.msk [tilespmem:v3+s31+$0x0], $0xffff  }
0x5e4: {  	s9 =	sshll.u32 s19, $0x6;
	v36 =	vadd.s32 $0x6, v33;
	v41 =	vld [tilespmem:s4+$0x1900];
	v38 =	vshll.u32 v27, $0x10;
	v4 =	vmul.f32 v27, v8;
	[tilespmem:s16+$0x5560] =	vst v30  }
0x5e5: {  	s7 =	sand.u32 $0x3FFFFFC0, s9;
	v3 =	vbroadcast v36, $0x0;
	v40 =	vmul.f32 v38, v8;
	[tilespmem:s16+$0x5570] =	vst v6;
	v8 =	vld.idx.msk [tilespmem:v11+s31+$0x0], $0xffff  }
0x5e6: {  	s14 =	sshll.u32 s22, $0x6;
	s17 =	sshll.u32 s30, $0x6;
	v44 =	vld [tilespmem:s7+$0x1900];
	v42 =	vshll.u32 v31, $0x10;
	[tilespmem:s1+$0x5570] =	vst v4;
	v45 =	vmul.f32 v31, v9  }
0x5e7: {  	v46 =	vshll.u32 v35, $0x10;
	s9 =	sand.u32 $0x3FFFFFC0, s14;
	s14 =	sand.u32 $0x3FFFFFC0, s17;
	v5 =	vld.idx.msk [tilespmem:v32+s31+$0x0], $0xffff;
	[tilespmem:s1+$0x5560] =	vst v40;
	v6 =	vmul.f32 v42, v9  }
0x5e8: {  	v52 =	vld [tilespmem:s14+$0x1900];
	s16 =	sshll.u32 s20, $0x7;
	v47 =	vmul.f32 v46, v2;
	[tilespmem:s2+$0x5570] =	vst v45  }
0x5e9: {  	v11 =	vld.idx.msk [tilespmem:v43+s31+$0x0], $0xffff;
	s1 =	sand.u32 $0x3FFFFF80, s16;
	v50 =	vshll.u32 v41, $0x10;
	v49 =	vmul.f32 v35, v2;
	[tilespmem:s2+$0x5560] =	vst v6  }
0x5ea: {  	s21 =	sshll.u32 s18, $0x7;
	v48 =	vld [tilespmem:s9+$0x1900];
	[tilespmem:s1+$0x5500] =	vst v47;
	v51 =	vmul.f32 v50, v8  }
0x5eb: {  	v54 =	vshll.u32 v44, $0x10;
	v3 =	vld.idx.msk [tilespmem:v3+s31+$0x0], $0xffff;
	s2 =	sand.u32 $0x3FFFFF80, s21;
	[tilespmem:s1+$0x5510] =	vst v49;
	v53 =	vmul.f32 v41, v8  }
0x5ec: {  	s24 =	sshll.u32 s19, $0x7;
	v56 =	vmul.f32 v54, v5;
	[tilespmem:s2+$0x5500] =	vst v51  }
0x5ed: {  	s16 =	sand.u32 $0x3FFFFF80, s24;
	v62 =	vshll.u32 v52, $0x10;
	v57 =	vmul.f32 v44, v5;
	v55 =	vld [tilespmem:s3+$0x1910];
	[tilespmem:s2+$0x5510] =	vst v53  }
0x5ee: {  	s28 =	sshll.u32 s30, $0x7;
	v15 =	vmul.f32 v62, v11;
	[tilespmem:s16+$0x5500] =	vst v56  }
0x5ef: {  	s18 =	sand.u32 $0x3FFFFF80, s28;
	v58 =	vshll.u32 v48, $0x10;
	v17 =	vmul.f32 v52, v11;
	[tilespmem:s16+$0x5510] =	vst v57;
	v59 =	vld [tilespmem:s4+$0x1910]  }
0x5f0: {  	s26 =	sshll.u32 s22, $0x7;
	v63 =	vld [tilespmem:s7+$0x1910];
	[tilespmem:s18+$0x5500] =	vst v15;
	v60 =	vmul.f32 v58, v3  }
0x5f1: {  	s17 =	sand.u32 $0x3FFFFF80, s26;
	[tilespmem:s18+$0x5510] =	vst v17;
	v61 =	vmul.f32 v48, v3  }
0x5f2: {  	[tilespmem:s17+$0x5500] =	vst v60;
	v16 =	vshll.u32 v55, $0x10;
	v19 =	vmul.f32 v55, v2  }
0x5f3: {  	v22 =	vld [tilespmem:s14+$0x1910];
	[tilespmem:s17+$0x5510] =	vst v61;
	v7 =	vmul.f32 v16, v2  }
0x5f4: {  	v18 =	vld [tilespmem:s9+$0x1910];
	[tilespmem:s1+$0x5530] =	vst v19;
	v23 =	vmul.f32 v59, v8  }
0x5f5: {  	v20 =	vshll.u32 v59, $0x10;
	v27 =	vmul.f32 v63, v5;
	[tilespmem:s1+$0x5520] =	vst v7  }
0x5f6: {  	v24 =	vshll.u32 v63, $0x10;
	v21 =	vmul.f32 v20, v8;
	[tilespmem:s2+$0x5530] =	vst v23  }
0x5f7: {  	v26 =	vmul.f32 v24, v5;
	v25 =	vld [tilespmem:s3+$0x1920];
	[tilespmem:s16+$0x5530] =	vst v27  }
0x5f8: {  	v36 =	vmul.f32 v22, v11;
	[tilespmem:s2+$0x5520] =	vst v21  }
0x5f9: {  	[tilespmem:s16+$0x5520] =	vst v26;
	v28 =	vshll.u32 v18, $0x10;
	v29 =	vld [tilespmem:s4+$0x1920];
	v31 =	vmul.f32 v18, v3  }
0x5fa: {  	v32 =	vshll.u32 v22, $0x10;
	[tilespmem:s18+$0x5530] =	vst v36;
	v30 =	vmul.f32 v28, v3  }
0x5fb: {  	v34 =	vmul.f32 v32, v11;
	v33 =	vld [tilespmem:s7+$0x1920];
	[tilespmem:s17+$0x5530] =	vst v31  }
0x5fc: {  	[tilespmem:s17+$0x5520] =	vst v30;
	v35 =	vshll.u32 v25, $0x10;
	v39 =	vmul.f32 v25, v2  }
0x5fd: {  	[tilespmem:s18+$0x5520] =	vst v34;
	v37 =	vmul.f32 v35, v2;
	v38 =	vld [tilespmem:s9+$0x1920]  }
0x5fe: {  	v40 =	vshll.u32 v29, $0x10;
	[tilespmem:s1+$0x5550] =	vst v39;
	v43 =	vmul.f32 v29, v8  }
0x5ff: {  	v42 =	vld [tilespmem:s14+$0x1920];
	[tilespmem:s1+$0x5540] =	vst v37;
	v41 =	vmul.f32 v40, v8  }
0x600: {  	v44 =	vshll.u32 v33, $0x10;
	v47 =	vmul.f32 v33, v5;
	v45 =	vld [tilespmem:s3+$0x1930];
	[tilespmem:s2+$0x5550] =	vst v43  }
0x601: {  	v46 =	vmul.f32 v44, v5;
	[tilespmem:s2+$0x5540] =	vst v41  }
0x602: {  	[tilespmem:s16+$0x5550] =	vst v47;
	v48 =	vshll.u32 v38, $0x10;
	v49 =	vld [tilespmem:s4+$0x1930];
	v51 =	vmul.f32 v38, v3  }
0x603: {  	[tilespmem:s16+$0x5540] =	vst v46;
	v50 =	vmul.f32 v48, v3  }
0x604: {  	v52 =	vshll.u32 v42, $0x10;
	v56 =	vmul.f32 v42, v11;
	v53 =	vld [tilespmem:s7+$0x1930];
	[tilespmem:s17+$0x5550] =	vst v51  }
0x605: {  	v54 =	vmul.f32 v52, v11;
	[tilespmem:s17+$0x5540] =	vst v50;
	v55 =	vshll.u32 v45, $0x10  }
0x606: {  	[tilespmem:s18+$0x5550] =	vst v56;
	v57 =	vld [tilespmem:s9+$0x1930];
	v58 =	vmul.f32 v55, v2  }
0x607: {  	[tilespmem:s18+$0x5540] =	vst v54;
	v2 =	vmul.f32 v45, v2;
	v59 =	vshll.u32 v49, $0x10  }
0x608: {  	v4 =	vld [tilespmem:s14+$0x1930];
	[tilespmem:s1+$0x5560] =	vst v58;
	v60 =	vmul.f32 v59, v8  }
0x609: {  	v61 =	vshll.u32 v53, $0x10;
	[tilespmem:s1+$0x5570] =	vst v2;
	v2 =	vmul.f32 v49, v8  }
0x60a: {  	v62 =	vmul.f32 v61, v5;
	[tilespmem:s2+$0x5560] =	vst v60  }
0x60b: {  	[tilespmem:s2+$0x5570] =	vst v2;
	v2 =	vmul.f32 v53, v5;
	v63 =	vshll.u32 v57, $0x10  }
0x60c: {  	p1 =	slt.u32 s8, $0x40;
	[tilespmem:s16+$0x5560] =	vst v62;
	v5 =	vmul.f32 v63, v3  }
.Ltmp9:
0x60d: {  	[tilespmem:s16+$0x5570] =	vst v2;
	v2 =	vmul.f32 v57, v3;
	v3 =	vshll.u32 v4, $0x10;
	(pc) =	sbr.rel @p1 .LBB2_20-.Ltmp9, $4  }
0x60e: {  	v3 =	vmul.f32 v3, v11;
	[tilespmem:s17+$0x5560] =	vst v5  }
0x60f: {  	[tilespmem:s17+$0x5570] =	vst v2;
	v2 =	vmul.f32 v4, v11  }
0x610: {  	s30 =	sadd.s32 $0x10, s8;
	[tilespmem:s18+$0x5560] =	vst v3  }
0x611: {  	s8 =	smov.u32 s30;
	[tilespmem:s18+$0x5570] =	vst v2  }
0x612: {  	s1 =	rddreg [dreg:$0x3];
	s2 =	simm.s32 $0x5500;
	s3 =	simm.s32 $0x230  }
0x613: {  	[spmem:s1] =	stream.indirect.scatter.add.f32 [tilespmem:s2], [sflag:$0x8], $0x80, s3, s15, $0xb8;
	[tilespmem:$0x1B580] =	vst v63  }
0x614: {  	_ =	swait.ge [sflag:s11], $0x2800  }
0x615: {  	[sflag:s11] =	ssyncset.done $0x0  }
0x616: {  	[sflag:s11] =	ssyncadd.s32 $0xFFFFD800  }
0x617: {  	_ =	swait.ge [sflag:s25], $0x1400  }
0x618: {  	[sflag:s25] =	ssyncset.done $0x0  }
0x619: {  	s8 =	simm.s32 $0x0;
	[sflag:s25] =	ssyncadd.s32 $0xFFFFEC00  }
.LBB2_22:
0x61a: {  	v2 =	vmov s8;
	s9 =	sor.u32 $0x1, s8  }
0x61b: {  	v2 =	vshrl.u32 v2, $0x3;
	v3 =	vmov s9  }
0x61c: {  	v2 =	vshll.u32 v2, v1;
	v3 =	vshrl.u32 v3, $0x3  }
0x61d: {  	v2 =	vbroadcast v2, $0x0;
	v3 =	vshll.u32 v3, v1  }
0x61e: {  	s14 =	sor.u32 $0x2, s8;
	v3 =	vadd.s32 $0x1, v3  }
0x61f: {  	v4 =	vmov s14;
	v3 =	vbroadcast v3, $0x0  }
0x620: {  	s1 =	sshll.u32 s8, $0x6;
	s16 =	sor.u32 $0x3, s8;
	v4 =	vshrl.u32 v4, $0x3  }
0x621: {  	s4 =	sand.u32 $0x3FFFFFC0, s1;
	v5 =	vmov s16;
	v4 =	vshll.u32 v4, v1  }
0x622: {  	s17 =	sshll.u32 s9, $0x6;
	v7 =	vld [tilespmem:s4+$0x500];
	v6 =	vshrl.u32 v5, $0x3;
	v4 =	vadd.s32 $0x2, v4  }
0x623: {  	s7 =	sand.u32 $0x3FFFFFC0, s17;
	v36 =	vshll.u32 v6, v1;
	v35 =	vld.idx.msk [tilespmem:v2+s10+$0x0], $0xffff;
	v2 =	vbroadcast v4, $0x0  }
0x624: {  	v9 =	vld [tilespmem:s7+$0x500];
	v4 =	vadd.s32 $0x3, v36  }
0x625: {  	v6 =	vld.idx.msk [tilespmem:v3+s10+$0x0], $0xffff;
	v3 =	vbroadcast v4, $0x0  }
0x626: {  	s18 =	sshll.u32 s14, $0x6  }
0x627: {  	s3 =	sand.u32 $0x3FFFFFC0, s18  }
0x628: {  	s2 =	sshll.u32 s16, $0x6;
	v10 =	vld [tilespmem:s3+$0x500];
	v37 =	vshll.u32 v7, $0x10  }
0x629: {  	s19 =	sshll.u32 s8, $0x7;
	s2 =	sand.u32 $0x3FFFFFC0, s2;
	v4 =	vmul.f32 v37, v35;
	v8 =	vld.idx.msk [tilespmem:v2+s10+$0x0], $0xffff  }
0x62a: {  	s1 =	sand.u32 $0x3FFFFF80, s19;
	v39 =	vld [tilespmem:s2+$0x500];
	v11 =	vshll.u32 v9, $0x10;
	v7 =	vmul.f32 v7, v35  }
0x62b: {  	s9 =	sshll.u32 s9, $0x7;
	[tilespmem:s1+$0x2D00] =	vst v4;
	v38 =	vmul.f32 v11, v6;
	v2 =	vld.idx.msk [tilespmem:v3+s10+$0x0], $0xffff  }
0x62c: {  	s21 =	sand.u32 $0x3FFFFF80, s9;
	[tilespmem:s1+$0x2D10] =	vst v7;
	v40 =	vmul.f32 v9, v6  }
0x62d: {  	v41 =	vshll.u32 v10, $0x10;
	v3 =	vld [tilespmem:s4+$0x510];
	[tilespmem:s21+$0x2D00] =	vst v38  }
0x62e: {  	s20 =	sshll.u32 s14, $0x7;
	[tilespmem:s21+$0x2D10] =	vst v40;
	v4 =	vmul.f32 v41, v8  }
0x62f: {  	s24 =	sor.u32 $0x4, s8;
	s26 =	sor.u32 $0x5, s8;
	s17 =	sand.u32 $0x3FFFFF80, s20;
	v43 =	vshll.u32 v39, $0x10;
	v7 =	vld [tilespmem:s7+$0x510];
	v42 =	vmul.f32 v10, v8  }
0x630: {  	s22 =	sshll.u32 s16, $0x7;
	v47 =	vmov s24;
	v53 =	vmov s26;
	[tilespmem:s17+$0x2D00] =	vst v4;
	v44 =	vmul.f32 v43, v2  }
0x631: {  	s9 =	sand.u32 $0x3FFFFF80, s22;
	v48 =	vshrl.u32 v47, $0x3;
	v9 =	vshrl.u32 v53, $0x3;
	[tilespmem:s17+$0x2D10] =	vst v42;
	v46 =	vmul.f32 v39, v2  }
0x632: {  	v45 =	vshll.u32 v3, $0x10;
	v3 =	vmul.f32 v3, v35;
	v4 =	vshll.u32 v48, v1;
	v12 =	vld [tilespmem:s3+$0x510];
	[tilespmem:s9+$0x2D00] =	vst v44  }
0x633: {  	v9 =	vshll.u32 v9, v1;
	v10 =	vmul.f32 v45, v35;
	v4 =	vadd.s32 $0x4, v4;
	[tilespmem:s9+$0x2D10] =	vst v46  }
0x634: {  	v49 =	vshll.u32 v7, $0x10;
	[tilespmem:s1+$0x2D30] =	vst v3;
	v3 =	vmul.f32 v7, v6;
	v4 =	vbroadcast v4, $0x0;
	v51 =	vld [tilespmem:s2+$0x510]  }
0x635: {  	v9 =	vadd.s32 $0x5, v9;
	[tilespmem:s1+$0x2D20] =	vst v10;
	v50 =	vmul.f32 v49, v6  }
0x636: {  	v9 =	vbroadcast v9, $0x0;
	v52 =	vld [tilespmem:s4+$0x520];
	[tilespmem:s21+$0x2D30] =	vst v3  }
0x637: {  	s18 =	sshll.u32 s24, $0x6;
	[tilespmem:s21+$0x2D20] =	vst v50;
	v3 =	vshll.u32 v12, $0x10;
	v12 =	vmul.f32 v12, v8  }
0x638: {  	s18 =	sand.u32 $0x3FFFFFC0, s18;
	v54 =	vld [tilespmem:s7+$0x520];
	v3 =	vmul.f32 v3, v8  }
0x639: {  	s19 =	sshll.u32 s26, $0x6;
	v14 =	vld [tilespmem:s18+$0x500];
	v13 =	vshll.u32 v51, $0x10;
	[tilespmem:s17+$0x2D30] =	vst v12;
	v10 =	vmul.f32 v51, v2  }
0x63a: {  	s20 =	sand.u32 $0x3FFFFFC0, s19;
	[tilespmem:s17+$0x2D20] =	vst v3;
	v13 =	vmul.f32 v13, v2;
	v3 =	vld.idx.msk [tilespmem:v4+s10+$0x0], $0xffff  }
0x63b: {  	v60 =	vld [tilespmem:s20+$0x500];
	v15 =	vshll.u32 v52, $0x10;
	v7 =	vmul.f32 v52, v35;
	[tilespmem:s9+$0x2D30] =	vst v10  }
0x63c: {  	v4 =	vld.idx.msk [tilespmem:v9+s10+$0x0], $0xffff;
	v55 =	vmul.f32 v15, v35;
	[tilespmem:s9+$0x2D20] =	vst v13  }
0x63d: {  	v56 =	vshll.u32 v54, $0x10;
	[tilespmem:s1+$0x2D50] =	vst v7;
	v58 =	vmul.f32 v54, v6  }
0x63e: {  	v59 =	vshll.u32 v14, $0x10;
	v12 =	vld [tilespmem:s3+$0x520];
	[tilespmem:s1+$0x2D40] =	vst v55;
	v57 =	vmul.f32 v56, v6  }
0x63f: {  	s14 =	sshll.u32 s24, $0x7;
	[tilespmem:s21+$0x2D50] =	vst v58;
	v11 =	vmul.f32 v59, v3  }
0x640: {  	s22 =	sand.u32 $0x3FFFFF80, s14;
	v23 =	vshll.u32 v60, $0x10;
	v10 =	vld [tilespmem:s2+$0x520];
	[tilespmem:s21+$0x2D40] =	vst v57;
	v62 =	vmul.f32 v14, v3  }
0x641: {  	s28 =	sor.u32 $0x6, s8;
	s16 =	sshll.u32 s26, $0x7;
	v24 =	vmul.f32 v23, v4;
	[tilespmem:s22+$0x2D00] =	vst v11  }
0x642: {  	v18 =	vmov s28;
	s19 =	sand.u32 $0x3FFFFF80, s16;
	v63 =	vld [tilespmem:s4+$0x530];
	v26 =	vmul.f32 v60, v4;
	[tilespmem:s22+$0x2D10] =	vst v62  }
0x643: {  	v20 =	vshrl.u32 v18, $0x3;
	v61 =	vshll.u32 v12, $0x10;
	v12 =	vmul.f32 v12, v8;
	v25 =	vld [tilespmem:s7+$0x530];
	[tilespmem:s19+$0x2D00] =	vst v24  }
0x644: {  	v9 =	vshll.u32 v20, v1;
	v7 =	vmul.f32 v61, v8;
	[tilespmem:s19+$0x2D10] =	vst v26  }
0x645: {  	s30 =	sor.u32 $0x7, s8;
	v9 =	vadd.s32 $0x6, v9;
	v19 =	vshll.u32 v10, $0x10;
	[tilespmem:s17+$0x2D50] =	vst v12;
	v10 =	vmul.f32 v10, v2  }
0x646: {  	v27 =	vmov s30;
	v9 =	vbroadcast v9, $0x0;
	v22 =	vld [tilespmem:s18+$0x510];
	[tilespmem:s17+$0x2D40] =	vst v7;
	v21 =	vmul.f32 v19, v2  }
0x647: {  	v28 =	vshrl.u32 v27, $0x3;
	s24 =	sshll.u32 s28, $0x6;
	v33 =	vld [tilespmem:s20+$0x510];
	v16 =	vshll.u32 v63, $0x10;
	v5 =	vmul.f32 v63, v35;
	[tilespmem:s9+$0x2D50] =	vst v10  }
0x648: {  	v31 =	vshll.u32 v28, v1;
	s7 =	sand.u32 $0x3FFFFFC0, s24;
	v29 =	vmul.f32 v16, v35;
	[tilespmem:s9+$0x2D40] =	vst v21;
	v36 =	vshll.u32 v25, $0x10  }
0x649: {  	v34 =	vadd.s32 $0x7, v31;
	v37 =	vld [tilespmem:s7+$0x500];
	[tilespmem:s1+$0x2D70] =	vst v5;
	v17 =	vmul.f32 v36, v6  }
0x64a: {  	v30 =	vld [tilespmem:s3+$0x530];
	v35 =	vbroadcast v34, $0x0;
	[tilespmem:s1+$0x2D60] =	vst v29;
	v6 =	vmul.f32 v25, v6  }
0x64b: {  	v11 =	vmul.f32 v22, v3;
	[tilespmem:s21+$0x2D60] =	vst v17  }
0x64c: {  	v5 =	vld.idx.msk [tilespmem:v9+s10+$0x0], $0xffff;
	v32 =	vshll.u32 v22, $0x10;
	v44 =	vmul.f32 v33, v4;
	[tilespmem:s21+$0x2D70] =	vst v6  }
0x64d: {  	s26 =	sshll.u32 s30, $0x6;
	v7 =	vld [tilespmem:s2+$0x530];
	v39 =	vshll.u32 v33, $0x10;
	v10 =	vmul.f32 v32, v3;
	[tilespmem:s22+$0x2D30] =	vst v11  }
0x64e: {  	s3 =	sand.u32 $0x3FFFFFC0, s26;
	s1 =	sor.u32 $0x8, s8;
	v45 =	vshll.u32 v37, $0x10;
	v41 =	vmul.f32 v39, v4;
	[tilespmem:s19+$0x2D30] =	vst v44  }
0x64f: {  	v42 =	vld [tilespmem:s3+$0x500];
	s2 =	sor.u32 $0x9, s8;
	v43 =	vmov s1;
	v38 =	vshll.u32 v30, $0x10;
	v40 =	vmul.f32 v30, v8;
	[tilespmem:s22+$0x2D20] =	vst v10  }
0x650: {  	v51 =	vmov s2;
	v46 =	vshrl.u32 v43, $0x3;
	v9 =	vmul.f32 v38, v8;
	v10 =	vld.idx.msk [tilespmem:v35+s10+$0x0], $0xffff;
	[tilespmem:s19+$0x2D20] =	vst v41  }
0x651: {  	s14 =	sshll.u32 s28, $0x7;
	v55 =	vshrl.u32 v51, $0x3;
	v49 =	vshll.u32 v46, v1;
	v48 =	vmul.f32 v45, v5;
	[tilespmem:s17+$0x2D70] =	vst v40  }
0x652: {  	s26 =	sor.u32 $0xA, s8;
	s21 =	sand.u32 $0x3FFFFF80, s14;
	v50 =	vmul.f32 v37, v5;
	v12 =	vbroadcast v49, $0x0;
	v11 =	vld [tilespmem:s18+$0x520];
	v47 =	vshll.u32 v7, $0x10;
	[tilespmem:s17+$0x2D60] =	vst v9  }
0x653: {  	v57 =	vmov s26;
	v8 =	vshll.u32 v55, v1;
	v54 =	vld [tilespmem:s20+$0x520];
	v52 =	vmul.f32 v47, v2;
	[tilespmem:s21+$0x2D00] =	vst v48  }
0x654: {  	v56 =	vshll.u32 v42, $0x10;
	v8 =	vadd.s32 $0x1, v8;
	[tilespmem:s21+$0x2D10] =	vst v50;
	v2 =	vmul.f32 v7, v2  }
0x655: {  	s4 =	sshll.u32 s30, $0x7;
	v59 =	vshrl.u32 v57, $0x3;
	s28 =	sshll.u32 s1, $0x6;
	v8 =	vbroadcast v8, $0x0;
	[tilespmem:s9+$0x2D60] =	vst v52;
	v58 =	vmul.f32 v56, v10  }
0x656: {  	s14 =	sand.u32 $0x3FFFFFC0, s28;
	s17 =	sand.u32 $0x3FFFFF80, s4;
	v9 =	vshll.u32 v59, v1;
	v18 =	vld [tilespmem:s7+$0x510];
	[tilespmem:s9+$0x2D70] =	vst v2;
	v60 =	vmul.f32 v42, v10  }
0x657: {  	s30 =	sshll.u32 s2, $0x6;
	v62 =	vld [tilespmem:s14+$0x500];
	v9 =	vadd.s32 $0x2, v9;
	v53 =	vshll.u32 v11, $0x10;
	v11 =	vmul.f32 v11, v3;
	[tilespmem:s17+$0x2D00] =	vst v58  }
0x658: {  	s24 =	sand.u32 $0x3FFFFFC0, s30;
	v9 =	vbroadcast v9, $0x0;
	v6 =	vld.idx.msk [tilespmem:v12+s10+$0x0], $0xffff;
	v20 =	vmul.f32 v54, v4;
	[tilespmem:s17+$0x2D10] =	vst v60  }
0x659: {  	v23 =	vld [tilespmem:s24+$0x500];
	v63 =	vshll.u32 v54, $0x10;
	v61 =	vmul.f32 v53, v3;
	[tilespmem:s22+$0x2D50] =	vst v11  }
0x65a: {  	v19 =	vmul.f32 v63, v4;
	v13 =	vld [tilespmem:s3+$0x510];
	[tilespmem:s19+$0x2D50] =	vst v20  }
0x65b: {  	s16 =	sshll.u32 s26, $0x6;
	v21 =	vshll.u32 v18, $0x10;
	v24 =	vmul.f32 v18, v5;
	v8 =	vld.idx.msk [tilespmem:v8+s10+$0x0], $0xffff;
	[tilespmem:s22+$0x2D40] =	vst v61  }
0x65c: {  	s4 =	sand.u32 $0x3FFFFFC0, s16;
	v25 =	vshll.u32 v62, $0x10;
	[tilespmem:s19+$0x2D40] =	vst v19;
	v22 =	vmul.f32 v21, v5  }
0x65d: {  	s1 =	sshll.u32 s1, $0x7;
	v27 =	vld [tilespmem:s4+$0x500];
	[tilespmem:s21+$0x2D30] =	vst v24;
	v26 =	vmul.f32 v25, v6  }
0x65e: {  	s16 =	sand.u32 $0x3FFFFF80, s1;
	v9 =	vld.idx.msk [tilespmem:v9+s10+$0x0], $0xffff;
	[tilespmem:s21+$0x2D20] =	vst v22;
	v15 =	vmul.f32 v62, v6  }
0x65f: {  	v31 =	vshll.u32 v23, $0x10;
	[tilespmem:s16+$0x2D00] =	vst v26;
	v30 =	vmul.f32 v13, v10  }
0x660: {  	s28 =	sshll.u32 s2, $0x7;
	v45 =	vld [tilespmem:s18+$0x530];
	v28 =	vshll.u32 v13, $0x10;
	[tilespmem:s16+$0x2D10] =	vst v15;
	v13 =	vmul.f32 v31, v8  }
0x661: {  	s1 =	sand.u32 $0x3FFFFF80, s28;
	v48 =	vld [tilespmem:s20+$0x530];
	v33 =	vmul.f32 v23, v8;
	[tilespmem:s17+$0x2D30] =	vst v30  }
0x662: {  	v34 =	vshll.u32 v27, $0x10;
	v29 =	vld [tilespmem:s7+$0x520];
	v11 =	vmul.f32 v28, v10;
	[tilespmem:s1+$0x2D00] =	vst v13  }
0x663: {  	s30 =	sshll.u32 s26, $0x7;
	v36 =	vmul.f32 v34, v9;
	[tilespmem:s1+$0x2D10] =	vst v33  }
0x664: {  	s2 =	sand.u32 $0x3FFFFF80, s30;
	v38 =	vmul.f32 v27, v9;
	[tilespmem:s17+$0x2D20] =	vst v11  }
0x665: {  	v32 =	vld [tilespmem:s14+$0x510];
	v54 =	vshll.u32 v45, $0x10;
	v2 =	vmul.f32 v45, v3;
	[tilespmem:s2+$0x2D00] =	vst v36  }
0x666: {  	v7 =	vmul.f32 v54, v3;
	[tilespmem:s2+$0x2D10] =	vst v38  }
0x667: {  	v3 =	vshll.u32 v48, $0x10;
	v40 =	vmul.f32 v29, v5;
	[tilespmem:s22+$0x2D70] =	vst v2  }
0x668: {  	v39 =	vld [tilespmem:s24+$0x510];
	v3 =	vmul.f32 v3, v4;
	[tilespmem:s22+$0x2D60] =	vst v7  }
0x669: {  	v4 =	vmul.f32 v48, v4;
	[tilespmem:s21+$0x2D50] =	vst v40  }
0x66a: {  	v43 =	vld [tilespmem:s4+$0x510];
	v41 =	vshll.u32 v32, $0x10;
	v11 =	vmul.f32 v32, v6;
	[tilespmem:s19+$0x2D60] =	vst v3  }
0x66b: {  	v35 =	vld [tilespmem:s3+$0x520];
	v37 =	vshll.u32 v29, $0x10;
	[tilespmem:s19+$0x2D70] =	vst v4;
	v42 =	vmul.f32 v41, v6  }
0x66c: {  	v14 =	vmul.f32 v37, v5;
	[tilespmem:s16+$0x2D30] =	vst v11  }
0x66d: {  	v46 =	vshll.u32 v39, $0x10;
	v49 =	vmul.f32 v39, v8;
	[tilespmem:s16+$0x2D20] =	vst v42  }
0x66e: {  	[tilespmem:s21+$0x2D40] =	vst v14;
	v11 =	vmul.f32 v46, v8;
	v47 =	vld [tilespmem:s14+$0x520]  }
0x66f: {  	s18 =	sor.u32 $0xC, s8;
	v51 =	vld [tilespmem:s7+$0x530];
	v50 =	vshll.u32 v43, $0x10;
	[tilespmem:s1+$0x2D30] =	vst v49;
	v14 =	vmul.f32 v43, v9  }
0x670: {  	s20 =	sor.u32 $0xB, s8;
	v21 =	vmov s18;
	v44 =	vshll.u32 v35, $0x10;
	[tilespmem:s1+$0x2D20] =	vst v11;
	v52 =	vmul.f32 v50, v9  }
0x671: {  	s30 =	sor.u32 $0xF, s8;
	v63 =	vmov s20;
	v23 =	vshrl.u32 v21, $0x3;
	v13 =	vmul.f32 v44, v10;
	v55 =	vld [tilespmem:s24+$0x520];
	[tilespmem:s2+$0x2D30] =	vst v14  }
0x672: {  	v24 =	vshll.u32 v23, v1;
	v34 =	vmov s30;
	v15 =	vmul.f32 v35, v10;
	[tilespmem:s2+$0x2D20] =	vst v52  }
0x673: {  	s22 =	sor.u32 $0xE, s8;
	v37 =	vshrl.u32 v34, $0x3;
	[tilespmem:s17+$0x2D40] =	vst v13;
	v58 =	vld [tilespmem:s4+$0x520];
	v56 =	vshll.u32 v47, $0x10;
	v13 =	vmul.f32 v47, v6  }
0x674: {  	s19 =	sor.u32 $0xD, s8;
	v29 =	vmov s22;
	[tilespmem:s17+$0x2D50] =	vst v15;
	v59 =	vshll.u32 v51, $0x10;
	v57 =	vmul.f32 v56, v6  }
0x675: {  	v25 =	vmov s19;
	v15 =	vshrl.u32 v63, $0x3;
	v53 =	vld [tilespmem:s3+$0x530];
	v7 =	vmul.f32 v59, v5;
	[tilespmem:s16+$0x2D50] =	vst v13  }
0x676: {  	v20 =	vshll.u32 v15, v1;
	v61 =	vshll.u32 v55, $0x10;
	v3 =	vmul.f32 v55, v8;
	[tilespmem:s16+$0x2D40] =	vst v57  }
0x677: {  	v14 =	vshrl.u32 v25, $0x3;
	v11 =	vadd.s32 $0x3, v20;
	[tilespmem:s21+$0x2D60] =	vst v7;
	v13 =	vmul.f32 v61, v8;
	v62 =	vld [tilespmem:s14+$0x530]  }
0x678: {  	v18 =	vshll.u32 v58, $0x10;
	v22 =	vmul.f32 v58, v9;
	[tilespmem:s1+$0x2D50] =	vst v3;
	v3 =	vbroadcast v11, $0x0  }
0x679: {  	v28 =	vshll.u32 v14, v1;
	v11 =	vadd.s32 $0x4, v24;
	v19 =	vmul.f32 v18, v9;
	[tilespmem:s1+$0x2D40] =	vst v13  }
0x67a: {  	v5 =	vmul.f32 v51, v5;
	v60 =	vshll.u32 v53, $0x10;
	v11 =	vbroadcast v11, $0x0;
	v27 =	vld [tilespmem:s24+$0x530];
	[tilespmem:s2+$0x2D50] =	vst v22  }
0x67b: {  	s28 =	sshll.u32 s20, $0x6;
	v39 =	vshll.u32 v37, v1;
	v12 =	vmul.f32 v60, v10;
	v13 =	vadd.s32 $0x5, v28;
	[tilespmem:s2+$0x2D40] =	vst v19  }
0x67c: {  	s3 =	sand.u32 $0x3FFFFFC0, s28;
	[tilespmem:s21+$0x2D70] =	vst v5;
	v2 =	vmul.f32 v53, v10;
	v32 =	vbroadcast v13, $0x0;
	v31 =	vld [tilespmem:s4+$0x530];
	v26 =	vshll.u32 v62, $0x10  }
0x67d: {  	s7 =	sshll.u32 s18, $0x6;
	v14 =	vshrl.u32 v29, $0x3;
	v35 =	vld [tilespmem:s3+$0x500];
	[tilespmem:s17+$0x2D60] =	vst v12;
	v12 =	vadd.s32 $0x7, v39;
	v30 =	vmul.f32 v26, v6  }
0x67e: {  	v33 =	vshll.u32 v14, v1;
	[tilespmem:s17+$0x2D70] =	vst v2;
	v43 =	vbroadcast v12, $0x0;
	s4 =	sand.u32 $0x3FFFFFC0, s7;
	v6 =	vmul.f32 v62, v6;
	v2 =	vld.idx.msk [tilespmem:v3+s10+$0x0], $0xffff  }
0x67f: {  	s9 =	sshll.u32 s19, $0x6;
	v36 =	vadd.s32 $0x6, v33;
	v41 =	vld [tilespmem:s4+$0x500];
	v38 =	vshll.u32 v27, $0x10;
	v4 =	vmul.f32 v27, v8;
	[tilespmem:s16+$0x2D60] =	vst v30  }
0x680: {  	s7 =	sand.u32 $0x3FFFFFC0, s9;
	v3 =	vbroadcast v36, $0x0;
	v40 =	vmul.f32 v38, v8;
	[tilespmem:s16+$0x2D70] =	vst v6;
	v8 =	vld.idx.msk [tilespmem:v11+s10+$0x0], $0xffff  }
0x681: {  	s14 =	sshll.u32 s22, $0x6;
	s17 =	sshll.u32 s30, $0x6;
	v44 =	vld [tilespmem:s7+$0x500];
	v42 =	vshll.u32 v31, $0x10;
	[tilespmem:s1+$0x2D70] =	vst v4;
	v45 =	vmul.f32 v31, v9  }
0x682: {  	v46 =	vshll.u32 v35, $0x10;
	s9 =	sand.u32 $0x3FFFFFC0, s14;
	s14 =	sand.u32 $0x3FFFFFC0, s17;
	v5 =	vld.idx.msk [tilespmem:v32+s10+$0x0], $0xffff;
	[tilespmem:s1+$0x2D60] =	vst v40;
	v6 =	vmul.f32 v42, v9  }
0x683: {  	v52 =	vld [tilespmem:s14+$0x500];
	s16 =	sshll.u32 s20, $0x7;
	v47 =	vmul.f32 v46, v2;
	[tilespmem:s2+$0x2D70] =	vst v45  }
0x684: {  	v11 =	vld.idx.msk [tilespmem:v43+s10+$0x0], $0xffff;
	s1 =	sand.u32 $0x3FFFFF80, s16;
	v50 =	vshll.u32 v41, $0x10;
	v49 =	vmul.f32 v35, v2;
	[tilespmem:s2+$0x2D60] =	vst v6  }
0x685: {  	s21 =	sshll.u32 s18, $0x7;
	v48 =	vld [tilespmem:s9+$0x500];
	[tilespmem:s1+$0x2D00] =	vst v47;
	v51 =	vmul.f32 v50, v8  }
0x686: {  	v54 =	vshll.u32 v44, $0x10;
	v3 =	vld.idx.msk [tilespmem:v3+s10+$0x0], $0xffff;
	s2 =	sand.u32 $0x3FFFFF80, s21;
	[tilespmem:s1+$0x2D10] =	vst v49;
	v53 =	vmul.f32 v41, v8  }
0x687: {  	s24 =	sshll.u32 s19, $0x7;
	v56 =	vmul.f32 v54, v5;
	[tilespmem:s2+$0x2D00] =	vst v51  }
0x688: {  	s16 =	sand.u32 $0x3FFFFF80, s24;
	v62 =	vshll.u32 v52, $0x10;
	v57 =	vmul.f32 v44, v5;
	v55 =	vld [tilespmem:s3+$0x510];
	[tilespmem:s2+$0x2D10] =	vst v53  }
0x689: {  	s28 =	sshll.u32 s30, $0x7;
	v15 =	vmul.f32 v62, v11;
	[tilespmem:s16+$0x2D00] =	vst v56  }
0x68a: {  	s18 =	sand.u32 $0x3FFFFF80, s28;
	v58 =	vshll.u32 v48, $0x10;
	v17 =	vmul.f32 v52, v11;
	[tilespmem:s16+$0x2D10] =	vst v57;
	v59 =	vld [tilespmem:s4+$0x510]  }
0x68b: {  	s26 =	sshll.u32 s22, $0x7;
	v63 =	vld [tilespmem:s7+$0x510];
	[tilespmem:s18+$0x2D00] =	vst v15;
	v60 =	vmul.f32 v58, v3  }
0x68c: {  	s17 =	sand.u32 $0x3FFFFF80, s26;
	[tilespmem:s18+$0x2D10] =	vst v17;
	v61 =	vmul.f32 v48, v3  }
0x68d: {  	[tilespmem:s17+$0x2D00] =	vst v60;
	v16 =	vshll.u32 v55, $0x10;
	v19 =	vmul.f32 v55, v2  }
0x68e: {  	v22 =	vld [tilespmem:s14+$0x510];
	[tilespmem:s17+$0x2D10] =	vst v61;
	v7 =	vmul.f32 v16, v2  }
0x68f: {  	v18 =	vld [tilespmem:s9+$0x510];
	[tilespmem:s1+$0x2D30] =	vst v19;
	v23 =	vmul.f32 v59, v8  }
0x690: {  	v20 =	vshll.u32 v59, $0x10;
	v27 =	vmul.f32 v63, v5;
	[tilespmem:s1+$0x2D20] =	vst v7  }
0x691: {  	v24 =	vshll.u32 v63, $0x10;
	v21 =	vmul.f32 v20, v8;
	[tilespmem:s2+$0x2D30] =	vst v23  }
0x692: {  	v26 =	vmul.f32 v24, v5;
	v25 =	vld [tilespmem:s3+$0x520];
	[tilespmem:s16+$0x2D30] =	vst v27  }
0x693: {  	v36 =	vmul.f32 v22, v11;
	[tilespmem:s2+$0x2D20] =	vst v21  }
0x694: {  	[tilespmem:s16+$0x2D20] =	vst v26;
	v28 =	vshll.u32 v18, $0x10;
	v29 =	vld [tilespmem:s4+$0x520];
	v31 =	vmul.f32 v18, v3  }
0x695: {  	v32 =	vshll.u32 v22, $0x10;
	[tilespmem:s18+$0x2D30] =	vst v36;
	v30 =	vmul.f32 v28, v3  }
0x696: {  	v34 =	vmul.f32 v32, v11;
	v33 =	vld [tilespmem:s7+$0x520];
	[tilespmem:s17+$0x2D30] =	vst v31  }
0x697: {  	[tilespmem:s17+$0x2D20] =	vst v30;
	v35 =	vshll.u32 v25, $0x10;
	v39 =	vmul.f32 v25, v2  }
0x698: {  	[tilespmem:s18+$0x2D20] =	vst v34;
	v37 =	vmul.f32 v35, v2;
	v38 =	vld [tilespmem:s9+$0x520]  }
0x699: {  	v40 =	vshll.u32 v29, $0x10;
	[tilespmem:s1+$0x2D50] =	vst v39;
	v43 =	vmul.f32 v29, v8  }
0x69a: {  	v42 =	vld [tilespmem:s14+$0x520];
	[tilespmem:s1+$0x2D40] =	vst v37;
	v41 =	vmul.f32 v40, v8  }
0x69b: {  	v44 =	vshll.u32 v33, $0x10;
	v47 =	vmul.f32 v33, v5;
	v45 =	vld [tilespmem:s3+$0x530];
	[tilespmem:s2+$0x2D50] =	vst v43  }
0x69c: {  	v46 =	vmul.f32 v44, v5;
	[tilespmem:s2+$0x2D40] =	vst v41  }
0x69d: {  	[tilespmem:s16+$0x2D50] =	vst v47;
	v48 =	vshll.u32 v38, $0x10;
	v49 =	vld [tilespmem:s4+$0x530];
	v51 =	vmul.f32 v38, v3  }
0x69e: {  	[tilespmem:s16+$0x2D40] =	vst v46;
	v50 =	vmul.f32 v48, v3  }
0x69f: {  	v52 =	vshll.u32 v42, $0x10;
	v56 =	vmul.f32 v42, v11;
	v53 =	vld [tilespmem:s7+$0x530];
	[tilespmem:s17+$0x2D50] =	vst v51  }
0x6a0: {  	v54 =	vmul.f32 v52, v11;
	[tilespmem:s17+$0x2D40] =	vst v50;
	v55 =	vshll.u32 v45, $0x10  }
0x6a1: {  	[tilespmem:s18+$0x2D50] =	vst v56;
	v57 =	vld [tilespmem:s9+$0x530];
	v58 =	vmul.f32 v55, v2  }
0x6a2: {  	[tilespmem:s18+$0x2D40] =	vst v54;
	v2 =	vmul.f32 v45, v2;
	v59 =	vshll.u32 v49, $0x10  }
0x6a3: {  	v4 =	vld [tilespmem:s14+$0x530];
	[tilespmem:s1+$0x2D60] =	vst v58;
	v60 =	vmul.f32 v59, v8  }
0x6a4: {  	v61 =	vshll.u32 v53, $0x10;
	[tilespmem:s1+$0x2D70] =	vst v2;
	v2 =	vmul.f32 v49, v8  }
0x6a5: {  	v62 =	vmul.f32 v61, v5;
	[tilespmem:s2+$0x2D60] =	vst v60  }
0x6a6: {  	[tilespmem:s2+$0x2D70] =	vst v2;
	v2 =	vmul.f32 v53, v5;
	v63 =	vshll.u32 v57, $0x10  }
0x6a7: {  	p1 =	slt.u32 s8, $0x40;
	[tilespmem:s16+$0x2D60] =	vst v62;
	v5 =	vmul.f32 v63, v3  }
.Ltmp10:
0x6a8: {  	[tilespmem:s16+$0x2D70] =	vst v2;
	v2 =	vmul.f32 v57, v3;
	v3 =	vshll.u32 v4, $0x10;
	(pc) =	sbr.rel @p1 .LBB2_22-.Ltmp10, $4  }
0x6a9: {  	v3 =	vmul.f32 v3, v11;
	[tilespmem:s17+$0x2D60] =	vst v5  }
0x6aa: {  	[tilespmem:s17+$0x2D70] =	vst v2;
	v2 =	vmul.f32 v4, v11  }
0x6ab: {  	s30 =	sadd.s32 $0x10, s8;
	[tilespmem:s18+$0x2D60] =	vst v3  }
0x6ac: {  	s8 =	smov.u32 s30;
	[tilespmem:s18+$0x2D70] =	vst v2  }
0x6ad: {  	s1 =	rddreg [dreg:$0x3];
	s2 =	simm.s32 $0x2D00;
	s3 =	simm.s32 $0x140  }
0x6ae: {  	[spmem:s1] =	stream.indirect.scatter.add.f32 [tilespmem:s2], [sflag:$0x7], $0x80, s3, s15, $0xb8;
	[tilespmem:$0x1B580] =	vst v63  }
0x6af: {  	_ =	swait.ge [sflag:s29], $0x2800  }
0x6b0: {  	[sflag:s29] =	ssyncset.done $0x0  }
0x6b1: {  	[sflag:s29] =	ssyncadd.s32 $0xFFFFD800  }
0x6b2: {  	_ =	swait.ge [sflag:s11], $0x2800  }
0x6b3: {  	[sflag:s11] =	ssyncset.done $0x0  }
0x6b4: {  	[sflag:s11] =	ssyncadd.s32 $0xFFFFD800  }
0x6b5: {  	[bflag:$0x0] =	sbarrier.arrive $0xFFFF  }
0x6b6: {  	s16 =	rddreg [dreg:$0x6]  }
0x6b7: {  	s2 =	simm.s32 @p0 $0x1FC9;
	s3 =	rddreg [dreg:$0x17];
	s1 =	sshrl.u32 @p0 s16, $0x3  }
0x6b8: {  	[hbm:s3], [sflag:s2] =	dma.local @p0 [spmem:s1], $0x2800  }
0x6b9: {  	s1 =	simm.s32 @p0 $0x9  }
0x6ba: {  	s2 =	stileid.u32;
	_ =	swait.ge @p0 [sflag:s1], $0x2800  }
0x6bb: {  	s2 =	sshll.u32 @!p0 s2, $0x6;
	[sflag:s1] =	ssyncset.done @p0 $0x0  }
0x6bc: {  	[sflag:s1] =	ssyncadd.s32 @p0 $0xFFFFD800;
	s1 =	sor.u32 @!p0 $0x1C09, s2;
	s2 =	sshrl.u32 @!p0 s16, $0x3  }
0x6bd: {  	[hbm:s3], [sflag:s1] =	dma.local @!p0 [spmem:s2], $0x2700  }
0x6be: {  	s1 =	simm.s32 @!p0 $0x9  }
0x6bf: {  	_ =	swait.ge @!p0 [sflag:s1], $0x2700  }
0x6c0: {  	s14 =	rddreg [dreg:$0x5]  }
0x6c1: {  	s30 =	rddreg [dreg:$0x18];
	s14 =	sadd.s32 $0x1, s14  }
0x6c2: {  	p1 =	sne.s32 s14, s30  }
.Ltmp11:
0x6c3: {  	_ = 	snop;
	(pc) =	sbr.rel @p1 .LBB2_1-.Ltmp11, $3  }
0x6c4: {  	_ =	sdelay $0x1  }
0x6c5: {  	[sflag:s1] =	ssyncset.done @!p0 $0x0  }
0x6c6: {  	[sflag:s1] =	ssyncadd.s32 @!p0 $0xFFFFD900  }
0x6c7: {  	_ =	sfence.sel $0x180000  }
0x6c8: {  	[bflag:$0x0] =	sbarrier.arrive $0xFFFF  }
0x6c9: {  	_ =	strace $0x90000047  }
0x6ca: {  	s0 =	stileid.u32;
	[bflag:$0x2] =	sbarrier.arrive $0xFFFF  }
0x6cb: {  	p0 =	sne.s32 s0, $0x0;
	s0 =	rddreg [dreg:$0x4]  }
0x6cc: {  	s0 =	sadd.s32 @!p0 $0x100000, s0  }
0x6cd: {  	[sflag:s0] =	ssyncadd.tile.s32 @!p0 $0x1;
	_ =	shalt  }
.Lfunc_end2:
_tile_overlayer_lowered:
.L_overlay_start_2:
0x6ce: {  	(tag) =	ssettag $0x2  }
0x6cf: {  	s0 =	rddreg [dreg:$0x0];
	s2 =	stileid.u32  }
0x6d0: {  	s1 =	rddreg [dreg:$0x1];
	p0 =	sne.s32 s2, $0x0  }
0x6d1: {  	s3 =	rddreg [dreg:$0x2];
	[bflag:$0x3] =	sbarrier.arrive $0xFFFF;
	s2 =	simm.s32 @!p0 $0x1C09  }
0x6d2: {  	[timem:s3], [sflag:s2] =	dma.local @!p0 [hbm:s0], s1  }
0x6d3: {  	s0 =	simm.s32 @!p0 $0x9  }
0x6d4: {  	_ =	swait.ge @!p0 [sflag:s0], s1  }
0x6d5: {  	s1 =	ssub.s32 @!p0 $0x0, s1;
	[sflag:s0] =	ssyncset.done @!p0 $0x0  }
0x6d6: {  	[sflag:s0] =	ssyncadd.s32 @!p0 s1  }
0x6d7: {  	[bflag:$0x3] =	sbarrier.arrive $0xFFFF  }
0x6d8: {  	_ =	shalt  }

</sc_bundles>
